<compile_context>
chip_gen: v7x
topology: tpu7x:2x2x1
jax: 0.10.2.dev20260603
libtpu: 0.0.44.dev20260713+nightly
codegen_flags: <defaults>
</compile_context>

<pallas_src>
import functools

import jax
import jax.numpy as jnp
from jax import lax
from jax.experimental import pallas as pl
from jax.experimental.pallas import tpu as pltpu
from jax.experimental.pallas import tpu_sc as plsc

_NB = 4


def _build(B, S, V, D):
    NC, NS = 2, 16
    NW = NC * NS
    SP = S + (-S) % 4
    CW = 2 * SP
    assert CW <= 128 and D == 32 and B % (2 * NW * _NB) == 0
    CPW = B // (2 * NW)
    RPW = B // NW
    scale = 1.0 / B

    mesh = plsc.VectorSubcoreMesh(core_axis_name="c", subcore_axis_name="s")

    @functools.partial(
        pl.kernel,
        mesh=mesh,
        out_type=jax.ShapeDtypeStruct((B, D), jnp.float32),
        scratch_types=[
            pltpu.VMEM((CPW, CW), jnp.int32),
            [pltpu.VMEM((CW, D), jnp.float32)] * _NB,
            pltpu.VMEM((RPW, D), jnp.float32),
            [pltpu.SemaphoreType.DMA] * _NB,
        ],
        compiler_params=pltpu.CompilerParams(use_tc_tiling_on_sc=False),
    )
    def k(doc_hbm, table_hbm, out_hbm, idx_v, rows, out_v, sems):
        wid = lax.axis_index("s") * NC + lax.axis_index("c")
        pltpu.sync_copy(doc_hbm.at[pl.ds(wid * CPW, CPW)], idx_v)

        for b in range(_NB):
            pltpu.async_copy(table_hbm.at[idx_v.at[b]], rows[b], sems[b])

        def body(i, _):
            j0 = i * _NB
            for b in range(_NB):
                j = j0 + b
                rv = rows[b]
                pltpu.make_async_copy(
                    table_hbm.at[idx_v.at[j]], rv, sems[b]).wait()
                for h in range(2):
                    base = h * SP
                    ev = [None, None]
                    od = [None, None]
                    for t in range(S):
                        tgt = ev if t % 2 == 0 else od
                        for d in range(2):
                            v = rv[base + t, pl.ds(16 * d, 16)]
                            tgt[d] = v if tgt[d] is None else tgt[d] + v
                    out_v[2 * j + h, pl.ds(0, 16)] = (ev[0] + od[0]) * scale
                    out_v[2 * j + h, pl.ds(16, 16)] = (ev[1] + od[1]) * scale

                nj = j + _NB

                @pl.when(nj < CPW)
                def _():
                    pltpu.async_copy(table_hbm.at[idx_v.at[nj]], rv, sems[b])

            return 0

        lax.fori_loop(0, CPW // _NB, body, 0)
        pltpu.sync_copy(out_v, out_hbm.at[pl.ds(wid * RPW, RPW)])

    return k


def kernel(document, table):
    B, S = document.shape
    V, D = table.shape
    SP = S + (-S) % 4
    doc_p = jnp.pad(document, ((0, 0), (0, SP - S)))
    doc2 = doc_p.reshape(B // 2, 2 * SP)
    return _build(B, S, V, D)(doc2, table)

# --- scband reference (transcript-rebuilt; emitter-appended) ---
"""Pipeline reference for scband-document-encoder-23768349016335 (READ-ONLY COPY).

The authoritative reference and input builder live on the scoring server;
editing this copy changes nothing except your own understanding.
"""

import jax, jax.numpy as jnp
import numpy as np

VOCAB = 1000000
EMBED_DIM = 32
BATCH = 4096
SEQ = 50


def setup_inputs(seed: int = 0) -> dict:
    key = jax.random.key(seed)
    k1, k2 = jax.random.split(key)
    document = jax.random.randint(k1, (BATCH, SEQ), 0, VOCAB, dtype=jnp.int32)
    table = jax.random.normal(k2, (VOCAB, EMBED_DIM), dtype=jnp.float32) * 0.02
    return {"document": document, "table": table}


def reference(document, table):
    # document_tokens = self.document_token_embeds(document) -> [B, L, D]
    document_tokens = jnp.take(table, document, axis=0)
    # torch.sum(document_tokens, 1) / len(document_tokens)
    # NOTE: len() of a [B, L, D] tensor is B (the batch size), faithful to source.
    return jnp.sum(document_tokens, axis=1) / document_tokens.shape[0]

if __name__ == "__main__":
    import jax
    _d = setup_inputs()
    print(jax.jit(kernel)(*tuple(_d.values())))

</pallas_src>

<mosaic_0001>
#map = affine_map<(d0, d1) -> (0, 0)>
module attributes {stable_mosaic.version = 14 : i64} {
  func.func @k(%arg0: i32, %arg1: i32, %arg2: memref<2048x104xi32, #tpu.memory_space<hbm>>, %arg3: memref<1000000x32xf32, #tpu.memory_space<hbm>>, %arg4: memref<4096x32xf32, #tpu.memory_space<hbm>>, %arg5: memref<64x104xi32, #tpu.memory_space<vmem>>, %arg6: memref<104x32xf32, #tpu.memory_space<vmem>>, %arg7: memref<104x32xf32, #tpu.memory_space<vmem>>, %arg8: memref<104x32xf32, #tpu.memory_space<vmem>>, %arg9: memref<104x32xf32, #tpu.memory_space<vmem>>, %arg10: memref<128x32xf32, #tpu.memory_space<vmem>>, %arg11: memref<!tpu.dma_semaphore, #tpu.memory_space<semaphore_mem>>, %arg12: memref<!tpu.dma_semaphore, #tpu.memory_space<semaphore_mem>>, %arg13: memref<!tpu.dma_semaphore, #tpu.memory_space<semaphore_mem>>, %arg14: memref<!tpu.dma_semaphore, #tpu.memory_space<semaphore_mem>>) attributes {dimension_semantics = [#tpu.dimension_semantics<core_parallel>, #tpu.dimension_semantics<subcore_parallel>], iteration_bounds = array<i64: 2, 16>, scalar_prefetch = 0 : i64, scratch_operands = 10 : i64, tpu.core_type = #tpu.core_type<sc_vector_subcore>, window_params = [{transform_indices = #map}, {transform_indices = #map}, {transform_indices = #map}]} {
    %mul3A = arith.constant 2 : i32
    %mul3A_0 = arith.muli %arg1, %mul3A : i32
    %add3A = arith.addi %mul3A_0, %arg0 : i32
    %mul3A_1 = arith.constant 64 : i32
    %mul3A_2 = arith.muli %add3A, %mul3A_1 : i32
    "tpu.region"() ({
      %run_scoped3A = tpu.sem_alloc : memref<!tpu.dma_semaphore, #tpu.memory_space<semaphore_mem>>
      %dma_start3A_38 = arith.constant 0 : i32
      %dma_start3A_39 = tpu.memref_slice %arg2[%mul3A_2, %dma_start3A_38] : memref<2048x104xi32, #tpu.memory_space<hbm>> -> memref<64x104xi32, #tpu.memory_space<hbm>>
      %dma_start3A_40 = arith.constant 0 : i32
      %dma_start3A_41 = tpu.memref_slice %arg2[%mul3A_2, %dma_start3A_40] : memref<2048x104xi32, #tpu.memory_space<hbm>> -> memref<64x104xi32, #tpu.memory_space<hbm>>
      tpu.enqueue_dma source(%dma_start3A_41 : memref<64x104xi32, #tpu.memory_space<hbm>>) target(%arg5 : memref<64x104xi32, #tpu.memory_space<vmem>>) target_semaphore(%run_scoped3A : memref<!tpu.dma_semaphore, #tpu.memory_space<semaphore_mem>>)
      %dma_wait3A = arith.constant 0 : i32
      %dma_wait3A_42 = tpu.memref_slice %arg2[%mul3A_2, %dma_wait3A] : memref<2048x104xi32, #tpu.memory_space<hbm>> -> memref<64x104xi32, #tpu.memory_space<hbm>>
      %dma_wait3A_43 = arith.constant 0 : i32
      %dma_wait3A_44 = tpu.memref_slice %arg2[%mul3A_2, %dma_wait3A_43] : memref<2048x104xi32, #tpu.memory_space<hbm>> -> memref<64x104xi32, #tpu.memory_space<hbm>>
      tpu.wait_dma2 semaphore(%run_scoped3A : memref<!tpu.dma_semaphore, #tpu.memory_space<semaphore_mem>>) src(%dma_wait3A_44 : memref<64x104xi32, #tpu.memory_space<hbm>>) dst(%arg5 : memref<64x104xi32, #tpu.memory_space<vmem>>)
      tpu.yield
    }) : () -> ()
    %dma_start3A = arith.constant 0 : i32
    %dma_start3A_3 = arith.constant 0 : i32
    %dma_start3A_4 = tpu.memref_slice %arg5[%dma_start3A, %dma_start3A_3] : memref<64x104xi32, #tpu.memory_space<vmem>> -> memref<1x104xi32, #tpu.memory_space<vmem>>
    %dma_start3A_5 = tpu.memref_squeeze %dma_start3A_4 : memref<1x104xi32, #tpu.memory_space<vmem>> -> memref<104xi32, #tpu.memory_space<vmem>>
    %dma_start3A_6 = arith.constant 0 : i32
    %dma_start3A_7 = arith.constant 0 : i32
    %dma_start3A_8 = tpu.memref_slice %arg3[%dma_start3A_6, %dma_start3A_7] : memref<1000000x32xf32, #tpu.memory_space<hbm>> -> memref<1000000x32xf32, #tpu.memory_space<hbm>>
    tpu.enqueue_indirect_dma source(%dma_start3A_8 : memref<1000000x32xf32, #tpu.memory_space<hbm>>) target(%arg6 : memref<104x32xf32, #tpu.memory_space<vmem>>) offsets(%dma_start3A_5 : memref<104xi32, #tpu.memory_space<vmem>>) semaphore(%arg11 : memref<!tpu.dma_semaphore, #tpu.memory_space<semaphore_mem>>)
    %dma_start3A_9 = arith.constant 1 : i32
    %dma_start3A_10 = arith.constant 0 : i32
    %dma_start3A_11 = tpu.memref_slice %arg5[%dma_start3A_9, %dma_start3A_10] : memref<64x104xi32, #tpu.memory_space<vmem>> -> memref<1x104xi32, #tpu.memory_space<vmem>>
    %dma_start3A_12 = tpu.memref_squeeze %dma_start3A_11 : memref<1x104xi32, #tpu.memory_space<vmem>> -> memref<104xi32, #tpu.memory_space<vmem>>
    %dma_start3A_13 = arith.constant 0 : i32
    %dma_start3A_14 = arith.constant 0 : i32
    %dma_start3A_15 = tpu.memref_slice %arg3[%dma_start3A_13, %dma_start3A_14] : memref<1000000x32xf32, #tpu.memory_space<hbm>> -> memref<1000000x32xf32, #tpu.memory_space<hbm>>
    tpu.enqueue_indirect_dma source(%dma_start3A_15 : memref<1000000x32xf32, #tpu.memory_space<hbm>>) target(%arg7 : memref<104x32xf32, #tpu.memory_space<vmem>>) offsets(%dma_start3A_12 : memref<104xi32, #tpu.memory_space<vmem>>) semaphore(%arg12 : memref<!tpu.dma_semaphore, #tpu.memory_space<semaphore_mem>>)
    %dma_start3A_16 = arith.constant 2 : i32
    %dma_start3A_17 = arith.constant 0 : i32
    %dma_start3A_18 = tpu.memref_slice %arg5[%dma_start3A_16, %dma_start3A_17] : memref<64x104xi32, #tpu.memory_space<vmem>> -> memref<1x104xi32, #tpu.memory_space<vmem>>
    %dma_start3A_19 = tpu.memref_squeeze %dma_start3A_18 : memref<1x104xi32, #tpu.memory_space<vmem>> -> memref<104xi32, #tpu.memory_space<vmem>>
    %dma_start3A_20 = arith.constant 0 : i32
    %dma_start3A_21 = arith.constant 0 : i32
    %dma_start3A_22 = tpu.memref_slice %arg3[%dma_start3A_20, %dma_start3A_21] : memref<1000000x32xf32, #tpu.memory_space<hbm>> -> memref<1000000x32xf32, #tpu.memory_space<hbm>>
    tpu.enqueue_indirect_dma source(%dma_start3A_22 : memref<1000000x32xf32, #tpu.memory_space<hbm>>) target(%arg8 : memref<104x32xf32, #tpu.memory_space<vmem>>) offsets(%dma_start3A_19 : memref<104xi32, #tpu.memory_space<vmem>>) semaphore(%arg13 : memref<!tpu.dma_semaphore, #tpu.memory_space<semaphore_mem>>)
    %dma_start3A_23 = arith.constant 3 : i32
    %dma_start3A_24 = arith.constant 0 : i32
    %dma_start3A_25 = tpu.memref_slice %arg5[%dma_start3A_23, %dma_start3A_24] : memref<64x104xi32, #tpu.memory_space<vmem>> -> memref<1x104xi32, #tpu.memory_space<vmem>>
    %dma_start3A_26 = tpu.memref_squeeze %dma_start3A_25 : memref<1x104xi32, #tpu.memory_space<vmem>> -> memref<104xi32, #tpu.memory_space<vmem>>
    %dma_start3A_27 = arith.constant 0 : i32
    %dma_start3A_28 = arith.constant 0 : i32
    %dma_start3A_29 = tpu.memref_slice %arg3[%dma_start3A_27, %dma_start3A_28] : memref<1000000x32xf32, #tpu.memory_space<hbm>> -> memref<1000000x32xf32, #tpu.memory_space<hbm>>
    tpu.enqueue_indirect_dma source(%dma_start3A_29 : memref<1000000x32xf32, #tpu.memory_space<hbm>>) target(%arg9 : memref<104x32xf32, #tpu.memory_space<vmem>>) offsets(%dma_start3A_26 : memref<104xi32, #tpu.memory_space<vmem>>) semaphore(%arg14 : memref<!tpu.dma_semaphore, #tpu.memory_space<semaphore_mem>>)
    %scan3A = arith.constant 0 : i32
    %scan3A_30 = arith.constant 0 : i32
    %scan3A_31 = arith.constant 16 : i32
    %scan3A_32 = arith.addi %scan3A_30, %scan3A_31 : i32
    %scan3A_33 = arith.constant 1 : i32
    %scan3A_34 = scf.for %scan3A_38 = %scan3A_30 to %scan3A_32 step %scan3A_33 iter_args(%scan3A_39 = %scan3A) -> (i32)  : i32 {
      %mul3A_40 = arith.constant 4 : i32
      %mul3A_41 = arith.muli %scan3A_38, %mul3A_40 : i32
      %add3A_42 = arith.constant 0 : i32
      %add3A_43 = arith.addi %mul3A_41, %add3A_42 : i32
      %dma_wait3A = arith.constant 0 : i32
      %dma_wait3A_44 = tpu.memref_slice %arg5[%add3A_43, %dma_wait3A] : memref<64x104xi32, #tpu.memory_space<vmem>> -> memref<1x104xi32, #tpu.memory_space<vmem>>
      %dma_wait3A_45 = tpu.memref_squeeze %dma_wait3A_44 : memref<1x104xi32, #tpu.memory_space<vmem>> -> memref<104xi32, #tpu.memory_space<vmem>>
      %dma_wait3A_46 = arith.constant 0 : i32
      %dma_wait3A_47 = arith.constant 0 : i32
      %dma_wait3A_48 = tpu.memref_slice %arg3[%dma_wait3A_46, %dma_wait3A_47] : memref<1000000x32xf32, #tpu.memory_space<hbm>> -> memref<1000000x32xf32, #tpu.memory_space<hbm>>
      tpu.wait_indirect_dma semaphore(%arg11 : memref<!tpu.dma_semaphore, #tpu.memory_space<semaphore_mem>>) src(%dma_wait3A_48 : memref<1000000x32xf32, #tpu.memory_space<hbm>>) dst(%arg6 : memref<104x32xf32, #tpu.memory_space<vmem>>)
      %get3A = arith.constant 0 : i32
      %get3A_49 = arith.index_cast %get3A : i32 to index
      %get3A_50 = arith.constant 0 : index
      %get3A_51 = tpu.vector_load %arg6[%get3A_49, %get3A_50] {strides = array<i32>} : memref<104x32xf32, #tpu.memory_space<vmem>>, vector<1x16xf32>,
      %get3A_52 = vector.shape_cast %get3A_51 : vector<1x16xf32> to vector<16xf32>
      %get3A_53 = arith.constant 0 : i32
      %get3A_54 = arith.index_cast %get3A_53 : i32 to index
      %get3A_55 = arith.constant 16 : index
      %get3A_56 = tpu.vector_load %arg6[%get3A_54, %get3A_55] {strides = array<i32>} : memref<104x32xf32, #tpu.memory_space<vmem>>, vector<1x16xf32>,
      %get3A_57 = vector.shape_cast %get3A_56 : vector<1x16xf32> to vector<16xf32>
      %get3A_58 = arith.constant 1 : i32
      %get3A_59 = arith.index_cast %get3A_58 : i32 to index
      %get3A_60 = arith.constant 0 : index
      %get3A_61 = tpu.vector_load %arg6[%get3A_59, %get3A_60] {strides = array<i32>} : memref<104x32xf32, #tpu.memory_space<vmem>>, vector<1x16xf32>,
      %get3A_62 = vector.shape_cast %get3A_61 : vector<1x16xf32> to vector<16xf32>
      %get3A_63 = arith.constant 1 : i32
      %get3A_64 = arith.index_cast %get3A_63 : i32 to index
      %get3A_65 = arith.constant 16 : index
      %get3A_66 = tpu.vector_load %arg6[%get3A_64, %get3A_65] {strides = array<i32>} : memref<104x32xf32, #tpu.memory_space<vmem>>, vector<1x16xf32>,
      %get3A_67 = vector.shape_cast %get3A_66 : vector<1x16xf32> to vector<16xf32>
      %get3A_68 = arith.constant 2 : i32
      %get3A_69 = arith.index_cast %get3A_68 : i32 to index
      %get3A_70 = arith.constant 0 : index
      %get3A_71 = tpu.vector_load %arg6[%get3A_69, %get3A_70] {strides = array<i32>} : memref<104x32xf32, #tpu.memory_space<vmem>>, vector<1x16xf32>,
      %get3A_72 = vector.shape_cast %get3A_71 : vector<1x16xf32> to vector<16xf32>
      %add3A_73 = arith.addf %get3A_52, %get3A_72 : vector<16xf32>
      %get3A_74 = arith.constant 2 : i32
      %get3A_75 = arith.index_cast %get3A_74 : i32 to index
      %get3A_76 = arith.constant 16 : index
      %get3A_77 = tpu.vector_load %arg6[%get3A_75, %get3A_76] {strides = array<i32>} : memref<104x32xf32, #tpu.memory_space<vmem>>, vector<1x16xf32>,
      %get3A_78 = vector.shape_cast %get3A_77 : vector<1x16xf32> to vector<16xf32>
      %add3A_79 = arith.addf %get3A_57, %get3A_78 : vector<16xf32>
      %get3A_80 = arith.constant 3 : i32
      %get3A_81 = arith.index_cast %get3A_80 : i32 to index
      %get3A_82 = arith.constant 0 : index
      %get3A_83 = tpu.vector_load %arg6[%get3A_81, %get3A_82] {strides = array<i32>} : memref<104x32xf32, #tpu.memory_space<vmem>>, vector<1x16xf32>,
      %get3A_84 = vector.shape_cast %get3A_83 : vector<1x16xf32> to vector<16xf32>
      %add3A_85 = arith.addf %get3A_62, %get3A_84 : vector<16xf32>
      %get3A_86 = arith.constant 3 : i32
      %get3A_87 = arith.index_cast %get3A_86 : i32 to index
      %get3A_88 = arith.constant 16 : index
      %get3A_89 = tpu.vector_load %arg6[%get3A_87, %get3A_88] {strides = array<i32>} : memref<104x32xf32, #tpu.memory_space<vmem>>, vector<1x16xf32>,
      %get3A_90 = vector.shape_cast %get3A_89 : vector<1x16xf32> to vector<16xf32>
      %add3A_91 = arith.addf %get3A_67, %get3A_90 : vector<16xf32>
      %get3A_92 = arith.constant 4 : i32
      %get3A_93 = arith.index_cast %get3A_92 : i32 to index
      %get3A_94 = arith.constant 0 : index
      %get3A_95 = tpu.vector_load %arg6[%get3A_93, %get3A_94] {strides = array<i32>} : memref<104x32xf32, #tpu.memory_space<vmem>>, vector<1x16xf32>,
      %get3A_96 = vector.shape_cast %get3A_95 : vector<1x16xf32> to vector<16xf32>
      %add3A_97 = arith.addf %add3A_73, %get3A_96 : vector<16xf32>
      %get3A_98 = arith.constant 4 : i32
      %get3A_99 = arith.index_cast %get3A_98 : i32 to index
      %get3A_100 = arith.constant 16 : index
      %get3A_101 = tpu.vector_load %arg6[%get3A_99, %get3A_100] {strides = array<i32>} : memref<104x32xf32, #tpu.memory_space<vmem>>, vector<1x16xf32>,
      %get3A_102 = vector.shape_cast %get3A_101 : vector<1x16xf32> to vector<16xf32>
      %add3A_103 = arith.addf %add3A_79, %get3A_102 : vector<16xf32>
      %get3A_104 = arith.constant 5 : i32
      %get3A_105 = arith.index_cast %get3A_104 : i32 to index
      %get3A_106 = arith.constant 0 : index
      %get3A_107 = tpu.vector_load %arg6[%get3A_105, %get3A_106] {strides = array<i32>} : memref<104x32xf32, #tpu.memory_space<vmem>>, vector<1x16xf32>,
      %get3A_108 = vector.shape_cast %get3A_107 : vector<1x16xf32> to vector<16xf32>
      %add3A_109 = arith.addf %add3A_85, %get3A_108 : vector<16xf32>
      %get3A_110 = arith.constant 5 : i32
      %get3A_111 = arith.index_cast %get3A_110 : i32 to index
      %get3A_112 = arith.constant 16 : index
      %get3A_113 = tpu.vector_load %arg6[%get3A_111, %get3A_112] {strides = array<i32>} : memref<104x32xf32, #tpu.memory_space<vmem>>, vector<1x16xf32>,
      %get3A_114 = vector.shape_cast %get3A_113 : vector<1x16xf32> to vector<16xf32>
      %add3A_115 = arith.addf %add3A_91, %get3A_114 : vector<16xf32>
      %get3A_116 = arith.constant 6 : i32
      %get3A_117 = arith.index_cast %get3A_116 : i32 to index
      %get3A_118 = arith.constant 0 : index
      %get3A_119 = tpu.vector_load %arg6[%get3A_117, %get3A_118] {strides = array<i32>} : memref<104x32xf32, #tpu.memory_space<vmem>>, vector<1x16xf32>,
      %get3A_120 = vector.shape_cast %get3A_119 : vector<1x16xf32> to vector<16xf32>
      %add3A_121 = arith.addf %add3A_97, %get3A_120 : vector<16xf32>
      %get3A_122 = arith.constant 6 : i32
      %get3A_123 = arith.index_cast %get3A_122 : i32 to index
      %get3A_124 = arith.constant 16 : index
      %get3A_125 = tpu.vector_load %arg6[%get3A_123, %get3A_124] {strides = array<i32>} : memref<104x32xf32, #tpu.memory_space<vmem>>, vector<1x16xf32>,
      %get3A_126 = vector.shape_cast %get3A_125 : vector<1x16xf32> to vector<16xf32>
      %add3A_127 = arith.addf %add3A_103, %get3A_126 : vector<16xf32>
      %get3A_128 = arith.constant 7 : i32
      %get3A_129 = arith.index_cast %get3A_128 : i32 to index
      %get3A_130 = arith.constant 0 : index
      %get3A_131 = tpu.vector_load %arg6[%get3A_129, %get3A_130] {strides = array<i32>} : memref<104x32xf32, #tpu.memory_space<vmem>>, vector<1x16xf32>,
      %get3A_132 = vector.shape_cast %get3A_131 : vector<1x16xf32> to vector<16xf32>
      %add3A_133 = arith.addf %add3A_109, %get3A_132 : vector<16xf32>
      %get3A_134 = arith.constant 7 : i32
      %get3A_135 = arith.index_cast %get3A_134 : i32 to index
      %get3A_136 = arith.constant 16 : index
      %get3A_137 = tpu.vector_load %arg6[%get3A_135, %get3A_136] {strides = array<i32>} : memref<104x32xf32, #tpu.memory_space<vmem>>, vector<1x16xf32>,
      %get3A_138 = vector.shape_cast %get3A_137 : vector<1x16xf32> to vector<16xf32>
      %add3A_139 = arith.addf %add3A_115, %get3A_138 : vector<16xf32>
      %get3A_140 = arith.constant 8 : i32
      %get3A_141 = arith.index_cast %get3A_140 : i32 to index
      %get3A_142 = arith.constant 0 : index
      %get3A_143 = tpu.vector_load %arg6[%get3A_141, %get3A_142] {strides = array<i32>} : memref<104x32xf32, #tpu.memory_space<vmem>>, vector<1x16xf32>,
      %get3A_144 = vector.shape_cast %get3A_143 : vector<1x16xf32> to vector<16xf32>
      %add3A_145 = arith.addf %add3A_121, %get3A_144 : vector<16xf32>
      %get3A_146 = arith.constant 8 : i32
      %get3A_147 = arith.index_cast %get3A_146 : i32 to index
      %get3A_148 = arith.constant 16 : index
      %get3A_149 = tpu.vector_load %arg6[%get3A_147, %get3A_148] {strides = array<i32>} : memref<104x32xf32, #tpu.memory_space<vmem>>, vector<1x16xf32>,
      %get3A_150 = vector.shape_cast %get3A_149 : vector<1x16xf32> to vector<16xf32>
      %add3A_151 = arith.addf %add3A_127, %get3A_150 : vector<16xf32>
      %get3A_152 = arith.constant 9 : i32
      %get3A_153 = arith.index_cast %get3A_152 : i32 to index
      %get3A_154 = arith.constant 0 : index
      %get3A_155 = tpu.vector_load %arg6[%get3A_153, %get3A_154] {strides = array<i32>} : memref<104x32xf32, #tpu.memory_space<vmem>>, vector<1x16xf32>,
      %get3A_156 = vector.shape_cast %get3A_155 : vector<1x16xf32> to vector<16xf32>
      %add3A_157 = arith.addf %add3A_133, %get3A_156 : vector<16xf32>
      %get3A_158 = arith.constant 9 : i32
      %get3A_159 = arith.index_cast %get3A_158 : i32 to index
      %get3A_160 = arith.constant 16 : index
      %get3A_161 = tpu.vector_load %arg6[%get3A_159, %get3A_160] {strides = array<i32>} : memref<104x32xf32, #tpu.memory_space<vmem>>, vector<1x16xf32>,
      %get3A_162 = vector.shape_cast %get3A_161 : vector<1x16xf32> to vector<16xf32>
      %add3A_163 = arith.addf %add3A_139, %get3A_162 : vector<16xf32>
      %get3A_164 = arith.constant 10 : i32
      %get3A_165 = arith.index_cast %get3A_164 : i32 to index
      %get3A_166 = arith.constant 0 : index
      %get3A_167 = tpu.vector_load %arg6[%get3A_165, %get3A_166] {strides = array<i32>} : memref<104x32xf32, #tpu.memory_space<vmem>>, vector<1x16xf32>,
      %get3A_168 = vector.shape_cast %get3A_167 : vector<1x16xf32> to vector<16xf32>
      %add3A_169 = arith.addf %add3A_145, %get3A_168 : vector<16xf32>
      %get3A_170 = arith.constant 10 : i32
      %get3A_171 = arith.index_cast %get3A_170 : i32 to index
      %get3A_172 = arith.constant 16 : index
      %get3A_173 = tpu.vector_load %arg6[%get3A_171, %get3A_172] {strides = array<i32>} : memref<104x32xf32, #tpu.memory_space<vmem>>, vector<1x16xf32>,
      %get3A_174 = vector.shape_cast %get3A_173 : vector<1x16xf32> to vector<16xf32>
      %add3A_175 = arith.addf %add3A_151, %get3A_174 : vector<16xf32>
      %get3A_176 = arith.constant 11 : i32
      %get3A_177 = arith.index_cast %get3A_176 : i32 to index
      %get3A_178 = arith.constant 0 : index
      %get3A_179 = tpu.vector_load %arg6[%get3A_177, %get3A_178] {strides = array<i32>} : memref<104x32xf32, #tpu.memory_space<vmem>>, vector<1x16xf32>,
      %get3A_180 = vector.shape_cast %get3A_179 : vector<1x16xf32> to vector<16xf32>
      %add3A_181 = arith.addf %add3A_157, %get3A_180 : vector<16xf32>
      %get3A_182 = arith.constant 11 : i32
      %get3A_183 = arith.index_cast %get3A_182 : i32 to index
      %get3A_184 = arith.constant 16 : index
      %get3A_185 = tpu.vector_load %arg6[%get3A_183, %get3A_184] {strides = array<i32>} : memref<104x32xf32, #tpu.memory_space<vmem>>, vector<1x16xf32>,
      %get3A_186 = vector.shape_cast %get3A_185 : vector<1x16xf32> to vector<16xf32>
      %add3A_187 = arith.addf %add3A_163, %get3A_186 : vector<16xf32>
      %get3A_188 = arith.constant 12 : i32
      %get3A_189 = arith.index_cast %get3A_188 : i32 to index
      %get3A_190 = arith.constant 0 : index
      %get3A_191 = tpu.vector_load %arg6[%get3A_189, %get3A_190] {strides = array<i32>} : memref<104x32xf32, #tpu.memory_space<vmem>>, vector<1x16xf32>,
      %get3A_192 = vector.shape_cast %get3A_191 : vector<1x16xf32> to vector<16xf32>
      %add3A_193 = arith.addf %add3A_169, %get3A_192 : vector<16xf32>
      %get3A_194 = arith.constant 12 : i32
      %get3A_195 = arith.index_cast %get3A_194 : i32 to index
      %get3A_196 = arith.constant 16 : index
      %get3A_197 = tpu.vector_load %arg6[%get3A_195, %get3A_196] {strides = array<i32>} : memref<104x32xf32, #tpu.memory_space<vmem>>, vector<1x16xf32>,
      %get3A_198 = vector.shape_cast %get3A_197 : vector<1x16xf32> to vector<16xf32>
      %add3A_199 = arith.addf %add3A_175, %get3A_198 : vector<16xf32>
      %get3A_200 = arith.constant 13 : i32
      %get3A_201 = arith.index_cast %get3A_200 : i32 to index
      %get3A_202 = arith.constant 0 : index
      %get3A_203 = tpu.vector_load %arg6[%get3A_201, %get3A_202] {strides = array<i32>} : memref<104x32xf32, #tpu.memory_space<vmem>>, vector<1x16xf32>,
      %get3A_204 = vector.shape_cast %get3A_203 : vector<1x16xf32> to vector<16xf32>
      %add3A_205 = arith.addf %add3A_181, %get3A_204 : vector<16xf32>
      %get3A_206 = arith.constant 13 : i32
      %get3A_207 = arith.index_cast %get3A_206 : i32 to index
      %get3A_208 = arith.constant 16 : index
      %get3A_209 = tpu.vector_load %arg6[%get3A_207, %get3A_208] {strides = array<i32>} : memref<104x32xf32, #tpu.memory_space<vmem>>, vector<1x16xf32>,
      %get3A_210 = vector.shape_cast %get3A_209 : vector<1x16xf32> to vector<16xf32>
      %add3A_211 = arith.addf %add3A_187, %get3A_210 : vector<16xf32>
      %get3A_212 = arith.constant 14 : i32
      %get3A_213 = arith.index_cast %get3A_212 : i32 to index
      %get3A_214 = arith.constant 0 : index
      %get3A_215 = tpu.vector_load %arg6[%get3A_213, %get3A_214] {strides = array<i32>} : memref<104x32xf32, #tpu.memory_space<vmem>>, vector<1x16xf32>,
      %get3A_216 = vector.shape_cast %get3A_215 : vector<1x16xf32> to vector<16xf32>
      %add3A_217 = arith.addf %add3A_193, %get3A_216 : vector<16xf32>
      %get3A_218 = arith.constant 14 : i32
      %get3A_219 = arith.index_cast %get3A_218 : i32 to index
      %get3A_220 = arith.constant 16 : index
      %get3A_221 = tpu.vector_load %arg6[%get3A_219, %get3A_220] {strides = array<i32>} : memref<104x32xf32, #tpu.memory_space<vmem>>, vector<1x16xf32>,
      %get3A_222 = vector.shape_cast %get3A_221 : vector<1x16xf32> to vector<16xf32>
      %add3A_223 = arith.addf %add3A_199, %get3A_222 : vector<16xf32>
      %get3A_224 = arith.constant 15 : i32
      %get3A_225 = arith.index_cast %get3A_224 : i32 to index
      %get3A_226 = arith.constant 0 : index
      %get3A_227 = tpu.vector_load %arg6[%get3A_225, %get3A_226] {strides = array<i32>} : memref<104x32xf32, #tpu.memory_space<vmem>>, vector<1x16xf32>,
      %get3A_228 = vector.shape_cast %get3A_227 : vector<1x16xf32> to vector<16xf32>
      %add3A_229 = arith.addf %add3A_205, %get3A_228 : vector<16xf32>
      %get3A_230 = arith.constant 15 : i32
      %get3A_231 = arith.index_cast %get3A_230 : i32 to index
      %get3A_232 = arith.constant 16 : index
      %get3A_233 = tpu.vector_load %arg6[%get3A_231, %get3A_232] {strides = array<i32>} : memref<104x32xf32, #tpu.memory_space<vmem>>, vector<1x16xf32>,
      %get3A_234 = vector.shape_cast %get3A_233 : vector<1x16xf32> to vector<16xf32>
      %add3A_235 = arith.addf %add3A_211, %get3A_234 : vector<16xf32>
      %get3A_236 = arith.constant 16 : i32
      %get3A_237 = arith.index_cast %get3A_236 : i32 to index
      %get3A_238 = arith.constant 0 : index
      %get3A_239 = tpu.vector_load %arg6[%get3A_237, %get3A_238] {strides = array<i32>} : memref<104x32xf32, #tpu.memory_space<vmem>>, vector<1x16xf32>,
      %get3A_240 = vector.shape_cast %get3A_239 : vector<1x16xf32> to vector<16xf32>
      %add3A_241 = arith.addf %add3A_217, %get3A_240 : vector<16xf32>
      %get3A_242 = arith.constant 16 : i32
      %get3A_243 = arith.index_cast %get3A_242 : i32 to index
      %get3A_244 = arith.constant 16 : index
      %get3A_245 = tpu.vector_load %arg6[%get3A_243, %get3A_244] {strides = array<i32>} : memref<104x32xf32, #tpu.memory_space<vmem>>, vector<1x16xf32>,
      %get3A_246 = vector.shape_cast %get3A_245 : vector<1x16xf32> to vector<16xf32>
      %add3A_247 = arith.addf %add3A_223, %get3A_246 : vector<16xf32>
      %get3A_248 = arith.constant 17 : i32
      %get3A_249 = arith.index_cast %get3A_248 : i32 to index
      %get3A_250 = arith.constant 0 : index
      %get3A_251 = tpu.vector_load %arg6[%get3A_249, %get3A_250] {strides = array<i32>} : memref<104x32xf32, #tpu.memory_space<vmem>>, vector<1x16xf32>,
      %get3A_252 = vector.shape_cast %get3A_251 : vector<1x16xf32> to vector<16xf32>
      %add3A_253 = arith.addf %add3A_229, %get3A_252 : vector<16xf32>
      %get3A_254 = arith.constant 17 : i32
      %get3A_255 = arith.index_cast %get3A_254 : i32 to index
      %get3A_256 = arith.constant 16 : index
      %get3A_257 = tpu.vector_load %arg6[%get3A_255, %get3A_256] {strides = array<i32>} : memref<104x32xf32, #tpu.memory_space<vmem>>, vector<1x16xf32>,
      %get3A_258 = vector.shape_cast %get3A_257 : vector<1x16xf32> to vector<16xf32>
      %add3A_259 = arith.addf %add3A_235, %get3A_258 : vector<16xf32>
      %get3A_260 = arith.constant 18 : i32
      %get3A_261 = arith.index_cast %get3A_260 : i32 to index
      %get3A_262 = arith.constant 0 : index
      %get3A_263 = tpu.vector_load %arg6[%get3A_261, %get3A_262] {strides = array<i32>} : memref<104x32xf32, #tpu.memory_space<vmem>>, vector<1x16xf32>,
      %get3A_264 = vector.shape_cast %get3A_263 : vector<1x16xf32> to vector<16xf32>
      %add3A_265 = arith.addf %add3A_241, %get3A_264 : vector<16xf32>
      %get3A_266 = arith.constant 18 : i32
      %get3A_267 = arith.index_cast %get3A_266 : i32 to index
      %get3A_268 = arith.constant 16 : index
      %get3A_269 = tpu.vector_load %arg6[%get3A_267, %get3A_268] {strides = array<i32>} : memref<104x32xf32, #tpu.memory_space<vmem>>, vector<1x16xf32>,
      %get3A_270 = vector.shape_cast %get3A_269 : vector<1x16xf32> to vector<16xf32>
      %add3A_271 = arith.addf %add3A_247, %get3A_270 : vector<16xf32>
      %get3A_272 = arith.constant 19 : i32
      %get3A_273 = arith.index_cast %get3A_272 : i32 to index
      %get3A_274 = arith.constant 0 : index
      %get3A_275 = tpu.vector_load %arg6[%get3A_273, %get3A_274] {strides = array<i32>} : memref<104x32xf32, #tpu.memory_space<vmem>>, vector<1x16xf32>,
      %get3A_276 = vector.shape_cast %get3A_275 : vector<1x16xf32> to vector<16xf32>
      %add3A_277 = arith.addf %add3A_253, %get3A_276 : vector<16xf32>
      %get3A_278 = arith.constant 19 : i32
      %get3A_279 = arith.index_cast %get3A_278 : i32 to index
      %get3A_280 = arith.constant 16 : index
      %get3A_281 = tpu.vector_load %arg6[%get3A_279, %get3A_280] {strides = array<i32>} : memref<104x32xf32, #tpu.memory_space<vmem>>, vector<1x16xf32>,
      %get3A_282 = vector.shape_cast %get3A_281 : vector<1x16xf32> to vector<16xf32>
      %add3A_283 = arith.addf %add3A_259, %get3A_282 : vector<16xf32>
      %get3A_284 = arith.constant 20 : i32
      %get3A_285 = arith.index_cast %get3A_284 : i32 to index
      %get3A_286 = arith.constant 0 : index
      %get3A_287 = tpu.vector_load %arg6[%get3A_285, %get3A_286] {strides = array<i32>} : memref<104x32xf32, #tpu.memory_space<vmem>>, vector<1x16xf32>,
      %get3A_288 = vector.shape_cast %get3A_287 : vector<1x16xf32> to vector<16xf32>
      %add3A_289 = arith.addf %add3A_265, %get3A_288 : vector<16xf32>
      %get3A_290 = arith.constant 20 : i32
      %get3A_291 = arith.index_cast %get3A_290 : i32 to index
      %get3A_292 = arith.constant 16 : index
      %get3A_293 = tpu.vector_load %arg6[%get3A_291, %get3A_292] {strides = array<i32>} : memref<104x32xf32, #tpu.memory_space<vmem>>, vector<1x16xf32>,
      %get3A_294 = vector.shape_cast %get3A_293 : vector<1x16xf32> to vector<16xf32>
      %add3A_295 = arith.addf %add3A_271, %get3A_294 : vector<16xf32>
      %get3A_296 = arith.constant 21 : i32
      %get3A_297 = arith.index_cast %get3A_296 : i32 to index
      %get3A_298 = arith.constant 0 : index
      %get3A_299 = tpu.vector_load %arg6[%get3A_297, %get3A_298] {strides = array<i32>} : memref<104x32xf32, #tpu.memory_space<vmem>>, vector<1x16xf32>,
      %get3A_300 = vector.shape_cast %get3A_299 : vector<1x16xf32> to vector<16xf32>
      %add3A_301 = arith.addf %add3A_277, %get3A_300 : vector<16xf32>
      %get3A_302 = arith.constant 21 : i32
      %get3A_303 = arith.index_cast %get3A_302 : i32 to index
      %get3A_304 = arith.constant 16 : index
      %get3A_305 = tpu.vector_load %arg6[%get3A_303, %get3A_304] {strides = array<i32>} : memref<104x32xf32, #tpu.memory_space<vmem>>, vector<1x16xf32>,
      %get3A_306 = vector.shape_cast %get3A_305 : vector<1x16xf32> to vector<16xf32>
      %add3A_307 = arith.addf %add3A_283, %get3A_306 : vector<16xf32>
      %get3A_308 = arith.constant 22 : i32
      %get3A_309 = arith.index_cast %get3A_308 : i32 to index
      %get3A_310 = arith.constant 0 : index
      %get3A_311 = tpu.vector_load %arg6[%get3A_309, %get3A_310] {strides = array<i32>} : memref<104x32xf32, #tpu.memory_space<vmem>>, vector<1x16xf32>,
      %get3A_312 = vector.shape_cast %get3A_311 : vector<1x16xf32> to vector<16xf32>
      %add3A_313 = arith.addf %add3A_289, %get3A_312 : vector<16xf32>
      %get3A_314 = arith.constant 22 : i32
      %get3A_315 = arith.index_cast %get3A_314 : i32 to index
      %get3A_316 = arith.constant 16 : index
      %get3A_317 = tpu.vector_load %arg6[%get3A_315, %get3A_316] {strides = array<i32>} : memref<104x32xf32, #tpu.memory_space<vmem>>, vector<1x16xf32>,
      %get3A_318 = vector.shape_cast %get3A_317 : vector<1x16xf32> to vector<16xf32>
      %add3A_319 = arith.addf %add3A_295, %get3A_318 : vector<16xf32>
      %get3A_320 = arith.constant 23 : i32
      %get3A_321 = arith.index_cast %get3A_320 : i32 to index
      %get3A_322 = arith.constant 0 : index
      %get3A_323 = tpu.vector_load %arg6[%get3A_321, %get3A_322] {strides = array<i32>} : memref<104x32xf32, #tpu.memory_space<vmem>>, vector<1x16xf32>,
      %get3A_324 = vector.shape_cast %get3A_323 : vector<1x16xf32> to vector<16xf32>
      %add3A_325 = arith.addf %add3A_301, %get3A_324 : vector<16xf32>
      %get3A_326 = arith.constant 23 : i32
      %get3A_327 = arith.index_cast %get3A_326 : i32 to index
      %get3A_328 = arith.constant 16 : index
      %get3A_329 = tpu.vector_load %arg6[%get3A_327, %get3A_328] {strides = array<i32>} : memref<104x32xf32, #tpu.memory_space<vmem>>, vector<1x16xf32>,
      %get3A_330 = vector.shape_cast %get3A_329 : vector<1x16xf32> to vector<16xf32>
      %add3A_331 = arith.addf %add3A_307, %get3A_330 : vector<16xf32>
      %get3A_332 = arith.constant 24 : i32
      %get3A_333 = arith.index_cast %get3A_332 : i32 to index
      %get3A_334 = arith.constant 0 : index
      %get3A_335 = tpu.vector_load %arg6[%get3A_333, %get3A_334] {strides = array<i32>} : memref<104x32xf32, #tpu.memory_space<vmem>>, vector<1x16xf32>,
      %get3A_336 = vector.shape_cast %get3A_335 : vector<1x16xf32> to vector<16xf32>
      %add3A_337 = arith.addf %add3A_313, %get3A_336 : vector<16xf32>
      %get3A_338 = arith.constant 24 : i32
      %get3A_339 = arith.index_cast %get3A_338 : i32 to index
      %get3A_340 = arith.constant 16 : index
      %get3A_341 = tpu.vector_load %arg6[%get3A_339, %get3A_340] {strides = array<i32>} : memref<104x32xf32, #tpu.memory_space<vmem>>, vector<1x16xf32>,
      %get3A_342 = vector.shape_cast %get3A_341 : vector<1x16xf32> to vector<16xf32>
      %add3A_343 = arith.addf %add3A_319, %get3A_342 : vector<16xf32>
      %get3A_344 = arith.constant 25 : i32
      %get3A_345 = arith.index_cast %get3A_344 : i32 to index
      %get3A_346 = arith.constant 0 : index
      %get3A_347 = tpu.vector_load %arg6[%get3A_345, %get3A_346] {strides = array<i32>} : memref<104x32xf32, #tpu.memory_space<vmem>>, vector<1x16xf32>,
      %get3A_348 = vector.shape_cast %get3A_347 : vector<1x16xf32> to vector<16xf32>
      %add3A_349 = arith.addf %add3A_325, %get3A_348 : vector<16xf32>
      %get3A_350 = arith.constant 25 : i32
      %get3A_351 = arith.index_cast %get3A_350 : i32 to index
      %get3A_352 = arith.constant 16 : index
      %get3A_353 = tpu.vector_load %arg6[%get3A_351, %get3A_352] {strides = array<i32>} : memref<104x32xf32, #tpu.memory_space<vmem>>, vector<1x16xf32>,
      %get3A_354 = vector.shape_cast %get3A_353 : vector<1x16xf32> to vector<16xf32>
      %add3A_355 = arith.addf %add3A_331, %get3A_354 : vector<16xf32>
      %get3A_356 = arith.constant 26 : i32
      %get3A_357 = arith.index_cast %get3A_356 : i32 to index
      %get3A_358 = arith.constant 0 : index
      %get3A_359 = tpu.vector_load %arg6[%get3A_357, %get3A_358] {strides = array<i32>} : memref<104x32xf32, #tpu.memory_space<vmem>>, vector<1x16xf32>,
      %get3A_360 = vector.shape_cast %get3A_359 : vector<1x16xf32> to vector<16xf32>
      %add3A_361 = arith.addf %add3A_337, %get3A_360 : vector<16xf32>
      %get3A_362 = arith.constant 26 : i32
      %get3A_363 = arith.index_cast %get3A_362 : i32 to index
      %get3A_364 = arith.constant 16 : index
      %get3A_365 = tpu.vector_load %arg6[%get3A_363, %get3A_364] {strides = array<i32>} : memref<104x32xf32, #tpu.memory_space<vmem>>, vector<1x16xf32>,
      %get3A_366 = vector.shape_cast %get3A_365 : vector<1x16xf32> to vector<16xf32>
      %add3A_367 = arith.addf %add3A_343, %get3A_366 : vector<16xf32>
      %get3A_368 = arith.constant 27 : i32
      %get3A_369 = arith.index_cast %get3A_368 : i32 to index
      %get3A_370 = arith.constant 0 : index
      %get3A_371 = tpu.vector_load %arg6[%get3A_369, %get3A_370] {strides = array<i32>} : memref<104x32xf32, #tpu.memory_space<vmem>>, vector<1x16xf32>,
      %get3A_372 = vector.shape_cast %get3A_371 : vector<1x16xf32> to vector<16xf32>
      %add3A_373 = arith.addf %add3A_349, %get3A_372 : vector<16xf32>
      %get3A_374 = arith.constant 27 : i32
      %get3A_375 = arith.index_cast %get3A_374 : i32 to index
      %get3A_376 = arith.constant 16 : index
      %get3A_377 = tpu.vector_load %arg6[%get3A_375, %get3A_376] {strides = array<i32>} : memref<104x32xf32, #tpu.memory_space<vmem>>, vector<1x16xf32>,
      %get3A_378 = vector.shape_cast %get3A_377 : vector<1x16xf32> to vector<16xf32>
      %add3A_379 = arith.addf %add3A_355, %get3A_378 : vector<16xf32>
      %get3A_380 = arith.constant 28 : i32
      %get3A_381 = arith.index_cast %get3A_380 : i32 to index
      %get3A_382 = arith.constant 0 : index
      %get3A_383 = tpu.vector_load %arg6[%get3A_381, %get3A_382] {strides = array<i32>} : memref<104x32xf32, #tpu.memory_space<vmem>>, vector<1x16xf32>,
      %get3A_384 = vector.shape_cast %get3A_383 : vector<1x16xf32> to vector<16xf32>
      %add3A_385 = arith.addf %add3A_361, %get3A_384 : vector<16xf32>
      %get3A_386 = arith.constant 28 : i32
      %get3A_387 = arith.index_cast %get3A_386 : i32 to index
      %get3A_388 = arith.constant 16 : index
      %get3A_389 = tpu.vector_load %arg6[%get3A_387, %get3A_388] {strides = array<i32>} : memref<104x32xf32, #tpu.memory_space<vmem>>, vector<1x16xf32>,
      %get3A_390 = vector.shape_cast %get3A_389 : vector<1x16xf32> to vector<16xf32>
      %add3A_391 = arith.addf %add3A_367, %get3A_390 : vector<16xf32>
      %get3A_392 = arith.constant 29 : i32
      %get3A_393 = arith.index_cast %get3A_392 : i32 to index
      %get3A_394 = arith.constant 0 : index
      %get3A_395 = tpu.vector_load %arg6[%get3A_393, %get3A_394] {strides = array<i32>} : memref<104x32xf32, #tpu.memory_space<vmem>>, vector<1x16xf32>,
      %get3A_396 = vector.shape_cast %get3A_395 : vector<1x16xf32> to vector<16xf32>
      %add3A_397 = arith.addf %add3A_373, %get3A_396 : vector<16xf32>
      %get3A_398 = arith.constant 29 : i32
      %get3A_399 = arith.index_cast %get3A_398 : i32 to index
      %get3A_400 = arith.constant 16 : index
      %get3A_401 = tpu.vector_load %arg6[%get3A_399, %get3A_400] {strides = array<i32>} : memref<104x32xf32, #tpu.memory_space<vmem>>, vector<1x16xf32>,
      %get3A_402 = vector.shape_cast %get3A_401 : vector<1x16xf32> to vector<16xf32>
      %add3A_403 = arith.addf %add3A_379, %get3A_402 : vector<16xf32>
      %get3A_404 = arith.constant 30 : i32
      %get3A_405 = arith.index_cast %get3A_404 : i32 to index
      %get3A_406 = arith.constant 0 : index
      %get3A_407 = tpu.vector_load %arg6[%get3A_405, %get3A_406] {strides = array<i32>} : memref<104x32xf32, #tpu.memory_space<vmem>>, vector<1x16xf32>,
      %get3A_408 = vector.shape_cast %get3A_407 : vector<1x16xf32> to vector<16xf32>
      %add3A_409 = arith.addf %add3A_385, %get3A_408 : vector<16xf32>
      %get3A_410 = arith.constant 30 : i32
      %get3A_411 = arith.index_cast %get3A_410 : i32 to index
      %get3A_412 = arith.constant 16 : index
      %get3A_413 = tpu.vector_load %arg6[%get3A_411, %get3A_412] {strides = array<i32>} : memref<104x32xf32, #tpu.memory_space<vmem>>, vector<1x16xf32>,
      %get3A_414 = vector.shape_cast %get3A_413 : vector<1x16xf32> to vector<16xf32>
      %add3A_415 = arith.addf %add3A_391, %get3A_414 : vector<16xf32>
      %get3A_416 = arith.constant 31 : i32
      %get3A_417 = arith.index_cast %get3A_416 : i32 to index
      %get3A_418 = arith.constant 0 : index
      %get3A_419 = tpu.vector_load %arg6[%get3A_417, %get3A_418] {strides = array<i32>} : memref<104x32xf32, #tpu.memory_space<vmem>>, vector<1x16xf32>,
      %get3A_420 = vector.shape_cast %get3A_419 : vector<1x16xf32> to vector<16xf32>
      %add3A_421 = arith.addf %add3A_397, %get3A_420 : vector<16xf32>
      %get3A_422 = arith.constant 31 : i32
      %get3A_423 = arith.index_cast %get3A_422 : i32 to index
      %get3A_424 = arith.constant 16 : index
      %get3A_425 = tpu.vector_load %arg6[%get3A_423, %get3A_424] {strides = array<i32>} : memref<104x32xf32, #tpu.memory_space<vmem>>, vector<1x16xf32>,
      %get3A_426 = vector.shape_cast %get3A_425 : vector<1x16xf32> to vector<16xf32>
      %add3A_427 = arith.addf %add3A_403, %get3A_426 : vector<16xf32>
      %get3A_428 = arith.constant 32 : i32
      %get3A_429 = arith.index_cast %get3A_428 : i32 to index
      %get3A_430 = arith.constant 0 : index
      %get3A_431 = tpu.vector_load %arg6[%get3A_429, %get3A_430] {strides = array<i32>} : memref<104x32xf32, #tpu.memory_space<vmem>>, vector<1x16xf32>,
      %get3A_432 = vector.shape_cast %get3A_431 : vector<1x16xf32> to vector<16xf32>
      %add3A_433 = arith.addf %add3A_409, %get3A_432 : vector<16xf32>
      %get3A_434 = arith.constant 32 : i32
      %get3A_435 = arith.index_cast %get3A_434 : i32 to index
      %get3A_436 = arith.constant 16 : index
      %get3A_437 = tpu.vector_load %arg6[%get3A_435, %get3A_436] {strides = array<i32>} : memref<104x32xf32, #tpu.memory_space<vmem>>, vector<1x16xf32>,
      %get3A_438 = vector.shape_cast %get3A_437 : vector<1x16xf32> to vector<16xf32>
      %add3A_439 = arith.addf %add3A_415, %get3A_438 : vector<16xf32>
      %get3A_440 = arith.constant 33 : i32
      %get3A_441 = arith.index_cast %get3A_440 : i32 to index
      %get3A_442 = arith.constant 0 : index
      %get3A_443 = tpu.vector_load %arg6[%get3A_441, %get3A_442] {strides = array<i32>} : memref<104x32xf32, #tpu.memory_space<vmem>>, vector<1x16xf32>,
      %get3A_444 = vector.shape_cast %get3A_443 : vector<1x16xf32> to vector<16xf32>
      %add3A_445 = arith.addf %add3A_421, %get3A_444 : vector<16xf32>
      %get3A_446 = arith.constant 33 : i32
      %get3A_447 = arith.index_cast %get3A_446 : i32 to index
      %get3A_448 = arith.constant 16 : index
      %get3A_449 = tpu.vector_load %arg6[%get3A_447, %get3A_448] {strides = array<i32>} : memref<104x32xf32, #tpu.memory_space<vmem>>, vector<1x16xf32>,
      %get3A_450 = vector.shape_cast %get3A_449 : vector<1x16xf32> to vector<16xf32>
      %add3A_451 = arith.addf %add3A_427, %get3A_450 : vector<16xf32>
      %get3A_452 = arith.constant 34 : i32
      %get3A_453 = arith.index_cast %get3A_452 : i32 to index
      %get3A_454 = arith.constant 0 : index
      %get3A_455 = tpu.vector_load %arg6[%get3A_453, %get3A_454] {strides = array<i32>} : memref<104x32xf32, #tpu.memory_space<vmem>>, vector<1x16xf32>,
      %get3A_456 = vector.shape_cast %get3A_455 : vector<1x16xf32> to vector<16xf32>
      %add3A_457 = arith.addf %add3A_433, %get3A_456 : vector<16xf32>
      %get3A_458 = arith.constant 34 : i32
      %get3A_459 = arith.index_cast %get3A_458 : i32 to index
      %get3A_460 = arith.constant 16 : index
      %get3A_461 = tpu.vector_load %arg6[%get3A_459, %get3A_460] {strides = array<i32>} : memref<104x32xf32, #tpu.memory_space<vmem>>, vector<1x16xf32>,
      %get3A_462 = vector.shape_cast %get3A_461 : vector<1x16xf32> to vector<16xf32>
      %add3A_463 = arith.addf %add3A_439, %get3A_462 : vector<16xf32>
      %get3A_464 = arith.constant 35 : i32
      %get3A_465 = arith.index_cast %get3A_464 : i32 to index
      %get3A_466 = arith.constant 0 : index
      %get3A_467 = tpu.vector_load %arg6[%get3A_465, %get3A_466] {strides = array<i32>} : memref<104x32xf32, #tpu.memory_space<vmem>>, vector<1x16xf32>,
      %get3A_468 = vector.shape_cast %get3A_467 : vector<1x16xf32> to vector<16xf32>
      %add3A_469 = arith.addf %add3A_445, %get3A_468 : vector<16xf32>
      %get3A_470 = arith.constant 35 : i32
      %get3A_471 = arith.index_cast %get3A_470 : i32 to index
      %get3A_472 = arith.constant 16 : index
      %get3A_473 = tpu.vector_load %arg6[%get3A_471, %get3A_472] {strides = array<i32>} : memref<104x32xf32, #tpu.memory_space<vmem>>, vector<1x16xf32>,
      %get3A_474 = vector.shape_cast %get3A_473 : vector<1x16xf32> to vector<16xf32>
      %add3A_475 = arith.addf %add3A_451, %get3A_474 : vector<16xf32>
      %get3A_476 = arith.constant 36 : i32
      %get3A_477 = arith.index_cast %get3A_476 : i32 to index
      %get3A_478 = arith.constant 0 : index
      %get3A_479 = tpu.vector_load %arg6[%get3A_477, %get3A_478] {strides = array<i32>} : memref<104x32xf32, #tpu.memory_space<vmem>>, vector<1x16xf32>,
      %get3A_480 = vector.shape_cast %get3A_479 : vector<1x16xf32> to vector<16xf32>
      %add3A_481 = arith.addf %add3A_457, %get3A_480 : vector<16xf32>
      %get3A_482 = arith.constant 36 : i32
      %get3A_483 = arith.index_cast %get3A_482 : i32 to index
      %get3A_484 = arith.constant 16 : index
      %get3A_485 = tpu.vector_load %arg6[%get3A_483, %get3A_484] {strides = array<i32>} : memref<104x32xf32, #tpu.memory_space<vmem>>, vector<1x16xf32>,
      %get3A_486 = vector.shape_cast %get3A_485 : vector<1x16xf32> to vector<16xf32>
      %add3A_487 = arith.addf %add3A_463, %get3A_486 : vector<16xf32>
      %get3A_488 = arith.constant 37 : i32
      %get3A_489 = arith.index_cast %get3A_488 : i32 to index
      %get3A_490 = arith.constant 0 : index
      %get3A_491 = tpu.vector_load %arg6[%get3A_489, %get3A_490] {strides = array<i32>} : memref<104x32xf32, #tpu.memory_space<vmem>>, vector<1x16xf32>,
      %get3A_492 = vector.shape_cast %get3A_491 : vector<1x16xf32> to vector<16xf32>
      %add3A_493 = arith.addf %add3A_469, %get3A_492 : vector<16xf32>
      %get3A_494 = arith.constant 37 : i32
      %get3A_495 = arith.index_cast %get3A_494 : i32 to index
      %get3A_496 = arith.constant 16 : index
      %get3A_497 = tpu.vector_load %arg6[%get3A_495, %get3A_496] {strides = array<i32>} : memref<104x32xf32, #tpu.memory_space<vmem>>, vector<1x16xf32>,
      %get3A_498 = vector.shape_cast %get3A_497 : vector<1x16xf32> to vector<16xf32>
      %add3A_499 = arith.addf %add3A_475, %get3A_498 : vector<16xf32>
      %get3A_500 = arith.constant 38 : i32
      %get3A_501 = arith.index_cast %get3A_500 : i32 to index
      %get3A_502 = arith.constant 0 : index
      %get3A_503 = tpu.vector_load %arg6[%get3A_501, %get3A_502] {strides = array<i32>} : memref<104x32xf32, #tpu.memory_space<vmem>>, vector<1x16xf32>,
      %get3A_504 = vector.shape_cast %get3A_503 : vector<1x16xf32> to vector<16xf32>
      %add3A_505 = arith.addf %add3A_481, %get3A_504 : vector<16xf32>
      %get3A_506 = arith.constant 38 : i32
      %get3A_507 = arith.index_cast %get3A_506 : i32 to index
      %get3A_508 = arith.constant 16 : index
      %get3A_509 = tpu.vector_load %arg6[%get3A_507, %get3A_508] {strides = array<i32>} : memref<104x32xf32, #tpu.memory_space<vmem>>, vector<1x16xf32>,
      %get3A_510 = vector.shape_cast %get3A_509 : vector<1x16xf32> to vector<16xf32>
      %add3A_511 = arith.addf %add3A_487, %get3A_510 : vector<16xf32>
      %get3A_512 = arith.constant 39 : i32
      %get3A_513 = arith.index_cast %get3A_512 : i32 to index
      %get3A_514 = arith.constant 0 : index
      %get3A_515 = tpu.vector_load %arg6[%get3A_513, %get3A_514] {strides = array<i32>} : memref<104x32xf32, #tpu.memory_space<vmem>>, vector<1x16xf32>,
      %get3A_516 = vector.shape_cast %get3A_515 : vector<1x16xf32> to vector<16xf32>
      %add3A_517 = arith.addf %add3A_493, %get3A_516 : vector<16xf32>
      %get3A_518 = arith.constant 39 : i32
      %get3A_519 = arith.index_cast %get3A_518 : i32 to index
      %get3A_520 = arith.constant 16 : index
      %get3A_521 = tpu.vector_load %arg6[%get3A_519, %get3A_520] {strides = array<i32>} : memref<104x32xf32, #tpu.memory_space<vmem>>, vector<1x16xf32>,
      %get3A_522 = vector.shape_cast %get3A_521 : vector<1x16xf32> to vector<16xf32>
      %add3A_523 = arith.addf %add3A_499, %get3A_522 : vector<16xf32>
      %get3A_524 = arith.constant 40 : i32
      %get3A_525 = arith.index_cast %get3A_524 : i32 to index
      %get3A_526 = arith.constant 0 : index
      %get3A_527 = tpu.vector_load %arg6[%get3A_525, %get3A_526] {strides = array<i32>} : memref<104x32xf32, #tpu.memory_space<vmem>>, vector<1x16xf32>,
      %get3A_528 = vector.shape_cast %get3A_527 : vector<1x16xf32> to vector<16xf32>
      %add3A_529 = arith.addf %add3A_505, %get3A_528 : vector<16xf32>
      %get3A_530 = arith.constant 40 : i32
      %get3A_531 = arith.index_cast %get3A_530 : i32 to index
      %get3A_532 = arith.constant 16 : index
      %get3A_533 = tpu.vector_load %arg6[%get3A_531, %get3A_532] {strides = array<i32>} : memref<104x32xf32, #tpu.memory_space<vmem>>, vector<1x16xf32>,
      %get3A_534 = vector.shape_cast %get3A_533 : vector<1x16xf32> to vector<16xf32>
      %add3A_535 = arith.addf %add3A_511, %get3A_534 : vector<16xf32>
      %get3A_536 = arith.constant 41 : i32
      %get3A_537 = arith.index_cast %get3A_536 : i32 to index
      %get3A_538 = arith.constant 0 : index
      %get3A_539 = tpu.vector_load %arg6[%get3A_537, %get3A_538] {strides = array<i32>} : memref<104x32xf32, #tpu.memory_space<vmem>>, vector<1x16xf32>,
      %get3A_540 = vector.shape_cast %get3A_539 : vector<1x16xf32> to vector<16xf32>
      %add3A_541 = arith.addf %add3A_517, %get3A_540 : vector<16xf32>
      %get3A_542 = arith.constant 41 : i32
      %get3A_543 = arith.index_cast %get3A_542 : i32 to index
      %get3A_544 = arith.constant 16 : index
      %get3A_545 = tpu.vector_load %arg6[%get3A_543, %get3A_544] {strides = array<i32>} : memref<104x32xf32, #tpu.memory_space<vmem>>, vector<1x16xf32>,
      %get3A_546 = vector.shape_cast %get3A_545 : vector<1x16xf32> to vector<16xf32>
      %add3A_547 = arith.addf %add3A_523, %get3A_546 : vector<16xf32>
      %get3A_548 = arith.constant 42 : i32
      %get3A_549 = arith.index_cast %get3A_548 : i32 to index
      %get3A_550 = arith.constant 0 : index
      %get3A_551 = tpu.vector_load %arg6[%get3A_549, %get3A_550] {strides = array<i32>} : memref<104x32xf32, #tpu.memory_space<vmem>>, vector<1x16xf32>,
      %get3A_552 = vector.shape_cast %get3A_551 : vector<1x16xf32> to vector<16xf32>
      %add3A_553 = arith.addf %add3A_529, %get3A_552 : vector<16xf32>
      %get3A_554 = arith.constant 42 : i32
      %get3A_555 = arith.index_cast %get3A_554 : i32 to index
      %get3A_556 = arith.constant 16 : index
      %get3A_557 = tpu.vector_load %arg6[%get3A_555, %get3A_556] {strides = array<i32>} : memref<104x32xf32, #tpu.memory_space<vmem>>, vector<1x16xf32>,
      %get3A_558 = vector.shape_cast %get3A_557 : vector<1x16xf32> to vector<16xf32>
      %add3A_559 = arith.addf %add3A_535, %get3A_558 : vector<16xf32>
      %get3A_560 = arith.constant 43 : i32
      %get3A_561 = arith.index_cast %get3A_560 : i32 to index
      %get3A_562 = arith.constant 0 : index
      %get3A_563 = tpu.vector_load %arg6[%get3A_561, %get3A_562] {strides = array<i32>} : memref<104x32xf32, #tpu.memory_space<vmem>>, vector<1x16xf32>,
      %get3A_564 = vector.shape_cast %get3A_563 : vector<1x16xf32> to vector<16xf32>
      %add3A_565 = arith.addf %add3A_541, %get3A_564 : vector<16xf32>
      %get3A_566 = arith.constant 43 : i32
      %get3A_567 = arith.index_cast %get3A_566 : i32 to index
      %get3A_568 = arith.constant 16 : index
      %get3A_569 = tpu.vector_load %arg6[%get3A_567, %get3A_568] {strides = array<i32>} : memref<104x32xf32, #tpu.memory_space<vmem>>, vector<1x16xf32>,
      %get3A_570 = vector.shape_cast %get3A_569 : vector<1x16xf32> to vector<16xf32>
      %add3A_571 = arith.addf %add3A_547, %get3A_570 : vector<16xf32>
      %get3A_572 = arith.constant 44 : i32
      %get3A_573 = arith.index_cast %get3A_572 : i32 to index
      %get3A_574 = arith.constant 0 : index
      %get3A_575 = tpu.vector_load %arg6[%get3A_573, %get3A_574] {strides = array<i32>} : memref<104x32xf32, #tpu.memory_space<vmem>>, vector<1x16xf32>,
      %get3A_576 = vector.shape_cast %get3A_575 : vector<1x16xf32> to vector<16xf32>
      %add3A_577 = arith.addf %add3A_553, %get3A_576 : vector<16xf32>
      %get3A_578 = arith.constant 44 : i32
      %get3A_579 = arith.index_cast %get3A_578 : i32 to index
      %get3A_580 = arith.constant 16 : index
      %get3A_581 = tpu.vector_load %arg6[%get3A_579, %get3A_580] {strides = array<i32>} : memref<104x32xf32, #tpu.memory_space<vmem>>, vector<1x16xf32>,
      %get3A_582 = vector.shape_cast %get3A_581 : vector<1x16xf32> to vector<16xf32>
      %add3A_583 = arith.addf %add3A_559, %get3A_582 : vector<16xf32>
      %get3A_584 = arith.constant 45 : i32
      %get3A_585 = arith.index_cast %get3A_584 : i32 to index
      %get3A_586 = arith.constant 0 : index
      %get3A_587 = tpu.vector_load %arg6[%get3A_585, %get3A_586] {strides = array<i32>} : memref<104x32xf32, #tpu.memory_space<vmem>>, vector<1x16xf32>,
      %get3A_588 = vector.shape_cast %get3A_587 : vector<1x16xf32> to vector<16xf32>
      %add3A_589 = arith.addf %add3A_565, %get3A_588 : vector<16xf32>
      %get3A_590 = arith.constant 45 : i32
      %get3A_591 = arith.index_cast %get3A_590 : i32 to index
      %get3A_592 = arith.constant 16 : index
      %get3A_593 = tpu.vector_load %arg6[%get3A_591, %get3A_592] {strides = array<i32>} : memref<104x32xf32, #tpu.memory_space<vmem>>, vector<1x16xf32>,
      %get3A_594 = vector.shape_cast %get3A_593 : vector<1x16xf32> to vector<16xf32>
      %add3A_595 = arith.addf %add3A_571, %get3A_594 : vector<16xf32>
      %get3A_596 = arith.constant 46 : i32
      %get3A_597 = arith.index_cast %get3A_596 : i32 to index
      %get3A_598 = arith.constant 0 : index
      %get3A_599 = tpu.vector_load %arg6[%get3A_597, %get3A_598] {strides = array<i32>} : memref<104x32xf32, #tpu.memory_space<vmem>>, vector<1x16xf32>,
      %get3A_600 = vector.shape_cast %get3A_599 : vector<1x16xf32> to vector<16xf32>
      %add3A_601 = arith.addf %add3A_577, %get3A_600 : vector<16xf32>
      %get3A_602 = arith.constant 46 : i32
      %get3A_603 = arith.index_cast %get3A_602 : i32 to index
      %get3A_604 = arith.constant 16 : index
      %get3A_605 = tpu.vector_load %arg6[%get3A_603, %get3A_604] {strides = array<i32>} : memref<104x32xf32, #tpu.memory_space<vmem>>, vector<1x16xf32>,
      %get3A_606 = vector.shape_cast %get3A_605 : vector<1x16xf32> to vector<16xf32>
      %add3A_607 = arith.addf %add3A_583, %get3A_606 : vector<16xf32>
      %get3A_608 = arith.constant 47 : i32
      %get3A_609 = arith.index_cast %get3A_608 : i32 to index
      %get3A_610 = arith.constant 0 : index
      %get3A_611 = tpu.vector_load %arg6[%get3A_609, %get3A_610] {strides = array<i32>} : memref<104x32xf32, #tpu.memory_space<vmem>>, vector<1x16xf32>,
      %get3A_612 = vector.shape_cast %get3A_611 : vector<1x16xf32> to vector<16xf32>
      %add3A_613 = arith.addf %add3A_589, %get3A_612 : vector<16xf32>
      %get3A_614 = arith.constant 47 : i32
      %get3A_615 = arith.index_cast %get3A_614 : i32 to index
      %get3A_616 = arith.constant 16 : index
      %get3A_617 = tpu.vector_load %arg6[%get3A_615, %get3A_616] {strides = array<i32>} : memref<104x32xf32, #tpu.memory_space<vmem>>, vector<1x16xf32>,
      %get3A_618 = vector.shape_cast %get3A_617 : vector<1x16xf32> to vector<16xf32>
      %add3A_619 = arith.addf %add3A_595, %get3A_618 : vector<16xf32>
      %get3A_620 = arith.constant 48 : i32
      %get3A_621 = arith.index_cast %get3A_620 : i32 to index
      %get3A_622 = arith.constant 0 : index
      %get3A_623 = tpu.vector_load %arg6[%get3A_621, %get3A_622] {strides = array<i32>} : memref<104x32xf32, #tpu.memory_space<vmem>>, vector<1x16xf32>,
      %get3A_624 = vector.shape_cast %get3A_623 : vector<1x16xf32> to vector<16xf32>
      %add3A_625 = arith.addf %add3A_601, %get3A_624 : vector<16xf32>
      %get3A_626 = arith.constant 48 : i32
      %get3A_627 = arith.index_cast %get3A_626 : i32 to index
      %get3A_628 = arith.constant 16 : index
      %get3A_629 = tpu.vector_load %arg6[%get3A_627, %get3A_628] {strides = array<i32>} : memref<104x32xf32, #tpu.memory_space<vmem>>, vector<1x16xf32>,
      %get3A_630 = vector.shape_cast %get3A_629 : vector<1x16xf32> to vector<16xf32>
      %add3A_631 = arith.addf %add3A_607, %get3A_630 : vector<16xf32>
      %get3A_632 = arith.constant 49 : i32
      %get3A_633 = arith.index_cast %get3A_632 : i32 to index
      %get3A_634 = arith.constant 0 : index
      %get3A_635 = tpu.vector_load %arg6[%get3A_633, %get3A_634] {strides = array<i32>} : memref<104x32xf32, #tpu.memory_space<vmem>>, vector<1x16xf32>,
      %get3A_636 = vector.shape_cast %get3A_635 : vector<1x16xf32> to vector<16xf32>
      %add3A_637 = arith.addf %add3A_613, %get3A_636 : vector<16xf32>
      %get3A_638 = arith.constant 49 : i32
      %get3A_639 = arith.index_cast %get3A_638 : i32 to index
      %get3A_640 = arith.constant 16 : index
      %get3A_641 = tpu.vector_load %arg6[%get3A_639, %get3A_640] {strides = array<i32>} : memref<104x32xf32, #tpu.memory_space<vmem>>, vector<1x16xf32>,
      %get3A_642 = vector.shape_cast %get3A_641 : vector<1x16xf32> to vector<16xf32>
      %add3A_643 = arith.addf %add3A_619, %get3A_642 : vector<16xf32>
      %add3A_644 = arith.addf %add3A_625, %add3A_637 : vector<16xf32>
      %mul3A_645 = arith.constant 2.44140625E-4 : f32
      %mul3A_646 = vector.broadcast %mul3A_645 : f32 to vector<16xf32>
      %mul3A_647 = arith.mulf %add3A_644, %mul3A_646 : vector<16xf32>
      %mul3A_648 = arith.constant 2 : i32
      %mul3A_649 = arith.muli %mul3A_648, %add3A_43 : i32
      %add3A_650 = arith.constant 0 : i32
      %add3A_651 = arith.addi %mul3A_649, %add3A_650 : i32
      %swap3A = arith.index_cast %add3A_651 : i32 to index
      %swap3A_652 = arith.constant 0 : index
      %swap3A_653 = tpu.vector_load %arg10[%swap3A, %swap3A_652] {strides = array<i32>} : memref<128x32xf32, #tpu.memory_space<vmem>>, vector<1x16xf32>,
      %swap3A_654 = vector.shape_cast %swap3A_653 : vector<1x16xf32> to vector<16xf32>
      %swap3A_655 = vector.shape_cast %mul3A_647 : vector<16xf32> to vector<1x16xf32>
      tpu.vector_store %arg10[%swap3A, %swap3A_652], %swap3A_655 {strides = array<i32>} : memref<128x32xf32, #tpu.memory_space<vmem>>, vector<1x16xf32>,
      %add3A_656 = arith.addf %add3A_631, %add3A_643 : vector<16xf32>
      %mul3A_657 = arith.constant 2.44140625E-4 : f32
      %mul3A_658 = vector.broadcast %mul3A_657 : f32 to vector<16xf32>
      %mul3A_659 = arith.mulf %add3A_656, %mul3A_658 : vector<16xf32>
      %mul3A_660 = arith.constant 2 : i32
      %mul3A_661 = arith.muli %mul3A_660, %add3A_43 : i32
      %add3A_662 = arith.constant 0 : i32
      %add3A_663 = arith.addi %mul3A_661, %add3A_662 : i32
      %swap3A_664 = arith.index_cast %add3A_663 : i32 to index
      %swap3A_665 = arith.constant 16 : index
      %swap3A_666 = tpu.vector_load %arg10[%swap3A_664, %swap3A_665] {strides = array<i32>} : memref<128x32xf32, #tpu.memory_space<vmem>>, vector<1x16xf32>,
      %swap3A_667 = vector.shape_cast %swap3A_666 : vector<1x16xf32> to vector<16xf32>
      %swap3A_668 = vector.shape_cast %mul3A_659 : vector<16xf32> to vector<1x16xf32>
      tpu.vector_store %arg10[%swap3A_664, %swap3A_665], %swap3A_668 {strides = array<i32>} : memref<128x32xf32, #tpu.memory_space<vmem>>, vector<1x16xf32>,
      %get3A_669 = arith.constant 52 : i32
      %get3A_670 = arith.index_cast %get3A_669 : i32 to index
      %get3A_671 = arith.constant 0 : index
      %get3A_672 = tpu.vector_load %arg6[%get3A_670, %get3A_671] {strides = array<i32>} : memref<104x32xf32, #tpu.memory_space<vmem>>, vector<1x16xf32>,
      %get3A_673 = vector.shape_cast %get3A_672 : vector<1x16xf32> to vector<16xf32>
      %get3A_674 = arith.constant 52 : i32
      %get3A_675 = arith.index_cast %get3A_674 : i32 to index
      %get3A_676 = arith.constant 16 : index
      %get3A_677 = tpu.vector_load %arg6[%get3A_675, %get3A_676] {strides = array<i32>} : memref<104x32xf32, #tpu.memory_space<vmem>>, vector<1x16xf32>,
      %get3A_678 = vector.shape_cast %get3A_677 : vector<1x16xf32> to vector<16xf32>
      %get3A_679 = arith.constant 53 : i32
      %get3A_680 = arith.index_cast %get3A_679 : i32 to index
      %get3A_681 = arith.constant 0 : index
      %get3A_682 = tpu.vector_load %arg6[%get3A_680, %get3A_681] {strides = array<i32>} : memref<104x32xf32, #tpu.memory_space<vmem>>, vector<1x16xf32>,
      %get3A_683 = vector.shape_cast %get3A_682 : vector<1x16xf32> to vector<16xf32>
      %get3A_684 = arith.constant 53 : i32
      %get3A_685 = arith.index_cast %get3A_684 : i32 to index
      %get3A_686 = arith.constant 16 : index
      %get3A_687 = tpu.vector_load %arg6[%get3A_685, %get3A_686] {strides = array<i32>} : memref<104x32xf32, #tpu.memory_space<vmem>>, vector<1x16xf32>,
      %get3A_688 = vector.shape_cast %get3A_687 : vector<1x16xf32> to vector<16xf32>
      %get3A_689 = arith.constant 54 : i32
      %get3A_690 = arith.index_cast %get3A_689 : i32 to index
      %get3A_691 = arith.constant 0 : index
      %get3A_692 = tpu.vector_load %arg6[%get3A_690, %get3A_691] {strides = array<i32>} : memref<104x32xf32, #tpu.memory_space<vmem>>, vector<1x16xf32>,
      %get3A_693 = vector.shape_cast %get3A_692 : vector<1x16xf32> to vector<16xf32>
      %add3A_694 = arith.addf %get3A_673, %get3A_693 : vector<16xf32>
      %get3A_695 = arith.constant 54 : i32
      %get3A_696 = arith.index_cast %get3A_695 : i32 to index
      %get3A_697 = arith.constant 16 : index
      %get3A_698 = tpu.vector_load %arg6[%get3A_696, %get3A_697] {strides = array<i32>} : memref<104x32xf32, #tpu.memory_space<vmem>>, vector<1x16xf32>,
      %get3A_699 = vector.shape_cast %get3A_698 : vector<1x16xf32> to vector<16xf32>
      %add3A_700 = arith.addf %get3A_678, %get3A_699 : vector<16xf32>
      %get3A_701 = arith.constant 55 : i32
      %get3A_702 = arith.index_cast %get3A_701 : i32 to index
      %get3A_703 = arith.constant 0 : index
      %get3A_704 = tpu.vector_load %arg6[%get3A_702, %get3A_703] {strides = array<i32>} : memref<104x32xf32, #tpu.memory_space<vmem>>, vector<1x16xf32>,
      %get3A_705 = vector.shape_cast %get3A_704 : vector<1x16xf32> to vector<16xf32>
      %add3A_706 = arith.addf %get3A_683, %get3A_705 : vector<16xf32>
      %get3A_707 = arith.constant 55 : i32
      %get3A_708 = arith.index_cast %get3A_707 : i32 to index
      %get3A_709 = arith.constant 16 : index
      %get3A_710 = tpu.vector_load %arg6[%get3A_708, %get3A_709] {strides = array<i32>} : memref<104x32xf32, #tpu.memory_space<vmem>>, vector<1x16xf32>,
      %get3A_711 = vector.shape_cast %get3A_710 : vector<1x16xf32> to vector<16xf32>
      %add3A_712 = arith.addf %get3A_688, %get3A_711 : vector<16xf32>
      %get3A_713 = arith.constant 56 : i32
      %get3A_714 = arith.index_cast %get3A_713 : i32 to index
      %get3A_715 = arith.constant 0 : index
      %get3A_716 = tpu.vector_load %arg6[%get3A_714, %get3A_715] {strides = array<i32>} : memref<104x32xf32, #tpu.memory_space<vmem>>, vector<1x16xf32>,
      %get3A_717 = vector.shape_cast %get3A_716 : vector<1x16xf32> to vector<16xf32>
      %add3A_718 = arith.addf %add3A_694, %get3A_717 : vector<16xf32>
      %get3A_719 = arith.constant 56 : i32
      %get3A_720 = arith.index_cast %get3A_719 : i32 to index
      %get3A_721 = arith.constant 16 : index
      %get3A_722 = tpu.vector_load %arg6[%get3A_720, %get3A_721] {strides = array<i32>} : memref<104x32xf32, #tpu.memory_space<vmem>>, vector<1x16xf32>,
      %get3A_723 = vector.shape_cast %get3A_722 : vector<1x16xf32> to vector<16xf32>
      %add3A_724 = arith.addf %add3A_700, %get3A_723 : vector<16xf32>
      %get3A_725 = arith.constant 57 : i32
      %get3A_726 = arith.index_cast %get3A_725 : i32 to index
      %get3A_727 = arith.constant 0 : index
      %get3A_728 = tpu.vector_load %arg6[%get3A_726, %get3A_727] {strides = array<i32>} : memref<104x32xf32, #tpu.memory_space<vmem>>, vector<1x16xf32>,
      %get3A_729 = vector.shape_cast %get3A_728 : vector<1x16xf32> to vector<16xf32>
      %add3A_730 = arith.addf %add3A_706, %get3A_729 : vector<16xf32>
      %get3A_731 = arith.constant 57 : i32
      %get3A_732 = arith.index_cast %get3A_731 : i32 to index
      %get3A_733 = arith.constant 16 : index
      %get3A_734 = tpu.vector_load %arg6[%get3A_732, %get3A_733] {strides = array<i32>} : memref<104x32xf32, #tpu.memory_space<vmem>>, vector<1x16xf32>,
      %get3A_735 = vector.shape_cast %get3A_734 : vector<1x16xf32> to vector<16xf32>
      %add3A_736 = arith.addf %add3A_712, %get3A_735 : vector<16xf32>
      %get3A_737 = arith.constant 58 : i32
      %get3A_738 = arith.index_cast %get3A_737 : i32 to index
      %get3A_739 = arith.constant 0 : index
      %get3A_740 = tpu.vector_load %arg6[%get3A_738, %get3A_739] {strides = array<i32>} : memref<104x32xf32, #tpu.memory_space<vmem>>, vector<1x16xf32>,
      %get3A_741 = vector.shape_cast %get3A_740 : vector<1x16xf32> to vector<16xf32>
      %add3A_742 = arith.addf %add3A_718, %get3A_741 : vector<16xf32>
      %get3A_743 = arith.constant 58 : i32
      %get3A_744 = arith.index_cast %get3A_743 : i32 to index
      %get3A_745 = arith.constant 16 : index
      %get3A_746 = tpu.vector_load %arg6[%get3A_744, %get3A_745] {strides = array<i32>} : memref<104x32xf32, #tpu.memory_space<vmem>>, vector<1x16xf32>,
      %get3A_747 = vector.shape_cast %get3A_746 : vector<1x16xf32> to vector<16xf32>
      %add3A_748 = arith.addf %add3A_724, %get3A_747 : vector<16xf32>
      %get3A_749 = arith.constant 59 : i32
      %get3A_750 = arith.index_cast %get3A_749 : i32 to index
      %get3A_751 = arith.constant 0 : index
      %get3A_752 = tpu.vector_load %arg6[%get3A_750, %get3A_751] {strides = array<i32>} : memref<104x32xf32, #tpu.memory_space<vmem>>, vector<1x16xf32>,
      %get3A_753 = vector.shape_cast %get3A_752 : vector<1x16xf32> to vector<16xf32>
      %add3A_754 = arith.addf %add3A_730, %get3A_753 : vector<16xf32>
      %get3A_755 = arith.constant 59 : i32
      %get3A_756 = arith.index_cast %get3A_755 : i32 to index
      %get3A_757 = arith.constant 16 : index
      %get3A_758 = tpu.vector_load %arg6[%get3A_756, %get3A_757] {strides = array<i32>} : memref<104x32xf32, #tpu.memory_space<vmem>>, vector<1x16xf32>,
      %get3A_759 = vector.shape_cast %get3A_758 : vector<1x16xf32> to vector<16xf32>
      %add3A_760 = arith.addf %add3A_736, %get3A_759 : vector<16xf32>
      %get3A_761 = arith.constant 60 : i32
      %get3A_762 = arith.index_cast %get3A_761 : i32 to index
      %get3A_763 = arith.constant 0 : index
      %get3A_764 = tpu.vector_load %arg6[%get3A_762, %get3A_763] {strides = array<i32>} : memref<104x32xf32, #tpu.memory_space<vmem>>, vector<1x16xf32>,
      %get3A_765 = vector.shape_cast %get3A_764 : vector<1x16xf32> to vector<16xf32>
      %add3A_766 = arith.addf %add3A_742, %get3A_765 : vector<16xf32>
      %get3A_767 = arith.constant 60 : i32
      %get3A_768 = arith.index_cast %get3A_767 : i32 to index
      %get3A_769 = arith.constant 16 : index
      %get3A_770 = tpu.vector_load %arg6[%get3A_768, %get3A_769] {strides = array<i32>} : memref<104x32xf32, #tpu.memory_space<vmem>>, vector<1x16xf32>,
      %get3A_771 = vector.shape_cast %get3A_770 : vector<1x16xf32> to vector<16xf32>
      %add3A_772 = arith.addf %add3A_748, %get3A_771 : vector<16xf32>
      %get3A_773 = arith.constant 61 : i32
      %get3A_774 = arith.index_cast %get3A_773 : i32 to index
      %get3A_775 = arith.constant 0 : index
      %get3A_776 = tpu.vector_load %arg6[%get3A_774, %get3A_775] {strides = array<i32>} : memref<104x32xf32, #tpu.memory_space<vmem>>, vector<1x16xf32>,
      %get3A_777 = vector.shape_cast %get3A_776 : vector<1x16xf32> to vector<16xf32>
      %add3A_778 = arith.addf %add3A_754, %get3A_777 : vector<16xf32>
      %get3A_779 = arith.constant 61 : i32
      %get3A_780 = arith.index_cast %get3A_779 : i32 to index
      %get3A_781 = arith.constant 16 : index
      %get3A_782 = tpu.vector_load %arg6[%get3A_780, %get3A_781] {strides = array<i32>} : memref<104x32xf32, #tpu.memory_space<vmem>>, vector<1x16xf32>,
      %get3A_783 = vector.shape_cast %get3A_782 : vector<1x16xf32> to vector<16xf32>
      %add3A_784 = arith.addf %add3A_760, %get3A_783 : vector<16xf32>
      %get3A_785 = arith.constant 62 : i32
      %get3A_786 = arith.index_cast %get3A_785 : i32 to index
      %get3A_787 = arith.constant 0 : index
      %get3A_788 = tpu.vector_load %arg6[%get3A_786, %get3A_787] {strides = array<i32>} : memref<104x32xf32, #tpu.memory_space<vmem>>, vector<1x16xf32>,
      %get3A_789 = vector.shape_cast %get3A_788 : vector<1x16xf32> to vector<16xf32>
      %add3A_790 = arith.addf %add3A_766, %get3A_789 : vector<16xf32>
      %get3A_791 = arith.constant 62 : i32
      %get3A_792 = arith.index_cast %get3A_791 : i32 to index
      %get3A_793 = arith.constant 16 : index
      %get3A_794 = tpu.vector_load %arg6[%get3A_792, %get3A_793] {strides = array<i32>} : memref<104x32xf32, #tpu.memory_space<vmem>>, vector<1x16xf32>,
      %get3A_795 = vector.shape_cast %get3A_794 : vector<1x16xf32> to vector<16xf32>
      %add3A_796 = arith.addf %add3A_772, %get3A_795 : vector<16xf32>
      %get3A_797 = arith.constant 63 : i32
      %get3A_798 = arith.index_cast %get3A_797 : i32 to index
      %get3A_799 = arith.constant 0 : index
      %get3A_800 = tpu.vector_load %arg6[%get3A_798, %get3A_799] {strides = array<i32>} : memref<104x32xf32, #tpu.memory_space<vmem>>, vector<1x16xf32>,
      %get3A_801 = vector.shape_cast %get3A_800 : vector<1x16xf32> to vector<16xf32>
      %add3A_802 = arith.addf %add3A_778, %get3A_801 : vector<16xf32>
      %get3A_803 = arith.constant 63 : i32
      %get3A_804 = arith.index_cast %get3A_803 : i32 to index
      %get3A_805 = arith.constant 16 : index
      %get3A_806 = tpu.vector_load %arg6[%get3A_804, %get3A_805] {strides = array<i32>} : memref<104x32xf32, #tpu.memory_space<vmem>>, vector<1x16xf32>,
      %get3A_807 = vector.shape_cast %get3A_806 : vector<1x16xf32> to vector<16xf32>
      %add3A_808 = arith.addf %add3A_784, %get3A_807 : vector<16xf32>
      %get3A_809 = arith.constant 64 : i32
      %get3A_810 = arith.index_cast %get3A_809 : i32 to index
      %get3A_811 = arith.constant 0 : index
      %get3A_812 = tpu.vector_load %arg6[%get3A_810, %get3A_811] {strides = array<i32>} : memref<104x32xf32, #tpu.memory_space<vmem>>, vector<1x16xf32>,
      %get3A_813 = vector.shape_cast %get3A_812 : vector<1x16xf32> to vector<16xf32>
      %add3A_814 = arith.addf %add3A_790, %get3A_813 : vector<16xf32>
      %get3A_815 = arith.constant 64 : i32
      %get3A_816 = arith.index_cast %get3A_815 : i32 to index
      %get3A_817 = arith.constant 16 : index
      %get3A_818 = tpu.vector_load %arg6[%get3A_816, %get3A_817] {strides = array<i32>} : memref<104x32xf32, #tpu.memory_space<vmem>>, vector<1x16xf32>,
      %get3A_819 = vector.shape_cast %get3A_818 : vector<1x16xf32> to vector<16xf32>
      %add3A_820 = arith.addf %add3A_796, %get3A_819 : vector<16xf32>
      %get3A_821 = arith.constant 65 : i32
      %get3A_822 = arith.index_cast %get3A_821 : i32 to index
      %get3A_823 = arith.constant 0 : index
      %get3A_824 = tpu.vector_load %arg6[%get3A_822, %get3A_823] {strides = array<i32>} : memref<104x32xf32, #tpu.memory_space<vmem>>, vector<1x16xf32>,
      %get3A_825 = vector.shape_cast %get3A_824 : vector<1x16xf32> to vector<16xf32>
      %add3A_826 = arith.addf %add3A_802, %get3A_825 : vector<16xf32>
      %get3A_827 = arith.constant 65 : i32
      %get3A_828 = arith.index_cast %get3A_827 : i32 to index
      %get3A_829 = arith.constant 16 : index
      %get3A_830 = tpu.vector_load %arg6[%get3A_828, %get3A_829] {strides = array<i32>} : memref<104x32xf32, #tpu.memory_space<vmem>>, vector<1x16xf32>,
      %get3A_831 = vector.shape_cast %get3A_830 : vector<1x16xf32> to vector<16xf32>
      %add3A_832 = arith.addf %add3A_808, %get3A_831 : vector<16xf32>
      %get3A_833 = arith.constant 66 : i32
      %get3A_834 = arith.index_cast %get3A_833 : i32 to index
      %get3A_835 = arith.constant 0 : index
      %get3A_836 = tpu.vector_load %arg6[%get3A_834, %get3A_835] {strides = array<i32>} : memref<104x32xf32, #tpu.memory_space<vmem>>, vector<1x16xf32>,
      %get3A_837 = vector.shape_cast %get3A_836 : vector<1x16xf32> to vector<16xf32>
      %add3A_838 = arith.addf %add3A_814, %get3A_837 : vector<16xf32>
      %get3A_839 = arith.constant 66 : i32
      %get3A_840 = arith.index_cast %get3A_839 : i32 to index
      %get3A_841 = arith.constant 16 : index
      %get3A_842 = tpu.vector_load %arg6[%get3A_840, %get3A_841] {strides = array<i32>} : memref<104x32xf32, #tpu.memory_space<vmem>>, vector<1x16xf32>,
      %get3A_843 = vector.shape_cast %get3A_842 : vector<1x16xf32> to vector<16xf32>
      %add3A_844 = arith.addf %add3A_820, %get3A_843 : vector<16xf32>
      %get3A_845 = arith.constant 67 : i32
      %get3A_846 = arith.index_cast %get3A_845 : i32 to index
      %get3A_847 = arith.constant 0 : index
      %get3A_848 = tpu.vector_load %arg6[%get3A_846, %get3A_847] {strides = array<i32>} : memref<104x32xf32, #tpu.memory_space<vmem>>, vector<1x16xf32>,
      %get3A_849 = vector.shape_cast %get3A_848 : vector<1x16xf32> to vector<16xf32>
      %add3A_850 = arith.addf %add3A_826, %get3A_849 : vector<16xf32>
      %get3A_851 = arith.constant 67 : i32
      %get3A_852 = arith.index_cast %get3A_851 : i32 to index
      %get3A_853 = arith.constant 16 : index
      %get3A_854 = tpu.vector_load %arg6[%get3A_852, %get3A_853] {strides = array<i32>} : memref<104x32xf32, #tpu.memory_space<vmem>>, vector<1x16xf32>,
      %get3A_855 = vector.shape_cast %get3A_854 : vector<1x16xf32> to vector<16xf32>
      %add3A_856 = arith.addf %add3A_832, %get3A_855 : vector<16xf32>
      %get3A_857 = arith.constant 68 : i32
      %get3A_858 = arith.index_cast %get3A_857 : i32 to index
      %get3A_859 = arith.constant 0 : index
      %get3A_860 = tpu.vector_load %arg6[%get3A_858, %get3A_859] {strides = array<i32>} : memref<104x32xf32, #tpu.memory_space<vmem>>, vector<1x16xf32>,
      %get3A_861 = vector.shape_cast %get3A_860 : vector<1x16xf32> to vector<16xf32>
      %add3A_862 = arith.addf %add3A_838, %get3A_861 : vector<16xf32>
      %get3A_863 = arith.constant 68 : i32
      %get3A_864 = arith.index_cast %get3A_863 : i32 to index
      %get3A_865 = arith.constant 16 : index
      %get3A_866 = tpu.vector_load %arg6[%get3A_864, %get3A_865] {strides = array<i32>} : memref<104x32xf32, #tpu.memory_space<vmem>>, vector<1x16xf32>,
      %get3A_867 = vector.shape_cast %get3A_866 : vector<1x16xf32> to vector<16xf32>
      %add3A_868 = arith.addf %add3A_844, %get3A_867 : vector<16xf32>
      %get3A_869 = arith.constant 69 : i32
      %get3A_870 = arith.index_cast %get3A_869 : i32 to index
      %get3A_871 = arith.constant 0 : index
      %get3A_872 = tpu.vector_load %arg6[%get3A_870, %get3A_871] {strides = array<i32>} : memref<104x32xf32, #tpu.memory_space<vmem>>, vector<1x16xf32>,
      %get3A_873 = vector.shape_cast %get3A_872 : vector<1x16xf32> to vector<16xf32>
      %add3A_874 = arith.addf %add3A_850, %get3A_873 : vector<16xf32>
      %get3A_875 = arith.constant 69 : i32
      %get3A_876 = arith.index_cast %get3A_875 : i32 to index
      %get3A_877 = arith.constant 16 : index
      %get3A_878 = tpu.vector_load %arg6[%get3A_876, %get3A_877] {strides = array<i32>} : memref<104x32xf32, #tpu.memory_space<vmem>>, vector<1x16xf32>,
      %get3A_879 = vector.shape_cast %get3A_878 : vector<1x16xf32> to vector<16xf32>
      %add3A_880 = arith.addf %add3A_856, %get3A_879 : vector<16xf32>
      %get3A_881 = arith.constant 70 : i32
      %get3A_882 = arith.index_cast %get3A_881 : i32 to index
      %get3A_883 = arith.constant 0 : index
      %get3A_884 = tpu.vector_load %arg6[%get3A_882, %get3A_883] {strides = array<i32>} : memref<104x32xf32, #tpu.memory_space<vmem>>, vector<1x16xf32>,
      %get3A_885 = vector.shape_cast %get3A_884 : vector<1x16xf32> to vector<16xf32>
      %add3A_886 = arith.addf %add3A_862, %get3A_885 : vector<16xf32>
      %get3A_887 = arith.constant 70 : i32
      %get3A_888 = arith.index_cast %get3A_887 : i32 to index
      %get3A_889 = arith.constant 16 : index
      %get3A_890 = tpu.vector_load %arg6[%get3A_888, %get3A_889] {strides = array<i32>} : memref<104x32xf32, #tpu.memory_space<vmem>>, vector<1x16xf32>,
      %get3A_891 = vector.shape_cast %get3A_890 : vector<1x16xf32> to vector<16xf32>
      %add3A_892 = arith.addf %add3A_868, %get3A_891 : vector<16xf32>
      %get3A_893 = arith.constant 71 : i32
      %get3A_894 = arith.index_cast %get3A_893 : i32 to index
      %get3A_895 = arith.constant 0 : index
      %get3A_896 = tpu.vector_load %arg6[%get3A_894, %get3A_895] {strides = array<i32>} : memref<104x32xf32, #tpu.memory_space<vmem>>, vector<1x16xf32>,
      %get3A_897 = vector.shape_cast %get3A_896 : vector<1x16xf32> to vector<16xf32>
      %add3A_898 = arith.addf %add3A_874, %get3A_897 : vector<16xf32>
      %get3A_899 = arith.constant 71 : i32
      %get3A_900 = arith.index_cast %get3A_899 : i32 to index
      %get3A_901 = arith.constant 16 : index
      %get3A_902 = tpu.vector_load %arg6[%get3A_900, %get3A_901] {strides = array<i32>} : memref<104x32xf32, #tpu.memory_space<vmem>>, vector<1x16xf32>,
      %get3A_903 = vector.shape_cast %get3A_902 : vector<1x16xf32> to vector<16xf32>
      %add3A_904 = arith.addf %add3A_880, %get3A_903 : vector<16xf32>
      %get3A_905 = arith.constant 72 : i32
      %get3A_906 = arith.index_cast %get3A_905 : i32 to index
      %get3A_907 = arith.constant 0 : index
      %get3A_908 = tpu.vector_load %arg6[%get3A_906, %get3A_907] {strides = array<i32>} : memref<104x32xf32, #tpu.memory_space<vmem>>, vector<1x16xf32>,
      %get3A_909 = vector.shape_cast %get3A_908 : vector<1x16xf32> to vector<16xf32>
      %add3A_910 = arith.addf %add3A_886, %get3A_909 : vector<16xf32>
      %get3A_911 = arith.constant 72 : i32
      %get3A_912 = arith.index_cast %get3A_911 : i32 to index
      %get3A_913 = arith.constant 16 : index
      %get3A_914 = tpu.vector_load %arg6[%get3A_912, %get3A_913] {strides = array<i32>} : memref<104x32xf32, #tpu.memory_space<vmem>>, vector<1x16xf32>,
      %get3A_915 = vector.shape_cast %get3A_914 : vector<1x16xf32> to vector<16xf32>
      %add3A_916 = arith.addf %add3A_892, %get3A_915 : vector<16xf32>
      %get3A_917 = arith.constant 73 : i32
      %get3A_918 = arith.index_cast %get3A_917 : i32 to index
      %get3A_919 = arith.constant 0 : index
      %get3A_920 = tpu.vector_load %arg6[%get3A_918, %get3A_919] {strides = array<i32>} : memref<104x32xf32, #tpu.memory_space<vmem>>, vector<1x16xf32>,
      %get3A_921 = vector.shape_cast %get3A_920 : vector<1x16xf32> to vector<16xf32>
      %add3A_922 = arith.addf %add3A_898, %get3A_921 : vector<16xf32>
      %get3A_923 = arith.constant 73 : i32
      %get3A_924 = arith.index_cast %get3A_923 : i32 to index
      %get3A_925 = arith.constant 16 : index
      %get3A_926 = tpu.vector_load %arg6[%get3A_924, %get3A_925] {strides = array<i32>} : memref<104x32xf32, #tpu.memory_space<vmem>>, vector<1x16xf32>,
      %get3A_927 = vector.shape_cast %get3A_926 : vector<1x16xf32> to vector<16xf32>
      %add3A_928 = arith.addf %add3A_904, %get3A_927 : vector<16xf32>
      %get3A_929 = arith.constant 74 : i32
      %get3A_930 = arith.index_cast %get3A_929 : i32 to index
      %get3A_931 = arith.constant 0 : index
      %get3A_932 = tpu.vector_load %arg6[%get3A_930, %get3A_931] {strides = array<i32>} : memref<104x32xf32, #tpu.memory_space<vmem>>, vector<1x16xf32>,
      %get3A_933 = vector.shape_cast %get3A_932 : vector<1x16xf32> to vector<16xf32>
      %add3A_934 = arith.addf %add3A_910, %get3A_933 : vector<16xf32>
      %get3A_935 = arith.constant 74 : i32
      %get3A_936 = arith.index_cast %get3A_935 : i32 to index
      %get3A_937 = arith.constant 16 : index
      %get3A_938 = tpu.vector_load %arg6[%get3A_936, %get3A_937] {strides = array<i32>} : memref<104x32xf32, #tpu.memory_space<vmem>>, vector<1x16xf32>,
      %get3A_939 = vector.shape_cast %get3A_938 : vector<1x16xf32> to vector<16xf32>
      %add3A_940 = arith.addf %add3A_916, %get3A_939 : vector<16xf32>
      %get3A_941 = arith.constant 75 : i32
      %get3A_942 = arith.index_cast %get3A_941 : i32 to index
      %get3A_943 = arith.constant 0 : index
      %get3A_944 = tpu.vector_load %arg6[%get3A_942, %get3A_943] {strides = array<i32>} : memref<104x32xf32, #tpu.memory_space<vmem>>, vector<1x16xf32>,
      %get3A_945 = vector.shape_cast %get3A_944 : vector<1x16xf32> to vector<16xf32>
      %add3A_946 = arith.addf %add3A_922, %get3A_945 : vector<16xf32>
      %get3A_947 = arith.constant 75 : i32
      %get3A_948 = arith.index_cast %get3A_947 : i32 to index
      %get3A_949 = arith.constant 16 : index
      %get3A_950 = tpu.vector_load %arg6[%get3A_948, %get3A_949] {strides = array<i32>} : memref<104x32xf32, #tpu.memory_space<vmem>>, vector<1x16xf32>,
      %get3A_951 = vector.shape_cast %get3A_950 : vector<1x16xf32> to vector<16xf32>
      %add3A_952 = arith.addf %add3A_928, %get3A_951 : vector<16xf32>
      %get3A_953 = arith.constant 76 : i32
      %get3A_954 = arith.index_cast %get3A_953 : i32 to index
      %get3A_955 = arith.constant 0 : index
      %get3A_956 = tpu.vector_load %arg6[%get3A_954, %get3A_955] {strides = array<i32>} : memref<104x32xf32, #tpu.memory_space<vmem>>, vector<1x16xf32>,
      %get3A_957 = vector.shape_cast %get3A_956 : vector<1x16xf32> to vector<16xf32>
      %add3A_958 = arith.addf %add3A_934, %get3A_957 : vector<16xf32>
      %get3A_959 = arith.constant 76 : i32
      %get3A_960 = arith.index_cast %get3A_959 : i32 to index
      %get3A_961 = arith.constant 16 : index
      %get3A_962 = tpu.vector_load %arg6[%get3A_960, %get3A_961] {strides = array<i32>} : memref<104x32xf32, #tpu.memory_space<vmem>>, vector<1x16xf32>,
      %get3A_963 = vector.shape_cast %get3A_962 : vector<1x16xf32> to vector<16xf32>
      %add3A_964 = arith.addf %add3A_940, %get3A_963 : vector<16xf32>
      %get3A_965 = arith.constant 77 : i32
      %get3A_966 = arith.index_cast %get3A_965 : i32 to index
      %get3A_967 = arith.constant 0 : index
      %get3A_968 = tpu.vector_load %arg6[%get3A_966, %get3A_967] {strides = array<i32>} : memref<104x32xf32, #tpu.memory_space<vmem>>, vector<1x16xf32>,
      %get3A_969 = vector.shape_cast %get3A_968 : vector<1x16xf32> to vector<16xf32>
      %add3A_970 = arith.addf %add3A_946, %get3A_969 : vector<16xf32>
      %get3A_971 = arith.constant 77 : i32
      %get3A_972 = arith.index_cast %get3A_971 : i32 to index
      %get3A_973 = arith.constant 16 : index
      %get3A_974 = tpu.vector_load %arg6[%get3A_972, %get3A_973] {strides = array<i32>} : memref<104x32xf32, #tpu.memory_space<vmem>>, vector<1x16xf32>,
      %get3A_975 = vector.shape_cast %get3A_974 : vector<1x16xf32> to vector<16xf32>
      %add3A_976 = arith.addf %add3A_952, %get3A_975 : vector<16xf32>
      %get3A_977 = arith.constant 78 : i32
      %get3A_978 = arith.index_cast %get3A_977 : i32 to index
      %get3A_979 = arith.constant 0 : index
      %get3A_980 = tpu.vector_load %arg6[%get3A_978, %get3A_979] {strides = array<i32>} : memref<104x32xf32, #tpu.memory_space<vmem>>, vector<1x16xf32>,
      %get3A_981 = vector.shape_cast %get3A_980 : vector<1x16xf32> to vector<16xf32>
      %add3A_982 = arith.addf %add3A_958, %get3A_981 : vector<16xf32>
      %get3A_983 = arith.constant 78 : i32
      %get3A_984 = arith.index_cast %get3A_983 : i32 to index
      %get3A_985 = arith.constant 16 : index
      %get3A_986 = tpu.vector_load %arg6[%get3A_984, %get3A_985] {strides = array<i32>} : memref<104x32xf32, #tpu.memory_space<vmem>>, vector<1x16xf32>,
      %get3A_987 = vector.shape_cast %get3A_986 : vector<1x16xf32> to vector<16xf32>
      %add3A_988 = arith.addf %add3A_964, %get3A_987 : vector<16xf32>
      %get3A_989 = arith.constant 79 : i32
      %get3A_990 = arith.index_cast %get3A_989 : i32 to index
      %get3A_991 = arith.constant 0 : index
      %get3A_992 = tpu.vector_load %arg6[%get3A_990, %get3A_991] {strides = array<i32>} : memref<104x32xf32, #tpu.memory_space<vmem>>, vector<1x16xf32>,
      %get3A_993 = vector.shape_cast %get3A_992 : vector<1x16xf32> to vector<16xf32>
      %add3A_994 = arith.addf %add3A_970, %get3A_993 : vector<16xf32>
      %get3A_995 = arith.constant 79 : i32
      %get3A_996 = arith.index_cast %get3A_995 : i32 to index
      %get3A_997 = arith.constant 16 : index
      %get3A_998 = tpu.vector_load %arg6[%get3A_996, %get3A_997] {strides = array<i32>} : memref<104x32xf32, #tpu.memory_space<vmem>>, vector<1x16xf32>,
      %get3A_999 = vector.shape_cast %get3A_998 : vector<1x16xf32> to vector<16xf32>
      %add3A_1000 = arith.addf %add3A_976, %get3A_999 : vector<16xf32>
      %get3A_1001 = arith.constant 80 : i32
      %get3A_1002 = arith.index_cast %get3A_1001 : i32 to index
      %get3A_1003 = arith.constant 0 : index
      %get3A_1004 = tpu.vector_load %arg6[%get3A_1002, %get3A_1003] {strides = array<i32>} : memref<104x32xf32, #tpu.memory_space<vmem>>, vector<1x16xf32>,
      %get3A_1005 = vector.shape_cast %get3A_1004 : vector<1x16xf32> to vector<16xf32>
      %add3A_1006 = arith.addf %add3A_982, %get3A_1005 : vector<16xf32>
      %get3A_1007 = arith.constant 80 : i32
      %get3A_1008 = arith.index_cast %get3A_1007 : i32 to index
      %get3A_1009 = arith.constant 16 : index
      %get3A_1010 = tpu.vector_load %arg6[%get3A_1008, %get3A_1009] {strides = array<i32>} : memref<104x32xf32, #tpu.memory_space<vmem>>, vector<1x16xf32>,
      %get3A_1011 = vector.shape_cast %get3A_1010 : vector<1x16xf32> to vector<16xf32>
      %add3A_1012 = arith.addf %add3A_988, %get3A_1011 : vector<16xf32>
      %get3A_1013 = arith.constant 81 : i32
      %get3A_1014 = arith.index_cast %get3A_1013 : i32 to index
      %get3A_1015 = arith.constant 0 : index
      %get3A_1016 = tpu.vector_load %arg6[%get3A_1014, %get3A_1015] {strides = array<i32>} : memref<104x32xf32, #tpu.memory_space<vmem>>, vector<1x16xf32>,
      %get3A_1017 = vector.shape_cast %get3A_1016 : vector<1x16xf32> to vector<16xf32>
      %add3A_1018 = arith.addf %add3A_994, %get3A_1017 : vector<16xf32>
      %get3A_1019 = arith.constant 81 : i32
      %get3A_1020 = arith.index_cast %get3A_1019 : i32 to index
      %get3A_1021 = arith.constant 16 : index
      %get3A_1022 = tpu.vector_load %arg6[%get3A_1020, %get3A_1021] {strides = array<i32>} : memref<104x32xf32, #tpu.memory_space<vmem>>, vector<1x16xf32>,
      %get3A_1023 = vector.shape_cast %get3A_1022 : vector<1x16xf32> to vector<16xf32>
      %add3A_1024 = arith.addf %add3A_1000, %get3A_1023 : vector<16xf32>
      %get3A_1025 = arith.constant 82 : i32
      %get3A_1026 = arith.index_cast %get3A_1025 : i32 to index
      %get3A_1027 = arith.constant 0 : index
      %get3A_1028 = tpu.vector_load %arg6[%get3A_1026, %get3A_1027] {strides = array<i32>} : memref<104x32xf32, #tpu.memory_space<vmem>>, vector<1x16xf32>,
      %get3A_1029 = vector.shape_cast %get3A_1028 : vector<1x16xf32> to vector<16xf32>
      %add3A_1030 = arith.addf %add3A_1006, %get3A_1029 : vector<16xf32>
      %get3A_1031 = arith.constant 82 : i32
      %get3A_1032 = arith.index_cast %get3A_1031 : i32 to index
      %get3A_1033 = arith.constant 16 : index
      %get3A_1034 = tpu.vector_load %arg6[%get3A_1032, %get3A_1033] {strides = array<i32>} : memref<104x32xf32, #tpu.memory_space<vmem>>, vector<1x16xf32>,
      %get3A_1035 = vector.shape_cast %get3A_1034 : vector<1x16xf32> to vector<16xf32>
      %add3A_1036 = arith.addf %add3A_1012, %get3A_1035 : vector<16xf32>
      %get3A_1037 = arith.constant 83 : i32
      %get3A_1038 = arith.index_cast %get3A_1037 : i32 to index
      %get3A_1039 = arith.constant 0 : index
      %get3A_1040 = tpu.vector_load %arg6[%get3A_1038, %get3A_1039] {strides = array<i32>} : memref<104x32xf32, #tpu.memory_space<vmem>>, vector<1x16xf32>,
      %get3A_1041 = vector.shape_cast %get3A_1040 : vector<1x16xf32> to vector<16xf32>
      %add3A_1042 = arith.addf %add3A_1018, %get3A_1041 : vector<16xf32>
      %get3A_1043 = arith.constant 83 : i32
      %get3A_1044 = arith.index_cast %get3A_1043 : i32 to index
      %get3A_1045 = arith.constant 16 : index
      %get3A_1046 = tpu.vector_load %arg6[%get3A_1044, %get3A_1045] {strides = array<i32>} : memref<104x32xf32, #tpu.memory_space<vmem>>, vector<1x16xf32>,
      %get3A_1047 = vector.shape_cast %get3A_1046 : vector<1x16xf32> to vector<16xf32>
      %add3A_1048 = arith.addf %add3A_1024, %get3A_1047 : vector<16xf32>
      %get3A_1049 = arith.constant 84 : i32
      %get3A_1050 = arith.index_cast %get3A_1049 : i32 to index
      %get3A_1051 = arith.constant 0 : index
      %get3A_1052 = tpu.vector_load %arg6[%get3A_1050, %get3A_1051] {strides = array<i32>} : memref<104x32xf32, #tpu.memory_space<vmem>>, vector<1x16xf32>,
      %get3A_1053 = vector.shape_cast %get3A_1052 : vector<1x16xf32> to vector<16xf32>
      %add3A_1054 = arith.addf %add3A_1030, %get3A_1053 : vector<16xf32>
      %get3A_1055 = arith.constant 84 : i32
      %get3A_1056 = arith.index_cast %get3A_1055 : i32 to index
      %get3A_1057 = arith.constant 16 : index
      %get3A_1058 = tpu.vector_load %arg6[%get3A_1056, %get3A_1057] {strides = array<i32>} : memref<104x32xf32, #tpu.memory_space<vmem>>, vector<1x16xf32>,
      %get3A_1059 = vector.shape_cast %get3A_1058 : vector<1x16xf32> to vector<16xf32>
      %add3A_1060 = arith.addf %add3A_1036, %get3A_1059 : vector<16xf32>
      %get3A_1061 = arith.constant 85 : i32
      %get3A_1062 = arith.index_cast %get3A_1061 : i32 to index
      %get3A_1063 = arith.constant 0 : index
      %get3A_1064 = tpu.vector_load %arg6[%get3A_1062, %get3A_1063] {strides = array<i32>} : memref<104x32xf32, #tpu.memory_space<vmem>>, vector<1x16xf32>,
      %get3A_1065 = vector.shape_cast %get3A_1064 : vector<1x16xf32> to vector<16xf32>
      %add3A_1066 = arith.addf %add3A_1042, %get3A_1065 : vector<16xf32>
      %get3A_1067 = arith.constant 85 : i32
      %get3A_1068 = arith.index_cast %get3A_1067 : i32 to index
      %get3A_1069 = arith.constant 16 : index
      %get3A_1070 = tpu.vector_load %arg6[%get3A_1068, %get3A_1069] {strides = array<i32>} : memref<104x32xf32, #tpu.memory_space<vmem>>, vector<1x16xf32>,
      %get3A_1071 = vector.shape_cast %get3A_1070 : vector<1x16xf32> to vector<16xf32>
      %add3A_1072 = arith.addf %add3A_1048, %get3A_1071 : vector<16xf32>
      %get3A_1073 = arith.constant 86 : i32
      %get3A_1074 = arith.index_cast %get3A_1073 : i32 to index
      %get3A_1075 = arith.constant 0 : index
      %get3A_1076 = tpu.vector_load %arg6[%get3A_1074, %get3A_1075] {strides = array<i32>} : memref<104x32xf32, #tpu.memory_space<vmem>>, vector<1x16xf32>,
      %get3A_1077 = vector.shape_cast %get3A_1076 : vector<1x16xf32> to vector<16xf32>
      %add3A_1078 = arith.addf %add3A_1054, %get3A_1077 : vector<16xf32>
      %get3A_1079 = arith.constant 86 : i32
      %get3A_1080 = arith.index_cast %get3A_1079 : i32 to index
      %get3A_1081 = arith.constant 16 : index
      %get3A_1082 = tpu.vector_load %arg6[%get3A_1080, %get3A_1081] {strides = array<i32>} : memref<104x32xf32, #tpu.memory_space<vmem>>, vector<1x16xf32>,
      %get3A_1083 = vector.shape_cast %get3A_1082 : vector<1x16xf32> to vector<16xf32>
      %add3A_1084 = arith.addf %add3A_1060, %get3A_1083 : vector<16xf32>
      %get3A_1085 = arith.constant 87 : i32
      %get3A_1086 = arith.index_cast %get3A_1085 : i32 to index
      %get3A_1087 = arith.constant 0 : index
      %get3A_1088 = tpu.vector_load %arg6[%get3A_1086, %get3A_1087] {strides = array<i32>} : memref<104x32xf32, #tpu.memory_space<vmem>>, vector<1x16xf32>,
      %get3A_1089 = vector.shape_cast %get3A_1088 : vector<1x16xf32> to vector<16xf32>
      %add3A_1090 = arith.addf %add3A_1066, %get3A_1089 : vector<16xf32>
      %get3A_1091 = arith.constant 87 : i32
      %get3A_1092 = arith.index_cast %get3A_1091 : i32 to index
      %get3A_1093 = arith.constant 16 : index
      %get3A_1094 = tpu.vector_load %arg6[%get3A_1092, %get3A_1093] {strides = array<i32>} : memref<104x32xf32, #tpu.memory_space<vmem>>, vector<1x16xf32>,
      %get3A_1095 = vector.shape_cast %get3A_1094 : vector<1x16xf32> to vector<16xf32>
      %add3A_1096 = arith.addf %add3A_1072, %get3A_1095 : vector<16xf32>
      %get3A_1097 = arith.constant 88 : i32
      %get3A_1098 = arith.index_cast %get3A_1097 : i32 to index
      %get3A_1099 = arith.constant 0 : index
      %get3A_1100 = tpu.vector_load %arg6[%get3A_1098, %get3A_1099] {strides = array<i32>} : memref<104x32xf32, #tpu.memory_space<vmem>>, vector<1x16xf32>,
      %get3A_1101 = vector.shape_cast %get3A_1100 : vector<1x16xf32> to vector<16xf32>
      %add3A_1102 = arith.addf %add3A_1078, %get3A_1101 : vector<16xf32>
      %get3A_1103 = arith.constant 88 : i32
      %get3A_1104 = arith.index_cast %get3A_1103 : i32 to index
      %get3A_1105 = arith.constant 16 : index
      %get3A_1106 = tpu.vector_load %arg6[%get3A_1104, %get3A_1105] {strides = array<i32>} : memref<104x32xf32, #tpu.memory_space<vmem>>, vector<1x16xf32>,
      %get3A_1107 = vector.shape_cast %get3A_1106 : vector<1x16xf32> to vector<16xf32>
      %add3A_1108 = arith.addf %add3A_1084, %get3A_1107 : vector<16xf32>
      %get3A_1109 = arith.constant 89 : i32
      %get3A_1110 = arith.index_cast %get3A_1109 : i32 to index
      %get3A_1111 = arith.constant 0 : index
      %get3A_1112 = tpu.vector_load %arg6[%get3A_1110, %get3A_1111] {strides = array<i32>} : memref<104x32xf32, #tpu.memory_space<vmem>>, vector<1x16xf32>,
      %get3A_1113 = vector.shape_cast %get3A_1112 : vector<1x16xf32> to vector<16xf32>
      %add3A_1114 = arith.addf %add3A_1090, %get3A_1113 : vector<16xf32>
      %get3A_1115 = arith.constant 89 : i32
      %get3A_1116 = arith.index_cast %get3A_1115 : i32 to index
      %get3A_1117 = arith.constant 16 : index
      %get3A_1118 = tpu.vector_load %arg6[%get3A_1116, %get3A_1117] {strides = array<i32>} : memref<104x32xf32, #tpu.memory_space<vmem>>, vector<1x16xf32>,
      %get3A_1119 = vector.shape_cast %get3A_1118 : vector<1x16xf32> to vector<16xf32>
      %add3A_1120 = arith.addf %add3A_1096, %get3A_1119 : vector<16xf32>
      %get3A_1121 = arith.constant 90 : i32
      %get3A_1122 = arith.index_cast %get3A_1121 : i32 to index
      %get3A_1123 = arith.constant 0 : index
      %get3A_1124 = tpu.vector_load %arg6[%get3A_1122, %get3A_1123] {strides = array<i32>} : memref<104x32xf32, #tpu.memory_space<vmem>>, vector<1x16xf32>,
      %get3A_1125 = vector.shape_cast %get3A_1124 : vector<1x16xf32> to vector<16xf32>
      %add3A_1126 = arith.addf %add3A_1102, %get3A_1125 : vector<16xf32>
      %get3A_1127 = arith.constant 90 : i32
      %get3A_1128 = arith.index_cast %get3A_1127 : i32 to index
      %get3A_1129 = arith.constant 16 : index
      %get3A_1130 = tpu.vector_load %arg6[%get3A_1128, %get3A_1129] {strides = array<i32>} : memref<104x32xf32, #tpu.memory_space<vmem>>, vector<1x16xf32>,
      %get3A_1131 = vector.shape_cast %get3A_1130 : vector<1x16xf32> to vector<16xf32>
      %add3A_1132 = arith.addf %add3A_1108, %get3A_1131 : vector<16xf32>
      %get3A_1133 = arith.constant 91 : i32
      %get3A_1134 = arith.index_cast %get3A_1133 : i32 to index
      %get3A_1135 = arith.constant 0 : index
      %get3A_1136 = tpu.vector_load %arg6[%get3A_1134, %get3A_1135] {strides = array<i32>} : memref<104x32xf32, #tpu.memory_space<vmem>>, vector<1x16xf32>,
      %get3A_1137 = vector.shape_cast %get3A_1136 : vector<1x16xf32> to vector<16xf32>
      %add3A_1138 = arith.addf %add3A_1114, %get3A_1137 : vector<16xf32>
      %get3A_1139 = arith.constant 91 : i32
      %get3A_1140 = arith.index_cast %get3A_1139 : i32 to index
      %get3A_1141 = arith.constant 16 : index
      %get3A_1142 = tpu.vector_load %arg6[%get3A_1140, %get3A_1141] {strides = array<i32>} : memref<104x32xf32, #tpu.memory_space<vmem>>, vector<1x16xf32>,
      %get3A_1143 = vector.shape_cast %get3A_1142 : vector<1x16xf32> to vector<16xf32>
      %add3A_1144 = arith.addf %add3A_1120, %get3A_1143 : vector<16xf32>
      %get3A_1145 = arith.constant 92 : i32
      %get3A_1146 = arith.index_cast %get3A_1145 : i32 to index
      %get3A_1147 = arith.constant 0 : index
      %get3A_1148 = tpu.vector_load %arg6[%get3A_1146, %get3A_1147] {strides = array<i32>} : memref<104x32xf32, #tpu.memory_space<vmem>>, vector<1x16xf32>,
      %get3A_1149 = vector.shape_cast %get3A_1148 : vector<1x16xf32> to vector<16xf32>
      %add3A_1150 = arith.addf %add3A_1126, %get3A_1149 : vector<16xf32>
      %get3A_1151 = arith.constant 92 : i32
      %get3A_1152 = arith.index_cast %get3A_1151 : i32 to index
      %get3A_1153 = arith.constant 16 : index
      %get3A_1154 = tpu.vector_load %arg6[%get3A_1152, %get3A_1153] {strides = array<i32>} : memref<104x32xf32, #tpu.memory_space<vmem>>, vector<1x16xf32>,
      %get3A_1155 = vector.shape_cast %get3A_1154 : vector<1x16xf32> to vector<16xf32>
      %add3A_1156 = arith.addf %add3A_1132, %get3A_1155 : vector<16xf32>
      %get3A_1157 = arith.constant 93 : i32
      %get3A_1158 = arith.index_cast %get3A_1157 : i32 to index
      %get3A_1159 = arith.constant 0 : index
      %get3A_1160 = tpu.vector_load %arg6[%get3A_1158, %get3A_1159] {strides = array<i32>} : memref<104x32xf32, #tpu.memory_space<vmem>>, vector<1x16xf32>,
      %get3A_1161 = vector.shape_cast %get3A_1160 : vector<1x16xf32> to vector<16xf32>
      %add3A_1162 = arith.addf %add3A_1138, %get3A_1161 : vector<16xf32>
      %get3A_1163 = arith.constant 93 : i32
      %get3A_1164 = arith.index_cast %get3A_1163 : i32 to index
      %get3A_1165 = arith.constant 16 : index
      %get3A_1166 = tpu.vector_load %arg6[%get3A_1164, %get3A_1165] {strides = array<i32>} : memref<104x32xf32, #tpu.memory_space<vmem>>, vector<1x16xf32>,
      %get3A_1167 = vector.shape_cast %get3A_1166 : vector<1x16xf32> to vector<16xf32>
      %add3A_1168 = arith.addf %add3A_1144, %get3A_1167 : vector<16xf32>
      %get3A_1169 = arith.constant 94 : i32
      %get3A_1170 = arith.index_cast %get3A_1169 : i32 to index
      %get3A_1171 = arith.constant 0 : index
      %get3A_1172 = tpu.vector_load %arg6[%get3A_1170, %get3A_1171] {strides = array<i32>} : memref<104x32xf32, #tpu.memory_space<vmem>>, vector<1x16xf32>,
      %get3A_1173 = vector.shape_cast %get3A_1172 : vector<1x16xf32> to vector<16xf32>
      %add3A_1174 = arith.addf %add3A_1150, %get3A_1173 : vector<16xf32>
      %get3A_1175 = arith.constant 94 : i32
      %get3A_1176 = arith.index_cast %get3A_1175 : i32 to index
      %get3A_1177 = arith.constant 16 : index
      %get3A_1178 = tpu.vector_load %arg6[%get3A_1176, %get3A_1177] {strides = array<i32>} : memref<104x32xf32, #tpu.memory_space<vmem>>, vector<1x16xf32>,
      %get3A_1179 = vector.shape_cast %get3A_1178 : vector<1x16xf32> to vector<16xf32>
      %add3A_1180 = arith.addf %add3A_1156, %get3A_1179 : vector<16xf32>
      %get3A_1181 = arith.constant 95 : i32
      %get3A_1182 = arith.index_cast %get3A_1181 : i32 to index
      %get3A_1183 = arith.constant 0 : index
      %get3A_1184 = tpu.vector_load %arg6[%get3A_1182, %get3A_1183] {strides = array<i32>} : memref<104x32xf32, #tpu.memory_space<vmem>>, vector<1x16xf32>,
      %get3A_1185 = vector.shape_cast %get3A_1184 : vector<1x16xf32> to vector<16xf32>
      %add3A_1186 = arith.addf %add3A_1162, %get3A_1185 : vector<16xf32>
      %get3A_1187 = arith.constant 95 : i32
      %get3A_1188 = arith.index_cast %get3A_1187 : i32 to index
      %get3A_1189 = arith.constant 16 : index
      %get3A_1190 = tpu.vector_load %arg6[%get3A_1188, %get3A_1189] {strides = array<i32>} : memref<104x32xf32, #tpu.memory_space<vmem>>, vector<1x16xf32>,
      %get3A_1191 = vector.shape_cast %get3A_1190 : vector<1x16xf32> to vector<16xf32>
      %add3A_1192 = arith.addf %add3A_1168, %get3A_1191 : vector<16xf32>
      %get3A_1193 = arith.constant 96 : i32
      %get3A_1194 = arith.index_cast %get3A_1193 : i32 to index
      %get3A_1195 = arith.constant 0 : index
      %get3A_1196 = tpu.vector_load %arg6[%get3A_1194, %get3A_1195] {strides = array<i32>} : memref<104x32xf32, #tpu.memory_space<vmem>>, vector<1x16xf32>,
      %get3A_1197 = vector.shape_cast %get3A_1196 : vector<1x16xf32> to vector<16xf32>
      %add3A_1198 = arith.addf %add3A_1174, %get3A_1197 : vector<16xf32>
      %get3A_1199 = arith.constant 96 : i32
      %get3A_1200 = arith.index_cast %get3A_1199 : i32 to index
      %get3A_1201 = arith.constant 16 : index
      %get3A_1202 = tpu.vector_load %arg6[%get3A_1200, %get3A_1201] {strides = array<i32>} : memref<104x32xf32, #tpu.memory_space<vmem>>, vector<1x16xf32>,
      %get3A_1203 = vector.shape_cast %get3A_1202 : vector<1x16xf32> to vector<16xf32>
      %add3A_1204 = arith.addf %add3A_1180, %get3A_1203 : vector<16xf32>
      %get3A_1205 = arith.constant 97 : i32
      %get3A_1206 = arith.index_cast %get3A_1205 : i32 to index
      %get3A_1207 = arith.constant 0 : index
      %get3A_1208 = tpu.vector_load %arg6[%get3A_1206, %get3A_1207] {strides = array<i32>} : memref<104x32xf32, #tpu.memory_space<vmem>>, vector<1x16xf32>,
      %get3A_1209 = vector.shape_cast %get3A_1208 : vector<1x16xf32> to vector<16xf32>
      %add3A_1210 = arith.addf %add3A_1186, %get3A_1209 : vector<16xf32>
      %get3A_1211 = arith.constant 97 : i32
      %get3A_1212 = arith.index_cast %get3A_1211 : i32 to index
      %get3A_1213 = arith.constant 16 : index
      %get3A_1214 = tpu.vector_load %arg6[%get3A_1212, %get3A_1213] {strides = array<i32>} : memref<104x32xf32, #tpu.memory_space<vmem>>, vector<1x16xf32>,
      %get3A_1215 = vector.shape_cast %get3A_1214 : vector<1x16xf32> to vector<16xf32>
      %add3A_1216 = arith.addf %add3A_1192, %get3A_1215 : vector<16xf32>
      %get3A_1217 = arith.constant 98 : i32
      %get3A_1218 = arith.index_cast %get3A_1217 : i32 to index
      %get3A_1219 = arith.constant 0 : index
      %get3A_1220 = tpu.vector_load %arg6[%get3A_1218, %get3A_1219] {strides = array<i32>} : memref<104x32xf32, #tpu.memory_space<vmem>>, vector<1x16xf32>,
      %get3A_1221 = vector.shape_cast %get3A_1220 : vector<1x16xf32> to vector<16xf32>
      %add3A_1222 = arith.addf %add3A_1198, %get3A_1221 : vector<16xf32>
      %get3A_1223 = arith.constant 98 : i32
      %get3A_1224 = arith.index_cast %get3A_1223 : i32 to index
      %get3A_1225 = arith.constant 16 : index
      %get3A_1226 = tpu.vector_load %arg6[%get3A_1224, %get3A_1225] {strides = array<i32>} : memref<104x32xf32, #tpu.memory_space<vmem>>, vector<1x16xf32>,
      %get3A_1227 = vector.shape_cast %get3A_1226 : vector<1x16xf32> to vector<16xf32>
      %add3A_1228 = arith.addf %add3A_1204, %get3A_1227 : vector<16xf32>
      %get3A_1229 = arith.constant 99 : i32
      %get3A_1230 = arith.index_cast %get3A_1229 : i32 to index
      %get3A_1231 = arith.constant 0 : index
      %get3A_1232 = tpu.vector_load %arg6[%get3A_1230, %get3A_1231] {strides = array<i32>} : memref<104x32xf32, #tpu.memory_space<vmem>>, vector<1x16xf32>,
      %get3A_1233 = vector.shape_cast %get3A_1232 : vector<1x16xf32> to vector<16xf32>
      %add3A_1234 = arith.addf %add3A_1210, %get3A_1233 : vector<16xf32>
      %get3A_1235 = arith.constant 99 : i32
      %get3A_1236 = arith.index_cast %get3A_1235 : i32 to index
      %get3A_1237 = arith.constant 16 : index
      %get3A_1238 = tpu.vector_load %arg6[%get3A_1236, %get3A_1237] {strides = array<i32>} : memref<104x32xf32, #tpu.memory_space<vmem>>, vector<1x16xf32>,
      %get3A_1239 = vector.shape_cast %get3A_1238 : vector<1x16xf32> to vector<16xf32>
      %add3A_1240 = arith.addf %add3A_1216, %get3A_1239 : vector<16xf32>
      %get3A_1241 = arith.constant 100 : i32
      %get3A_1242 = arith.index_cast %get3A_1241 : i32 to index
      %get3A_1243 = arith.constant 0 : index
      %get3A_1244 = tpu.vector_load %arg6[%get3A_1242, %get3A_1243] {strides = array<i32>} : memref<104x32xf32, #tpu.memory_space<vmem>>, vector<1x16xf32>,
      %get3A_1245 = vector.shape_cast %get3A_1244 : vector<1x16xf32> to vector<16xf32>
      %add3A_1246 = arith.addf %add3A_1222, %get3A_1245 : vector<16xf32>
      %get3A_1247 = arith.constant 100 : i32
      %get3A_1248 = arith.index_cast %get3A_1247 : i32 to index
      %get3A_1249 = arith.constant 16 : index
      %get3A_1250 = tpu.vector_load %arg6[%get3A_1248, %get3A_1249] {strides = array<i32>} : memref<104x32xf32, #tpu.memory_space<vmem>>, vector<1x16xf32>,
      %get3A_1251 = vector.shape_cast %get3A_1250 : vector<1x16xf32> to vector<16xf32>
      %add3A_1252 = arith.addf %add3A_1228, %get3A_1251 : vector<16xf32>
      %get3A_1253 = arith.constant 101 : i32
      %get3A_1254 = arith.index_cast %get3A_1253 : i32 to index
      %get3A_1255 = arith.constant 0 : index
      %get3A_1256 = tpu.vector_load %arg6[%get3A_1254, %get3A_1255] {strides = array<i32>} : memref<104x32xf32, #tpu.memory_space<vmem>>, vector<1x16xf32>,
      %get3A_1257 = vector.shape_cast %get3A_1256 : vector<1x16xf32> to vector<16xf32>
      %add3A_1258 = arith.addf %add3A_1234, %get3A_1257 : vector<16xf32>
      %get3A_1259 = arith.constant 101 : i32
      %get3A_1260 = arith.index_cast %get3A_1259 : i32 to index
      %get3A_1261 = arith.constant 16 : index
      %get3A_1262 = tpu.vector_load %arg6[%get3A_1260, %get3A_1261] {strides = array<i32>} : memref<104x32xf32, #tpu.memory_space<vmem>>, vector<1x16xf32>,
      %get3A_1263 = vector.shape_cast %get3A_1262 : vector<1x16xf32> to vector<16xf32>
      %add3A_1264 = arith.addf %add3A_1240, %get3A_1263 : vector<16xf32>
      %add3A_1265 = arith.addf %add3A_1246, %add3A_1258 : vector<16xf32>
      %mul3A_1266 = arith.constant 2.44140625E-4 : f32
      %mul3A_1267 = vector.broadcast %mul3A_1266 : f32 to vector<16xf32>
      %mul3A_1268 = arith.mulf %add3A_1265, %mul3A_1267 : vector<16xf32>
      %mul3A_1269 = arith.constant 2 : i32
      %mul3A_1270 = arith.muli %mul3A_1269, %add3A_43 : i32
      %add3A_1271 = arith.constant 1 : i32
      %add3A_1272 = arith.addi %mul3A_1270, %add3A_1271 : i32
      %swap3A_1273 = arith.index_cast %add3A_1272 : i32 to index
      %swap3A_1274 = arith.constant 0 : index
      %swap3A_1275 = tpu.vector_load %arg10[%swap3A_1273, %swap3A_1274] {strides = array<i32>} : memref<128x32xf32, #tpu.memory_space<vmem>>, vector<1x16xf32>,
      %swap3A_1276 = vector.shape_cast %swap3A_1275 : vector<1x16xf32> to vector<16xf32>
      %swap3A_1277 = vector.shape_cast %mul3A_1268 : vector<16xf32> to vector<1x16xf32>
      tpu.vector_store %arg10[%swap3A_1273, %swap3A_1274], %swap3A_1277 {strides = array<i32>} : memref<128x32xf32, #tpu.memory_space<vmem>>, vector<1x16xf32>,
      %add3A_1278 = arith.addf %add3A_1252, %add3A_1264 : vector<16xf32>
      %mul3A_1279 = arith.constant 2.44140625E-4 : f32
      %mul3A_1280 = vector.broadcast %mul3A_1279 : f32 to vector<16xf32>
      %mul3A_1281 = arith.mulf %add3A_1278, %mul3A_1280 : vector<16xf32>
      %mul3A_1282 = arith.constant 2 : i32
      %mul3A_1283 = arith.muli %mul3A_1282, %add3A_43 : i32
      %add3A_1284 = arith.constant 1 : i32
      %add3A_1285 = arith.addi %mul3A_1283, %add3A_1284 : i32
      %swap3A_1286 = arith.index_cast %add3A_1285 : i32 to index
      %swap3A_1287 = arith.constant 16 : index
      %swap3A_1288 = tpu.vector_load %arg10[%swap3A_1286, %swap3A_1287] {strides = array<i32>} : memref<128x32xf32, #tpu.memory_space<vmem>>, vector<1x16xf32>,
      %swap3A_1289 = vector.shape_cast %swap3A_1288 : vector<1x16xf32> to vector<16xf32>
      %swap3A_1290 = vector.shape_cast %mul3A_1281 : vector<16xf32> to vector<1x16xf32>
      tpu.vector_store %arg10[%swap3A_1286, %swap3A_1287], %swap3A_1290 {strides = array<i32>} : memref<128x32xf32, #tpu.memory_space<vmem>>, vector<1x16xf32>,
      %add3A_1291 = arith.constant 4 : i32
      %add3A_1292 = arith.addi %add3A_43, %add3A_1291 : i32
      %lt3A = arith.constant 64 : i32
      %lt3A_1293 = arith.cmpi slt, %add3A_1292, %lt3A : i32
      %convert_element_type3A = arith.extui %lt3A_1293 : i1 to i32
      %cond3A = arith.constant 0 : i32
      %cond3A_1294 = arith.cmpi ne, %convert_element_type3A, %cond3A : i32
      scf.if %cond3A_1294 {
        %dma_start3A_5073 = arith.constant 0 : i32
        %dma_start3A_5074 = tpu.memref_slice %arg5[%add3A_1292, %dma_start3A_5073] : memref<64x104xi32, #tpu.memory_space<vmem>> -> memref<1x104xi32, #tpu.memory_space<vmem>>
        %dma_start3A_5075 = tpu.memref_squeeze %dma_start3A_5074 : memref<1x104xi32, #tpu.memory_space<vmem>> -> memref<104xi32, #tpu.memory_space<vmem>>
        %dma_start3A_5076 = arith.constant 0 : i32
        %dma_start3A_5077 = arith.constant 0 : i32
        %dma_start3A_5078 = tpu.memref_slice %arg3[%dma_start3A_5076, %dma_start3A_5077] : memref<1000000x32xf32, #tpu.memory_space<hbm>> -> memref<1000000x32xf32, #tpu.memory_space<hbm>>
        tpu.enqueue_indirect_dma source(%dma_start3A_5078 : memref<1000000x32xf32, #tpu.memory_space<hbm>>) target(%arg6 : memref<104x32xf32, #tpu.memory_space<vmem>>) offsets(%dma_start3A_5075 : memref<104xi32, #tpu.memory_space<vmem>>) semaphore(%arg11 : memref<!tpu.dma_semaphore, #tpu.memory_space<semaphore_mem>>)
      } else {
      }
      %add3A_1295 = arith.constant 1 : i32
      %add3A_1296 = arith.addi %mul3A_41, %add3A_1295 : i32
      %dma_wait3A_1297 = arith.constant 0 : i32
      %dma_wait3A_1298 = tpu.memref_slice %arg5[%add3A_1296, %dma_wait3A_1297] : memref<64x104xi32, #tpu.memory_space<vmem>> -> memref<1x104xi32, #tpu.memory_space<vmem>>
      %dma_wait3A_1299 = tpu.memref_squeeze %dma_wait3A_1298 : memref<1x104xi32, #tpu.memory_space<vmem>> -> memref<104xi32, #tpu.memory_space<vmem>>
      %dma_wait3A_1300 = arith.constant 0 : i32
      %dma_wait3A_1301 = arith.constant 0 : i32
      %dma_wait3A_1302 = tpu.memref_slice %arg3[%dma_wait3A_1300, %dma_wait3A_1301] : memref<1000000x32xf32, #tpu.memory_space<hbm>> -> memref<1000000x32xf32, #tpu.memory_space<hbm>>
      tpu.wait_indirect_dma semaphore(%arg12 : memref<!tpu.dma_semaphore, #tpu.memory_space<semaphore_mem>>) src(%dma_wait3A_1302 : memref<1000000x32xf32, #tpu.memory_space<hbm>>) dst(%arg7 : memref<104x32xf32, #tpu.memory_space<vmem>>)
      %get3A_1303 = arith.constant 0 : i32
      %get3A_1304 = arith.index_cast %get3A_1303 : i32 to index
      %get3A_1305 = arith.constant 0 : index
      %get3A_1306 = tpu.vector_load %arg7[%get3A_1304, %get3A_1305] {strides = array<i32>} : memref<104x32xf32, #tpu.memory_space<vmem>>, vector<1x16xf32>,
      %get3A_1307 = vector.shape_cast %get3A_1306 : vector<1x16xf32> to vector<16xf32>
      %get3A_1308 = arith.constant 0 : i32
      %get3A_1309 = arith.index_cast %get3A_1308 : i32 to index
      %get3A_1310 = arith.constant 16 : index
      %get3A_1311 = tpu.vector_load %arg7[%get3A_1309, %get3A_1310] {strides = array<i32>} : memref<104x32xf32, #tpu.memory_space<vmem>>, vector<1x16xf32>,
      %get3A_1312 = vector.shape_cast %get3A_1311 : vector<1x16xf32> to vector<16xf32>
      %get3A_1313 = arith.constant 1 : i32
      %get3A_1314 = arith.index_cast %get3A_1313 : i32 to index
      %get3A_1315 = arith.constant 0 : index
      %get3A_1316 = tpu.vector_load %arg7[%get3A_1314, %get3A_1315] {strides = array<i32>} : memref<104x32xf32, #tpu.memory_space<vmem>>, vector<1x16xf32>,
      %get3A_1317 = vector.shape_cast %get3A_1316 : vector<1x16xf32> to vector<16xf32>
      %get3A_1318 = arith.constant 1 : i32
      %get3A_1319 = arith.index_cast %get3A_1318 : i32 to index
      %get3A_1320 = arith.constant 16 : index
      %get3A_1321 = tpu.vector_load %arg7[%get3A_1319, %get3A_1320] {strides = array<i32>} : memref<104x32xf32, #tpu.memory_space<vmem>>, vector<1x16xf32>,
      %get3A_1322 = vector.shape_cast %get3A_1321 : vector<1x16xf32> to vector<16xf32>
      %get3A_1323 = arith.constant 2 : i32
      %get3A_1324 = arith.index_cast %get3A_1323 : i32 to index
      %get3A_1325 = arith.constant 0 : index
      %get3A_1326 = tpu.vector_load %arg7[%get3A_1324, %get3A_1325] {strides = array<i32>} : memref<104x32xf32, #tpu.memory_space<vmem>>, vector<1x16xf32>,
      %get3A_1327 = vector.shape_cast %get3A_1326 : vector<1x16xf32> to vector<16xf32>
      %add3A_1328 = arith.addf %get3A_1307, %get3A_1327 : vector<16xf32>
      %get3A_1329 = arith.constant 2 : i32
      %get3A_1330 = arith.index_cast %get3A_1329 : i32 to index
      %get3A_1331 = arith.constant 16 : index
      %get3A_1332 = tpu.vector_load %arg7[%get3A_1330, %get3A_1331] {strides = array<i32>} : memref<104x32xf32, #tpu.memory_space<vmem>>, vector<1x16xf32>,
      %get3A_1333 = vector.shape_cast %get3A_1332 : vector<1x16xf32> to vector<16xf32>
      %add3A_1334 = arith.addf %get3A_1312, %get3A_1333 : vector<16xf32>
      %get3A_1335 = arith.constant 3 : i32
      %get3A_1336 = arith.index_cast %get3A_1335 : i32 to index
      %get3A_1337 = arith.constant 0 : index
      %get3A_1338 = tpu.vector_load %arg7[%get3A_1336, %get3A_1337] {strides = array<i32>} : memref<104x32xf32, #tpu.memory_space<vmem>>, vector<1x16xf32>,
      %get3A_1339 = vector.shape_cast %get3A_1338 : vector<1x16xf32> to vector<16xf32>
      %add3A_1340 = arith.addf %get3A_1317, %get3A_1339 : vector<16xf32>
      %get3A_1341 = arith.constant 3 : i32
      %get3A_1342 = arith.index_cast %get3A_1341 : i32 to index
      %get3A_1343 = arith.constant 16 : index
      %get3A_1344 = tpu.vector_load %arg7[%get3A_1342, %get3A_1343] {strides = array<i32>} : memref<104x32xf32, #tpu.memory_space<vmem>>, vector<1x16xf32>,
      %get3A_1345 = vector.shape_cast %get3A_1344 : vector<1x16xf32> to vector<16xf32>
      %add3A_1346 = arith.addf %get3A_1322, %get3A_1345 : vector<16xf32>
      %get3A_1347 = arith.constant 4 : i32
      %get3A_1348 = arith.index_cast %get3A_1347 : i32 to index
      %get3A_1349 = arith.constant 0 : index
      %get3A_1350 = tpu.vector_load %arg7[%get3A_1348, %get3A_1349] {strides = array<i32>} : memref<104x32xf32, #tpu.memory_space<vmem>>, vector<1x16xf32>,
      %get3A_1351 = vector.shape_cast %get3A_1350 : vector<1x16xf32> to vector<16xf32>
      %add3A_1352 = arith.addf %add3A_1328, %get3A_1351 : vector<16xf32>
      %get3A_1353 = arith.constant 4 : i32
      %get3A_1354 = arith.index_cast %get3A_1353 : i32 to index
      %get3A_1355 = arith.constant 16 : index
      %get3A_1356 = tpu.vector_load %arg7[%get3A_1354, %get3A_1355] {strides = array<i32>} : memref<104x32xf32, #tpu.memory_space<vmem>>, vector<1x16xf32>,
      %get3A_1357 = vector.shape_cast %get3A_1356 : vector<1x16xf32> to vector<16xf32>
      %add3A_1358 = arith.addf %add3A_1334, %get3A_1357 : vector<16xf32>
      %get3A_1359 = arith.constant 5 : i32
      %get3A_1360 = arith.index_cast %get3A_1359 : i32 to index
      %get3A_1361 = arith.constant 0 : index
      %get3A_1362 = tpu.vector_load %arg7[%get3A_1360, %get3A_1361] {strides = array<i32>} : memref<104x32xf32, #tpu.memory_space<vmem>>, vector<1x16xf32>,
      %get3A_1363 = vector.shape_cast %get3A_1362 : vector<1x16xf32> to vector<16xf32>
      %add3A_1364 = arith.addf %add3A_1340, %get3A_1363 : vector<16xf32>
      %get3A_1365 = arith.constant 5 : i32
      %get3A_1366 = arith.index_cast %get3A_1365 : i32 to index
      %get3A_1367 = arith.constant 16 : index
      %get3A_1368 = tpu.vector_load %arg7[%get3A_1366, %get3A_1367] {strides = array<i32>} : memref<104x32xf32, #tpu.memory_space<vmem>>, vector<1x16xf32>,
      %get3A_1369 = vector.shape_cast %get3A_1368 : vector<1x16xf32> to vector<16xf32>
      %add3A_1370 = arith.addf %add3A_1346, %get3A_1369 : vector<16xf32>
      %get3A_1371 = arith.constant 6 : i32
      %get3A_1372 = arith.index_cast %get3A_1371 : i32 to index
      %get3A_1373 = arith.constant 0 : index
      %get3A_1374 = tpu.vector_load %arg7[%get3A_1372, %get3A_1373] {strides = array<i32>} : memref<104x32xf32, #tpu.memory_space<vmem>>, vector<1x16xf32>,
      %get3A_1375 = vector.shape_cast %get3A_1374 : vector<1x16xf32> to vector<16xf32>
      %add3A_1376 = arith.addf %add3A_1352, %get3A_1375 : vector<16xf32>
      %get3A_1377 = arith.constant 6 : i32
      %get3A_1378 = arith.index_cast %get3A_1377 : i32 to index
      %get3A_1379 = arith.constant 16 : index
      %get3A_1380 = tpu.vector_load %arg7[%get3A_1378, %get3A_1379] {strides = array<i32>} : memref<104x32xf32, #tpu.memory_space<vmem>>, vector<1x16xf32>,
      %get3A_1381 = vector.shape_cast %get3A_1380 : vector<1x16xf32> to vector<16xf32>
      %add3A_1382 = arith.addf %add3A_1358, %get3A_1381 : vector<16xf32>
      %get3A_1383 = arith.constant 7 : i32
      %get3A_1384 = arith.index_cast %get3A_1383 : i32 to index
      %get3A_1385 = arith.constant 0 : index
      %get3A_1386 = tpu.vector_load %arg7[%get3A_1384, %get3A_1385] {strides = array<i32>} : memref<104x32xf32, #tpu.memory_space<vmem>>, vector<1x16xf32>,
      %get3A_1387 = vector.shape_cast %get3A_1386 : vector<1x16xf32> to vector<16xf32>
      %add3A_1388 = arith.addf %add3A_1364, %get3A_1387 : vector<16xf32>
      %get3A_1389 = arith.constant 7 : i32
      %get3A_1390 = arith.index_cast %get3A_1389 : i32 to index
      %get3A_1391 = arith.constant 16 : index
      %get3A_1392 = tpu.vector_load %arg7[%get3A_1390, %get3A_1391] {strides = array<i32>} : memref<104x32xf32, #tpu.memory_space<vmem>>, vector<1x16xf32>,
      %get3A_1393 = vector.shape_cast %get3A_1392 : vector<1x16xf32> to vector<16xf32>
      %add3A_1394 = arith.addf %add3A_1370, %get3A_1393 : vector<16xf32>
      %get3A_1395 = arith.constant 8 : i32
      %get3A_1396 = arith.index_cast %get3A_1395 : i32 to index
      %get3A_1397 = arith.constant 0 : index
      %get3A_1398 = tpu.vector_load %arg7[%get3A_1396, %get3A_1397] {strides = array<i32>} : memref<104x32xf32, #tpu.memory_space<vmem>>, vector<1x16xf32>,
      %get3A_1399 = vector.shape_cast %get3A_1398 : vector<1x16xf32> to vector<16xf32>
      %add3A_1400 = arith.addf %add3A_1376, %get3A_1399 : vector<16xf32>
      %get3A_1401 = arith.constant 8 : i32
      %get3A_1402 = arith.index_cast %get3A_1401 : i32 to index
      %get3A_1403 = arith.constant 16 : index
      %get3A_1404 = tpu.vector_load %arg7[%get3A_1402, %get3A_1403] {strides = array<i32>} : memref<104x32xf32, #tpu.memory_space<vmem>>, vector<1x16xf32>,
      %get3A_1405 = vector.shape_cast %get3A_1404 : vector<1x16xf32> to vector<16xf32>
      %add3A_1406 = arith.addf %add3A_1382, %get3A_1405 : vector<16xf32>
      %get3A_1407 = arith.constant 9 : i32
      %get3A_1408 = arith.index_cast %get3A_1407 : i32 to index
      %get3A_1409 = arith.constant 0 : index
      %get3A_1410 = tpu.vector_load %arg7[%get3A_1408, %get3A_1409] {strides = array<i32>} : memref<104x32xf32, #tpu.memory_space<vmem>>, vector<1x16xf32>,
      %get3A_1411 = vector.shape_cast %get3A_1410 : vector<1x16xf32> to vector<16xf32>
      %add3A_1412 = arith.addf %add3A_1388, %get3A_1411 : vector<16xf32>
      %get3A_1413 = arith.constant 9 : i32
      %get3A_1414 = arith.index_cast %get3A_1413 : i32 to index
      %get3A_1415 = arith.constant 16 : index
      %get3A_1416 = tpu.vector_load %arg7[%get3A_1414, %get3A_1415] {strides = array<i32>} : memref<104x32xf32, #tpu.memory_space<vmem>>, vector<1x16xf32>,
      %get3A_1417 = vector.shape_cast %get3A_1416 : vector<1x16xf32> to vector<16xf32>
      %add3A_1418 = arith.addf %add3A_1394, %get3A_1417 : vector<16xf32>
      %get3A_1419 = arith.constant 10 : i32
      %get3A_1420 = arith.index_cast %get3A_1419 : i32 to index
      %get3A_1421 = arith.constant 0 : index
      %get3A_1422 = tpu.vector_load %arg7[%get3A_1420, %get3A_1421] {strides = array<i32>} : memref<104x32xf32, #tpu.memory_space<vmem>>, vector<1x16xf32>,
      %get3A_1423 = vector.shape_cast %get3A_1422 : vector<1x16xf32> to vector<16xf32>
      %add3A_1424 = arith.addf %add3A_1400, %get3A_1423 : vector<16xf32>
      %get3A_1425 = arith.constant 10 : i32
      %get3A_1426 = arith.index_cast %get3A_1425 : i32 to index
      %get3A_1427 = arith.constant 16 : index
      %get3A_1428 = tpu.vector_load %arg7[%get3A_1426, %get3A_1427] {strides = array<i32>} : memref<104x32xf32, #tpu.memory_space<vmem>>, vector<1x16xf32>,
      %get3A_1429 = vector.shape_cast %get3A_1428 : vector<1x16xf32> to vector<16xf32>
      %add3A_1430 = arith.addf %add3A_1406, %get3A_1429 : vector<16xf32>
      %get3A_1431 = arith.constant 11 : i32
      %get3A_1432 = arith.index_cast %get3A_1431 : i32 to index
      %get3A_1433 = arith.constant 0 : index
      %get3A_1434 = tpu.vector_load %arg7[%get3A_1432, %get3A_1433] {strides = array<i32>} : memref<104x32xf32, #tpu.memory_space<vmem>>, vector<1x16xf32>,
      %get3A_1435 = vector.shape_cast %get3A_1434 : vector<1x16xf32> to vector<16xf32>
      %add3A_1436 = arith.addf %add3A_1412, %get3A_1435 : vector<16xf32>
      %get3A_1437 = arith.constant 11 : i32
      %get3A_1438 = arith.index_cast %get3A_1437 : i32 to index
      %get3A_1439 = arith.constant 16 : index
      %get3A_1440 = tpu.vector_load %arg7[%get3A_1438, %get3A_1439] {strides = array<i32>} : memref<104x32xf32, #tpu.memory_space<vmem>>, vector<1x16xf32>,
      %get3A_1441 = vector.shape_cast %get3A_1440 : vector<1x16xf32> to vector<16xf32>
      %add3A_1442 = arith.addf %add3A_1418, %get3A_1441 : vector<16xf32>
      %get3A_1443 = arith.constant 12 : i32
      %get3A_1444 = arith.index_cast %get3A_1443 : i32 to index
      %get3A_1445 = arith.constant 0 : index
      %get3A_1446 = tpu.vector_load %arg7[%get3A_1444, %get3A_1445] {strides = array<i32>} : memref<104x32xf32, #tpu.memory_space<vmem>>, vector<1x16xf32>,
      %get3A_1447 = vector.shape_cast %get3A_1446 : vector<1x16xf32> to vector<16xf32>
      %add3A_1448 = arith.addf %add3A_1424, %get3A_1447 : vector<16xf32>
      %get3A_1449 = arith.constant 12 : i32
      %get3A_1450 = arith.index_cast %get3A_1449 : i32 to index
      %get3A_1451 = arith.constant 16 : index
      %get3A_1452 = tpu.vector_load %arg7[%get3A_1450, %get3A_1451] {strides = array<i32>} : memref<104x32xf32, #tpu.memory_space<vmem>>, vector<1x16xf32>,
      %get3A_1453 = vector.shape_cast %get3A_1452 : vector<1x16xf32> to vector<16xf32>
      %add3A_1454 = arith.addf %add3A_1430, %get3A_1453 : vector<16xf32>
      %get3A_1455 = arith.constant 13 : i32
      %get3A_1456 = arith.index_cast %get3A_1455 : i32 to index
      %get3A_1457 = arith.constant 0 : index
      %get3A_1458 = tpu.vector_load %arg7[%get3A_1456, %get3A_1457] {strides = array<i32>} : memref<104x32xf32, #tpu.memory_space<vmem>>, vector<1x16xf32>,
      %get3A_1459 = vector.shape_cast %get3A_1458 : vector<1x16xf32> to vector<16xf32>
      %add3A_1460 = arith.addf %add3A_1436, %get3A_1459 : vector<16xf32>
      %get3A_1461 = arith.constant 13 : i32
      %get3A_1462 = arith.index_cast %get3A_1461 : i32 to index
      %get3A_1463 = arith.constant 16 : index
      %get3A_1464 = tpu.vector_load %arg7[%get3A_1462, %get3A_1463] {strides = array<i32>} : memref<104x32xf32, #tpu.memory_space<vmem>>, vector<1x16xf32>,
      %get3A_1465 = vector.shape_cast %get3A_1464 : vector<1x16xf32> to vector<16xf32>
      %add3A_1466 = arith.addf %add3A_1442, %get3A_1465 : vector<16xf32>
      %get3A_1467 = arith.constant 14 : i32
      %get3A_1468 = arith.index_cast %get3A_1467 : i32 to index
      %get3A_1469 = arith.constant 0 : index
      %get3A_1470 = tpu.vector_load %arg7[%get3A_1468, %get3A_1469] {strides = array<i32>} : memref<104x32xf32, #tpu.memory_space<vmem>>, vector<1x16xf32>,
      %get3A_1471 = vector.shape_cast %get3A_1470 : vector<1x16xf32> to vector<16xf32>
      %add3A_1472 = arith.addf %add3A_1448, %get3A_1471 : vector<16xf32>
      %get3A_1473 = arith.constant 14 : i32
      %get3A_1474 = arith.index_cast %get3A_1473 : i32 to index
      %get3A_1475 = arith.constant 16 : index
      %get3A_1476 = tpu.vector_load %arg7[%get3A_1474, %get3A_1475] {strides = array<i32>} : memref<104x32xf32, #tpu.memory_space<vmem>>, vector<1x16xf32>,
      %get3A_1477 = vector.shape_cast %get3A_1476 : vector<1x16xf32> to vector<16xf32>
      %add3A_1478 = arith.addf %add3A_1454, %get3A_1477 : vector<16xf32>
      %get3A_1479 = arith.constant 15 : i32
      %get3A_1480 = arith.index_cast %get3A_1479 : i32 to index
      %get3A_1481 = arith.constant 0 : index
      %get3A_1482 = tpu.vector_load %arg7[%get3A_1480, %get3A_1481] {strides = array<i32>} : memref<104x32xf32, #tpu.memory_space<vmem>>, vector<1x16xf32>,
      %get3A_1483 = vector.shape_cast %get3A_1482 : vector<1x16xf32> to vector<16xf32>
      %add3A_1484 = arith.addf %add3A_1460, %get3A_1483 : vector<16xf32>
      %get3A_1485 = arith.constant 15 : i32
      %get3A_1486 = arith.index_cast %get3A_1485 : i32 to index
      %get3A_1487 = arith.constant 16 : index
      %get3A_1488 = tpu.vector_load %arg7[%get3A_1486, %get3A_1487] {strides = array<i32>} : memref<104x32xf32, #tpu.memory_space<vmem>>, vector<1x16xf32>,
      %get3A_1489 = vector.shape_cast %get3A_1488 : vector<1x16xf32> to vector<16xf32>
      %add3A_1490 = arith.addf %add3A_1466, %get3A_1489 : vector<16xf32>
      %get3A_1491 = arith.constant 16 : i32
      %get3A_1492 = arith.index_cast %get3A_1491 : i32 to index
      %get3A_1493 = arith.constant 0 : index
      %get3A_1494 = tpu.vector_load %arg7[%get3A_1492, %get3A_1493] {strides = array<i32>} : memref<104x32xf32, #tpu.memory_space<vmem>>, vector<1x16xf32>,
      %get3A_1495 = vector.shape_cast %get3A_1494 : vector<1x16xf32> to vector<16xf32>
      %add3A_1496 = arith.addf %add3A_1472, %get3A_1495 : vector<16xf32>
      %get3A_1497 = arith.constant 16 : i32
      %get3A_1498 = arith.index_cast %get3A_1497 : i32 to index
      %get3A_1499 = arith.constant 16 : index
      %get3A_1500 = tpu.vector_load %arg7[%get3A_1498, %get3A_1499] {strides = array<i32>} : memref<104x32xf32, #tpu.memory_space<vmem>>, vector<1x16xf32>,
      %get3A_1501 = vector.shape_cast %get3A_1500 : vector<1x16xf32> to vector<16xf32>
      %add3A_1502 = arith.addf %add3A_1478, %get3A_1501 : vector<16xf32>
      %get3A_1503 = arith.constant 17 : i32
      %get3A_1504 = arith.index_cast %get3A_1503 : i32 to index
      %get3A_1505 = arith.constant 0 : index
      %get3A_1506 = tpu.vector_load %arg7[%get3A_1504, %get3A_1505] {strides = array<i32>} : memref<104x32xf32, #tpu.memory_space<vmem>>, vector<1x16xf32>,
      %get3A_1507 = vector.shape_cast %get3A_1506 : vector<1x16xf32> to vector<16xf32>
      %add3A_1508 = arith.addf %add3A_1484, %get3A_1507 : vector<16xf32>
      %get3A_1509 = arith.constant 17 : i32
      %get3A_1510 = arith.index_cast %get3A_1509 : i32 to index
      %get3A_1511 = arith.constant 16 : index
      %get3A_1512 = tpu.vector_load %arg7[%get3A_1510, %get3A_1511] {strides = array<i32>} : memref<104x32xf32, #tpu.memory_space<vmem>>, vector<1x16xf32>,
      %get3A_1513 = vector.shape_cast %get3A_1512 : vector<1x16xf32> to vector<16xf32>
      %add3A_1514 = arith.addf %add3A_1490, %get3A_1513 : vector<16xf32>
      %get3A_1515 = arith.constant 18 : i32
      %get3A_1516 = arith.index_cast %get3A_1515 : i32 to index
      %get3A_1517 = arith.constant 0 : index
      %get3A_1518 = tpu.vector_load %arg7[%get3A_1516, %get3A_1517] {strides = array<i32>} : memref<104x32xf32, #tpu.memory_space<vmem>>, vector<1x16xf32>,
      %get3A_1519 = vector.shape_cast %get3A_1518 : vector<1x16xf32> to vector<16xf32>
      %add3A_1520 = arith.addf %add3A_1496, %get3A_1519 : vector<16xf32>
      %get3A_1521 = arith.constant 18 : i32
      %get3A_1522 = arith.index_cast %get3A_1521 : i32 to index
      %get3A_1523 = arith.constant 16 : index
      %get3A_1524 = tpu.vector_load %arg7[%get3A_1522, %get3A_1523] {strides = array<i32>} : memref<104x32xf32, #tpu.memory_space<vmem>>, vector<1x16xf32>,
      %get3A_1525 = vector.shape_cast %get3A_1524 : vector<1x16xf32> to vector<16xf32>
      %add3A_1526 = arith.addf %add3A_1502, %get3A_1525 : vector<16xf32>
      %get3A_1527 = arith.constant 19 : i32
      %get3A_1528 = arith.index_cast %get3A_1527 : i32 to index
      %get3A_1529 = arith.constant 0 : index
      %get3A_1530 = tpu.vector_load %arg7[%get3A_1528, %get3A_1529] {strides = array<i32>} : memref<104x32xf32, #tpu.memory_space<vmem>>, vector<1x16xf32>,
      %get3A_1531 = vector.shape_cast %get3A_1530 : vector<1x16xf32> to vector<16xf32>
      %add3A_1532 = arith.addf %add3A_1508, %get3A_1531 : vector<16xf32>
      %get3A_1533 = arith.constant 19 : i32
      %get3A_1534 = arith.index_cast %get3A_1533 : i32 to index
      %get3A_1535 = arith.constant 16 : index
      %get3A_1536 = tpu.vector_load %arg7[%get3A_1534, %get3A_1535] {strides = array<i32>} : memref<104x32xf32, #tpu.memory_space<vmem>>, vector<1x16xf32>,
      %get3A_1537 = vector.shape_cast %get3A_1536 : vector<1x16xf32> to vector<16xf32>
      %add3A_1538 = arith.addf %add3A_1514, %get3A_1537 : vector<16xf32>
      %get3A_1539 = arith.constant 20 : i32
      %get3A_1540 = arith.index_cast %get3A_1539 : i32 to index
      %get3A_1541 = arith.constant 0 : index
      %get3A_1542 = tpu.vector_load %arg7[%get3A_1540, %get3A_1541] {strides = array<i32>} : memref<104x32xf32, #tpu.memory_space<vmem>>, vector<1x16xf32>,
      %get3A_1543 = vector.shape_cast %get3A_1542 : vector<1x16xf32> to vector<16xf32>
      %add3A_1544 = arith.addf %add3A_1520, %get3A_1543 : vector<16xf32>
      %get3A_1545 = arith.constant 20 : i32
      %get3A_1546 = arith.index_cast %get3A_1545 : i32 to index
      %get3A_1547 = arith.constant 16 : index
      %get3A_1548 = tpu.vector_load %arg7[%get3A_1546, %get3A_1547] {strides = array<i32>} : memref<104x32xf32, #tpu.memory_space<vmem>>, vector<1x16xf32>,
      %get3A_1549 = vector.shape_cast %get3A_1548 : vector<1x16xf32> to vector<16xf32>
      %add3A_1550 = arith.addf %add3A_1526, %get3A_1549 : vector<16xf32>
      %get3A_1551 = arith.constant 21 : i32
      %get3A_1552 = arith.index_cast %get3A_1551 : i32 to index
      %get3A_1553 = arith.constant 0 : index
      %get3A_1554 = tpu.vector_load %arg7[%get3A_1552, %get3A_1553] {strides = array<i32>} : memref<104x32xf32, #tpu.memory_space<vmem>>, vector<1x16xf32>,
      %get3A_1555 = vector.shape_cast %get3A_1554 : vector<1x16xf32> to vector<16xf32>
      %add3A_1556 = arith.addf %add3A_1532, %get3A_1555 : vector<16xf32>
      %get3A_1557 = arith.constant 21 : i32
      %get3A_1558 = arith.index_cast %get3A_1557 : i32 to index
      %get3A_1559 = arith.constant 16 : index
      %get3A_1560 = tpu.vector_load %arg7[%get3A_1558, %get3A_1559] {strides = array<i32>} : memref<104x32xf32, #tpu.memory_space<vmem>>, vector<1x16xf32>,
      %get3A_1561 = vector.shape_cast %get3A_1560 : vector<1x16xf32> to vector<16xf32>
      %add3A_1562 = arith.addf %add3A_1538, %get3A_1561 : vector<16xf32>
      %get3A_1563 = arith.constant 22 : i32
      %get3A_1564 = arith.index_cast %get3A_1563 : i32 to index
      %get3A_1565 = arith.constant 0 : index
      %get3A_1566 = tpu.vector_load %arg7[%get3A_1564, %get3A_1565] {strides = array<i32>} : memref<104x32xf32, #tpu.memory_space<vmem>>, vector<1x16xf32>,
      %get3A_1567 = vector.shape_cast %get3A_1566 : vector<1x16xf32> to vector<16xf32>
      %add3A_1568 = arith.addf %add3A_1544, %get3A_1567 : vector<16xf32>
      %get3A_1569 = arith.constant 22 : i32
      %get3A_1570 = arith.index_cast %get3A_1569 : i32 to index
      %get3A_1571 = arith.constant 16 : index
      %get3A_1572 = tpu.vector_load %arg7[%get3A_1570, %get3A_1571] {strides = array<i32>} : memref<104x32xf32, #tpu.memory_space<vmem>>, vector<1x16xf32>,
      %get3A_1573 = vector.shape_cast %get3A_1572 : vector<1x16xf32> to vector<16xf32>
      %add3A_1574 = arith.addf %add3A_1550, %get3A_1573 : vector<16xf32>
      %get3A_1575 = arith.constant 23 : i32
      %get3A_1576 = arith.index_cast %get3A_1575 : i32 to index
      %get3A_1577 = arith.constant 0 : index
      %get3A_1578 = tpu.vector_load %arg7[%get3A_1576, %get3A_1577] {strides = array<i32>} : memref<104x32xf32, #tpu.memory_space<vmem>>, vector<1x16xf32>,
      %get3A_1579 = vector.shape_cast %get3A_1578 : vector<1x16xf32> to vector<16xf32>
      %add3A_1580 = arith.addf %add3A_1556, %get3A_1579 : vector<16xf32>
      %get3A_1581 = arith.constant 23 : i32
      %get3A_1582 = arith.index_cast %get3A_1581 : i32 to index
      %get3A_1583 = arith.constant 16 : index
      %get3A_1584 = tpu.vector_load %arg7[%get3A_1582, %get3A_1583] {strides = array<i32>} : memref<104x32xf32, #tpu.memory_space<vmem>>, vector<1x16xf32>,
      %get3A_1585 = vector.shape_cast %get3A_1584 : vector<1x16xf32> to vector<16xf32>
      %add3A_1586 = arith.addf %add3A_1562, %get3A_1585 : vector<16xf32>
      %get3A_1587 = arith.constant 24 : i32
      %get3A_1588 = arith.index_cast %get3A_1587 : i32 to index
      %get3A_1589 = arith.constant 0 : index
      %get3A_1590 = tpu.vector_load %arg7[%get3A_1588, %get3A_1589] {strides = array<i32>} : memref<104x32xf32, #tpu.memory_space<vmem>>, vector<1x16xf32>,
      %get3A_1591 = vector.shape_cast %get3A_1590 : vector<1x16xf32> to vector<16xf32>
      %add3A_1592 = arith.addf %add3A_1568, %get3A_1591 : vector<16xf32>
      %get3A_1593 = arith.constant 24 : i32
      %get3A_1594 = arith.index_cast %get3A_1593 : i32 to index
      %get3A_1595 = arith.constant 16 : index
      %get3A_1596 = tpu.vector_load %arg7[%get3A_1594, %get3A_1595] {strides = array<i32>} : memref<104x32xf32, #tpu.memory_space<vmem>>, vector<1x16xf32>,
      %get3A_1597 = vector.shape_cast %get3A_1596 : vector<1x16xf32> to vector<16xf32>
      %add3A_1598 = arith.addf %add3A_1574, %get3A_1597 : vector<16xf32>
      %get3A_1599 = arith.constant 25 : i32
      %get3A_1600 = arith.index_cast %get3A_1599 : i32 to index
      %get3A_1601 = arith.constant 0 : index
      %get3A_1602 = tpu.vector_load %arg7[%get3A_1600, %get3A_1601] {strides = array<i32>} : memref<104x32xf32, #tpu.memory_space<vmem>>, vector<1x16xf32>,
      %get3A_1603 = vector.shape_cast %get3A_1602 : vector<1x16xf32> to vector<16xf32>
      %add3A_1604 = arith.addf %add3A_1580, %get3A_1603 : vector<16xf32>
      %get3A_1605 = arith.constant 25 : i32
      %get3A_1606 = arith.index_cast %get3A_1605 : i32 to index
      %get3A_1607 = arith.constant 16 : index
      %get3A_1608 = tpu.vector_load %arg7[%get3A_1606, %get3A_1607] {strides = array<i32>} : memref<104x32xf32, #tpu.memory_space<vmem>>, vector<1x16xf32>,
      %get3A_1609 = vector.shape_cast %get3A_1608 : vector<1x16xf32> to vector<16xf32>
      %add3A_1610 = arith.addf %add3A_1586, %get3A_1609 : vector<16xf32>
      %get3A_1611 = arith.constant 26 : i32
      %get3A_1612 = arith.index_cast %get3A_1611 : i32 to index
      %get3A_1613 = arith.constant 0 : index
      %get3A_1614 = tpu.vector_load %arg7[%get3A_1612, %get3A_1613] {strides = array<i32>} : memref<104x32xf32, #tpu.memory_space<vmem>>, vector<1x16xf32>,
      %get3A_1615 = vector.shape_cast %get3A_1614 : vector<1x16xf32> to vector<16xf32>
      %add3A_1616 = arith.addf %add3A_1592, %get3A_1615 : vector<16xf32>
      %get3A_1617 = arith.constant 26 : i32
      %get3A_1618 = arith.index_cast %get3A_1617 : i32 to index
      %get3A_1619 = arith.constant 16 : index
      %get3A_1620 = tpu.vector_load %arg7[%get3A_1618, %get3A_1619] {strides = array<i32>} : memref<104x32xf32, #tpu.memory_space<vmem>>, vector<1x16xf32>,
      %get3A_1621 = vector.shape_cast %get3A_1620 : vector<1x16xf32> to vector<16xf32>
      %add3A_1622 = arith.addf %add3A_1598, %get3A_1621 : vector<16xf32>
      %get3A_1623 = arith.constant 27 : i32
      %get3A_1624 = arith.index_cast %get3A_1623 : i32 to index
      %get3A_1625 = arith.constant 0 : index
      %get3A_1626 = tpu.vector_load %arg7[%get3A_1624, %get3A_1625] {strides = array<i32>} : memref<104x32xf32, #tpu.memory_space<vmem>>, vector<1x16xf32>,
      %get3A_1627 = vector.shape_cast %get3A_1626 : vector<1x16xf32> to vector<16xf32>
      %add3A_1628 = arith.addf %add3A_1604, %get3A_1627 : vector<16xf32>
      %get3A_1629 = arith.constant 27 : i32
      %get3A_1630 = arith.index_cast %get3A_1629 : i32 to index
      %get3A_1631 = arith.constant 16 : index
      %get3A_1632 = tpu.vector_load %arg7[%get3A_1630, %get3A_1631] {strides = array<i32>} : memref<104x32xf32, #tpu.memory_space<vmem>>, vector<1x16xf32>,
      %get3A_1633 = vector.shape_cast %get3A_1632 : vector<1x16xf32> to vector<16xf32>
      %add3A_1634 = arith.addf %add3A_1610, %get3A_1633 : vector<16xf32>
      %get3A_1635 = arith.constant 28 : i32
      %get3A_1636 = arith.index_cast %get3A_1635 : i32 to index
      %get3A_1637 = arith.constant 0 : index
      %get3A_1638 = tpu.vector_load %arg7[%get3A_1636, %get3A_1637] {strides = array<i32>} : memref<104x32xf32, #tpu.memory_space<vmem>>, vector<1x16xf32>,
      %get3A_1639 = vector.shape_cast %get3A_1638 : vector<1x16xf32> to vector<16xf32>
      %add3A_1640 = arith.addf %add3A_1616, %get3A_1639 : vector<16xf32>
      %get3A_1641 = arith.constant 28 : i32
      %get3A_1642 = arith.index_cast %get3A_1641 : i32 to index
      %get3A_1643 = arith.constant 16 : index
      %get3A_1644 = tpu.vector_load %arg7[%get3A_1642, %get3A_1643] {strides = array<i32>} : memref<104x32xf32, #tpu.memory_space<vmem>>, vector<1x16xf32>,
      %get3A_1645 = vector.shape_cast %get3A_1644 : vector<1x16xf32> to vector<16xf32>
      %add3A_1646 = arith.addf %add3A_1622, %get3A_1645 : vector<16xf32>
      %get3A_1647 = arith.constant 29 : i32
      %get3A_1648 = arith.index_cast %get3A_1647 : i32 to index
      %get3A_1649 = arith.constant 0 : index
      %get3A_1650 = tpu.vector_load %arg7[%get3A_1648, %get3A_1649] {strides = array<i32>} : memref<104x32xf32, #tpu.memory_space<vmem>>, vector<1x16xf32>,
      %get3A_1651 = vector.shape_cast %get3A_1650 : vector<1x16xf32> to vector<16xf32>
      %add3A_1652 = arith.addf %add3A_1628, %get3A_1651 : vector<16xf32>
      %get3A_1653 = arith.constant 29 : i32
      %get3A_1654 = arith.index_cast %get3A_1653 : i32 to index
      %get3A_1655 = arith.constant 16 : index
      %get3A_1656 = tpu.vector_load %arg7[%get3A_1654, %get3A_1655] {strides = array<i32>} : memref<104x32xf32, #tpu.memory_space<vmem>>, vector<1x16xf32>,
      %get3A_1657 = vector.shape_cast %get3A_1656 : vector<1x16xf32> to vector<16xf32>
      %add3A_1658 = arith.addf %add3A_1634, %get3A_1657 : vector<16xf32>
      %get3A_1659 = arith.constant 30 : i32
      %get3A_1660 = arith.index_cast %get3A_1659 : i32 to index
      %get3A_1661 = arith.constant 0 : index
      %get3A_1662 = tpu.vector_load %arg7[%get3A_1660, %get3A_1661] {strides = array<i32>} : memref<104x32xf32, #tpu.memory_space<vmem>>, vector<1x16xf32>,
      %get3A_1663 = vector.shape_cast %get3A_1662 : vector<1x16xf32> to vector<16xf32>
      %add3A_1664 = arith.addf %add3A_1640, %get3A_1663 : vector<16xf32>
      %get3A_1665 = arith.constant 30 : i32
      %get3A_1666 = arith.index_cast %get3A_1665 : i32 to index
      %get3A_1667 = arith.constant 16 : index
      %get3A_1668 = tpu.vector_load %arg7[%get3A_1666, %get3A_1667] {strides = array<i32>} : memref<104x32xf32, #tpu.memory_space<vmem>>, vector<1x16xf32>,
      %get3A_1669 = vector.shape_cast %get3A_1668 : vector<1x16xf32> to vector<16xf32>
      %add3A_1670 = arith.addf %add3A_1646, %get3A_1669 : vector<16xf32>
      %get3A_1671 = arith.constant 31 : i32
      %get3A_1672 = arith.index_cast %get3A_1671 : i32 to index
      %get3A_1673 = arith.constant 0 : index
      %get3A_1674 = tpu.vector_load %arg7[%get3A_1672, %get3A_1673] {strides = array<i32>} : memref<104x32xf32, #tpu.memory_space<vmem>>, vector<1x16xf32>,
      %get3A_1675 = vector.shape_cast %get3A_1674 : vector<1x16xf32> to vector<16xf32>
      %add3A_1676 = arith.addf %add3A_1652, %get3A_1675 : vector<16xf32>
      %get3A_1677 = arith.constant 31 : i32
      %get3A_1678 = arith.index_cast %get3A_1677 : i32 to index
      %get3A_1679 = arith.constant 16 : index
      %get3A_1680 = tpu.vector_load %arg7[%get3A_1678, %get3A_1679] {strides = array<i32>} : memref<104x32xf32, #tpu.memory_space<vmem>>, vector<1x16xf32>,
      %get3A_1681 = vector.shape_cast %get3A_1680 : vector<1x16xf32> to vector<16xf32>
      %add3A_1682 = arith.addf %add3A_1658, %get3A_1681 : vector<16xf32>
      %get3A_1683 = arith.constant 32 : i32
      %get3A_1684 = arith.index_cast %get3A_1683 : i32 to index
      %get3A_1685 = arith.constant 0 : index
      %get3A_1686 = tpu.vector_load %arg7[%get3A_1684, %get3A_1685] {strides = array<i32>} : memref<104x32xf32, #tpu.memory_space<vmem>>, vector<1x16xf32>,
      %get3A_1687 = vector.shape_cast %get3A_1686 : vector<1x16xf32> to vector<16xf32>
      %add3A_1688 = arith.addf %add3A_1664, %get3A_1687 : vector<16xf32>
      %get3A_1689 = arith.constant 32 : i32
      %get3A_1690 = arith.index_cast %get3A_1689 : i32 to index
      %get3A_1691 = arith.constant 16 : index
      %get3A_1692 = tpu.vector_load %arg7[%get3A_1690, %get3A_1691] {strides = array<i32>} : memref<104x32xf32, #tpu.memory_space<vmem>>, vector<1x16xf32>,
      %get3A_1693 = vector.shape_cast %get3A_1692 : vector<1x16xf32> to vector<16xf32>
      %add3A_1694 = arith.addf %add3A_1670, %get3A_1693 : vector<16xf32>
      %get3A_1695 = arith.constant 33 : i32
      %get3A_1696 = arith.index_cast %get3A_1695 : i32 to index
      %get3A_1697 = arith.constant 0 : index
      %get3A_1698 = tpu.vector_load %arg7[%get3A_1696, %get3A_1697] {strides = array<i32>} : memref<104x32xf32, #tpu.memory_space<vmem>>, vector<1x16xf32>,
      %get3A_1699 = vector.shape_cast %get3A_1698 : vector<1x16xf32> to vector<16xf32>
      %add3A_1700 = arith.addf %add3A_1676, %get3A_1699 : vector<16xf32>
      %get3A_1701 = arith.constant 33 : i32
      %get3A_1702 = arith.index_cast %get3A_1701 : i32 to index
      %get3A_1703 = arith.constant 16 : index
      %get3A_1704 = tpu.vector_load %arg7[%get3A_1702, %get3A_1703] {strides = array<i32>} : memref<104x32xf32, #tpu.memory_space<vmem>>, vector<1x16xf32>,
      %get3A_1705 = vector.shape_cast %get3A_1704 : vector<1x16xf32> to vector<16xf32>
      %add3A_1706 = arith.addf %add3A_1682, %get3A_1705 : vector<16xf32>
      %get3A_1707 = arith.constant 34 : i32
      %get3A_1708 = arith.index_cast %get3A_1707 : i32 to index
      %get3A_1709 = arith.constant 0 : index
      %get3A_1710 = tpu.vector_load %arg7[%get3A_1708, %get3A_1709] {strides = array<i32>} : memref<104x32xf32, #tpu.memory_space<vmem>>, vector<1x16xf32>,
      %get3A_1711 = vector.shape_cast %get3A_1710 : vector<1x16xf32> to vector<16xf32>
      %add3A_1712 = arith.addf %add3A_1688, %get3A_1711 : vector<16xf32>
      %get3A_1713 = arith.constant 34 : i32
      %get3A_1714 = arith.index_cast %get3A_1713 : i32 to index
      %get3A_1715 = arith.constant 16 : index
      %get3A_1716 = tpu.vector_load %arg7[%get3A_1714, %get3A_1715] {strides = array<i32>} : memref<104x32xf32, #tpu.memory_space<vmem>>, vector<1x16xf32>,
      %get3A_1717 = vector.shape_cast %get3A_1716 : vector<1x16xf32> to vector<16xf32>
      %add3A_1718 = arith.addf %add3A_1694, %get3A_1717 : vector<16xf32>
      %get3A_1719 = arith.constant 35 : i32
      %get3A_1720 = arith.index_cast %get3A_1719 : i32 to index
      %get3A_1721 = arith.constant 0 : index
      %get3A_1722 = tpu.vector_load %arg7[%get3A_1720, %get3A_1721] {strides = array<i32>} : memref<104x32xf32, #tpu.memory_space<vmem>>, vector<1x16xf32>,
      %get3A_1723 = vector.shape_cast %get3A_1722 : vector<1x16xf32> to vector<16xf32>
      %add3A_1724 = arith.addf %add3A_1700, %get3A_1723 : vector<16xf32>
      %get3A_1725 = arith.constant 35 : i32
      %get3A_1726 = arith.index_cast %get3A_1725 : i32 to index
      %get3A_1727 = arith.constant 16 : index
      %get3A_1728 = tpu.vector_load %arg7[%get3A_1726, %get3A_1727] {strides = array<i32>} : memref<104x32xf32, #tpu.memory_space<vmem>>, vector<1x16xf32>,
      %get3A_1729 = vector.shape_cast %get3A_1728 : vector<1x16xf32> to vector<16xf32>
      %add3A_1730 = arith.addf %add3A_1706, %get3A_1729 : vector<16xf32>
      %get3A_1731 = arith.constant 36 : i32
      %get3A_1732 = arith.index_cast %get3A_1731 : i32 to index
      %get3A_1733 = arith.constant 0 : index
      %get3A_1734 = tpu.vector_load %arg7[%get3A_1732, %get3A_1733] {strides = array<i32>} : memref<104x32xf32, #tpu.memory_space<vmem>>, vector<1x16xf32>,
      %get3A_1735 = vector.shape_cast %get3A_1734 : vector<1x16xf32> to vector<16xf32>
      %add3A_1736 = arith.addf %add3A_1712, %get3A_1735 : vector<16xf32>
      %get3A_1737 = arith.constant 36 : i32
      %get3A_1738 = arith.index_cast %get3A_1737 : i32 to index
      %get3A_1739 = arith.constant 16 : index
      %get3A_1740 = tpu.vector_load %arg7[%get3A_1738, %get3A_1739] {strides = array<i32>} : memref<104x32xf32, #tpu.memory_space<vmem>>, vector<1x16xf32>,
      %get3A_1741 = vector.shape_cast %get3A_1740 : vector<1x16xf32> to vector<16xf32>
      %add3A_1742 = arith.addf %add3A_1718, %get3A_1741 : vector<16xf32>
      %get3A_1743 = arith.constant 37 : i32
      %get3A_1744 = arith.index_cast %get3A_1743 : i32 to index
      %get3A_1745 = arith.constant 0 : index
      %get3A_1746 = tpu.vector_load %arg7[%get3A_1744, %get3A_1745] {strides = array<i32>} : memref<104x32xf32, #tpu.memory_space<vmem>>, vector<1x16xf32>,
      %get3A_1747 = vector.shape_cast %get3A_1746 : vector<1x16xf32> to vector<16xf32>
      %add3A_1748 = arith.addf %add3A_1724, %get3A_1747 : vector<16xf32>
      %get3A_1749 = arith.constant 37 : i32
      %get3A_1750 = arith.index_cast %get3A_1749 : i32 to index
      %get3A_1751 = arith.constant 16 : index
      %get3A_1752 = tpu.vector_load %arg7[%get3A_1750, %get3A_1751] {strides = array<i32>} : memref<104x32xf32, #tpu.memory_space<vmem>>, vector<1x16xf32>,
      %get3A_1753 = vector.shape_cast %get3A_1752 : vector<1x16xf32> to vector<16xf32>
      %add3A_1754 = arith.addf %add3A_1730, %get3A_1753 : vector<16xf32>
      %get3A_1755 = arith.constant 38 : i32
      %get3A_1756 = arith.index_cast %get3A_1755 : i32 to index
      %get3A_1757 = arith.constant 0 : index
      %get3A_1758 = tpu.vector_load %arg7[%get3A_1756, %get3A_1757] {strides = array<i32>} : memref<104x32xf32, #tpu.memory_space<vmem>>, vector<1x16xf32>,
      %get3A_1759 = vector.shape_cast %get3A_1758 : vector<1x16xf32> to vector<16xf32>
      %add3A_1760 = arith.addf %add3A_1736, %get3A_1759 : vector<16xf32>
      %get3A_1761 = arith.constant 38 : i32
      %get3A_1762 = arith.index_cast %get3A_1761 : i32 to index
      %get3A_1763 = arith.constant 16 : index
      %get3A_1764 = tpu.vector_load %arg7[%get3A_1762, %get3A_1763] {strides = array<i32>} : memref<104x32xf32, #tpu.memory_space<vmem>>, vector<1x16xf32>,
      %get3A_1765 = vector.shape_cast %get3A_1764 : vector<1x16xf32> to vector<16xf32>
      %add3A_1766 = arith.addf %add3A_1742, %get3A_1765 : vector<16xf32>
      %get3A_1767 = arith.constant 39 : i32
      %get3A_1768 = arith.index_cast %get3A_1767 : i32 to index
      %get3A_1769 = arith.constant 0 : index
      %get3A_1770 = tpu.vector_load %arg7[%get3A_1768, %get3A_1769] {strides = array<i32>} : memref<104x32xf32, #tpu.memory_space<vmem>>, vector<1x16xf32>,
      %get3A_1771 = vector.shape_cast %get3A_1770 : vector<1x16xf32> to vector<16xf32>
      %add3A_1772 = arith.addf %add3A_1748, %get3A_1771 : vector<16xf32>
      %get3A_1773 = arith.constant 39 : i32
      %get3A_1774 = arith.index_cast %get3A_1773 : i32 to index
      %get3A_1775 = arith.constant 16 : index
      %get3A_1776 = tpu.vector_load %arg7[%get3A_1774, %get3A_1775] {strides = array<i32>} : memref<104x32xf32, #tpu.memory_space<vmem>>, vector<1x16xf32>,
      %get3A_1777 = vector.shape_cast %get3A_1776 : vector<1x16xf32> to vector<16xf32>
      %add3A_1778 = arith.addf %add3A_1754, %get3A_1777 : vector<16xf32>
      %get3A_1779 = arith.constant 40 : i32
      %get3A_1780 = arith.index_cast %get3A_1779 : i32 to index
      %get3A_1781 = arith.constant 0 : index
      %get3A_1782 = tpu.vector_load %arg7[%get3A_1780, %get3A_1781] {strides = array<i32>} : memref<104x32xf32, #tpu.memory_space<vmem>>, vector<1x16xf32>,
      %get3A_1783 = vector.shape_cast %get3A_1782 : vector<1x16xf32> to vector<16xf32>
      %add3A_1784 = arith.addf %add3A_1760, %get3A_1783 : vector<16xf32>
      %get3A_1785 = arith.constant 40 : i32
      %get3A_1786 = arith.index_cast %get3A_1785 : i32 to index
      %get3A_1787 = arith.constant 16 : index
      %get3A_1788 = tpu.vector_load %arg7[%get3A_1786, %get3A_1787] {strides = array<i32>} : memref<104x32xf32, #tpu.memory_space<vmem>>, vector<1x16xf32>,
      %get3A_1789 = vector.shape_cast %get3A_1788 : vector<1x16xf32> to vector<16xf32>
      %add3A_1790 = arith.addf %add3A_1766, %get3A_1789 : vector<16xf32>
      %get3A_1791 = arith.constant 41 : i32
      %get3A_1792 = arith.index_cast %get3A_1791 : i32 to index
      %get3A_1793 = arith.constant 0 : index
      %get3A_1794 = tpu.vector_load %arg7[%get3A_1792, %get3A_1793] {strides = array<i32>} : memref<104x32xf32, #tpu.memory_space<vmem>>, vector<1x16xf32>,
      %get3A_1795 = vector.shape_cast %get3A_1794 : vector<1x16xf32> to vector<16xf32>
      %add3A_1796 = arith.addf %add3A_1772, %get3A_1795 : vector<16xf32>
      %get3A_1797 = arith.constant 41 : i32
      %get3A_1798 = arith.index_cast %get3A_1797 : i32 to index
      %get3A_1799 = arith.constant 16 : index
      %get3A_1800 = tpu.vector_load %arg7[%get3A_1798, %get3A_1799] {strides = array<i32>} : memref<104x32xf32, #tpu.memory_space<vmem>>, vector<1x16xf32>,
      %get3A_1801 = vector.shape_cast %get3A_1800 : vector<1x16xf32> to vector<16xf32>
      %add3A_1802 = arith.addf %add3A_1778, %get3A_1801 : vector<16xf32>
      %get3A_1803 = arith.constant 42 : i32
      %get3A_1804 = arith.index_cast %get3A_1803 : i32 to index
      %get3A_1805 = arith.constant 0 : index
      %get3A_1806 = tpu.vector_load %arg7[%get3A_1804, %get3A_1805] {strides = array<i32>} : memref<104x32xf32, #tpu.memory_space<vmem>>, vector<1x16xf32>,
      %get3A_1807 = vector.shape_cast %get3A_1806 : vector<1x16xf32> to vector<16xf32>
      %add3A_1808 = arith.addf %add3A_1784, %get3A_1807 : vector<16xf32>
      %get3A_1809 = arith.constant 42 : i32
      %get3A_1810 = arith.index_cast %get3A_1809 : i32 to index
      %get3A_1811 = arith.constant 16 : index
      %get3A_1812 = tpu.vector_load %arg7[%get3A_1810, %get3A_1811] {strides = array<i32>} : memref<104x32xf32, #tpu.memory_space<vmem>>, vector<1x16xf32>,
      %get3A_1813 = vector.shape_cast %get3A_1812 : vector<1x16xf32> to vector<16xf32>
      %add3A_1814 = arith.addf %add3A_1790, %get3A_1813 : vector<16xf32>
      %get3A_1815 = arith.constant 43 : i32
      %get3A_1816 = arith.index_cast %get3A_1815 : i32 to index
      %get3A_1817 = arith.constant 0 : index
      %get3A_1818 = tpu.vector_load %arg7[%get3A_1816, %get3A_1817] {strides = array<i32>} : memref<104x32xf32, #tpu.memory_space<vmem>>, vector<1x16xf32>,
      %get3A_1819 = vector.shape_cast %get3A_1818 : vector<1x16xf32> to vector<16xf32>
      %add3A_1820 = arith.addf %add3A_1796, %get3A_1819 : vector<16xf32>
      %get3A_1821 = arith.constant 43 : i32
      %get3A_1822 = arith.index_cast %get3A_1821 : i32 to index
      %get3A_1823 = arith.constant 16 : index
      %get3A_1824 = tpu.vector_load %arg7[%get3A_1822, %get3A_1823] {strides = array<i32>} : memref<104x32xf32, #tpu.memory_space<vmem>>, vector<1x16xf32>,
      %get3A_1825 = vector.shape_cast %get3A_1824 : vector<1x16xf32> to vector<16xf32>
      %add3A_1826 = arith.addf %add3A_1802, %get3A_1825 : vector<16xf32>
      %get3A_1827 = arith.constant 44 : i32
      %get3A_1828 = arith.index_cast %get3A_1827 : i32 to index
      %get3A_1829 = arith.constant 0 : index
      %get3A_1830 = tpu.vector_load %arg7[%get3A_1828, %get3A_1829] {strides = array<i32>} : memref<104x32xf32, #tpu.memory_space<vmem>>, vector<1x16xf32>,
      %get3A_1831 = vector.shape_cast %get3A_1830 : vector<1x16xf32> to vector<16xf32>
      %add3A_1832 = arith.addf %add3A_1808, %get3A_1831 : vector<16xf32>
      %get3A_1833 = arith.constant 44 : i32
      %get3A_1834 = arith.index_cast %get3A_1833 : i32 to index
      %get3A_1835 = arith.constant 16 : index
      %get3A_1836 = tpu.vector_load %arg7[%get3A_1834, %get3A_1835] {strides = array<i32>} : memref<104x32xf32, #tpu.memory_space<vmem>>, vector<1x16xf32>,
      %get3A_1837 = vector.shape_cast %get3A_1836 : vector<1x16xf32> to vector<16xf32>
      %add3A_1838 = arith.addf %add3A_1814, %get3A_1837 : vector<16xf32>
      %get3A_1839 = arith.constant 45 : i32
      %get3A_1840 = arith.index_cast %get3A_1839 : i32 to index
      %get3A_1841 = arith.constant 0 : index
      %get3A_1842 = tpu.vector_load %arg7[%get3A_1840, %get3A_1841] {strides = array<i32>} : memref<104x32xf32, #tpu.memory_space<vmem>>, vector<1x16xf32>,
      %get3A_1843 = vector.shape_cast %get3A_1842 : vector<1x16xf32> to vector<16xf32>
      %add3A_1844 = arith.addf %add3A_1820, %get3A_1843 : vector<16xf32>
      %get3A_1845 = arith.constant 45 : i32
      %get3A_1846 = arith.index_cast %get3A_1845 : i32 to index
      %get3A_1847 = arith.constant 16 : index
      %get3A_1848 = tpu.vector_load %arg7[%get3A_1846, %get3A_1847] {strides = array<i32>} : memref<104x32xf32, #tpu.memory_space<vmem>>, vector<1x16xf32>,
      %get3A_1849 = vector.shape_cast %get3A_1848 : vector<1x16xf32> to vector<16xf32>
      %add3A_1850 = arith.addf %add3A_1826, %get3A_1849 : vector<16xf32>
      %get3A_1851 = arith.constant 46 : i32
      %get3A_1852 = arith.index_cast %get3A_1851 : i32 to index
      %get3A_1853 = arith.constant 0 : index
      %get3A_1854 = tpu.vector_load %arg7[%get3A_1852, %get3A_1853] {strides = array<i32>} : memref<104x32xf32, #tpu.memory_space<vmem>>, vector<1x16xf32>,
      %get3A_1855 = vector.shape_cast %get3A_1854 : vector<1x16xf32> to vector<16xf32>
      %add3A_1856 = arith.addf %add3A_1832, %get3A_1855 : vector<16xf32>
      %get3A_1857 = arith.constant 46 : i32
      %get3A_1858 = arith.index_cast %get3A_1857 : i32 to index
      %get3A_1859 = arith.constant 16 : index
      %get3A_1860 = tpu.vector_load %arg7[%get3A_1858, %get3A_1859] {strides = array<i32>} : memref<104x32xf32, #tpu.memory_space<vmem>>, vector<1x16xf32>,
      %get3A_1861 = vector.shape_cast %get3A_1860 : vector<1x16xf32> to vector<16xf32>
      %add3A_1862 = arith.addf %add3A_1838, %get3A_1861 : vector<16xf32>
      %get3A_1863 = arith.constant 47 : i32
      %get3A_1864 = arith.index_cast %get3A_1863 : i32 to index
      %get3A_1865 = arith.constant 0 : index
      %get3A_1866 = tpu.vector_load %arg7[%get3A_1864, %get3A_1865] {strides = array<i32>} : memref<104x32xf32, #tpu.memory_space<vmem>>, vector<1x16xf32>,
      %get3A_1867 = vector.shape_cast %get3A_1866 : vector<1x16xf32> to vector<16xf32>
      %add3A_1868 = arith.addf %add3A_1844, %get3A_1867 : vector<16xf32>
      %get3A_1869 = arith.constant 47 : i32
      %get3A_1870 = arith.index_cast %get3A_1869 : i32 to index
      %get3A_1871 = arith.constant 16 : index
      %get3A_1872 = tpu.vector_load %arg7[%get3A_1870, %get3A_1871] {strides = array<i32>} : memref<104x32xf32, #tpu.memory_space<vmem>>, vector<1x16xf32>,
      %get3A_1873 = vector.shape_cast %get3A_1872 : vector<1x16xf32> to vector<16xf32>
      %add3A_1874 = arith.addf %add3A_1850, %get3A_1873 : vector<16xf32>
      %get3A_1875 = arith.constant 48 : i32
      %get3A_1876 = arith.index_cast %get3A_1875 : i32 to index
      %get3A_1877 = arith.constant 0 : index
      %get3A_1878 = tpu.vector_load %arg7[%get3A_1876, %get3A_1877] {strides = array<i32>} : memref<104x32xf32, #tpu.memory_space<vmem>>, vector<1x16xf32>,
      %get3A_1879 = vector.shape_cast %get3A_1878 : vector<1x16xf32> to vector<16xf32>
      %add3A_1880 = arith.addf %add3A_1856, %get3A_1879 : vector<16xf32>
      %get3A_1881 = arith.constant 48 : i32
      %get3A_1882 = arith.index_cast %get3A_1881 : i32 to index
      %get3A_1883 = arith.constant 16 : index
      %get3A_1884 = tpu.vector_load %arg7[%get3A_1882, %get3A_1883] {strides = array<i32>} : memref<104x32xf32, #tpu.memory_space<vmem>>, vector<1x16xf32>,
      %get3A_1885 = vector.shape_cast %get3A_1884 : vector<1x16xf32> to vector<16xf32>
      %add3A_1886 = arith.addf %add3A_1862, %get3A_1885 : vector<16xf32>
      %get3A_1887 = arith.constant 49 : i32
      %get3A_1888 = arith.index_cast %get3A_1887 : i32 to index
      %get3A_1889 = arith.constant 0 : index
      %get3A_1890 = tpu.vector_load %arg7[%get3A_1888, %get3A_1889] {strides = array<i32>} : memref<104x32xf32, #tpu.memory_space<vmem>>, vector<1x16xf32>,
      %get3A_1891 = vector.shape_cast %get3A_1890 : vector<1x16xf32> to vector<16xf32>
      %add3A_1892 = arith.addf %add3A_1868, %get3A_1891 : vector<16xf32>
      %get3A_1893 = arith.constant 49 : i32
      %get3A_1894 = arith.index_cast %get3A_1893 : i32 to index
      %get3A_1895 = arith.constant 16 : index
      %get3A_1896 = tpu.vector_load %arg7[%get3A_1894, %get3A_1895] {strides = array<i32>} : memref<104x32xf32, #tpu.memory_space<vmem>>, vector<1x16xf32>,
      %get3A_1897 = vector.shape_cast %get3A_1896 : vector<1x16xf32> to vector<16xf32>
      %add3A_1898 = arith.addf %add3A_1874, %get3A_1897 : vector<16xf32>
      %add3A_1899 = arith.addf %add3A_1880, %add3A_1892 : vector<16xf32>
      %mul3A_1900 = arith.constant 2.44140625E-4 : f32
      %mul3A_1901 = vector.broadcast %mul3A_1900 : f32 to vector<16xf32>
      %mul3A_1902 = arith.mulf %add3A_1899, %mul3A_1901 : vector<16xf32>
      %mul3A_1903 = arith.constant 2 : i32
      %mul3A_1904 = arith.muli %mul3A_1903, %add3A_1296 : i32
      %add3A_1905 = arith.constant 0 : i32
      %add3A_1906 = arith.addi %mul3A_1904, %add3A_1905 : i32
      %swap3A_1907 = arith.index_cast %add3A_1906 : i32 to index
      %swap3A_1908 = arith.constant 0 : index
      %swap3A_1909 = tpu.vector_load %arg10[%swap3A_1907, %swap3A_1908] {strides = array<i32>} : memref<128x32xf32, #tpu.memory_space<vmem>>, vector<1x16xf32>,
      %swap3A_1910 = vector.shape_cast %swap3A_1909 : vector<1x16xf32> to vector<16xf32>
      %swap3A_1911 = vector.shape_cast %mul3A_1902 : vector<16xf32> to vector<1x16xf32>
      tpu.vector_store %arg10[%swap3A_1907, %swap3A_1908], %swap3A_1911 {strides = array<i32>} : memref<128x32xf32, #tpu.memory_space<vmem>>, vector<1x16xf32>,
      %add3A_1912 = arith.addf %add3A_1886, %add3A_1898 : vector<16xf32>
      %mul3A_1913 = arith.constant 2.44140625E-4 : f32
      %mul3A_1914 = vector.broadcast %mul3A_1913 : f32 to vector<16xf32>
      %mul3A_1915 = arith.mulf %add3A_1912, %mul3A_1914 : vector<16xf32>
      %mul3A_1916 = arith.constant 2 : i32
      %mul3A_1917 = arith.muli %mul3A_1916, %add3A_1296 : i32
      %add3A_1918 = arith.constant 0 : i32
      %add3A_1919 = arith.addi %mul3A_1917, %add3A_1918 : i32
      %swap3A_1920 = arith.index_cast %add3A_1919 : i32 to index
      %swap3A_1921 = arith.constant 16 : index
      %swap3A_1922 = tpu.vector_load %arg10[%swap3A_1920, %swap3A_1921] {strides = array<i32>} : memref<128x32xf32, #tpu.memory_space<vmem>>, vector<1x16xf32>,
      %swap3A_1923 = vector.shape_cast %swap3A_1922 : vector<1x16xf32> to vector<16xf32>
      %swap3A_1924 = vector.shape_cast %mul3A_1915 : vector<16xf32> to vector<1x16xf32>
      tpu.vector_store %arg10[%swap3A_1920, %swap3A_1921], %swap3A_1924 {strides = array<i32>} : memref<128x32xf32, #tpu.memory_space<vmem>>, vector<1x16xf32>,
      %get3A_1925 = arith.constant 52 : i32
      %get3A_1926 = arith.index_cast %get3A_1925 : i32 to index
      %get3A_1927 = arith.constant 0 : index
      %get3A_1928 = tpu.vector_load %arg7[%get3A_1926, %get3A_1927] {strides = array<i32>} : memref<104x32xf32, #tpu.memory_space<vmem>>, vector<1x16xf32>,
      %get3A_1929 = vector.shape_cast %get3A_1928 : vector<1x16xf32> to vector<16xf32>
      %get3A_1930 = arith.constant 52 : i32
      %get3A_1931 = arith.index_cast %get3A_1930 : i32 to index
      %get3A_1932 = arith.constant 16 : index
      %get3A_1933 = tpu.vector_load %arg7[%get3A_1931, %get3A_1932] {strides = array<i32>} : memref<104x32xf32, #tpu.memory_space<vmem>>, vector<1x16xf32>,
      %get3A_1934 = vector.shape_cast %get3A_1933 : vector<1x16xf32> to vector<16xf32>
      %get3A_1935 = arith.constant 53 : i32
      %get3A_1936 = arith.index_cast %get3A_1935 : i32 to index
      %get3A_1937 = arith.constant 0 : index
      %get3A_1938 = tpu.vector_load %arg7[%get3A_1936, %get3A_1937] {strides = array<i32>} : memref<104x32xf32, #tpu.memory_space<vmem>>, vector<1x16xf32>,
      %get3A_1939 = vector.shape_cast %get3A_1938 : vector<1x16xf32> to vector<16xf32>
      %get3A_1940 = arith.constant 53 : i32
      %get3A_1941 = arith.index_cast %get3A_1940 : i32 to index
      %get3A_1942 = arith.constant 16 : index
      %get3A_1943 = tpu.vector_load %arg7[%get3A_1941, %get3A_1942] {strides = array<i32>} : memref<104x32xf32, #tpu.memory_space<vmem>>, vector<1x16xf32>,
      %get3A_1944 = vector.shape_cast %get3A_1943 : vector<1x16xf32> to vector<16xf32>
      %get3A_1945 = arith.constant 54 : i32
      %get3A_1946 = arith.index_cast %get3A_1945 : i32 to index
      %get3A_1947 = arith.constant 0 : index
      %get3A_1948 = tpu.vector_load %arg7[%get3A_1946, %get3A_1947] {strides = array<i32>} : memref<104x32xf32, #tpu.memory_space<vmem>>, vector<1x16xf32>,
      %get3A_1949 = vector.shape_cast %get3A_1948 : vector<1x16xf32> to vector<16xf32>
      %add3A_1950 = arith.addf %get3A_1929, %get3A_1949 : vector<16xf32>
      %get3A_1951 = arith.constant 54 : i32
      %get3A_1952 = arith.index_cast %get3A_1951 : i32 to index
      %get3A_1953 = arith.constant 16 : index
      %get3A_1954 = tpu.vector_load %arg7[%get3A_1952, %get3A_1953] {strides = array<i32>} : memref<104x32xf32, #tpu.memory_space<vmem>>, vector<1x16xf32>,
      %get3A_1955 = vector.shape_cast %get3A_1954 : vector<1x16xf32> to vector<16xf32>
      %add3A_1956 = arith.addf %get3A_1934, %get3A_1955 : vector<16xf32>
      %get3A_1957 = arith.constant 55 : i32
      %get3A_1958 = arith.index_cast %get3A_1957 : i32 to index
      %get3A_1959 = arith.constant 0 : index
      %get3A_1960 = tpu.vector_load %arg7[%get3A_1958, %get3A_1959] {strides = array<i32>} : memref<104x32xf32, #tpu.memory_space<vmem>>, vector<1x16xf32>,
      %get3A_1961 = vector.shape_cast %get3A_1960 : vector<1x16xf32> to vector<16xf32>
      %add3A_1962 = arith.addf %get3A_1939, %get3A_1961 : vector<16xf32>
      %get3A_1963 = arith.constant 55 : i32
      %get3A_1964 = arith.index_cast %get3A_1963 : i32 to index
      %get3A_1965 = arith.constant 16 : index
      %get3A_1966 = tpu.vector_load %arg7[%get3A_1964, %get3A_1965] {strides = array<i32>} : memref<104x32xf32, #tpu.memory_space<vmem>>, vector<1x16xf32>,
      %get3A_1967 = vector.shape_cast %get3A_1966 : vector<1x16xf32> to vector<16xf32>
      %add3A_1968 = arith.addf %get3A_1944, %get3A_1967 : vector<16xf32>
      %get3A_1969 = arith.constant 56 : i32
      %get3A_1970 = arith.index_cast %get3A_1969 : i32 to index
      %get3A_1971 = arith.constant 0 : index
      %get3A_1972 = tpu.vector_load %arg7[%get3A_1970, %get3A_1971] {strides = array<i32>} : memref<104x32xf32, #tpu.memory_space<vmem>>, vector<1x16xf32>,
      %get3A_1973 = vector.shape_cast %get3A_1972 : vector<1x16xf32> to vector<16xf32>
      %add3A_1974 = arith.addf %add3A_1950, %get3A_1973 : vector<16xf32>
      %get3A_1975 = arith.constant 56 : i32
      %get3A_1976 = arith.index_cast %get3A_1975 : i32 to index
      %get3A_1977 = arith.constant 16 : index
      %get3A_1978 = tpu.vector_load %arg7[%get3A_1976, %get3A_1977] {strides = array<i32>} : memref<104x32xf32, #tpu.memory_space<vmem>>, vector<1x16xf32>,
      %get3A_1979 = vector.shape_cast %get3A_1978 : vector<1x16xf32> to vector<16xf32>
      %add3A_1980 = arith.addf %add3A_1956, %get3A_1979 : vector<16xf32>
      %get3A_1981 = arith.constant 57 : i32
      %get3A_1982 = arith.index_cast %get3A_1981 : i32 to index
      %get3A_1983 = arith.constant 0 : index
      %get3A_1984 = tpu.vector_load %arg7[%get3A_1982, %get3A_1983] {strides = array<i32>} : memref<104x32xf32, #tpu.memory_space<vmem>>, vector<1x16xf32>,
      %get3A_1985 = vector.shape_cast %get3A_1984 : vector<1x16xf32> to vector<16xf32>
      %add3A_1986 = arith.addf %add3A_1962, %get3A_1985 : vector<16xf32>
      %get3A_1987 = arith.constant 57 : i32
      %get3A_1988 = arith.index_cast %get3A_1987 : i32 to index
      %get3A_1989 = arith.constant 16 : index
      %get3A_1990 = tpu.vector_load %arg7[%get3A_1988, %get3A_1989] {strides = array<i32>} : memref<104x32xf32, #tpu.memory_space<vmem>>, vector<1x16xf32>,
      %get3A_1991 = vector.shape_cast %get3A_1990 : vector<1x16xf32> to vector<16xf32>
      %add3A_1992 = arith.addf %add3A_1968, %get3A_1991 : vector<16xf32>
      %get3A_1993 = arith.constant 58 : i32
      %get3A_1994 = arith.index_cast %get3A_1993 : i32 to index
      %get3A_1995 = arith.constant 0 : index
      %get3A_1996 = tpu.vector_load %arg7[%get3A_1994, %get3A_1995] {strides = array<i32>} : memref<104x32xf32, #tpu.memory_space<vmem>>, vector<1x16xf32>,
      %get3A_1997 = vector.shape_cast %get3A_1996 : vector<1x16xf32> to vector<16xf32>
      %add3A_1998 = arith.addf %add3A_1974, %get3A_1997 : vector<16xf32>
      %get3A_1999 = arith.constant 58 : i32
      %get3A_2000 = arith.index_cast %get3A_1999 : i32 to index
      %get3A_2001 = arith.constant 16 : index
      %get3A_2002 = tpu.vector_load %arg7[%get3A_2000, %get3A_2001] {strides = array<i32>} : memref<104x32xf32, #tpu.memory_space<vmem>>, vector<1x16xf32>,
      %get3A_2003 = vector.shape_cast %get3A_2002 : vector<1x16xf32> to vector<16xf32>
      %add3A_2004 = arith.addf %add3A_1980, %get3A_2003 : vector<16xf32>
      %get3A_2005 = arith.constant 59 : i32
      %get3A_2006 = arith.index_cast %get3A_2005 : i32 to index
      %get3A_2007 = arith.constant 0 : index
      %get3A_2008 = tpu.vector_load %arg7[%get3A_2006, %get3A_2007] {strides = array<i32>} : memref<104x32xf32, #tpu.memory_space<vmem>>, vector<1x16xf32>,
      %get3A_2009 = vector.shape_cast %get3A_2008 : vector<1x16xf32> to vector<16xf32>
      %add3A_2010 = arith.addf %add3A_1986, %get3A_2009 : vector<16xf32>
      %get3A_2011 = arith.constant 59 : i32
      %get3A_2012 = arith.index_cast %get3A_2011 : i32 to index
      %get3A_2013 = arith.constant 16 : index
      %get3A_2014 = tpu.vector_load %arg7[%get3A_2012, %get3A_2013] {strides = array<i32>} : memref<104x32xf32, #tpu.memory_space<vmem>>, vector<1x16xf32>,
      %get3A_2015 = vector.shape_cast %get3A_2014 : vector<1x16xf32> to vector<16xf32>
      %add3A_2016 = arith.addf %add3A_1992, %get3A_2015 : vector<16xf32>
      %get3A_2017 = arith.constant 60 : i32
      %get3A_2018 = arith.index_cast %get3A_2017 : i32 to index
      %get3A_2019 = arith.constant 0 : index
      %get3A_2020 = tpu.vector_load %arg7[%get3A_2018, %get3A_2019] {strides = array<i32>} : memref<104x32xf32, #tpu.memory_space<vmem>>, vector<1x16xf32>,
      %get3A_2021 = vector.shape_cast %get3A_2020 : vector<1x16xf32> to vector<16xf32>
      %add3A_2022 = arith.addf %add3A_1998, %get3A_2021 : vector<16xf32>
      %get3A_2023 = arith.constant 60 : i32
      %get3A_2024 = arith.index_cast %get3A_2023 : i32 to index
      %get3A_2025 = arith.constant 16 : index
      %get3A_2026 = tpu.vector_load %arg7[%get3A_2024, %get3A_2025] {strides = array<i32>} : memref<104x32xf32, #tpu.memory_space<vmem>>, vector<1x16xf32>,
      %get3A_2027 = vector.shape_cast %get3A_2026 : vector<1x16xf32> to vector<16xf32>
      %add3A_2028 = arith.addf %add3A_2004, %get3A_2027 : vector<16xf32>
      %get3A_2029 = arith.constant 61 : i32
      %get3A_2030 = arith.index_cast %get3A_2029 : i32 to index
      %get3A_2031 = arith.constant 0 : index
      %get3A_2032 = tpu.vector_load %arg7[%get3A_2030, %get3A_2031] {strides = array<i32>} : memref<104x32xf32, #tpu.memory_space<vmem>>, vector<1x16xf32>,
      %get3A_2033 = vector.shape_cast %get3A_2032 : vector<1x16xf32> to vector<16xf32>
      %add3A_2034 = arith.addf %add3A_2010, %get3A_2033 : vector<16xf32>
      %get3A_2035 = arith.constant 61 : i32
      %get3A_2036 = arith.index_cast %get3A_2035 : i32 to index
      %get3A_2037 = arith.constant 16 : index
      %get3A_2038 = tpu.vector_load %arg7[%get3A_2036, %get3A_2037] {strides = array<i32>} : memref<104x32xf32, #tpu.memory_space<vmem>>, vector<1x16xf32>,
      %get3A_2039 = vector.shape_cast %get3A_2038 : vector<1x16xf32> to vector<16xf32>
      %add3A_2040 = arith.addf %add3A_2016, %get3A_2039 : vector<16xf32>
      %get3A_2041 = arith.constant 62 : i32
      %get3A_2042 = arith.index_cast %get3A_2041 : i32 to index
      %get3A_2043 = arith.constant 0 : index
      %get3A_2044 = tpu.vector_load %arg7[%get3A_2042, %get3A_2043] {strides = array<i32>} : memref<104x32xf32, #tpu.memory_space<vmem>>, vector<1x16xf32>,
      %get3A_2045 = vector.shape_cast %get3A_2044 : vector<1x16xf32> to vector<16xf32>
      %add3A_2046 = arith.addf %add3A_2022, %get3A_2045 : vector<16xf32>
      %get3A_2047 = arith.constant 62 : i32
      %get3A_2048 = arith.index_cast %get3A_2047 : i32 to index
      %get3A_2049 = arith.constant 16 : index
      %get3A_2050 = tpu.vector_load %arg7[%get3A_2048, %get3A_2049] {strides = array<i32>} : memref<104x32xf32, #tpu.memory_space<vmem>>, vector<1x16xf32>,
      %get3A_2051 = vector.shape_cast %get3A_2050 : vector<1x16xf32> to vector<16xf32>
      %add3A_2052 = arith.addf %add3A_2028, %get3A_2051 : vector<16xf32>
      %get3A_2053 = arith.constant 63 : i32
      %get3A_2054 = arith.index_cast %get3A_2053 : i32 to index
      %get3A_2055 = arith.constant 0 : index
      %get3A_2056 = tpu.vector_load %arg7[%get3A_2054, %get3A_2055] {strides = array<i32>} : memref<104x32xf32, #tpu.memory_space<vmem>>, vector<1x16xf32>,
      %get3A_2057 = vector.shape_cast %get3A_2056 : vector<1x16xf32> to vector<16xf32>
      %add3A_2058 = arith.addf %add3A_2034, %get3A_2057 : vector<16xf32>
      %get3A_2059 = arith.constant 63 : i32
      %get3A_2060 = arith.index_cast %get3A_2059 : i32 to index
      %get3A_2061 = arith.constant 16 : index
      %get3A_2062 = tpu.vector_load %arg7[%get3A_2060, %get3A_2061] {strides = array<i32>} : memref<104x32xf32, #tpu.memory_space<vmem>>, vector<1x16xf32>,
      %get3A_2063 = vector.shape_cast %get3A_2062 : vector<1x16xf32> to vector<16xf32>
      %add3A_2064 = arith.addf %add3A_2040, %get3A_2063 : vector<16xf32>
      %get3A_2065 = arith.constant 64 : i32
      %get3A_2066 = arith.index_cast %get3A_2065 : i32 to index
      %get3A_2067 = arith.constant 0 : index
      %get3A_2068 = tpu.vector_load %arg7[%get3A_2066, %get3A_2067] {strides = array<i32>} : memref<104x32xf32, #tpu.memory_space<vmem>>, vector<1x16xf32>,
      %get3A_2069 = vector.shape_cast %get3A_2068 : vector<1x16xf32> to vector<16xf32>
      %add3A_2070 = arith.addf %add3A_2046, %get3A_2069 : vector<16xf32>
      %get3A_2071 = arith.constant 64 : i32
      %get3A_2072 = arith.index_cast %get3A_2071 : i32 to index
      %get3A_2073 = arith.constant 16 : index
      %get3A_2074 = tpu.vector_load %arg7[%get3A_2072, %get3A_2073] {strides = array<i32>} : memref<104x32xf32, #tpu.memory_space<vmem>>, vector<1x16xf32>,
      %get3A_2075 = vector.shape_cast %get3A_2074 : vector<1x16xf32> to vector<16xf32>
      %add3A_2076 = arith.addf %add3A_2052, %get3A_2075 : vector<16xf32>
      %get3A_2077 = arith.constant 65 : i32
      %get3A_2078 = arith.index_cast %get3A_2077 : i32 to index
      %get3A_2079 = arith.constant 0 : index
      %get3A_2080 = tpu.vector_load %arg7[%get3A_2078, %get3A_2079] {strides = array<i32>} : memref<104x32xf32, #tpu.memory_space<vmem>>, vector<1x16xf32>,
      %get3A_2081 = vector.shape_cast %get3A_2080 : vector<1x16xf32> to vector<16xf32>
      %add3A_2082 = arith.addf %add3A_2058, %get3A_2081 : vector<16xf32>
      %get3A_2083 = arith.constant 65 : i32
      %get3A_2084 = arith.index_cast %get3A_2083 : i32 to index
      %get3A_2085 = arith.constant 16 : index
      %get3A_2086 = tpu.vector_load %arg7[%get3A_2084, %get3A_2085] {strides = array<i32>} : memref<104x32xf32, #tpu.memory_space<vmem>>, vector<1x16xf32>,
      %get3A_2087 = vector.shape_cast %get3A_2086 : vector<1x16xf32> to vector<16xf32>
      %add3A_2088 = arith.addf %add3A_2064, %get3A_2087 : vector<16xf32>
      %get3A_2089 = arith.constant 66 : i32
      %get3A_2090 = arith.index_cast %get3A_2089 : i32 to index
      %get3A_2091 = arith.constant 0 : index
      %get3A_2092 = tpu.vector_load %arg7[%get3A_2090, %get3A_2091] {strides = array<i32>} : memref<104x32xf32, #tpu.memory_space<vmem>>, vector<1x16xf32>,
      %get3A_2093 = vector.shape_cast %get3A_2092 : vector<1x16xf32> to vector<16xf32>
      %add3A_2094 = arith.addf %add3A_2070, %get3A_2093 : vector<16xf32>
      %get3A_2095 = arith.constant 66 : i32
      %get3A_2096 = arith.index_cast %get3A_2095 : i32 to index
      %get3A_2097 = arith.constant 16 : index
      %get3A_2098 = tpu.vector_load %arg7[%get3A_2096, %get3A_2097] {strides = array<i32>} : memref<104x32xf32, #tpu.memory_space<vmem>>, vector<1x16xf32>,
      %get3A_2099 = vector.shape_cast %get3A_2098 : vector<1x16xf32> to vector<16xf32>
      %add3A_2100 = arith.addf %add3A_2076, %get3A_2099 : vector<16xf32>
      %get3A_2101 = arith.constant 67 : i32
      %get3A_2102 = arith.index_cast %get3A_2101 : i32 to index
      %get3A_2103 = arith.constant 0 : index
      %get3A_2104 = tpu.vector_load %arg7[%get3A_2102, %get3A_2103] {strides = array<i32>} : memref<104x32xf32, #tpu.memory_space<vmem>>, vector<1x16xf32>,
      %get3A_2105 = vector.shape_cast %get3A_2104 : vector<1x16xf32> to vector<16xf32>
      %add3A_2106 = arith.addf %add3A_2082, %get3A_2105 : vector<16xf32>
      %get3A_2107 = arith.constant 67 : i32
      %get3A_2108 = arith.index_cast %get3A_2107 : i32 to index
      %get3A_2109 = arith.constant 16 : index
      %get3A_2110 = tpu.vector_load %arg7[%get3A_2108, %get3A_2109] {strides = array<i32>} : memref<104x32xf32, #tpu.memory_space<vmem>>, vector<1x16xf32>,
      %get3A_2111 = vector.shape_cast %get3A_2110 : vector<1x16xf32> to vector<16xf32>
      %add3A_2112 = arith.addf %add3A_2088, %get3A_2111 : vector<16xf32>
      %get3A_2113 = arith.constant 68 : i32
      %get3A_2114 = arith.index_cast %get3A_2113 : i32 to index
      %get3A_2115 = arith.constant 0 : index
      %get3A_2116 = tpu.vector_load %arg7[%get3A_2114, %get3A_2115] {strides = array<i32>} : memref<104x32xf32, #tpu.memory_space<vmem>>, vector<1x16xf32>,
      %get3A_2117 = vector.shape_cast %get3A_2116 : vector<1x16xf32> to vector<16xf32>
      %add3A_2118 = arith.addf %add3A_2094, %get3A_2117 : vector<16xf32>
      %get3A_2119 = arith.constant 68 : i32
      %get3A_2120 = arith.index_cast %get3A_2119 : i32 to index
      %get3A_2121 = arith.constant 16 : index
      %get3A_2122 = tpu.vector_load %arg7[%get3A_2120, %get3A_2121] {strides = array<i32>} : memref<104x32xf32, #tpu.memory_space<vmem>>, vector<1x16xf32>,
      %get3A_2123 = vector.shape_cast %get3A_2122 : vector<1x16xf32> to vector<16xf32>
      %add3A_2124 = arith.addf %add3A_2100, %get3A_2123 : vector<16xf32>
      %get3A_2125 = arith.constant 69 : i32
      %get3A_2126 = arith.index_cast %get3A_2125 : i32 to index
      %get3A_2127 = arith.constant 0 : index
      %get3A_2128 = tpu.vector_load %arg7[%get3A_2126, %get3A_2127] {strides = array<i32>} : memref<104x32xf32, #tpu.memory_space<vmem>>, vector<1x16xf32>,
      %get3A_2129 = vector.shape_cast %get3A_2128 : vector<1x16xf32> to vector<16xf32>
      %add3A_2130 = arith.addf %add3A_2106, %get3A_2129 : vector<16xf32>
      %get3A_2131 = arith.constant 69 : i32
      %get3A_2132 = arith.index_cast %get3A_2131 : i32 to index
      %get3A_2133 = arith.constant 16 : index
      %get3A_2134 = tpu.vector_load %arg7[%get3A_2132, %get3A_2133] {strides = array<i32>} : memref<104x32xf32, #tpu.memory_space<vmem>>, vector<1x16xf32>,
      %get3A_2135 = vector.shape_cast %get3A_2134 : vector<1x16xf32> to vector<16xf32>
      %add3A_2136 = arith.addf %add3A_2112, %get3A_2135 : vector<16xf32>
      %get3A_2137 = arith.constant 70 : i32
      %get3A_2138 = arith.index_cast %get3A_2137 : i32 to index
      %get3A_2139 = arith.constant 0 : index
      %get3A_2140 = tpu.vector_load %arg7[%get3A_2138, %get3A_2139] {strides = array<i32>} : memref<104x32xf32, #tpu.memory_space<vmem>>, vector<1x16xf32>,
      %get3A_2141 = vector.shape_cast %get3A_2140 : vector<1x16xf32> to vector<16xf32>
      %add3A_2142 = arith.addf %add3A_2118, %get3A_2141 : vector<16xf32>
      %get3A_2143 = arith.constant 70 : i32
      %get3A_2144 = arith.index_cast %get3A_2143 : i32 to index
      %get3A_2145 = arith.constant 16 : index
      %get3A_2146 = tpu.vector_load %arg7[%get3A_2144, %get3A_2145] {strides = array<i32>} : memref<104x32xf32, #tpu.memory_space<vmem>>, vector<1x16xf32>,
      %get3A_2147 = vector.shape_cast %get3A_2146 : vector<1x16xf32> to vector<16xf32>
      %add3A_2148 = arith.addf %add3A_2124, %get3A_2147 : vector<16xf32>
      %get3A_2149 = arith.constant 71 : i32
      %get3A_2150 = arith.index_cast %get3A_2149 : i32 to index
      %get3A_2151 = arith.constant 0 : index
      %get3A_2152 = tpu.vector_load %arg7[%get3A_2150, %get3A_2151] {strides = array<i32>} : memref<104x32xf32, #tpu.memory_space<vmem>>, vector<1x16xf32>,
      %get3A_2153 = vector.shape_cast %get3A_2152 : vector<1x16xf32> to vector<16xf32>
      %add3A_2154 = arith.addf %add3A_2130, %get3A_2153 : vector<16xf32>
      %get3A_2155 = arith.constant 71 : i32
      %get3A_2156 = arith.index_cast %get3A_2155 : i32 to index
      %get3A_2157 = arith.constant 16 : index
      %get3A_2158 = tpu.vector_load %arg7[%get3A_2156, %get3A_2157] {strides = array<i32>} : memref<104x32xf32, #tpu.memory_space<vmem>>, vector<1x16xf32>,
      %get3A_2159 = vector.shape_cast %get3A_2158 : vector<1x16xf32> to vector<16xf32>
      %add3A_2160 = arith.addf %add3A_2136, %get3A_2159 : vector<16xf32>
      %get3A_2161 = arith.constant 72 : i32
      %get3A_2162 = arith.index_cast %get3A_2161 : i32 to index
      %get3A_2163 = arith.constant 0 : index
      %get3A_2164 = tpu.vector_load %arg7[%get3A_2162, %get3A_2163] {strides = array<i32>} : memref<104x32xf32, #tpu.memory_space<vmem>>, vector<1x16xf32>,
      %get3A_2165 = vector.shape_cast %get3A_2164 : vector<1x16xf32> to vector<16xf32>
      %add3A_2166 = arith.addf %add3A_2142, %get3A_2165 : vector<16xf32>
      %get3A_2167 = arith.constant 72 : i32
      %get3A_2168 = arith.index_cast %get3A_2167 : i32 to index
      %get3A_2169 = arith.constant 16 : index
      %get3A_2170 = tpu.vector_load %arg7[%get3A_2168, %get3A_2169] {strides = array<i32>} : memref<104x32xf32, #tpu.memory_space<vmem>>, vector<1x16xf32>,
      %get3A_2171 = vector.shape_cast %get3A_2170 : vector<1x16xf32> to vector<16xf32>
      %add3A_2172 = arith.addf %add3A_2148, %get3A_2171 : vector<16xf32>
      %get3A_2173 = arith.constant 73 : i32
      %get3A_2174 = arith.index_cast %get3A_2173 : i32 to index
      %get3A_2175 = arith.constant 0 : index
      %get3A_2176 = tpu.vector_load %arg7[%get3A_2174, %get3A_2175] {strides = array<i32>} : memref<104x32xf32, #tpu.memory_space<vmem>>, vector<1x16xf32>,
      %get3A_2177 = vector.shape_cast %get3A_2176 : vector<1x16xf32> to vector<16xf32>
      %add3A_2178 = arith.addf %add3A_2154, %get3A_2177 : vector<16xf32>
      %get3A_2179 = arith.constant 73 : i32
      %get3A_2180 = arith.index_cast %get3A_2179 : i32 to index
      %get3A_2181 = arith.constant 16 : index
      %get3A_2182 = tpu.vector_load %arg7[%get3A_2180, %get3A_2181] {strides = array<i32>} : memref<104x32xf32, #tpu.memory_space<vmem>>, vector<1x16xf32>,
      %get3A_2183 = vector.shape_cast %get3A_2182 : vector<1x16xf32> to vector<16xf32>
      %add3A_2184 = arith.addf %add3A_2160, %get3A_2183 : vector<16xf32>
      %get3A_2185 = arith.constant 74 : i32
      %get3A_2186 = arith.index_cast %get3A_2185 : i32 to index
      %get3A_2187 = arith.constant 0 : index
      %get3A_2188 = tpu.vector_load %arg7[%get3A_2186, %get3A_2187] {strides = array<i32>} : memref<104x32xf32, #tpu.memory_space<vmem>>, vector<1x16xf32>,
      %get3A_2189 = vector.shape_cast %get3A_2188 : vector<1x16xf32> to vector<16xf32>
      %add3A_2190 = arith.addf %add3A_2166, %get3A_2189 : vector<16xf32>
      %get3A_2191 = arith.constant 74 : i32
      %get3A_2192 = arith.index_cast %get3A_2191 : i32 to index
      %get3A_2193 = arith.constant 16 : index
      %get3A_2194 = tpu.vector_load %arg7[%get3A_2192, %get3A_2193] {strides = array<i32>} : memref<104x32xf32, #tpu.memory_space<vmem>>, vector<1x16xf32>,
      %get3A_2195 = vector.shape_cast %get3A_2194 : vector<1x16xf32> to vector<16xf32>
      %add3A_2196 = arith.addf %add3A_2172, %get3A_2195 : vector<16xf32>
      %get3A_2197 = arith.constant 75 : i32
      %get3A_2198 = arith.index_cast %get3A_2197 : i32 to index
      %get3A_2199 = arith.constant 0 : index
      %get3A_2200 = tpu.vector_load %arg7[%get3A_2198, %get3A_2199] {strides = array<i32>} : memref<104x32xf32, #tpu.memory_space<vmem>>, vector<1x16xf32>,
      %get3A_2201 = vector.shape_cast %get3A_2200 : vector<1x16xf32> to vector<16xf32>
      %add3A_2202 = arith.addf %add3A_2178, %get3A_2201 : vector<16xf32>
      %get3A_2203 = arith.constant 75 : i32
      %get3A_2204 = arith.index_cast %get3A_2203 : i32 to index
      %get3A_2205 = arith.constant 16 : index
      %get3A_2206 = tpu.vector_load %arg7[%get3A_2204, %get3A_2205] {strides = array<i32>} : memref<104x32xf32, #tpu.memory_space<vmem>>, vector<1x16xf32>,
      %get3A_2207 = vector.shape_cast %get3A_2206 : vector<1x16xf32> to vector<16xf32>
      %add3A_2208 = arith.addf %add3A_2184, %get3A_2207 : vector<16xf32>
      %get3A_2209 = arith.constant 76 : i32
      %get3A_2210 = arith.index_cast %get3A_2209 : i32 to index
      %get3A_2211 = arith.constant 0 : index
      %get3A_2212 = tpu.vector_load %arg7[%get3A_2210, %get3A_2211] {strides = array<i32>} : memref<104x32xf32, #tpu.memory_space<vmem>>, vector<1x16xf32>,
      %get3A_2213 = vector.shape_cast %get3A_2212 : vector<1x16xf32> to vector<16xf32>
      %add3A_2214 = arith.addf %add3A_2190, %get3A_2213 : vector<16xf32>
      %get3A_2215 = arith.constant 76 : i32
      %get3A_2216 = arith.index_cast %get3A_2215 : i32 to index
      %get3A_2217 = arith.constant 16 : index
      %get3A_2218 = tpu.vector_load %arg7[%get3A_2216, %get3A_2217] {strides = array<i32>} : memref<104x32xf32, #tpu.memory_space<vmem>>, vector<1x16xf32>,
      %get3A_2219 = vector.shape_cast %get3A_2218 : vector<1x16xf32> to vector<16xf32>
      %add3A_2220 = arith.addf %add3A_2196, %get3A_2219 : vector<16xf32>
      %get3A_2221 = arith.constant 77 : i32
      %get3A_2222 = arith.index_cast %get3A_2221 : i32 to index
      %get3A_2223 = arith.constant 0 : index
      %get3A_2224 = tpu.vector_load %arg7[%get3A_2222, %get3A_2223] {strides = array<i32>} : memref<104x32xf32, #tpu.memory_space<vmem>>, vector<1x16xf32>,
      %get3A_2225 = vector.shape_cast %get3A_2224 : vector<1x16xf32> to vector<16xf32>
      %add3A_2226 = arith.addf %add3A_2202, %get3A_2225 : vector<16xf32>
      %get3A_2227 = arith.constant 77 : i32
      %get3A_2228 = arith.index_cast %get3A_2227 : i32 to index
      %get3A_2229 = arith.constant 16 : index
      %get3A_2230 = tpu.vector_load %arg7[%get3A_2228, %get3A_2229] {strides = array<i32>} : memref<104x32xf32, #tpu.memory_space<vmem>>, vector<1x16xf32>,
      %get3A_2231 = vector.shape_cast %get3A_2230 : vector<1x16xf32> to vector<16xf32>
      %add3A_2232 = arith.addf %add3A_2208, %get3A_2231 : vector<16xf32>
      %get3A_2233 = arith.constant 78 : i32
      %get3A_2234 = arith.index_cast %get3A_2233 : i32 to index
      %get3A_2235 = arith.constant 0 : index
      %get3A_2236 = tpu.vector_load %arg7[%get3A_2234, %get3A_2235] {strides = array<i32>} : memref<104x32xf32, #tpu.memory_space<vmem>>, vector<1x16xf32>,
      %get3A_2237 = vector.shape_cast %get3A_2236 : vector<1x16xf32> to vector<16xf32>
      %add3A_2238 = arith.addf %add3A_2214, %get3A_2237 : vector<16xf32>
      %get3A_2239 = arith.constant 78 : i32
      %get3A_2240 = arith.index_cast %get3A_2239 : i32 to index
      %get3A_2241 = arith.constant 16 : index
      %get3A_2242 = tpu.vector_load %arg7[%get3A_2240, %get3A_2241] {strides = array<i32>} : memref<104x32xf32, #tpu.memory_space<vmem>>, vector<1x16xf32>,
      %get3A_2243 = vector.shape_cast %get3A_2242 : vector<1x16xf32> to vector<16xf32>
      %add3A_2244 = arith.addf %add3A_2220, %get3A_2243 : vector<16xf32>
      %get3A_2245 = arith.constant 79 : i32
      %get3A_2246 = arith.index_cast %get3A_2245 : i32 to index
      %get3A_2247 = arith.constant 0 : index
      %get3A_2248 = tpu.vector_load %arg7[%get3A_2246, %get3A_2247] {strides = array<i32>} : memref<104x32xf32, #tpu.memory_space<vmem>>, vector<1x16xf32>,
      %get3A_2249 = vector.shape_cast %get3A_2248 : vector<1x16xf32> to vector<16xf32>
      %add3A_2250 = arith.addf %add3A_2226, %get3A_2249 : vector<16xf32>
      %get3A_2251 = arith.constant 79 : i32
      %get3A_2252 = arith.index_cast %get3A_2251 : i32 to index
      %get3A_2253 = arith.constant 16 : index
      %get3A_2254 = tpu.vector_load %arg7[%get3A_2252, %get3A_2253] {strides = array<i32>} : memref<104x32xf32, #tpu.memory_space<vmem>>, vector<1x16xf32>,
      %get3A_2255 = vector.shape_cast %get3A_2254 : vector<1x16xf32> to vector<16xf32>
      %add3A_2256 = arith.addf %add3A_2232, %get3A_2255 : vector<16xf32>
      %get3A_2257 = arith.constant 80 : i32
      %get3A_2258 = arith.index_cast %get3A_2257 : i32 to index
      %get3A_2259 = arith.constant 0 : index
      %get3A_2260 = tpu.vector_load %arg7[%get3A_2258, %get3A_2259] {strides = array<i32>} : memref<104x32xf32, #tpu.memory_space<vmem>>, vector<1x16xf32>,
      %get3A_2261 = vector.shape_cast %get3A_2260 : vector<1x16xf32> to vector<16xf32>
      %add3A_2262 = arith.addf %add3A_2238, %get3A_2261 : vector<16xf32>
      %get3A_2263 = arith.constant 80 : i32
      %get3A_2264 = arith.index_cast %get3A_2263 : i32 to index
      %get3A_2265 = arith.constant 16 : index
      %get3A_2266 = tpu.vector_load %arg7[%get3A_2264, %get3A_2265] {strides = array<i32>} : memref<104x32xf32, #tpu.memory_space<vmem>>, vector<1x16xf32>,
      %get3A_2267 = vector.shape_cast %get3A_2266 : vector<1x16xf32> to vector<16xf32>
      %add3A_2268 = arith.addf %add3A_2244, %get3A_2267 : vector<16xf32>
      %get3A_2269 = arith.constant 81 : i32
      %get3A_2270 = arith.index_cast %get3A_2269 : i32 to index
      %get3A_2271 = arith.constant 0 : index
      %get3A_2272 = tpu.vector_load %arg7[%get3A_2270, %get3A_2271] {strides = array<i32>} : memref<104x32xf32, #tpu.memory_space<vmem>>, vector<1x16xf32>,
      %get3A_2273 = vector.shape_cast %get3A_2272 : vector<1x16xf32> to vector<16xf32>
      %add3A_2274 = arith.addf %add3A_2250, %get3A_2273 : vector<16xf32>
      %get3A_2275 = arith.constant 81 : i32
      %get3A_2276 = arith.index_cast %get3A_2275 : i32 to index
      %get3A_2277 = arith.constant 16 : index
      %get3A_2278 = tpu.vector_load %arg7[%get3A_2276, %get3A_2277] {strides = array<i32>} : memref<104x32xf32, #tpu.memory_space<vmem>>, vector<1x16xf32>,
      %get3A_2279 = vector.shape_cast %get3A_2278 : vector<1x16xf32> to vector<16xf32>
      %add3A_2280 = arith.addf %add3A_2256, %get3A_2279 : vector<16xf32>
      %get3A_2281 = arith.constant 82 : i32
      %get3A_2282 = arith.index_cast %get3A_2281 : i32 to index
      %get3A_2283 = arith.constant 0 : index
      %get3A_2284 = tpu.vector_load %arg7[%get3A_2282, %get3A_2283] {strides = array<i32>} : memref<104x32xf32, #tpu.memory_space<vmem>>, vector<1x16xf32>,
      %get3A_2285 = vector.shape_cast %get3A_2284 : vector<1x16xf32> to vector<16xf32>
      %add3A_2286 = arith.addf %add3A_2262, %get3A_2285 : vector<16xf32>
      %get3A_2287 = arith.constant 82 : i32
      %get3A_2288 = arith.index_cast %get3A_2287 : i32 to index
      %get3A_2289 = arith.constant 16 : index
      %get3A_2290 = tpu.vector_load %arg7[%get3A_2288, %get3A_2289] {strides = array<i32>} : memref<104x32xf32, #tpu.memory_space<vmem>>, vector<1x16xf32>,
      %get3A_2291 = vector.shape_cast %get3A_2290 : vector<1x16xf32> to vector<16xf32>
      %add3A_2292 = arith.addf %add3A_2268, %get3A_2291 : vector<16xf32>
      %get3A_2293 = arith.constant 83 : i32
      %get3A_2294 = arith.index_cast %get3A_2293 : i32 to index
      %get3A_2295 = arith.constant 0 : index
      %get3A_2296 = tpu.vector_load %arg7[%get3A_2294, %get3A_2295] {strides = array<i32>} : memref<104x32xf32, #tpu.memory_space<vmem>>, vector<1x16xf32>,
      %get3A_2297 = vector.shape_cast %get3A_2296 : vector<1x16xf32> to vector<16xf32>
      %add3A_2298 = arith.addf %add3A_2274, %get3A_2297 : vector<16xf32>
      %get3A_2299 = arith.constant 83 : i32
      %get3A_2300 = arith.index_cast %get3A_2299 : i32 to index
      %get3A_2301 = arith.constant 16 : index
      %get3A_2302 = tpu.vector_load %arg7[%get3A_2300, %get3A_2301] {strides = array<i32>} : memref<104x32xf32, #tpu.memory_space<vmem>>, vector<1x16xf32>,
      %get3A_2303 = vector.shape_cast %get3A_2302 : vector<1x16xf32> to vector<16xf32>
      %add3A_2304 = arith.addf %add3A_2280, %get3A_2303 : vector<16xf32>
      %get3A_2305 = arith.constant 84 : i32
      %get3A_2306 = arith.index_cast %get3A_2305 : i32 to index
      %get3A_2307 = arith.constant 0 : index
      %get3A_2308 = tpu.vector_load %arg7[%get3A_2306, %get3A_2307] {strides = array<i32>} : memref<104x32xf32, #tpu.memory_space<vmem>>, vector<1x16xf32>,
      %get3A_2309 = vector.shape_cast %get3A_2308 : vector<1x16xf32> to vector<16xf32>
      %add3A_2310 = arith.addf %add3A_2286, %get3A_2309 : vector<16xf32>
      %get3A_2311 = arith.constant 84 : i32
      %get3A_2312 = arith.index_cast %get3A_2311 : i32 to index
      %get3A_2313 = arith.constant 16 : index
      %get3A_2314 = tpu.vector_load %arg7[%get3A_2312, %get3A_2313] {strides = array<i32>} : memref<104x32xf32, #tpu.memory_space<vmem>>, vector<1x16xf32>,
      %get3A_2315 = vector.shape_cast %get3A_2314 : vector<1x16xf32> to vector<16xf32>
      %add3A_2316 = arith.addf %add3A_2292, %get3A_2315 : vector<16xf32>
      %get3A_2317 = arith.constant 85 : i32
      %get3A_2318 = arith.index_cast %get3A_2317 : i32 to index
      %get3A_2319 = arith.constant 0 : index
      %get3A_2320 = tpu.vector_load %arg7[%get3A_2318, %get3A_2319] {strides = array<i32>} : memref<104x32xf32, #tpu.memory_space<vmem>>, vector<1x16xf32>,
      %get3A_2321 = vector.shape_cast %get3A_2320 : vector<1x16xf32> to vector<16xf32>
      %add3A_2322 = arith.addf %add3A_2298, %get3A_2321 : vector<16xf32>
      %get3A_2323 = arith.constant 85 : i32
      %get3A_2324 = arith.index_cast %get3A_2323 : i32 to index
      %get3A_2325 = arith.constant 16 : index
      %get3A_2326 = tpu.vector_load %arg7[%get3A_2324, %get3A_2325] {strides = array<i32>} : memref<104x32xf32, #tpu.memory_space<vmem>>, vector<1x16xf32>,
      %get3A_2327 = vector.shape_cast %get3A_2326 : vector<1x16xf32> to vector<16xf32>
      %add3A_2328 = arith.addf %add3A_2304, %get3A_2327 : vector<16xf32>
      %get3A_2329 = arith.constant 86 : i32
      %get3A_2330 = arith.index_cast %get3A_2329 : i32 to index
      %get3A_2331 = arith.constant 0 : index
      %get3A_2332 = tpu.vector_load %arg7[%get3A_2330, %get3A_2331] {strides = array<i32>} : memref<104x32xf32, #tpu.memory_space<vmem>>, vector<1x16xf32>,
      %get3A_2333 = vector.shape_cast %get3A_2332 : vector<1x16xf32> to vector<16xf32>
      %add3A_2334 = arith.addf %add3A_2310, %get3A_2333 : vector<16xf32>
      %get3A_2335 = arith.constant 86 : i32
      %get3A_2336 = arith.index_cast %get3A_2335 : i32 to index
      %get3A_2337 = arith.constant 16 : index
      %get3A_2338 = tpu.vector_load %arg7[%get3A_2336, %get3A_2337] {strides = array<i32>} : memref<104x32xf32, #tpu.memory_space<vmem>>, vector<1x16xf32>,
      %get3A_2339 = vector.shape_cast %get3A_2338 : vector<1x16xf32> to vector<16xf32>
      %add3A_2340 = arith.addf %add3A_2316, %get3A_2339 : vector<16xf32>
      %get3A_2341 = arith.constant 87 : i32
      %get3A_2342 = arith.index_cast %get3A_2341 : i32 to index
      %get3A_2343 = arith.constant 0 : index
      %get3A_2344 = tpu.vector_load %arg7[%get3A_2342, %get3A_2343] {strides = array<i32>} : memref<104x32xf32, #tpu.memory_space<vmem>>, vector<1x16xf32>,
      %get3A_2345 = vector.shape_cast %get3A_2344 : vector<1x16xf32> to vector<16xf32>
      %add3A_2346 = arith.addf %add3A_2322, %get3A_2345 : vector<16xf32>
      %get3A_2347 = arith.constant 87 : i32
      %get3A_2348 = arith.index_cast %get3A_2347 : i32 to index
      %get3A_2349 = arith.constant 16 : index
      %get3A_2350 = tpu.vector_load %arg7[%get3A_2348, %get3A_2349] {strides = array<i32>} : memref<104x32xf32, #tpu.memory_space<vmem>>, vector<1x16xf32>,
      %get3A_2351 = vector.shape_cast %get3A_2350 : vector<1x16xf32> to vector<16xf32>
      %add3A_2352 = arith.addf %add3A_2328, %get3A_2351 : vector<16xf32>
      %get3A_2353 = arith.constant 88 : i32
      %get3A_2354 = arith.index_cast %get3A_2353 : i32 to index
      %get3A_2355 = arith.constant 0 : index
      %get3A_2356 = tpu.vector_load %arg7[%get3A_2354, %get3A_2355] {strides = array<i32>} : memref<104x32xf32, #tpu.memory_space<vmem>>, vector<1x16xf32>,
      %get3A_2357 = vector.shape_cast %get3A_2356 : vector<1x16xf32> to vector<16xf32>
      %add3A_2358 = arith.addf %add3A_2334, %get3A_2357 : vector<16xf32>
      %get3A_2359 = arith.constant 88 : i32
      %get3A_2360 = arith.index_cast %get3A_2359 : i32 to index
      %get3A_2361 = arith.constant 16 : index
      %get3A_2362 = tpu.vector_load %arg7[%get3A_2360, %get3A_2361] {strides = array<i32>} : memref<104x32xf32, #tpu.memory_space<vmem>>, vector<1x16xf32>,
      %get3A_2363 = vector.shape_cast %get3A_2362 : vector<1x16xf32> to vector<16xf32>
      %add3A_2364 = arith.addf %add3A_2340, %get3A_2363 : vector<16xf32>
      %get3A_2365 = arith.constant 89 : i32
      %get3A_2366 = arith.index_cast %get3A_2365 : i32 to index
      %get3A_2367 = arith.constant 0 : index
      %get3A_2368 = tpu.vector_load %arg7[%get3A_2366, %get3A_2367] {strides = array<i32>} : memref<104x32xf32, #tpu.memory_space<vmem>>, vector<1x16xf32>,
      %get3A_2369 = vector.shape_cast %get3A_2368 : vector<1x16xf32> to vector<16xf32>
      %add3A_2370 = arith.addf %add3A_2346, %get3A_2369 : vector<16xf32>
      %get3A_2371 = arith.constant 89 : i32
      %get3A_2372 = arith.index_cast %get3A_2371 : i32 to index
      %get3A_2373 = arith.constant 16 : index
      %get3A_2374 = tpu.vector_load %arg7[%get3A_2372, %get3A_2373] {strides = array<i32>} : memref<104x32xf32, #tpu.memory_space<vmem>>, vector<1x16xf32>,
      %get3A_2375 = vector.shape_cast %get3A_2374 : vector<1x16xf32> to vector<16xf32>
      %add3A_2376 = arith.addf %add3A_2352, %get3A_2375 : vector<16xf32>
      %get3A_2377 = arith.constant 90 : i32
      %get3A_2378 = arith.index_cast %get3A_2377 : i32 to index
      %get3A_2379 = arith.constant 0 : index
      %get3A_2380 = tpu.vector_load %arg7[%get3A_2378, %get3A_2379] {strides = array<i32>} : memref<104x32xf32, #tpu.memory_space<vmem>>, vector<1x16xf32>,
      %get3A_2381 = vector.shape_cast %get3A_2380 : vector<1x16xf32> to vector<16xf32>
      %add3A_2382 = arith.addf %add3A_2358, %get3A_2381 : vector<16xf32>
      %get3A_2383 = arith.constant 90 : i32
      %get3A_2384 = arith.index_cast %get3A_2383 : i32 to index
      %get3A_2385 = arith.constant 16 : index
      %get3A_2386 = tpu.vector_load %arg7[%get3A_2384, %get3A_2385] {strides = array<i32>} : memref<104x32xf32, #tpu.memory_space<vmem>>, vector<1x16xf32>,
      %get3A_2387 = vector.shape_cast %get3A_2386 : vector<1x16xf32> to vector<16xf32>
      %add3A_2388 = arith.addf %add3A_2364, %get3A_2387 : vector<16xf32>
      %get3A_2389 = arith.constant 91 : i32
      %get3A_2390 = arith.index_cast %get3A_2389 : i32 to index
      %get3A_2391 = arith.constant 0 : index
      %get3A_2392 = tpu.vector_load %arg7[%get3A_2390, %get3A_2391] {strides = array<i32>} : memref<104x32xf32, #tpu.memory_space<vmem>>, vector<1x16xf32>,
      %get3A_2393 = vector.shape_cast %get3A_2392 : vector<1x16xf32> to vector<16xf32>
      %add3A_2394 = arith.addf %add3A_2370, %get3A_2393 : vector<16xf32>
      %get3A_2395 = arith.constant 91 : i32
      %get3A_2396 = arith.index_cast %get3A_2395 : i32 to index
      %get3A_2397 = arith.constant 16 : index
      %get3A_2398 = tpu.vector_load %arg7[%get3A_2396, %get3A_2397] {strides = array<i32>} : memref<104x32xf32, #tpu.memory_space<vmem>>, vector<1x16xf32>,
      %get3A_2399 = vector.shape_cast %get3A_2398 : vector<1x16xf32> to vector<16xf32>
      %add3A_2400 = arith.addf %add3A_2376, %get3A_2399 : vector<16xf32>
      %get3A_2401 = arith.constant 92 : i32
      %get3A_2402 = arith.index_cast %get3A_2401 : i32 to index
      %get3A_2403 = arith.constant 0 : index
      %get3A_2404 = tpu.vector_load %arg7[%get3A_2402, %get3A_2403] {strides = array<i32>} : memref<104x32xf32, #tpu.memory_space<vmem>>, vector<1x16xf32>,
      %get3A_2405 = vector.shape_cast %get3A_2404 : vector<1x16xf32> to vector<16xf32>
      %add3A_2406 = arith.addf %add3A_2382, %get3A_2405 : vector<16xf32>
      %get3A_2407 = arith.constant 92 : i32
      %get3A_2408 = arith.index_cast %get3A_2407 : i32 to index
      %get3A_2409 = arith.constant 16 : index
      %get3A_2410 = tpu.vector_load %arg7[%get3A_2408, %get3A_2409] {strides = array<i32>} : memref<104x32xf32, #tpu.memory_space<vmem>>, vector<1x16xf32>,
      %get3A_2411 = vector.shape_cast %get3A_2410 : vector<1x16xf32> to vector<16xf32>
      %add3A_2412 = arith.addf %add3A_2388, %get3A_2411 : vector<16xf32>
      %get3A_2413 = arith.constant 93 : i32
      %get3A_2414 = arith.index_cast %get3A_2413 : i32 to index
      %get3A_2415 = arith.constant 0 : index
      %get3A_2416 = tpu.vector_load %arg7[%get3A_2414, %get3A_2415] {strides = array<i32>} : memref<104x32xf32, #tpu.memory_space<vmem>>, vector<1x16xf32>,
      %get3A_2417 = vector.shape_cast %get3A_2416 : vector<1x16xf32> to vector<16xf32>
      %add3A_2418 = arith.addf %add3A_2394, %get3A_2417 : vector<16xf32>
      %get3A_2419 = arith.constant 93 : i32
      %get3A_2420 = arith.index_cast %get3A_2419 : i32 to index
      %get3A_2421 = arith.constant 16 : index
      %get3A_2422 = tpu.vector_load %arg7[%get3A_2420, %get3A_2421] {strides = array<i32>} : memref<104x32xf32, #tpu.memory_space<vmem>>, vector<1x16xf32>,
      %get3A_2423 = vector.shape_cast %get3A_2422 : vector<1x16xf32> to vector<16xf32>
      %add3A_2424 = arith.addf %add3A_2400, %get3A_2423 : vector<16xf32>
      %get3A_2425 = arith.constant 94 : i32
      %get3A_2426 = arith.index_cast %get3A_2425 : i32 to index
      %get3A_2427 = arith.constant 0 : index
      %get3A_2428 = tpu.vector_load %arg7[%get3A_2426, %get3A_2427] {strides = array<i32>} : memref<104x32xf32, #tpu.memory_space<vmem>>, vector<1x16xf32>,
      %get3A_2429 = vector.shape_cast %get3A_2428 : vector<1x16xf32> to vector<16xf32>
      %add3A_2430 = arith.addf %add3A_2406, %get3A_2429 : vector<16xf32>
      %get3A_2431 = arith.constant 94 : i32
      %get3A_2432 = arith.index_cast %get3A_2431 : i32 to index
      %get3A_2433 = arith.constant 16 : index
      %get3A_2434 = tpu.vector_load %arg7[%get3A_2432, %get3A_2433] {strides = array<i32>} : memref<104x32xf32, #tpu.memory_space<vmem>>, vector<1x16xf32>,
      %get3A_2435 = vector.shape_cast %get3A_2434 : vector<1x16xf32> to vector<16xf32>
      %add3A_2436 = arith.addf %add3A_2412, %get3A_2435 : vector<16xf32>
      %get3A_2437 = arith.constant 95 : i32
      %get3A_2438 = arith.index_cast %get3A_2437 : i32 to index
      %get3A_2439 = arith.constant 0 : index
      %get3A_2440 = tpu.vector_load %arg7[%get3A_2438, %get3A_2439] {strides = array<i32>} : memref<104x32xf32, #tpu.memory_space<vmem>>, vector<1x16xf32>,
      %get3A_2441 = vector.shape_cast %get3A_2440 : vector<1x16xf32> to vector<16xf32>
      %add3A_2442 = arith.addf %add3A_2418, %get3A_2441 : vector<16xf32>
      %get3A_2443 = arith.constant 95 : i32
      %get3A_2444 = arith.index_cast %get3A_2443 : i32 to index
      %get3A_2445 = arith.constant 16 : index
      %get3A_2446 = tpu.vector_load %arg7[%get3A_2444, %get3A_2445] {strides = array<i32>} : memref<104x32xf32, #tpu.memory_space<vmem>>, vector<1x16xf32>,
      %get3A_2447 = vector.shape_cast %get3A_2446 : vector<1x16xf32> to vector<16xf32>
      %add3A_2448 = arith.addf %add3A_2424, %get3A_2447 : vector<16xf32>
      %get3A_2449 = arith.constant 96 : i32
      %get3A_2450 = arith.index_cast %get3A_2449 : i32 to index
      %get3A_2451 = arith.constant 0 : index
      %get3A_2452 = tpu.vector_load %arg7[%get3A_2450, %get3A_2451] {strides = array<i32>} : memref<104x32xf32, #tpu.memory_space<vmem>>, vector<1x16xf32>,
      %get3A_2453 = vector.shape_cast %get3A_2452 : vector<1x16xf32> to vector<16xf32>
      %add3A_2454 = arith.addf %add3A_2430, %get3A_2453 : vector<16xf32>
      %get3A_2455 = arith.constant 96 : i32
      %get3A_2456 = arith.index_cast %get3A_2455 : i32 to index
      %get3A_2457 = arith.constant 16 : index
      %get3A_2458 = tpu.vector_load %arg7[%get3A_2456, %get3A_2457] {strides = array<i32>} : memref<104x32xf32, #tpu.memory_space<vmem>>, vector<1x16xf32>,
      %get3A_2459 = vector.shape_cast %get3A_2458 : vector<1x16xf32> to vector<16xf32>
      %add3A_2460 = arith.addf %add3A_2436, %get3A_2459 : vector<16xf32>
      %get3A_2461 = arith.constant 97 : i32
      %get3A_2462 = arith.index_cast %get3A_2461 : i32 to index
      %get3A_2463 = arith.constant 0 : index
      %get3A_2464 = tpu.vector_load %arg7[%get3A_2462, %get3A_2463] {strides = array<i32>} : memref<104x32xf32, #tpu.memory_space<vmem>>, vector<1x16xf32>,
      %get3A_2465 = vector.shape_cast %get3A_2464 : vector<1x16xf32> to vector<16xf32>
      %add3A_2466 = arith.addf %add3A_2442, %get3A_2465 : vector<16xf32>
      %get3A_2467 = arith.constant 97 : i32
      %get3A_2468 = arith.index_cast %get3A_2467 : i32 to index
      %get3A_2469 = arith.constant 16 : index
      %get3A_2470 = tpu.vector_load %arg7[%get3A_2468, %get3A_2469] {strides = array<i32>} : memref<104x32xf32, #tpu.memory_space<vmem>>, vector<1x16xf32>,
      %get3A_2471 = vector.shape_cast %get3A_2470 : vector<1x16xf32> to vector<16xf32>
      %add3A_2472 = arith.addf %add3A_2448, %get3A_2471 : vector<16xf32>
      %get3A_2473 = arith.constant 98 : i32
      %get3A_2474 = arith.index_cast %get3A_2473 : i32 to index
      %get3A_2475 = arith.constant 0 : index
      %get3A_2476 = tpu.vector_load %arg7[%get3A_2474, %get3A_2475] {strides = array<i32>} : memref<104x32xf32, #tpu.memory_space<vmem>>, vector<1x16xf32>,
      %get3A_2477 = vector.shape_cast %get3A_2476 : vector<1x16xf32> to vector<16xf32>
      %add3A_2478 = arith.addf %add3A_2454, %get3A_2477 : vector<16xf32>
      %get3A_2479 = arith.constant 98 : i32
      %get3A_2480 = arith.index_cast %get3A_2479 : i32 to index
      %get3A_2481 = arith.constant 16 : index
      %get3A_2482 = tpu.vector_load %arg7[%get3A_2480, %get3A_2481] {strides = array<i32>} : memref<104x32xf32, #tpu.memory_space<vmem>>, vector<1x16xf32>,
      %get3A_2483 = vector.shape_cast %get3A_2482 : vector<1x16xf32> to vector<16xf32>
      %add3A_2484 = arith.addf %add3A_2460, %get3A_2483 : vector<16xf32>
      %get3A_2485 = arith.constant 99 : i32
      %get3A_2486 = arith.index_cast %get3A_2485 : i32 to index
      %get3A_2487 = arith.constant 0 : index
      %get3A_2488 = tpu.vector_load %arg7[%get3A_2486, %get3A_2487] {strides = array<i32>} : memref<104x32xf32, #tpu.memory_space<vmem>>, vector<1x16xf32>,
      %get3A_2489 = vector.shape_cast %get3A_2488 : vector<1x16xf32> to vector<16xf32>
      %add3A_2490 = arith.addf %add3A_2466, %get3A_2489 : vector<16xf32>
      %get3A_2491 = arith.constant 99 : i32
      %get3A_2492 = arith.index_cast %get3A_2491 : i32 to index
      %get3A_2493 = arith.constant 16 : index
      %get3A_2494 = tpu.vector_load %arg7[%get3A_2492, %get3A_2493] {strides = array<i32>} : memref<104x32xf32, #tpu.memory_space<vmem>>, vector<1x16xf32>,
      %get3A_2495 = vector.shape_cast %get3A_2494 : vector<1x16xf32> to vector<16xf32>
      %add3A_2496 = arith.addf %add3A_2472, %get3A_2495 : vector<16xf32>
      %get3A_2497 = arith.constant 100 : i32
      %get3A_2498 = arith.index_cast %get3A_2497 : i32 to index
      %get3A_2499 = arith.constant 0 : index
      %get3A_2500 = tpu.vector_load %arg7[%get3A_2498, %get3A_2499] {strides = array<i32>} : memref<104x32xf32, #tpu.memory_space<vmem>>, vector<1x16xf32>,
      %get3A_2501 = vector.shape_cast %get3A_2500 : vector<1x16xf32> to vector<16xf32>
      %add3A_2502 = arith.addf %add3A_2478, %get3A_2501 : vector<16xf32>
      %get3A_2503 = arith.constant 100 : i32
      %get3A_2504 = arith.index_cast %get3A_2503 : i32 to index
      %get3A_2505 = arith.constant 16 : index
      %get3A_2506 = tpu.vector_load %arg7[%get3A_2504, %get3A_2505] {strides = array<i32>} : memref<104x32xf32, #tpu.memory_space<vmem>>, vector<1x16xf32>,
      %get3A_2507 = vector.shape_cast %get3A_2506 : vector<1x16xf32> to vector<16xf32>
      %add3A_2508 = arith.addf %add3A_2484, %get3A_2507 : vector<16xf32>
      %get3A_2509 = arith.constant 101 : i32
      %get3A_2510 = arith.index_cast %get3A_2509 : i32 to index
      %get3A_2511 = arith.constant 0 : index
      %get3A_2512 = tpu.vector_load %arg7[%get3A_2510, %get3A_2511] {strides = array<i32>} : memref<104x32xf32, #tpu.memory_space<vmem>>, vector<1x16xf32>,
      %get3A_2513 = vector.shape_cast %get3A_2512 : vector<1x16xf32> to vector<16xf32>
      %add3A_2514 = arith.addf %add3A_2490, %get3A_2513 : vector<16xf32>
      %get3A_2515 = arith.constant 101 : i32
      %get3A_2516 = arith.index_cast %get3A_2515 : i32 to index
      %get3A_2517 = arith.constant 16 : index
      %get3A_2518 = tpu.vector_load %arg7[%get3A_2516, %get3A_2517] {strides = array<i32>} : memref<104x32xf32, #tpu.memory_space<vmem>>, vector<1x16xf32>,
      %get3A_2519 = vector.shape_cast %get3A_2518 : vector<1x16xf32> to vector<16xf32>
      %add3A_2520 = arith.addf %add3A_2496, %get3A_2519 : vector<16xf32>
      %add3A_2521 = arith.addf %add3A_2502, %add3A_2514 : vector<16xf32>
      %mul3A_2522 = arith.constant 2.44140625E-4 : f32
      %mul3A_2523 = vector.broadcast %mul3A_2522 : f32 to vector<16xf32>
      %mul3A_2524 = arith.mulf %add3A_2521, %mul3A_2523 : vector<16xf32>
      %mul3A_2525 = arith.constant 2 : i32
      %mul3A_2526 = arith.muli %mul3A_2525, %add3A_1296 : i32
      %add3A_2527 = arith.constant 1 : i32
      %add3A_2528 = arith.addi %mul3A_2526, %add3A_2527 : i32
      %swap3A_2529 = arith.index_cast %add3A_2528 : i32 to index
      %swap3A_2530 = arith.constant 0 : index
      %swap3A_2531 = tpu.vector_load %arg10[%swap3A_2529, %swap3A_2530] {strides = array<i32>} : memref<128x32xf32, #tpu.memory_space<vmem>>, vector<1x16xf32>,
      %swap3A_2532 = vector.shape_cast %swap3A_2531 : vector<1x16xf32> to vector<16xf32>
      %swap3A_2533 = vector.shape_cast %mul3A_2524 : vector<16xf32> to vector<1x16xf32>
      tpu.vector_store %arg10[%swap3A_2529, %swap3A_2530], %swap3A_2533 {strides = array<i32>} : memref<128x32xf32, #tpu.memory_space<vmem>>, vector<1x16xf32>,
      %add3A_2534 = arith.addf %add3A_2508, %add3A_2520 : vector<16xf32>
      %mul3A_2535 = arith.constant 2.44140625E-4 : f32
      %mul3A_2536 = vector.broadcast %mul3A_2535 : f32 to vector<16xf32>
      %mul3A_2537 = arith.mulf %add3A_2534, %mul3A_2536 : vector<16xf32>
      %mul3A_2538 = arith.constant 2 : i32
      %mul3A_2539 = arith.muli %mul3A_2538, %add3A_1296 : i32
      %add3A_2540 = arith.constant 1 : i32
      %add3A_2541 = arith.addi %mul3A_2539, %add3A_2540 : i32
      %swap3A_2542 = arith.index_cast %add3A_2541 : i32 to index
      %swap3A_2543 = arith.constant 16 : index
      %swap3A_2544 = tpu.vector_load %arg10[%swap3A_2542, %swap3A_2543] {strides = array<i32>} : memref<128x32xf32, #tpu.memory_space<vmem>>, vector<1x16xf32>,
      %swap3A_2545 = vector.shape_cast %swap3A_2544 : vector<1x16xf32> to vector<16xf32>
      %swap3A_2546 = vector.shape_cast %mul3A_2537 : vector<16xf32> to vector<1x16xf32>
      tpu.vector_store %arg10[%swap3A_2542, %swap3A_2543], %swap3A_2546 {strides = array<i32>} : memref<128x32xf32, #tpu.memory_space<vmem>>, vector<1x16xf32>,
      %add3A_2547 = arith.constant 4 : i32
      %add3A_2548 = arith.addi %add3A_1296, %add3A_2547 : i32
      %lt3A_2549 = arith.constant 64 : i32
      %lt3A_2550 = arith.cmpi slt, %add3A_2548, %lt3A_2549 : i32
      %convert_element_type3A_2551 = arith.extui %lt3A_2550 : i1 to i32
      %cond3A_2552 = arith.constant 0 : i32
      %cond3A_2553 = arith.cmpi ne, %convert_element_type3A_2551, %cond3A_2552 : i32
      scf.if %cond3A_2553 {
        %dma_start3A_5073 = arith.constant 0 : i32
        %dma_start3A_5074 = tpu.memref_slice %arg5[%add3A_2548, %dma_start3A_5073] : memref<64x104xi32, #tpu.memory_space<vmem>> -> memref<1x104xi32, #tpu.memory_space<vmem>>
        %dma_start3A_5075 = tpu.memref_squeeze %dma_start3A_5074 : memref<1x104xi32, #tpu.memory_space<vmem>> -> memref<104xi32, #tpu.memory_space<vmem>>
        %dma_start3A_5076 = arith.constant 0 : i32
        %dma_start3A_5077 = arith.constant 0 : i32
        %dma_start3A_5078 = tpu.memref_slice %arg3[%dma_start3A_5076, %dma_start3A_5077] : memref<1000000x32xf32, #tpu.memory_space<hbm>> -> memref<1000000x32xf32, #tpu.memory_space<hbm>>
        tpu.enqueue_indirect_dma source(%dma_start3A_5078 : memref<1000000x32xf32, #tpu.memory_space<hbm>>) target(%arg7 : memref<104x32xf32, #tpu.memory_space<vmem>>) offsets(%dma_start3A_5075 : memref<104xi32, #tpu.memory_space<vmem>>) semaphore(%arg12 : memref<!tpu.dma_semaphore, #tpu.memory_space<semaphore_mem>>)
      } else {
      }
      %add3A_2554 = arith.constant 2 : i32
      %add3A_2555 = arith.addi %mul3A_41, %add3A_2554 : i32
      %dma_wait3A_2556 = arith.constant 0 : i32
      %dma_wait3A_2557 = tpu.memref_slice %arg5[%add3A_2555, %dma_wait3A_2556] : memref<64x104xi32, #tpu.memory_space<vmem>> -> memref<1x104xi32, #tpu.memory_space<vmem>>
      %dma_wait3A_2558 = tpu.memref_squeeze %dma_wait3A_2557 : memref<1x104xi32, #tpu.memory_space<vmem>> -> memref<104xi32, #tpu.memory_space<vmem>>
      %dma_wait3A_2559 = arith.constant 0 : i32
      %dma_wait3A_2560 = arith.constant 0 : i32
      %dma_wait3A_2561 = tpu.memref_slice %arg3[%dma_wait3A_2559, %dma_wait3A_2560] : memref<1000000x32xf32, #tpu.memory_space<hbm>> -> memref<1000000x32xf32, #tpu.memory_space<hbm>>
      tpu.wait_indirect_dma semaphore(%arg13 : memref<!tpu.dma_semaphore, #tpu.memory_space<semaphore_mem>>) src(%dma_wait3A_2561 : memref<1000000x32xf32, #tpu.memory_space<hbm>>) dst(%arg8 : memref<104x32xf32, #tpu.memory_space<vmem>>)
      %get3A_2562 = arith.constant 0 : i32
      %get3A_2563 = arith.index_cast %get3A_2562 : i32 to index
      %get3A_2564 = arith.constant 0 : index
      %get3A_2565 = tpu.vector_load %arg8[%get3A_2563, %get3A_2564] {strides = array<i32>} : memref<104x32xf32, #tpu.memory_space<vmem>>, vector<1x16xf32>,
      %get3A_2566 = vector.shape_cast %get3A_2565 : vector<1x16xf32> to vector<16xf32>
      %get3A_2567 = arith.constant 0 : i32
      %get3A_2568 = arith.index_cast %get3A_2567 : i32 to index
      %get3A_2569 = arith.constant 16 : index
      %get3A_2570 = tpu.vector_load %arg8[%get3A_2568, %get3A_2569] {strides = array<i32>} : memref<104x32xf32, #tpu.memory_space<vmem>>, vector<1x16xf32>,
      %get3A_2571 = vector.shape_cast %get3A_2570 : vector<1x16xf32> to vector<16xf32>
      %get3A_2572 = arith.constant 1 : i32
      %get3A_2573 = arith.index_cast %get3A_2572 : i32 to index
      %get3A_2574 = arith.constant 0 : index
      %get3A_2575 = tpu.vector_load %arg8[%get3A_2573, %get3A_2574] {strides = array<i32>} : memref<104x32xf32, #tpu.memory_space<vmem>>, vector<1x16xf32>,
      %get3A_2576 = vector.shape_cast %get3A_2575 : vector<1x16xf32> to vector<16xf32>
      %get3A_2577 = arith.constant 1 : i32
      %get3A_2578 = arith.index_cast %get3A_2577 : i32 to index
      %get3A_2579 = arith.constant 16 : index
      %get3A_2580 = tpu.vector_load %arg8[%get3A_2578, %get3A_2579] {strides = array<i32>} : memref<104x32xf32, #tpu.memory_space<vmem>>, vector<1x16xf32>,
      %get3A_2581 = vector.shape_cast %get3A_2580 : vector<1x16xf32> to vector<16xf32>
      %get3A_2582 = arith.constant 2 : i32
      %get3A_2583 = arith.index_cast %get3A_2582 : i32 to index
      %get3A_2584 = arith.constant 0 : index
      %get3A_2585 = tpu.vector_load %arg8[%get3A_2583, %get3A_2584] {strides = array<i32>} : memref<104x32xf32, #tpu.memory_space<vmem>>, vector<1x16xf32>,
      %get3A_2586 = vector.shape_cast %get3A_2585 : vector<1x16xf32> to vector<16xf32>
      %add3A_2587 = arith.addf %get3A_2566, %get3A_2586 : vector<16xf32>
      %get3A_2588 = arith.constant 2 : i32
      %get3A_2589 = arith.index_cast %get3A_2588 : i32 to index
      %get3A_2590 = arith.constant 16 : index
      %get3A_2591 = tpu.vector_load %arg8[%get3A_2589, %get3A_2590] {strides = array<i32>} : memref<104x32xf32, #tpu.memory_space<vmem>>, vector<1x16xf32>,
      %get3A_2592 = vector.shape_cast %get3A_2591 : vector<1x16xf32> to vector<16xf32>
      %add3A_2593 = arith.addf %get3A_2571, %get3A_2592 : vector<16xf32>
      %get3A_2594 = arith.constant 3 : i32
      %get3A_2595 = arith.index_cast %get3A_2594 : i32 to index
      %get3A_2596 = arith.constant 0 : index
      %get3A_2597 = tpu.vector_load %arg8[%get3A_2595, %get3A_2596] {strides = array<i32>} : memref<104x32xf32, #tpu.memory_space<vmem>>, vector<1x16xf32>,
      %get3A_2598 = vector.shape_cast %get3A_2597 : vector<1x16xf32> to vector<16xf32>
      %add3A_2599 = arith.addf %get3A_2576, %get3A_2598 : vector<16xf32>
      %get3A_2600 = arith.constant 3 : i32
      %get3A_2601 = arith.index_cast %get3A_2600 : i32 to index
      %get3A_2602 = arith.constant 16 : index
      %get3A_2603 = tpu.vector_load %arg8[%get3A_2601, %get3A_2602] {strides = array<i32>} : memref<104x32xf32, #tpu.memory_space<vmem>>, vector<1x16xf32>,
      %get3A_2604 = vector.shape_cast %get3A_2603 : vector<1x16xf32> to vector<16xf32>
      %add3A_2605 = arith.addf %get3A_2581, %get3A_2604 : vector<16xf32>
      %get3A_2606 = arith.constant 4 : i32
      %get3A_2607 = arith.index_cast %get3A_2606 : i32 to index
      %get3A_2608 = arith.constant 0 : index
      %get3A_2609 = tpu.vector_load %arg8[%get3A_2607, %get3A_2608] {strides = array<i32>} : memref<104x32xf32, #tpu.memory_space<vmem>>, vector<1x16xf32>,
      %get3A_2610 = vector.shape_cast %get3A_2609 : vector<1x16xf32> to vector<16xf32>
      %add3A_2611 = arith.addf %add3A_2587, %get3A_2610 : vector<16xf32>
      %get3A_2612 = arith.constant 4 : i32
      %get3A_2613 = arith.index_cast %get3A_2612 : i32 to index
      %get3A_2614 = arith.constant 16 : index
      %get3A_2615 = tpu.vector_load %arg8[%get3A_2613, %get3A_2614] {strides = array<i32>} : memref<104x32xf32, #tpu.memory_space<vmem>>, vector<1x16xf32>,
      %get3A_2616 = vector.shape_cast %get3A_2615 : vector<1x16xf32> to vector<16xf32>
      %add3A_2617 = arith.addf %add3A_2593, %get3A_2616 : vector<16xf32>
      %get3A_2618 = arith.constant 5 : i32
      %get3A_2619 = arith.index_cast %get3A_2618 : i32 to index
      %get3A_2620 = arith.constant 0 : index
      %get3A_2621 = tpu.vector_load %arg8[%get3A_2619, %get3A_2620] {strides = array<i32>} : memref<104x32xf32, #tpu.memory_space<vmem>>, vector<1x16xf32>,
      %get3A_2622 = vector.shape_cast %get3A_2621 : vector<1x16xf32> to vector<16xf32>
      %add3A_2623 = arith.addf %add3A_2599, %get3A_2622 : vector<16xf32>
      %get3A_2624 = arith.constant 5 : i32
      %get3A_2625 = arith.index_cast %get3A_2624 : i32 to index
      %get3A_2626 = arith.constant 16 : index
      %get3A_2627 = tpu.vector_load %arg8[%get3A_2625, %get3A_2626] {strides = array<i32>} : memref<104x32xf32, #tpu.memory_space<vmem>>, vector<1x16xf32>,
      %get3A_2628 = vector.shape_cast %get3A_2627 : vector<1x16xf32> to vector<16xf32>
      %add3A_2629 = arith.addf %add3A_2605, %get3A_2628 : vector<16xf32>
      %get3A_2630 = arith.constant 6 : i32
      %get3A_2631 = arith.index_cast %get3A_2630 : i32 to index
      %get3A_2632 = arith.constant 0 : index
      %get3A_2633 = tpu.vector_load %arg8[%get3A_2631, %get3A_2632] {strides = array<i32>} : memref<104x32xf32, #tpu.memory_space<vmem>>, vector<1x16xf32>,
      %get3A_2634 = vector.shape_cast %get3A_2633 : vector<1x16xf32> to vector<16xf32>
      %add3A_2635 = arith.addf %add3A_2611, %get3A_2634 : vector<16xf32>
      %get3A_2636 = arith.constant 6 : i32
      %get3A_2637 = arith.index_cast %get3A_2636 : i32 to index
      %get3A_2638 = arith.constant 16 : index
      %get3A_2639 = tpu.vector_load %arg8[%get3A_2637, %get3A_2638] {strides = array<i32>} : memref<104x32xf32, #tpu.memory_space<vmem>>, vector<1x16xf32>,
      %get3A_2640 = vector.shape_cast %get3A_2639 : vector<1x16xf32> to vector<16xf32>
      %add3A_2641 = arith.addf %add3A_2617, %get3A_2640 : vector<16xf32>
      %get3A_2642 = arith.constant 7 : i32
      %get3A_2643 = arith.index_cast %get3A_2642 : i32 to index
      %get3A_2644 = arith.constant 0 : index
      %get3A_2645 = tpu.vector_load %arg8[%get3A_2643, %get3A_2644] {strides = array<i32>} : memref<104x32xf32, #tpu.memory_space<vmem>>, vector<1x16xf32>,
      %get3A_2646 = vector.shape_cast %get3A_2645 : vector<1x16xf32> to vector<16xf32>
      %add3A_2647 = arith.addf %add3A_2623, %get3A_2646 : vector<16xf32>
      %get3A_2648 = arith.constant 7 : i32
      %get3A_2649 = arith.index_cast %get3A_2648 : i32 to index
      %get3A_2650 = arith.constant 16 : index
      %get3A_2651 = tpu.vector_load %arg8[%get3A_2649, %get3A_2650] {strides = array<i32>} : memref<104x32xf32, #tpu.memory_space<vmem>>, vector<1x16xf32>,
      %get3A_2652 = vector.shape_cast %get3A_2651 : vector<1x16xf32> to vector<16xf32>
      %add3A_2653 = arith.addf %add3A_2629, %get3A_2652 : vector<16xf32>
      %get3A_2654 = arith.constant 8 : i32
      %get3A_2655 = arith.index_cast %get3A_2654 : i32 to index
      %get3A_2656 = arith.constant 0 : index
      %get3A_2657 = tpu.vector_load %arg8[%get3A_2655, %get3A_2656] {strides = array<i32>} : memref<104x32xf32, #tpu.memory_space<vmem>>, vector<1x16xf32>,
      %get3A_2658 = vector.shape_cast %get3A_2657 : vector<1x16xf32> to vector<16xf32>
      %add3A_2659 = arith.addf %add3A_2635, %get3A_2658 : vector<16xf32>
      %get3A_2660 = arith.constant 8 : i32
      %get3A_2661 = arith.index_cast %get3A_2660 : i32 to index
      %get3A_2662 = arith.constant 16 : index
      %get3A_2663 = tpu.vector_load %arg8[%get3A_2661, %get3A_2662] {strides = array<i32>} : memref<104x32xf32, #tpu.memory_space<vmem>>, vector<1x16xf32>,
      %get3A_2664 = vector.shape_cast %get3A_2663 : vector<1x16xf32> to vector<16xf32>
      %add3A_2665 = arith.addf %add3A_2641, %get3A_2664 : vector<16xf32>
      %get3A_2666 = arith.constant 9 : i32
      %get3A_2667 = arith.index_cast %get3A_2666 : i32 to index
      %get3A_2668 = arith.constant 0 : index
      %get3A_2669 = tpu.vector_load %arg8[%get3A_2667, %get3A_2668] {strides = array<i32>} : memref<104x32xf32, #tpu.memory_space<vmem>>, vector<1x16xf32>,
      %get3A_2670 = vector.shape_cast %get3A_2669 : vector<1x16xf32> to vector<16xf32>
      %add3A_2671 = arith.addf %add3A_2647, %get3A_2670 : vector<16xf32>
      %get3A_2672 = arith.constant 9 : i32
      %get3A_2673 = arith.index_cast %get3A_2672 : i32 to index
      %get3A_2674 = arith.constant 16 : index
      %get3A_2675 = tpu.vector_load %arg8[%get3A_2673, %get3A_2674] {strides = array<i32>} : memref<104x32xf32, #tpu.memory_space<vmem>>, vector<1x16xf32>,
      %get3A_2676 = vector.shape_cast %get3A_2675 : vector<1x16xf32> to vector<16xf32>
      %add3A_2677 = arith.addf %add3A_2653, %get3A_2676 : vector<16xf32>
      %get3A_2678 = arith.constant 10 : i32
      %get3A_2679 = arith.index_cast %get3A_2678 : i32 to index
      %get3A_2680 = arith.constant 0 : index
      %get3A_2681 = tpu.vector_load %arg8[%get3A_2679, %get3A_2680] {strides = array<i32>} : memref<104x32xf32, #tpu.memory_space<vmem>>, vector<1x16xf32>,
      %get3A_2682 = vector.shape_cast %get3A_2681 : vector<1x16xf32> to vector<16xf32>
      %add3A_2683 = arith.addf %add3A_2659, %get3A_2682 : vector<16xf32>
      %get3A_2684 = arith.constant 10 : i32
      %get3A_2685 = arith.index_cast %get3A_2684 : i32 to index
      %get3A_2686 = arith.constant 16 : index
      %get3A_2687 = tpu.vector_load %arg8[%get3A_2685, %get3A_2686] {strides = array<i32>} : memref<104x32xf32, #tpu.memory_space<vmem>>, vector<1x16xf32>,
      %get3A_2688 = vector.shape_cast %get3A_2687 : vector<1x16xf32> to vector<16xf32>
      %add3A_2689 = arith.addf %add3A_2665, %get3A_2688 : vector<16xf32>
      %get3A_2690 = arith.constant 11 : i32
      %get3A_2691 = arith.index_cast %get3A_2690 : i32 to index
      %get3A_2692 = arith.constant 0 : index
      %get3A_2693 = tpu.vector_load %arg8[%get3A_2691, %get3A_2692] {strides = array<i32>} : memref<104x32xf32, #tpu.memory_space<vmem>>, vector<1x16xf32>,
      %get3A_2694 = vector.shape_cast %get3A_2693 : vector<1x16xf32> to vector<16xf32>
      %add3A_2695 = arith.addf %add3A_2671, %get3A_2694 : vector<16xf32>
      %get3A_2696 = arith.constant 11 : i32
      %get3A_2697 = arith.index_cast %get3A_2696 : i32 to index
      %get3A_2698 = arith.constant 16 : index
      %get3A_2699 = tpu.vector_load %arg8[%get3A_2697, %get3A_2698] {strides = array<i32>} : memref<104x32xf32, #tpu.memory_space<vmem>>, vector<1x16xf32>,
      %get3A_2700 = vector.shape_cast %get3A_2699 : vector<1x16xf32> to vector<16xf32>
      %add3A_2701 = arith.addf %add3A_2677, %get3A_2700 : vector<16xf32>
      %get3A_2702 = arith.constant 12 : i32
      %get3A_2703 = arith.index_cast %get3A_2702 : i32 to index
      %get3A_2704 = arith.constant 0 : index
      %get3A_2705 = tpu.vector_load %arg8[%get3A_2703, %get3A_2704] {strides = array<i32>} : memref<104x32xf32, #tpu.memory_space<vmem>>, vector<1x16xf32>,
      %get3A_2706 = vector.shape_cast %get3A_2705 : vector<1x16xf32> to vector<16xf32>
      %add3A_2707 = arith.addf %add3A_2683, %get3A_2706 : vector<16xf32>
      %get3A_2708 = arith.constant 12 : i32
      %get3A_2709 = arith.index_cast %get3A_2708 : i32 to index
      %get3A_2710 = arith.constant 16 : index
      %get3A_2711 = tpu.vector_load %arg8[%get3A_2709, %get3A_2710] {strides = array<i32>} : memref<104x32xf32, #tpu.memory_space<vmem>>, vector<1x16xf32>,
      %get3A_2712 = vector.shape_cast %get3A_2711 : vector<1x16xf32> to vector<16xf32>
      %add3A_2713 = arith.addf %add3A_2689, %get3A_2712 : vector<16xf32>
      %get3A_2714 = arith.constant 13 : i32
      %get3A_2715 = arith.index_cast %get3A_2714 : i32 to index
      %get3A_2716 = arith.constant 0 : index
      %get3A_2717 = tpu.vector_load %arg8[%get3A_2715, %get3A_2716] {strides = array<i32>} : memref<104x32xf32, #tpu.memory_space<vmem>>, vector<1x16xf32>,
      %get3A_2718 = vector.shape_cast %get3A_2717 : vector<1x16xf32> to vector<16xf32>
      %add3A_2719 = arith.addf %add3A_2695, %get3A_2718 : vector<16xf32>
      %get3A_2720 = arith.constant 13 : i32
      %get3A_2721 = arith.index_cast %get3A_2720 : i32 to index
      %get3A_2722 = arith.constant 16 : index
      %get3A_2723 = tpu.vector_load %arg8[%get3A_2721, %get3A_2722] {strides = array<i32>} : memref<104x32xf32, #tpu.memory_space<vmem>>, vector<1x16xf32>,
      %get3A_2724 = vector.shape_cast %get3A_2723 : vector<1x16xf32> to vector<16xf32>
      %add3A_2725 = arith.addf %add3A_2701, %get3A_2724 : vector<16xf32>
      %get3A_2726 = arith.constant 14 : i32
      %get3A_2727 = arith.index_cast %get3A_2726 : i32 to index
      %get3A_2728 = arith.constant 0 : index
      %get3A_2729 = tpu.vector_load %arg8[%get3A_2727, %get3A_2728] {strides = array<i32>} : memref<104x32xf32, #tpu.memory_space<vmem>>, vector<1x16xf32>,
      %get3A_2730 = vector.shape_cast %get3A_2729 : vector<1x16xf32> to vector<16xf32>
      %add3A_2731 = arith.addf %add3A_2707, %get3A_2730 : vector<16xf32>
      %get3A_2732 = arith.constant 14 : i32
      %get3A_2733 = arith.index_cast %get3A_2732 : i32 to index
      %get3A_2734 = arith.constant 16 : index
      %get3A_2735 = tpu.vector_load %arg8[%get3A_2733, %get3A_2734] {strides = array<i32>} : memref<104x32xf32, #tpu.memory_space<vmem>>, vector<1x16xf32>,
      %get3A_2736 = vector.shape_cast %get3A_2735 : vector<1x16xf32> to vector<16xf32>
      %add3A_2737 = arith.addf %add3A_2713, %get3A_2736 : vector<16xf32>
      %get3A_2738 = arith.constant 15 : i32
      %get3A_2739 = arith.index_cast %get3A_2738 : i32 to index
      %get3A_2740 = arith.constant 0 : index
      %get3A_2741 = tpu.vector_load %arg8[%get3A_2739, %get3A_2740] {strides = array<i32>} : memref<104x32xf32, #tpu.memory_space<vmem>>, vector<1x16xf32>,
      %get3A_2742 = vector.shape_cast %get3A_2741 : vector<1x16xf32> to vector<16xf32>
      %add3A_2743 = arith.addf %add3A_2719, %get3A_2742 : vector<16xf32>
      %get3A_2744 = arith.constant 15 : i32
      %get3A_2745 = arith.index_cast %get3A_2744 : i32 to index
      %get3A_2746 = arith.constant 16 : index
      %get3A_2747 = tpu.vector_load %arg8[%get3A_2745, %get3A_2746] {strides = array<i32>} : memref<104x32xf32, #tpu.memory_space<vmem>>, vector<1x16xf32>,
      %get3A_2748 = vector.shape_cast %get3A_2747 : vector<1x16xf32> to vector<16xf32>
      %add3A_2749 = arith.addf %add3A_2725, %get3A_2748 : vector<16xf32>
      %get3A_2750 = arith.constant 16 : i32
      %get3A_2751 = arith.index_cast %get3A_2750 : i32 to index
      %get3A_2752 = arith.constant 0 : index
      %get3A_2753 = tpu.vector_load %arg8[%get3A_2751, %get3A_2752] {strides = array<i32>} : memref<104x32xf32, #tpu.memory_space<vmem>>, vector<1x16xf32>,
      %get3A_2754 = vector.shape_cast %get3A_2753 : vector<1x16xf32> to vector<16xf32>
      %add3A_2755 = arith.addf %add3A_2731, %get3A_2754 : vector<16xf32>
      %get3A_2756 = arith.constant 16 : i32
      %get3A_2757 = arith.index_cast %get3A_2756 : i32 to index
      %get3A_2758 = arith.constant 16 : index
      %get3A_2759 = tpu.vector_load %arg8[%get3A_2757, %get3A_2758] {strides = array<i32>} : memref<104x32xf32, #tpu.memory_space<vmem>>, vector<1x16xf32>,
      %get3A_2760 = vector.shape_cast %get3A_2759 : vector<1x16xf32> to vector<16xf32>
      %add3A_2761 = arith.addf %add3A_2737, %get3A_2760 : vector<16xf32>
      %get3A_2762 = arith.constant 17 : i32
      %get3A_2763 = arith.index_cast %get3A_2762 : i32 to index
      %get3A_2764 = arith.constant 0 : index
      %get3A_2765 = tpu.vector_load %arg8[%get3A_2763, %get3A_2764] {strides = array<i32>} : memref<104x32xf32, #tpu.memory_space<vmem>>, vector<1x16xf32>,
      %get3A_2766 = vector.shape_cast %get3A_2765 : vector<1x16xf32> to vector<16xf32>
      %add3A_2767 = arith.addf %add3A_2743, %get3A_2766 : vector<16xf32>
      %get3A_2768 = arith.constant 17 : i32
      %get3A_2769 = arith.index_cast %get3A_2768 : i32 to index
      %get3A_2770 = arith.constant 16 : index
      %get3A_2771 = tpu.vector_load %arg8[%get3A_2769, %get3A_2770] {strides = array<i32>} : memref<104x32xf32, #tpu.memory_space<vmem>>, vector<1x16xf32>,
      %get3A_2772 = vector.shape_cast %get3A_2771 : vector<1x16xf32> to vector<16xf32>
      %add3A_2773 = arith.addf %add3A_2749, %get3A_2772 : vector<16xf32>
      %get3A_2774 = arith.constant 18 : i32
      %get3A_2775 = arith.index_cast %get3A_2774 : i32 to index
      %get3A_2776 = arith.constant 0 : index
      %get3A_2777 = tpu.vector_load %arg8[%get3A_2775, %get3A_2776] {strides = array<i32>} : memref<104x32xf32, #tpu.memory_space<vmem>>, vector<1x16xf32>,
      %get3A_2778 = vector.shape_cast %get3A_2777 : vector<1x16xf32> to vector<16xf32>
      %add3A_2779 = arith.addf %add3A_2755, %get3A_2778 : vector<16xf32>
      %get3A_2780 = arith.constant 18 : i32
      %get3A_2781 = arith.index_cast %get3A_2780 : i32 to index
      %get3A_2782 = arith.constant 16 : index
      %get3A_2783 = tpu.vector_load %arg8[%get3A_2781, %get3A_2782] {strides = array<i32>} : memref<104x32xf32, #tpu.memory_space<vmem>>, vector<1x16xf32>,
      %get3A_2784 = vector.shape_cast %get3A_2783 : vector<1x16xf32> to vector<16xf32>
      %add3A_2785 = arith.addf %add3A_2761, %get3A_2784 : vector<16xf32>
      %get3A_2786 = arith.constant 19 : i32
      %get3A_2787 = arith.index_cast %get3A_2786 : i32 to index
      %get3A_2788 = arith.constant 0 : index
      %get3A_2789 = tpu.vector_load %arg8[%get3A_2787, %get3A_2788] {strides = array<i32>} : memref<104x32xf32, #tpu.memory_space<vmem>>, vector<1x16xf32>,
      %get3A_2790 = vector.shape_cast %get3A_2789 : vector<1x16xf32> to vector<16xf32>
      %add3A_2791 = arith.addf %add3A_2767, %get3A_2790 : vector<16xf32>
      %get3A_2792 = arith.constant 19 : i32
      %get3A_2793 = arith.index_cast %get3A_2792 : i32 to index
      %get3A_2794 = arith.constant 16 : index
      %get3A_2795 = tpu.vector_load %arg8[%get3A_2793, %get3A_2794] {strides = array<i32>} : memref<104x32xf32, #tpu.memory_space<vmem>>, vector<1x16xf32>,
      %get3A_2796 = vector.shape_cast %get3A_2795 : vector<1x16xf32> to vector<16xf32>
      %add3A_2797 = arith.addf %add3A_2773, %get3A_2796 : vector<16xf32>
      %get3A_2798 = arith.constant 20 : i32
      %get3A_2799 = arith.index_cast %get3A_2798 : i32 to index
      %get3A_2800 = arith.constant 0 : index
      %get3A_2801 = tpu.vector_load %arg8[%get3A_2799, %get3A_2800] {strides = array<i32>} : memref<104x32xf32, #tpu.memory_space<vmem>>, vector<1x16xf32>,
      %get3A_2802 = vector.shape_cast %get3A_2801 : vector<1x16xf32> to vector<16xf32>
      %add3A_2803 = arith.addf %add3A_2779, %get3A_2802 : vector<16xf32>
      %get3A_2804 = arith.constant 20 : i32
      %get3A_2805 = arith.index_cast %get3A_2804 : i32 to index
      %get3A_2806 = arith.constant 16 : index
      %get3A_2807 = tpu.vector_load %arg8[%get3A_2805, %get3A_2806] {strides = array<i32>} : memref<104x32xf32, #tpu.memory_space<vmem>>, vector<1x16xf32>,
      %get3A_2808 = vector.shape_cast %get3A_2807 : vector<1x16xf32> to vector<16xf32>
      %add3A_2809 = arith.addf %add3A_2785, %get3A_2808 : vector<16xf32>
      %get3A_2810 = arith.constant 21 : i32
      %get3A_2811 = arith.index_cast %get3A_2810 : i32 to index
      %get3A_2812 = arith.constant 0 : index
      %get3A_2813 = tpu.vector_load %arg8[%get3A_2811, %get3A_2812] {strides = array<i32>} : memref<104x32xf32, #tpu.memory_space<vmem>>, vector<1x16xf32>,
      %get3A_2814 = vector.shape_cast %get3A_2813 : vector<1x16xf32> to vector<16xf32>
      %add3A_2815 = arith.addf %add3A_2791, %get3A_2814 : vector<16xf32>
      %get3A_2816 = arith.constant 21 : i32
      %get3A_2817 = arith.index_cast %get3A_2816 : i32 to index
      %get3A_2818 = arith.constant 16 : index
      %get3A_2819 = tpu.vector_load %arg8[%get3A_2817, %get3A_2818] {strides = array<i32>} : memref<104x32xf32, #tpu.memory_space<vmem>>, vector<1x16xf32>,
      %get3A_2820 = vector.shape_cast %get3A_2819 : vector<1x16xf32> to vector<16xf32>
      %add3A_2821 = arith.addf %add3A_2797, %get3A_2820 : vector<16xf32>
      %get3A_2822 = arith.constant 22 : i32
      %get3A_2823 = arith.index_cast %get3A_2822 : i32 to index
      %get3A_2824 = arith.constant 0 : index
      %get3A_2825 = tpu.vector_load %arg8[%get3A_2823, %get3A_2824] {strides = array<i32>} : memref<104x32xf32, #tpu.memory_space<vmem>>, vector<1x16xf32>,
      %get3A_2826 = vector.shape_cast %get3A_2825 : vector<1x16xf32> to vector<16xf32>
      %add3A_2827 = arith.addf %add3A_2803, %get3A_2826 : vector<16xf32>
      %get3A_2828 = arith.constant 22 : i32
      %get3A_2829 = arith.index_cast %get3A_2828 : i32 to index
      %get3A_2830 = arith.constant 16 : index
      %get3A_2831 = tpu.vector_load %arg8[%get3A_2829, %get3A_2830] {strides = array<i32>} : memref<104x32xf32, #tpu.memory_space<vmem>>, vector<1x16xf32>,
      %get3A_2832 = vector.shape_cast %get3A_2831 : vector<1x16xf32> to vector<16xf32>
      %add3A_2833 = arith.addf %add3A_2809, %get3A_2832 : vector<16xf32>
      %get3A_2834 = arith.constant 23 : i32
      %get3A_2835 = arith.index_cast %get3A_2834 : i32 to index
      %get3A_2836 = arith.constant 0 : index
      %get3A_2837 = tpu.vector_load %arg8[%get3A_2835, %get3A_2836] {strides = array<i32>} : memref<104x32xf32, #tpu.memory_space<vmem>>, vector<1x16xf32>,
      %get3A_2838 = vector.shape_cast %get3A_2837 : vector<1x16xf32> to vector<16xf32>
      %add3A_2839 = arith.addf %add3A_2815, %get3A_2838 : vector<16xf32>
      %get3A_2840 = arith.constant 23 : i32
      %get3A_2841 = arith.index_cast %get3A_2840 : i32 to index
      %get3A_2842 = arith.constant 16 : index
      %get3A_2843 = tpu.vector_load %arg8[%get3A_2841, %get3A_2842] {strides = array<i32>} : memref<104x32xf32, #tpu.memory_space<vmem>>, vector<1x16xf32>,
      %get3A_2844 = vector.shape_cast %get3A_2843 : vector<1x16xf32> to vector<16xf32>
      %add3A_2845 = arith.addf %add3A_2821, %get3A_2844 : vector<16xf32>
      %get3A_2846 = arith.constant 24 : i32
      %get3A_2847 = arith.index_cast %get3A_2846 : i32 to index
      %get3A_2848 = arith.constant 0 : index
      %get3A_2849 = tpu.vector_load %arg8[%get3A_2847, %get3A_2848] {strides = array<i32>} : memref<104x32xf32, #tpu.memory_space<vmem>>, vector<1x16xf32>,
      %get3A_2850 = vector.shape_cast %get3A_2849 : vector<1x16xf32> to vector<16xf32>
      %add3A_2851 = arith.addf %add3A_2827, %get3A_2850 : vector<16xf32>
      %get3A_2852 = arith.constant 24 : i32
      %get3A_2853 = arith.index_cast %get3A_2852 : i32 to index
      %get3A_2854 = arith.constant 16 : index
      %get3A_2855 = tpu.vector_load %arg8[%get3A_2853, %get3A_2854] {strides = array<i32>} : memref<104x32xf32, #tpu.memory_space<vmem>>, vector<1x16xf32>,
      %get3A_2856 = vector.shape_cast %get3A_2855 : vector<1x16xf32> to vector<16xf32>
      %add3A_2857 = arith.addf %add3A_2833, %get3A_2856 : vector<16xf32>
      %get3A_2858 = arith.constant 25 : i32
      %get3A_2859 = arith.index_cast %get3A_2858 : i32 to index
      %get3A_2860 = arith.constant 0 : index
      %get3A_2861 = tpu.vector_load %arg8[%get3A_2859, %get3A_2860] {strides = array<i32>} : memref<104x32xf32, #tpu.memory_space<vmem>>, vector<1x16xf32>,
      %get3A_2862 = vector.shape_cast %get3A_2861 : vector<1x16xf32> to vector<16xf32>
      %add3A_2863 = arith.addf %add3A_2839, %get3A_2862 : vector<16xf32>
      %get3A_2864 = arith.constant 25 : i32
      %get3A_2865 = arith.index_cast %get3A_2864 : i32 to index
      %get3A_2866 = arith.constant 16 : index
      %get3A_2867 = tpu.vector_load %arg8[%get3A_2865, %get3A_2866] {strides = array<i32>} : memref<104x32xf32, #tpu.memory_space<vmem>>, vector<1x16xf32>,
      %get3A_2868 = vector.shape_cast %get3A_2867 : vector<1x16xf32> to vector<16xf32>
      %add3A_2869 = arith.addf %add3A_2845, %get3A_2868 : vector<16xf32>
      %get3A_2870 = arith.constant 26 : i32
      %get3A_2871 = arith.index_cast %get3A_2870 : i32 to index
      %get3A_2872 = arith.constant 0 : index
      %get3A_2873 = tpu.vector_load %arg8[%get3A_2871, %get3A_2872] {strides = array<i32>} : memref<104x32xf32, #tpu.memory_space<vmem>>, vector<1x16xf32>,
      %get3A_2874 = vector.shape_cast %get3A_2873 : vector<1x16xf32> to vector<16xf32>
      %add3A_2875 = arith.addf %add3A_2851, %get3A_2874 : vector<16xf32>
      %get3A_2876 = arith.constant 26 : i32
      %get3A_2877 = arith.index_cast %get3A_2876 : i32 to index
      %get3A_2878 = arith.constant 16 : index
      %get3A_2879 = tpu.vector_load %arg8[%get3A_2877, %get3A_2878] {strides = array<i32>} : memref<104x32xf32, #tpu.memory_space<vmem>>, vector<1x16xf32>,
      %get3A_2880 = vector.shape_cast %get3A_2879 : vector<1x16xf32> to vector<16xf32>
      %add3A_2881 = arith.addf %add3A_2857, %get3A_2880 : vector<16xf32>
      %get3A_2882 = arith.constant 27 : i32
      %get3A_2883 = arith.index_cast %get3A_2882 : i32 to index
      %get3A_2884 = arith.constant 0 : index
      %get3A_2885 = tpu.vector_load %arg8[%get3A_2883, %get3A_2884] {strides = array<i32>} : memref<104x32xf32, #tpu.memory_space<vmem>>, vector<1x16xf32>,
      %get3A_2886 = vector.shape_cast %get3A_2885 : vector<1x16xf32> to vector<16xf32>
      %add3A_2887 = arith.addf %add3A_2863, %get3A_2886 : vector<16xf32>
      %get3A_2888 = arith.constant 27 : i32
      %get3A_2889 = arith.index_cast %get3A_2888 : i32 to index
      %get3A_2890 = arith.constant 16 : index
      %get3A_2891 = tpu.vector_load %arg8[%get3A_2889, %get3A_2890] {strides = array<i32>} : memref<104x32xf32, #tpu.memory_space<vmem>>, vector<1x16xf32>,
      %get3A_2892 = vector.shape_cast %get3A_2891 : vector<1x16xf32> to vector<16xf32>
      %add3A_2893 = arith.addf %add3A_2869, %get3A_2892 : vector<16xf32>
      %get3A_2894 = arith.constant 28 : i32
      %get3A_2895 = arith.index_cast %get3A_2894 : i32 to index
      %get3A_2896 = arith.constant 0 : index
      %get3A_2897 = tpu.vector_load %arg8[%get3A_2895, %get3A_2896] {strides = array<i32>} : memref<104x32xf32, #tpu.memory_space<vmem>>, vector<1x16xf32>,
      %get3A_2898 = vector.shape_cast %get3A_2897 : vector<1x16xf32> to vector<16xf32>
      %add3A_2899 = arith.addf %add3A_2875, %get3A_2898 : vector<16xf32>
      %get3A_2900 = arith.constant 28 : i32
      %get3A_2901 = arith.index_cast %get3A_2900 : i32 to index
      %get3A_2902 = arith.constant 16 : index
      %get3A_2903 = tpu.vector_load %arg8[%get3A_2901, %get3A_2902] {strides = array<i32>} : memref<104x32xf32, #tpu.memory_space<vmem>>, vector<1x16xf32>,
      %get3A_2904 = vector.shape_cast %get3A_2903 : vector<1x16xf32> to vector<16xf32>
      %add3A_2905 = arith.addf %add3A_2881, %get3A_2904 : vector<16xf32>
      %get3A_2906 = arith.constant 29 : i32
      %get3A_2907 = arith.index_cast %get3A_2906 : i32 to index
      %get3A_2908 = arith.constant 0 : index
      %get3A_2909 = tpu.vector_load %arg8[%get3A_2907, %get3A_2908] {strides = array<i32>} : memref<104x32xf32, #tpu.memory_space<vmem>>, vector<1x16xf32>,
      %get3A_2910 = vector.shape_cast %get3A_2909 : vector<1x16xf32> to vector<16xf32>
      %add3A_2911 = arith.addf %add3A_2887, %get3A_2910 : vector<16xf32>
      %get3A_2912 = arith.constant 29 : i32
      %get3A_2913 = arith.index_cast %get3A_2912 : i32 to index
      %get3A_2914 = arith.constant 16 : index
      %get3A_2915 = tpu.vector_load %arg8[%get3A_2913, %get3A_2914] {strides = array<i32>} : memref<104x32xf32, #tpu.memory_space<vmem>>, vector<1x16xf32>,
      %get3A_2916 = vector.shape_cast %get3A_2915 : vector<1x16xf32> to vector<16xf32>
      %add3A_2917 = arith.addf %add3A_2893, %get3A_2916 : vector<16xf32>
      %get3A_2918 = arith.constant 30 : i32
      %get3A_2919 = arith.index_cast %get3A_2918 : i32 to index
      %get3A_2920 = arith.constant 0 : index
      %get3A_2921 = tpu.vector_load %arg8[%get3A_2919, %get3A_2920] {strides = array<i32>} : memref<104x32xf32, #tpu.memory_space<vmem>>, vector<1x16xf32>,
      %get3A_2922 = vector.shape_cast %get3A_2921 : vector<1x16xf32> to vector<16xf32>
      %add3A_2923 = arith.addf %add3A_2899, %get3A_2922 : vector<16xf32>
      %get3A_2924 = arith.constant 30 : i32
      %get3A_2925 = arith.index_cast %get3A_2924 : i32 to index
      %get3A_2926 = arith.constant 16 : index
      %get3A_2927 = tpu.vector_load %arg8[%get3A_2925, %get3A_2926] {strides = array<i32>} : memref<104x32xf32, #tpu.memory_space<vmem>>, vector<1x16xf32>,
      %get3A_2928 = vector.shape_cast %get3A_2927 : vector<1x16xf32> to vector<16xf32>
      %add3A_2929 = arith.addf %add3A_2905, %get3A_2928 : vector<16xf32>
      %get3A_2930 = arith.constant 31 : i32
      %get3A_2931 = arith.index_cast %get3A_2930 : i32 to index
      %get3A_2932 = arith.constant 0 : index
      %get3A_2933 = tpu.vector_load %arg8[%get3A_2931, %get3A_2932] {strides = array<i32>} : memref<104x32xf32, #tpu.memory_space<vmem>>, vector<1x16xf32>,
      %get3A_2934 = vector.shape_cast %get3A_2933 : vector<1x16xf32> to vector<16xf32>
      %add3A_2935 = arith.addf %add3A_2911, %get3A_2934 : vector<16xf32>
      %get3A_2936 = arith.constant 31 : i32
      %get3A_2937 = arith.index_cast %get3A_2936 : i32 to index
      %get3A_2938 = arith.constant 16 : index
      %get3A_2939 = tpu.vector_load %arg8[%get3A_2937, %get3A_2938] {strides = array<i32>} : memref<104x32xf32, #tpu.memory_space<vmem>>, vector<1x16xf32>,
      %get3A_2940 = vector.shape_cast %get3A_2939 : vector<1x16xf32> to vector<16xf32>
      %add3A_2941 = arith.addf %add3A_2917, %get3A_2940 : vector<16xf32>
      %get3A_2942 = arith.constant 32 : i32
      %get3A_2943 = arith.index_cast %get3A_2942 : i32 to index
      %get3A_2944 = arith.constant 0 : index
      %get3A_2945 = tpu.vector_load %arg8[%get3A_2943, %get3A_2944] {strides = array<i32>} : memref<104x32xf32, #tpu.memory_space<vmem>>, vector<1x16xf32>,
      %get3A_2946 = vector.shape_cast %get3A_2945 : vector<1x16xf32> to vector<16xf32>
      %add3A_2947 = arith.addf %add3A_2923, %get3A_2946 : vector<16xf32>
      %get3A_2948 = arith.constant 32 : i32
      %get3A_2949 = arith.index_cast %get3A_2948 : i32 to index
      %get3A_2950 = arith.constant 16 : index
      %get3A_2951 = tpu.vector_load %arg8[%get3A_2949, %get3A_2950] {strides = array<i32>} : memref<104x32xf32, #tpu.memory_space<vmem>>, vector<1x16xf32>,
      %get3A_2952 = vector.shape_cast %get3A_2951 : vector<1x16xf32> to vector<16xf32>
      %add3A_2953 = arith.addf %add3A_2929, %get3A_2952 : vector<16xf32>
      %get3A_2954 = arith.constant 33 : i32
      %get3A_2955 = arith.index_cast %get3A_2954 : i32 to index
      %get3A_2956 = arith.constant 0 : index
      %get3A_2957 = tpu.vector_load %arg8[%get3A_2955, %get3A_2956] {strides = array<i32>} : memref<104x32xf32, #tpu.memory_space<vmem>>, vector<1x16xf32>,
      %get3A_2958 = vector.shape_cast %get3A_2957 : vector<1x16xf32> to vector<16xf32>
      %add3A_2959 = arith.addf %add3A_2935, %get3A_2958 : vector<16xf32>
      %get3A_2960 = arith.constant 33 : i32
      %get3A_2961 = arith.index_cast %get3A_2960 : i32 to index
      %get3A_2962 = arith.constant 16 : index
      %get3A_2963 = tpu.vector_load %arg8[%get3A_2961, %get3A_2962] {strides = array<i32>} : memref<104x32xf32, #tpu.memory_space<vmem>>, vector<1x16xf32>,
      %get3A_2964 = vector.shape_cast %get3A_2963 : vector<1x16xf32> to vector<16xf32>
      %add3A_2965 = arith.addf %add3A_2941, %get3A_2964 : vector<16xf32>
      %get3A_2966 = arith.constant 34 : i32
      %get3A_2967 = arith.index_cast %get3A_2966 : i32 to index
      %get3A_2968 = arith.constant 0 : index
      %get3A_2969 = tpu.vector_load %arg8[%get3A_2967, %get3A_2968] {strides = array<i32>} : memref<104x32xf32, #tpu.memory_space<vmem>>, vector<1x16xf32>,
      %get3A_2970 = vector.shape_cast %get3A_2969 : vector<1x16xf32> to vector<16xf32>
      %add3A_2971 = arith.addf %add3A_2947, %get3A_2970 : vector<16xf32>
      %get3A_2972 = arith.constant 34 : i32
      %get3A_2973 = arith.index_cast %get3A_2972 : i32 to index
      %get3A_2974 = arith.constant 16 : index
      %get3A_2975 = tpu.vector_load %arg8[%get3A_2973, %get3A_2974] {strides = array<i32>} : memref<104x32xf32, #tpu.memory_space<vmem>>, vector<1x16xf32>,
      %get3A_2976 = vector.shape_cast %get3A_2975 : vector<1x16xf32> to vector<16xf32>
      %add3A_2977 = arith.addf %add3A_2953, %get3A_2976 : vector<16xf32>
      %get3A_2978 = arith.constant 35 : i32
      %get3A_2979 = arith.index_cast %get3A_2978 : i32 to index
      %get3A_2980 = arith.constant 0 : index
      %get3A_2981 = tpu.vector_load %arg8[%get3A_2979, %get3A_2980] {strides = array<i32>} : memref<104x32xf32, #tpu.memory_space<vmem>>, vector<1x16xf32>,
      %get3A_2982 = vector.shape_cast %get3A_2981 : vector<1x16xf32> to vector<16xf32>
      %add3A_2983 = arith.addf %add3A_2959, %get3A_2982 : vector<16xf32>
      %get3A_2984 = arith.constant 35 : i32
      %get3A_2985 = arith.index_cast %get3A_2984 : i32 to index
      %get3A_2986 = arith.constant 16 : index
      %get3A_2987 = tpu.vector_load %arg8[%get3A_2985, %get3A_2986] {strides = array<i32>} : memref<104x32xf32, #tpu.memory_space<vmem>>, vector<1x16xf32>,
      %get3A_2988 = vector.shape_cast %get3A_2987 : vector<1x16xf32> to vector<16xf32>
      %add3A_2989 = arith.addf %add3A_2965, %get3A_2988 : vector<16xf32>
      %get3A_2990 = arith.constant 36 : i32
      %get3A_2991 = arith.index_cast %get3A_2990 : i32 to index
      %get3A_2992 = arith.constant 0 : index
      %get3A_2993 = tpu.vector_load %arg8[%get3A_2991, %get3A_2992] {strides = array<i32>} : memref<104x32xf32, #tpu.memory_space<vmem>>, vector<1x16xf32>,
      %get3A_2994 = vector.shape_cast %get3A_2993 : vector<1x16xf32> to vector<16xf32>
      %add3A_2995 = arith.addf %add3A_2971, %get3A_2994 : vector<16xf32>
      %get3A_2996 = arith.constant 36 : i32
      %get3A_2997 = arith.index_cast %get3A_2996 : i32 to index
      %get3A_2998 = arith.constant 16 : index
      %get3A_2999 = tpu.vector_load %arg8[%get3A_2997, %get3A_2998] {strides = array<i32>} : memref<104x32xf32, #tpu.memory_space<vmem>>, vector<1x16xf32>,
      %get3A_3000 = vector.shape_cast %get3A_2999 : vector<1x16xf32> to vector<16xf32>
      %add3A_3001 = arith.addf %add3A_2977, %get3A_3000 : vector<16xf32>
      %get3A_3002 = arith.constant 37 : i32
      %get3A_3003 = arith.index_cast %get3A_3002 : i32 to index
      %get3A_3004 = arith.constant 0 : index
      %get3A_3005 = tpu.vector_load %arg8[%get3A_3003, %get3A_3004] {strides = array<i32>} : memref<104x32xf32, #tpu.memory_space<vmem>>, vector<1x16xf32>,
      %get3A_3006 = vector.shape_cast %get3A_3005 : vector<1x16xf32> to vector<16xf32>
      %add3A_3007 = arith.addf %add3A_2983, %get3A_3006 : vector<16xf32>
      %get3A_3008 = arith.constant 37 : i32
      %get3A_3009 = arith.index_cast %get3A_3008 : i32 to index
      %get3A_3010 = arith.constant 16 : index
      %get3A_3011 = tpu.vector_load %arg8[%get3A_3009, %get3A_3010] {strides = array<i32>} : memref<104x32xf32, #tpu.memory_space<vmem>>, vector<1x16xf32>,
      %get3A_3012 = vector.shape_cast %get3A_3011 : vector<1x16xf32> to vector<16xf32>
      %add3A_3013 = arith.addf %add3A_2989, %get3A_3012 : vector<16xf32>
      %get3A_3014 = arith.constant 38 : i32
      %get3A_3015 = arith.index_cast %get3A_3014 : i32 to index
      %get3A_3016 = arith.constant 0 : index
      %get3A_3017 = tpu.vector_load %arg8[%get3A_3015, %get3A_3016] {strides = array<i32>} : memref<104x32xf32, #tpu.memory_space<vmem>>, vector<1x16xf32>,
      %get3A_3018 = vector.shape_cast %get3A_3017 : vector<1x16xf32> to vector<16xf32>
      %add3A_3019 = arith.addf %add3A_2995, %get3A_3018 : vector<16xf32>
      %get3A_3020 = arith.constant 38 : i32
      %get3A_3021 = arith.index_cast %get3A_3020 : i32 to index
      %get3A_3022 = arith.constant 16 : index
      %get3A_3023 = tpu.vector_load %arg8[%get3A_3021, %get3A_3022] {strides = array<i32>} : memref<104x32xf32, #tpu.memory_space<vmem>>, vector<1x16xf32>,
      %get3A_3024 = vector.shape_cast %get3A_3023 : vector<1x16xf32> to vector<16xf32>
      %add3A_3025 = arith.addf %add3A_3001, %get3A_3024 : vector<16xf32>
      %get3A_3026 = arith.constant 39 : i32
      %get3A_3027 = arith.index_cast %get3A_3026 : i32 to index
      %get3A_3028 = arith.constant 0 : index
      %get3A_3029 = tpu.vector_load %arg8[%get3A_3027, %get3A_3028] {strides = array<i32>} : memref<104x32xf32, #tpu.memory_space<vmem>>, vector<1x16xf32>,
      %get3A_3030 = vector.shape_cast %get3A_3029 : vector<1x16xf32> to vector<16xf32>
      %add3A_3031 = arith.addf %add3A_3007, %get3A_3030 : vector<16xf32>
      %get3A_3032 = arith.constant 39 : i32
      %get3A_3033 = arith.index_cast %get3A_3032 : i32 to index
      %get3A_3034 = arith.constant 16 : index
      %get3A_3035 = tpu.vector_load %arg8[%get3A_3033, %get3A_3034] {strides = array<i32>} : memref<104x32xf32, #tpu.memory_space<vmem>>, vector<1x16xf32>,
      %get3A_3036 = vector.shape_cast %get3A_3035 : vector<1x16xf32> to vector<16xf32>
      %add3A_3037 = arith.addf %add3A_3013, %get3A_3036 : vector<16xf32>
      %get3A_3038 = arith.constant 40 : i32
      %get3A_3039 = arith.index_cast %get3A_3038 : i32 to index
      %get3A_3040 = arith.constant 0 : index
      %get3A_3041 = tpu.vector_load %arg8[%get3A_3039, %get3A_3040] {strides = array<i32>} : memref<104x32xf32, #tpu.memory_space<vmem>>, vector<1x16xf32>,
      %get3A_3042 = vector.shape_cast %get3A_3041 : vector<1x16xf32> to vector<16xf32>
      %add3A_3043 = arith.addf %add3A_3019, %get3A_3042 : vector<16xf32>
      %get3A_3044 = arith.constant 40 : i32
      %get3A_3045 = arith.index_cast %get3A_3044 : i32 to index
      %get3A_3046 = arith.constant 16 : index
      %get3A_3047 = tpu.vector_load %arg8[%get3A_3045, %get3A_3046] {strides = array<i32>} : memref<104x32xf32, #tpu.memory_space<vmem>>, vector<1x16xf32>,
      %get3A_3048 = vector.shape_cast %get3A_3047 : vector<1x16xf32> to vector<16xf32>
      %add3A_3049 = arith.addf %add3A_3025, %get3A_3048 : vector<16xf32>
      %get3A_3050 = arith.constant 41 : i32
      %get3A_3051 = arith.index_cast %get3A_3050 : i32 to index
      %get3A_3052 = arith.constant 0 : index
      %get3A_3053 = tpu.vector_load %arg8[%get3A_3051, %get3A_3052] {strides = array<i32>} : memref<104x32xf32, #tpu.memory_space<vmem>>, vector<1x16xf32>,
      %get3A_3054 = vector.shape_cast %get3A_3053 : vector<1x16xf32> to vector<16xf32>
      %add3A_3055 = arith.addf %add3A_3031, %get3A_3054 : vector<16xf32>
      %get3A_3056 = arith.constant 41 : i32
      %get3A_3057 = arith.index_cast %get3A_3056 : i32 to index
      %get3A_3058 = arith.constant 16 : index
      %get3A_3059 = tpu.vector_load %arg8[%get3A_3057, %get3A_3058] {strides = array<i32>} : memref<104x32xf32, #tpu.memory_space<vmem>>, vector<1x16xf32>,
      %get3A_3060 = vector.shape_cast %get3A_3059 : vector<1x16xf32> to vector<16xf32>
      %add3A_3061 = arith.addf %add3A_3037, %get3A_3060 : vector<16xf32>
      %get3A_3062 = arith.constant 42 : i32
      %get3A_3063 = arith.index_cast %get3A_3062 : i32 to index
      %get3A_3064 = arith.constant 0 : index
      %get3A_3065 = tpu.vector_load %arg8[%get3A_3063, %get3A_3064] {strides = array<i32>} : memref<104x32xf32, #tpu.memory_space<vmem>>, vector<1x16xf32>,
      %get3A_3066 = vector.shape_cast %get3A_3065 : vector<1x16xf32> to vector<16xf32>
      %add3A_3067 = arith.addf %add3A_3043, %get3A_3066 : vector<16xf32>
      %get3A_3068 = arith.constant 42 : i32
      %get3A_3069 = arith.index_cast %get3A_3068 : i32 to index
      %get3A_3070 = arith.constant 16 : index
      %get3A_3071 = tpu.vector_load %arg8[%get3A_3069, %get3A_3070] {strides = array<i32>} : memref<104x32xf32, #tpu.memory_space<vmem>>, vector<1x16xf32>,
      %get3A_3072 = vector.shape_cast %get3A_3071 : vector<1x16xf32> to vector<16xf32>
      %add3A_3073 = arith.addf %add3A_3049, %get3A_3072 : vector<16xf32>
      %get3A_3074 = arith.constant 43 : i32
      %get3A_3075 = arith.index_cast %get3A_3074 : i32 to index
      %get3A_3076 = arith.constant 0 : index
      %get3A_3077 = tpu.vector_load %arg8[%get3A_3075, %get3A_3076] {strides = array<i32>} : memref<104x32xf32, #tpu.memory_space<vmem>>, vector<1x16xf32>,
      %get3A_3078 = vector.shape_cast %get3A_3077 : vector<1x16xf32> to vector<16xf32>
      %add3A_3079 = arith.addf %add3A_3055, %get3A_3078 : vector<16xf32>
      %get3A_3080 = arith.constant 43 : i32
      %get3A_3081 = arith.index_cast %get3A_3080 : i32 to index
      %get3A_3082 = arith.constant 16 : index
      %get3A_3083 = tpu.vector_load %arg8[%get3A_3081, %get3A_3082] {strides = array<i32>} : memref<104x32xf32, #tpu.memory_space<vmem>>, vector<1x16xf32>,
      %get3A_3084 = vector.shape_cast %get3A_3083 : vector<1x16xf32> to vector<16xf32>
      %add3A_3085 = arith.addf %add3A_3061, %get3A_3084 : vector<16xf32>
      %get3A_3086 = arith.constant 44 : i32
      %get3A_3087 = arith.index_cast %get3A_3086 : i32 to index
      %get3A_3088 = arith.constant 0 : index
      %get3A_3089 = tpu.vector_load %arg8[%get3A_3087, %get3A_3088] {strides = array<i32>} : memref<104x32xf32, #tpu.memory_space<vmem>>, vector<1x16xf32>,
      %get3A_3090 = vector.shape_cast %get3A_3089 : vector<1x16xf32> to vector<16xf32>
      %add3A_3091 = arith.addf %add3A_3067, %get3A_3090 : vector<16xf32>
      %get3A_3092 = arith.constant 44 : i32
      %get3A_3093 = arith.index_cast %get3A_3092 : i32 to index
      %get3A_3094 = arith.constant 16 : index
      %get3A_3095 = tpu.vector_load %arg8[%get3A_3093, %get3A_3094] {strides = array<i32>} : memref<104x32xf32, #tpu.memory_space<vmem>>, vector<1x16xf32>,
      %get3A_3096 = vector.shape_cast %get3A_3095 : vector<1x16xf32> to vector<16xf32>
      %add3A_3097 = arith.addf %add3A_3073, %get3A_3096 : vector<16xf32>
      %get3A_3098 = arith.constant 45 : i32
      %get3A_3099 = arith.index_cast %get3A_3098 : i32 to index
      %get3A_3100 = arith.constant 0 : index
      %get3A_3101 = tpu.vector_load %arg8[%get3A_3099, %get3A_3100] {strides = array<i32>} : memref<104x32xf32, #tpu.memory_space<vmem>>, vector<1x16xf32>,
      %get3A_3102 = vector.shape_cast %get3A_3101 : vector<1x16xf32> to vector<16xf32>
      %add3A_3103 = arith.addf %add3A_3079, %get3A_3102 : vector<16xf32>
      %get3A_3104 = arith.constant 45 : i32
      %get3A_3105 = arith.index_cast %get3A_3104 : i32 to index
      %get3A_3106 = arith.constant 16 : index
      %get3A_3107 = tpu.vector_load %arg8[%get3A_3105, %get3A_3106] {strides = array<i32>} : memref<104x32xf32, #tpu.memory_space<vmem>>, vector<1x16xf32>,
      %get3A_3108 = vector.shape_cast %get3A_3107 : vector<1x16xf32> to vector<16xf32>
      %add3A_3109 = arith.addf %add3A_3085, %get3A_3108 : vector<16xf32>
      %get3A_3110 = arith.constant 46 : i32
      %get3A_3111 = arith.index_cast %get3A_3110 : i32 to index
      %get3A_3112 = arith.constant 0 : index
      %get3A_3113 = tpu.vector_load %arg8[%get3A_3111, %get3A_3112] {strides = array<i32>} : memref<104x32xf32, #tpu.memory_space<vmem>>, vector<1x16xf32>,
      %get3A_3114 = vector.shape_cast %get3A_3113 : vector<1x16xf32> to vector<16xf32>
      %add3A_3115 = arith.addf %add3A_3091, %get3A_3114 : vector<16xf32>
      %get3A_3116 = arith.constant 46 : i32
      %get3A_3117 = arith.index_cast %get3A_3116 : i32 to index
      %get3A_3118 = arith.constant 16 : index
      %get3A_3119 = tpu.vector_load %arg8[%get3A_3117, %get3A_3118] {strides = array<i32>} : memref<104x32xf32, #tpu.memory_space<vmem>>, vector<1x16xf32>,
      %get3A_3120 = vector.shape_cast %get3A_3119 : vector<1x16xf32> to vector<16xf32>
      %add3A_3121 = arith.addf %add3A_3097, %get3A_3120 : vector<16xf32>
      %get3A_3122 = arith.constant 47 : i32
      %get3A_3123 = arith.index_cast %get3A_3122 : i32 to index
      %get3A_3124 = arith.constant 0 : index
      %get3A_3125 = tpu.vector_load %arg8[%get3A_3123, %get3A_3124] {strides = array<i32>} : memref<104x32xf32, #tpu.memory_space<vmem>>, vector<1x16xf32>,
      %get3A_3126 = vector.shape_cast %get3A_3125 : vector<1x16xf32> to vector<16xf32>
      %add3A_3127 = arith.addf %add3A_3103, %get3A_3126 : vector<16xf32>
      %get3A_3128 = arith.constant 47 : i32
      %get3A_3129 = arith.index_cast %get3A_3128 : i32 to index
      %get3A_3130 = arith.constant 16 : index
      %get3A_3131 = tpu.vector_load %arg8[%get3A_3129, %get3A_3130] {strides = array<i32>} : memref<104x32xf32, #tpu.memory_space<vmem>>, vector<1x16xf32>,
      %get3A_3132 = vector.shape_cast %get3A_3131 : vector<1x16xf32> to vector<16xf32>
      %add3A_3133 = arith.addf %add3A_3109, %get3A_3132 : vector<16xf32>
      %get3A_3134 = arith.constant 48 : i32
      %get3A_3135 = arith.index_cast %get3A_3134 : i32 to index
      %get3A_3136 = arith.constant 0 : index
      %get3A_3137 = tpu.vector_load %arg8[%get3A_3135, %get3A_3136] {strides = array<i32>} : memref<104x32xf32, #tpu.memory_space<vmem>>, vector<1x16xf32>,
      %get3A_3138 = vector.shape_cast %get3A_3137 : vector<1x16xf32> to vector<16xf32>
      %add3A_3139 = arith.addf %add3A_3115, %get3A_3138 : vector<16xf32>
      %get3A_3140 = arith.constant 48 : i32
      %get3A_3141 = arith.index_cast %get3A_3140 : i32 to index
      %get3A_3142 = arith.constant 16 : index
      %get3A_3143 = tpu.vector_load %arg8[%get3A_3141, %get3A_3142] {strides = array<i32>} : memref<104x32xf32, #tpu.memory_space<vmem>>, vector<1x16xf32>,
      %get3A_3144 = vector.shape_cast %get3A_3143 : vector<1x16xf32> to vector<16xf32>
      %add3A_3145 = arith.addf %add3A_3121, %get3A_3144 : vector<16xf32>
      %get3A_3146 = arith.constant 49 : i32
      %get3A_3147 = arith.index_cast %get3A_3146 : i32 to index
      %get3A_3148 = arith.constant 0 : index
      %get3A_3149 = tpu.vector_load %arg8[%get3A_3147, %get3A_3148] {strides = array<i32>} : memref<104x32xf32, #tpu.memory_space<vmem>>, vector<1x16xf32>,
      %get3A_3150 = vector.shape_cast %get3A_3149 : vector<1x16xf32> to vector<16xf32>
      %add3A_3151 = arith.addf %add3A_3127, %get3A_3150 : vector<16xf32>
      %get3A_3152 = arith.constant 49 : i32
      %get3A_3153 = arith.index_cast %get3A_3152 : i32 to index
      %get3A_3154 = arith.constant 16 : index
      %get3A_3155 = tpu.vector_load %arg8[%get3A_3153, %get3A_3154] {strides = array<i32>} : memref<104x32xf32, #tpu.memory_space<vmem>>, vector<1x16xf32>,
      %get3A_3156 = vector.shape_cast %get3A_3155 : vector<1x16xf32> to vector<16xf32>
      %add3A_3157 = arith.addf %add3A_3133, %get3A_3156 : vector<16xf32>
      %add3A_3158 = arith.addf %add3A_3139, %add3A_3151 : vector<16xf32>
      %mul3A_3159 = arith.constant 2.44140625E-4 : f32
      %mul3A_3160 = vector.broadcast %mul3A_3159 : f32 to vector<16xf32>
      %mul3A_3161 = arith.mulf %add3A_3158, %mul3A_3160 : vector<16xf32>
      %mul3A_3162 = arith.constant 2 : i32
      %mul3A_3163 = arith.muli %mul3A_3162, %add3A_2555 : i32
      %add3A_3164 = arith.constant 0 : i32
      %add3A_3165 = arith.addi %mul3A_3163, %add3A_3164 : i32
      %swap3A_3166 = arith.index_cast %add3A_3165 : i32 to index
      %swap3A_3167 = arith.constant 0 : index
      %swap3A_3168 = tpu.vector_load %arg10[%swap3A_3166, %swap3A_3167] {strides = array<i32>} : memref<128x32xf32, #tpu.memory_space<vmem>>, vector<1x16xf32>,
      %swap3A_3169 = vector.shape_cast %swap3A_3168 : vector<1x16xf32> to vector<16xf32>
      %swap3A_3170 = vector.shape_cast %mul3A_3161 : vector<16xf32> to vector<1x16xf32>
      tpu.vector_store %arg10[%swap3A_3166, %swap3A_3167], %swap3A_3170 {strides = array<i32>} : memref<128x32xf32, #tpu.memory_space<vmem>>, vector<1x16xf32>,
      %add3A_3171 = arith.addf %add3A_3145, %add3A_3157 : vector<16xf32>
      %mul3A_3172 = arith.constant 2.44140625E-4 : f32
      %mul3A_3173 = vector.broadcast %mul3A_3172 : f32 to vector<16xf32>
      %mul3A_3174 = arith.mulf %add3A_3171, %mul3A_3173 : vector<16xf32>
      %mul3A_3175 = arith.constant 2 : i32
      %mul3A_3176 = arith.muli %mul3A_3175, %add3A_2555 : i32
      %add3A_3177 = arith.constant 0 : i32
      %add3A_3178 = arith.addi %mul3A_3176, %add3A_3177 : i32
      %swap3A_3179 = arith.index_cast %add3A_3178 : i32 to index
      %swap3A_3180 = arith.constant 16 : index
      %swap3A_3181 = tpu.vector_load %arg10[%swap3A_3179, %swap3A_3180] {strides = array<i32>} : memref<128x32xf32, #tpu.memory_space<vmem>>, vector<1x16xf32>,
      %swap3A_3182 = vector.shape_cast %swap3A_3181 : vector<1x16xf32> to vector<16xf32>
      %swap3A_3183 = vector.shape_cast %mul3A_3174 : vector<16xf32> to vector<1x16xf32>
      tpu.vector_store %arg10[%swap3A_3179, %swap3A_3180], %swap3A_3183 {strides = array<i32>} : memref<128x32xf32, #tpu.memory_space<vmem>>, vector<1x16xf32>,
      %get3A_3184 = arith.constant 52 : i32
      %get3A_3185 = arith.index_cast %get3A_3184 : i32 to index
      %get3A_3186 = arith.constant 0 : index
      %get3A_3187 = tpu.vector_load %arg8[%get3A_3185, %get3A_3186] {strides = array<i32>} : memref<104x32xf32, #tpu.memory_space<vmem>>, vector<1x16xf32>,
      %get3A_3188 = vector.shape_cast %get3A_3187 : vector<1x16xf32> to vector<16xf32>
      %get3A_3189 = arith.constant 52 : i32
      %get3A_3190 = arith.index_cast %get3A_3189 : i32 to index
      %get3A_3191 = arith.constant 16 : index
      %get3A_3192 = tpu.vector_load %arg8[%get3A_3190, %get3A_3191] {strides = array<i32>} : memref<104x32xf32, #tpu.memory_space<vmem>>, vector<1x16xf32>,
      %get3A_3193 = vector.shape_cast %get3A_3192 : vector<1x16xf32> to vector<16xf32>
      %get3A_3194 = arith.constant 53 : i32
      %get3A_3195 = arith.index_cast %get3A_3194 : i32 to index
      %get3A_3196 = arith.constant 0 : index
      %get3A_3197 = tpu.vector_load %arg8[%get3A_3195, %get3A_3196] {strides = array<i32>} : memref<104x32xf32, #tpu.memory_space<vmem>>, vector<1x16xf32>,
      %get3A_3198 = vector.shape_cast %get3A_3197 : vector<1x16xf32> to vector<16xf32>
      %get3A_3199 = arith.constant 53 : i32
      %get3A_3200 = arith.index_cast %get3A_3199 : i32 to index
      %get3A_3201 = arith.constant 16 : index
      %get3A_3202 = tpu.vector_load %arg8[%get3A_3200, %get3A_3201] {strides = array<i32>} : memref<104x32xf32, #tpu.memory_space<vmem>>, vector<1x16xf32>,
      %get3A_3203 = vector.shape_cast %get3A_3202 : vector<1x16xf32> to vector<16xf32>
      %get3A_3204 = arith.constant 54 : i32
      %get3A_3205 = arith.index_cast %get3A_3204 : i32 to index
      %get3A_3206 = arith.constant 0 : index
      %get3A_3207 = tpu.vector_load %arg8[%get3A_3205, %get3A_3206] {strides = array<i32>} : memref<104x32xf32, #tpu.memory_space<vmem>>, vector<1x16xf32>,
      %get3A_3208 = vector.shape_cast %get3A_3207 : vector<1x16xf32> to vector<16xf32>
      %add3A_3209 = arith.addf %get3A_3188, %get3A_3208 : vector<16xf32>
      %get3A_3210 = arith.constant 54 : i32
      %get3A_3211 = arith.index_cast %get3A_3210 : i32 to index
      %get3A_3212 = arith.constant 16 : index
      %get3A_3213 = tpu.vector_load %arg8[%get3A_3211, %get3A_3212] {strides = array<i32>} : memref<104x32xf32, #tpu.memory_space<vmem>>, vector<1x16xf32>,
      %get3A_3214 = vector.shape_cast %get3A_3213 : vector<1x16xf32> to vector<16xf32>
      %add3A_3215 = arith.addf %get3A_3193, %get3A_3214 : vector<16xf32>
      %get3A_3216 = arith.constant 55 : i32
      %get3A_3217 = arith.index_cast %get3A_3216 : i32 to index
      %get3A_3218 = arith.constant 0 : index
      %get3A_3219 = tpu.vector_load %arg8[%get3A_3217, %get3A_3218] {strides = array<i32>} : memref<104x32xf32, #tpu.memory_space<vmem>>, vector<1x16xf32>,
      %get3A_3220 = vector.shape_cast %get3A_3219 : vector<1x16xf32> to vector<16xf32>
      %add3A_3221 = arith.addf %get3A_3198, %get3A_3220 : vector<16xf32>
      %get3A_3222 = arith.constant 55 : i32
      %get3A_3223 = arith.index_cast %get3A_3222 : i32 to index
      %get3A_3224 = arith.constant 16 : index
      %get3A_3225 = tpu.vector_load %arg8[%get3A_3223, %get3A_3224] {strides = array<i32>} : memref<104x32xf32, #tpu.memory_space<vmem>>, vector<1x16xf32>,
      %get3A_3226 = vector.shape_cast %get3A_3225 : vector<1x16xf32> to vector<16xf32>
      %add3A_3227 = arith.addf %get3A_3203, %get3A_3226 : vector<16xf32>
      %get3A_3228 = arith.constant 56 : i32
      %get3A_3229 = arith.index_cast %get3A_3228 : i32 to index
      %get3A_3230 = arith.constant 0 : index
      %get3A_3231 = tpu.vector_load %arg8[%get3A_3229, %get3A_3230] {strides = array<i32>} : memref<104x32xf32, #tpu.memory_space<vmem>>, vector<1x16xf32>,
      %get3A_3232 = vector.shape_cast %get3A_3231 : vector<1x16xf32> to vector<16xf32>
      %add3A_3233 = arith.addf %add3A_3209, %get3A_3232 : vector<16xf32>
      %get3A_3234 = arith.constant 56 : i32
      %get3A_3235 = arith.index_cast %get3A_3234 : i32 to index
      %get3A_3236 = arith.constant 16 : index
      %get3A_3237 = tpu.vector_load %arg8[%get3A_3235, %get3A_3236] {strides = array<i32>} : memref<104x32xf32, #tpu.memory_space<vmem>>, vector<1x16xf32>,
      %get3A_3238 = vector.shape_cast %get3A_3237 : vector<1x16xf32> to vector<16xf32>
      %add3A_3239 = arith.addf %add3A_3215, %get3A_3238 : vector<16xf32>
      %get3A_3240 = arith.constant 57 : i32
      %get3A_3241 = arith.index_cast %get3A_3240 : i32 to index
      %get3A_3242 = arith.constant 0 : index
      %get3A_3243 = tpu.vector_load %arg8[%get3A_3241, %get3A_3242] {strides = array<i32>} : memref<104x32xf32, #tpu.memory_space<vmem>>, vector<1x16xf32>,
      %get3A_3244 = vector.shape_cast %get3A_3243 : vector<1x16xf32> to vector<16xf32>
      %add3A_3245 = arith.addf %add3A_3221, %get3A_3244 : vector<16xf32>
      %get3A_3246 = arith.constant 57 : i32
      %get3A_3247 = arith.index_cast %get3A_3246 : i32 to index
      %get3A_3248 = arith.constant 16 : index
      %get3A_3249 = tpu.vector_load %arg8[%get3A_3247, %get3A_3248] {strides = array<i32>} : memref<104x32xf32, #tpu.memory_space<vmem>>, vector<1x16xf32>,
      %get3A_3250 = vector.shape_cast %get3A_3249 : vector<1x16xf32> to vector<16xf32>
      %add3A_3251 = arith.addf %add3A_3227, %get3A_3250 : vector<16xf32>
      %get3A_3252 = arith.constant 58 : i32
      %get3A_3253 = arith.index_cast %get3A_3252 : i32 to index
      %get3A_3254 = arith.constant 0 : index
      %get3A_3255 = tpu.vector_load %arg8[%get3A_3253, %get3A_3254] {strides = array<i32>} : memref<104x32xf32, #tpu.memory_space<vmem>>, vector<1x16xf32>,
      %get3A_3256 = vector.shape_cast %get3A_3255 : vector<1x16xf32> to vector<16xf32>
      %add3A_3257 = arith.addf %add3A_3233, %get3A_3256 : vector<16xf32>
      %get3A_3258 = arith.constant 58 : i32
      %get3A_3259 = arith.index_cast %get3A_3258 : i32 to index
      %get3A_3260 = arith.constant 16 : index
      %get3A_3261 = tpu.vector_load %arg8[%get3A_3259, %get3A_3260] {strides = array<i32>} : memref<104x32xf32, #tpu.memory_space<vmem>>, vector<1x16xf32>,
      %get3A_3262 = vector.shape_cast %get3A_3261 : vector<1x16xf32> to vector<16xf32>
      %add3A_3263 = arith.addf %add3A_3239, %get3A_3262 : vector<16xf32>
      %get3A_3264 = arith.constant 59 : i32
      %get3A_3265 = arith.index_cast %get3A_3264 : i32 to index
      %get3A_3266 = arith.constant 0 : index
      %get3A_3267 = tpu.vector_load %arg8[%get3A_3265, %get3A_3266] {strides = array<i32>} : memref<104x32xf32, #tpu.memory_space<vmem>>, vector<1x16xf32>,
      %get3A_3268 = vector.shape_cast %get3A_3267 : vector<1x16xf32> to vector<16xf32>
      %add3A_3269 = arith.addf %add3A_3245, %get3A_3268 : vector<16xf32>
      %get3A_3270 = arith.constant 59 : i32
      %get3A_3271 = arith.index_cast %get3A_3270 : i32 to index
      %get3A_3272 = arith.constant 16 : index
      %get3A_3273 = tpu.vector_load %arg8[%get3A_3271, %get3A_3272] {strides = array<i32>} : memref<104x32xf32, #tpu.memory_space<vmem>>, vector<1x16xf32>,
      %get3A_3274 = vector.shape_cast %get3A_3273 : vector<1x16xf32> to vector<16xf32>
      %add3A_3275 = arith.addf %add3A_3251, %get3A_3274 : vector<16xf32>
      %get3A_3276 = arith.constant 60 : i32
      %get3A_3277 = arith.index_cast %get3A_3276 : i32 to index
      %get3A_3278 = arith.constant 0 : index
      %get3A_3279 = tpu.vector_load %arg8[%get3A_3277, %get3A_3278] {strides = array<i32>} : memref<104x32xf32, #tpu.memory_space<vmem>>, vector<1x16xf32>,
      %get3A_3280 = vector.shape_cast %get3A_3279 : vector<1x16xf32> to vector<16xf32>
      %add3A_3281 = arith.addf %add3A_3257, %get3A_3280 : vector<16xf32>
      %get3A_3282 = arith.constant 60 : i32
      %get3A_3283 = arith.index_cast %get3A_3282 : i32 to index
      %get3A_3284 = arith.constant 16 : index
      %get3A_3285 = tpu.vector_load %arg8[%get3A_3283, %get3A_3284] {strides = array<i32>} : memref<104x32xf32, #tpu.memory_space<vmem>>, vector<1x16xf32>,
      %get3A_3286 = vector.shape_cast %get3A_3285 : vector<1x16xf32> to vector<16xf32>
      %add3A_3287 = arith.addf %add3A_3263, %get3A_3286 : vector<16xf32>
      %get3A_3288 = arith.constant 61 : i32
      %get3A_3289 = arith.index_cast %get3A_3288 : i32 to index
      %get3A_3290 = arith.constant 0 : index
      %get3A_3291 = tpu.vector_load %arg8[%get3A_3289, %get3A_3290] {strides = array<i32>} : memref<104x32xf32, #tpu.memory_space<vmem>>, vector<1x16xf32>,
      %get3A_3292 = vector.shape_cast %get3A_3291 : vector<1x16xf32> to vector<16xf32>
      %add3A_3293 = arith.addf %add3A_3269, %get3A_3292 : vector<16xf32>
      %get3A_3294 = arith.constant 61 : i32
      %get3A_3295 = arith.index_cast %get3A_3294 : i32 to index
      %get3A_3296 = arith.constant 16 : index
      %get3A_3297 = tpu.vector_load %arg8[%get3A_3295, %get3A_3296] {strides = array<i32>} : memref<104x32xf32, #tpu.memory_space<vmem>>, vector<1x16xf32>,
      %get3A_3298 = vector.shape_cast %get3A_3297 : vector<1x16xf32> to vector<16xf32>
      %add3A_3299 = arith.addf %add3A_3275, %get3A_3298 : vector<16xf32>
      %get3A_3300 = arith.constant 62 : i32
      %get3A_3301 = arith.index_cast %get3A_3300 : i32 to index
      %get3A_3302 = arith.constant 0 : index
      %get3A_3303 = tpu.vector_load %arg8[%get3A_3301, %get3A_3302] {strides = array<i32>} : memref<104x32xf32, #tpu.memory_space<vmem>>, vector<1x16xf32>,
      %get3A_3304 = vector.shape_cast %get3A_3303 : vector<1x16xf32> to vector<16xf32>
      %add3A_3305 = arith.addf %add3A_3281, %get3A_3304 : vector<16xf32>
      %get3A_3306 = arith.constant 62 : i32
      %get3A_3307 = arith.index_cast %get3A_3306 : i32 to index
      %get3A_3308 = arith.constant 16 : index
      %get3A_3309 = tpu.vector_load %arg8[%get3A_3307, %get3A_3308] {strides = array<i32>} : memref<104x32xf32, #tpu.memory_space<vmem>>, vector<1x16xf32>,
      %get3A_3310 = vector.shape_cast %get3A_3309 : vector<1x16xf32> to vector<16xf32>
      %add3A_3311 = arith.addf %add3A_3287, %get3A_3310 : vector<16xf32>
      %get3A_3312 = arith.constant 63 : i32
      %get3A_3313 = arith.index_cast %get3A_3312 : i32 to index
      %get3A_3314 = arith.constant 0 : index
      %get3A_3315 = tpu.vector_load %arg8[%get3A_3313, %get3A_3314] {strides = array<i32>} : memref<104x32xf32, #tpu.memory_space<vmem>>, vector<1x16xf32>,
      %get3A_3316 = vector.shape_cast %get3A_3315 : vector<1x16xf32> to vector<16xf32>
      %add3A_3317 = arith.addf %add3A_3293, %get3A_3316 : vector<16xf32>
      %get3A_3318 = arith.constant 63 : i32
      %get3A_3319 = arith.index_cast %get3A_3318 : i32 to index
      %get3A_3320 = arith.constant 16 : index
      %get3A_3321 = tpu.vector_load %arg8[%get3A_3319, %get3A_3320] {strides = array<i32>} : memref<104x32xf32, #tpu.memory_space<vmem>>, vector<1x16xf32>,
      %get3A_3322 = vector.shape_cast %get3A_3321 : vector<1x16xf32> to vector<16xf32>
      %add3A_3323 = arith.addf %add3A_3299, %get3A_3322 : vector<16xf32>
      %get3A_3324 = arith.constant 64 : i32
      %get3A_3325 = arith.index_cast %get3A_3324 : i32 to index
      %get3A_3326 = arith.constant 0 : index
      %get3A_3327 = tpu.vector_load %arg8[%get3A_3325, %get3A_3326] {strides = array<i32>} : memref<104x32xf32, #tpu.memory_space<vmem>>, vector<1x16xf32>,
      %get3A_3328 = vector.shape_cast %get3A_3327 : vector<1x16xf32> to vector<16xf32>
      %add3A_3329 = arith.addf %add3A_3305, %get3A_3328 : vector<16xf32>
      %get3A_3330 = arith.constant 64 : i32
      %get3A_3331 = arith.index_cast %get3A_3330 : i32 to index
      %get3A_3332 = arith.constant 16 : index
      %get3A_3333 = tpu.vector_load %arg8[%get3A_3331, %get3A_3332] {strides = array<i32>} : memref<104x32xf32, #tpu.memory_space<vmem>>, vector<1x16xf32>,
      %get3A_3334 = vector.shape_cast %get3A_3333 : vector<1x16xf32> to vector<16xf32>
      %add3A_3335 = arith.addf %add3A_3311, %get3A_3334 : vector<16xf32>
      %get3A_3336 = arith.constant 65 : i32
      %get3A_3337 = arith.index_cast %get3A_3336 : i32 to index
      %get3A_3338 = arith.constant 0 : index
      %get3A_3339 = tpu.vector_load %arg8[%get3A_3337, %get3A_3338] {strides = array<i32>} : memref<104x32xf32, #tpu.memory_space<vmem>>, vector<1x16xf32>,
      %get3A_3340 = vector.shape_cast %get3A_3339 : vector<1x16xf32> to vector<16xf32>
      %add3A_3341 = arith.addf %add3A_3317, %get3A_3340 : vector<16xf32>
      %get3A_3342 = arith.constant 65 : i32
      %get3A_3343 = arith.index_cast %get3A_3342 : i32 to index
      %get3A_3344 = arith.constant 16 : index
      %get3A_3345 = tpu.vector_load %arg8[%get3A_3343, %get3A_3344] {strides = array<i32>} : memref<104x32xf32, #tpu.memory_space<vmem>>, vector<1x16xf32>,
      %get3A_3346 = vector.shape_cast %get3A_3345 : vector<1x16xf32> to vector<16xf32>
      %add3A_3347 = arith.addf %add3A_3323, %get3A_3346 : vector<16xf32>
      %get3A_3348 = arith.constant 66 : i32
      %get3A_3349 = arith.index_cast %get3A_3348 : i32 to index
      %get3A_3350 = arith.constant 0 : index
      %get3A_3351 = tpu.vector_load %arg8[%get3A_3349, %get3A_3350] {strides = array<i32>} : memref<104x32xf32, #tpu.memory_space<vmem>>, vector<1x16xf32>,
      %get3A_3352 = vector.shape_cast %get3A_3351 : vector<1x16xf32> to vector<16xf32>
      %add3A_3353 = arith.addf %add3A_3329, %get3A_3352 : vector<16xf32>
      %get3A_3354 = arith.constant 66 : i32
      %get3A_3355 = arith.index_cast %get3A_3354 : i32 to index
      %get3A_3356 = arith.constant 16 : index
      %get3A_3357 = tpu.vector_load %arg8[%get3A_3355, %get3A_3356] {strides = array<i32>} : memref<104x32xf32, #tpu.memory_space<vmem>>, vector<1x16xf32>,
      %get3A_3358 = vector.shape_cast %get3A_3357 : vector<1x16xf32> to vector<16xf32>
      %add3A_3359 = arith.addf %add3A_3335, %get3A_3358 : vector<16xf32>
      %get3A_3360 = arith.constant 67 : i32
      %get3A_3361 = arith.index_cast %get3A_3360 : i32 to index
      %get3A_3362 = arith.constant 0 : index
      %get3A_3363 = tpu.vector_load %arg8[%get3A_3361, %get3A_3362] {strides = array<i32>} : memref<104x32xf32, #tpu.memory_space<vmem>>, vector<1x16xf32>,
      %get3A_3364 = vector.shape_cast %get3A_3363 : vector<1x16xf32> to vector<16xf32>
      %add3A_3365 = arith.addf %add3A_3341, %get3A_3364 : vector<16xf32>
      %get3A_3366 = arith.constant 67 : i32
      %get3A_3367 = arith.index_cast %get3A_3366 : i32 to index
      %get3A_3368 = arith.constant 16 : index
      %get3A_3369 = tpu.vector_load %arg8[%get3A_3367, %get3A_3368] {strides = array<i32>} : memref<104x32xf32, #tpu.memory_space<vmem>>, vector<1x16xf32>,
      %get3A_3370 = vector.shape_cast %get3A_3369 : vector<1x16xf32> to vector<16xf32>
      %add3A_3371 = arith.addf %add3A_3347, %get3A_3370 : vector<16xf32>
      %get3A_3372 = arith.constant 68 : i32
      %get3A_3373 = arith.index_cast %get3A_3372 : i32 to index
      %get3A_3374 = arith.constant 0 : index
      %get3A_3375 = tpu.vector_load %arg8[%get3A_3373, %get3A_3374] {strides = array<i32>} : memref<104x32xf32, #tpu.memory_space<vmem>>, vector<1x16xf32>,
      %get3A_3376 = vector.shape_cast %get3A_3375 : vector<1x16xf32> to vector<16xf32>
      %add3A_3377 = arith.addf %add3A_3353, %get3A_3376 : vector<16xf32>
      %get3A_3378 = arith.constant 68 : i32
      %get3A_3379 = arith.index_cast %get3A_3378 : i32 to index
      %get3A_3380 = arith.constant 16 : index
      %get3A_3381 = tpu.vector_load %arg8[%get3A_3379, %get3A_3380] {strides = array<i32>} : memref<104x32xf32, #tpu.memory_space<vmem>>, vector<1x16xf32>,
      %get3A_3382 = vector.shape_cast %get3A_3381 : vector<1x16xf32> to vector<16xf32>
      %add3A_3383 = arith.addf %add3A_3359, %get3A_3382 : vector<16xf32>
      %get3A_3384 = arith.constant 69 : i32
      %get3A_3385 = arith.index_cast %get3A_3384 : i32 to index
      %get3A_3386 = arith.constant 0 : index
      %get3A_3387 = tpu.vector_load %arg8[%get3A_3385, %get3A_3386] {strides = array<i32>} : memref<104x32xf32, #tpu.memory_space<vmem>>, vector<1x16xf32>,
      %get3A_3388 = vector.shape_cast %get3A_3387 : vector<1x16xf32> to vector<16xf32>
      %add3A_3389 = arith.addf %add3A_3365, %get3A_3388 : vector<16xf32>
      %get3A_3390 = arith.constant 69 : i32
      %get3A_3391 = arith.index_cast %get3A_3390 : i32 to index
      %get3A_3392 = arith.constant 16 : index
      %get3A_3393 = tpu.vector_load %arg8[%get3A_3391, %get3A_3392] {strides = array<i32>} : memref<104x32xf32, #tpu.memory_space<vmem>>, vector<1x16xf32>,
      %get3A_3394 = vector.shape_cast %get3A_3393 : vector<1x16xf32> to vector<16xf32>
      %add3A_3395 = arith.addf %add3A_3371, %get3A_3394 : vector<16xf32>
      %get3A_3396 = arith.constant 70 : i32
      %get3A_3397 = arith.index_cast %get3A_3396 : i32 to index
      %get3A_3398 = arith.constant 0 : index
      %get3A_3399 = tpu.vector_load %arg8[%get3A_3397, %get3A_3398] {strides = array<i32>} : memref<104x32xf32, #tpu.memory_space<vmem>>, vector<1x16xf32>,
      %get3A_3400 = vector.shape_cast %get3A_3399 : vector<1x16xf32> to vector<16xf32>
      %add3A_3401 = arith.addf %add3A_3377, %get3A_3400 : vector<16xf32>
      %get3A_3402 = arith.constant 70 : i32
      %get3A_3403 = arith.index_cast %get3A_3402 : i32 to index
      %get3A_3404 = arith.constant 16 : index
      %get3A_3405 = tpu.vector_load %arg8[%get3A_3403, %get3A_3404] {strides = array<i32>} : memref<104x32xf32, #tpu.memory_space<vmem>>, vector<1x16xf32>,
      %get3A_3406 = vector.shape_cast %get3A_3405 : vector<1x16xf32> to vector<16xf32>
      %add3A_3407 = arith.addf %add3A_3383, %get3A_3406 : vector<16xf32>
      %get3A_3408 = arith.constant 71 : i32
      %get3A_3409 = arith.index_cast %get3A_3408 : i32 to index
      %get3A_3410 = arith.constant 0 : index
      %get3A_3411 = tpu.vector_load %arg8[%get3A_3409, %get3A_3410] {strides = array<i32>} : memref<104x32xf32, #tpu.memory_space<vmem>>, vector<1x16xf32>,
      %get3A_3412 = vector.shape_cast %get3A_3411 : vector<1x16xf32> to vector<16xf32>
      %add3A_3413 = arith.addf %add3A_3389, %get3A_3412 : vector<16xf32>
      %get3A_3414 = arith.constant 71 : i32
      %get3A_3415 = arith.index_cast %get3A_3414 : i32 to index
      %get3A_3416 = arith.constant 16 : index
      %get3A_3417 = tpu.vector_load %arg8[%get3A_3415, %get3A_3416] {strides = array<i32>} : memref<104x32xf32, #tpu.memory_space<vmem>>, vector<1x16xf32>,
      %get3A_3418 = vector.shape_cast %get3A_3417 : vector<1x16xf32> to vector<16xf32>
      %add3A_3419 = arith.addf %add3A_3395, %get3A_3418 : vector<16xf32>
      %get3A_3420 = arith.constant 72 : i32
      %get3A_3421 = arith.index_cast %get3A_3420 : i32 to index
      %get3A_3422 = arith.constant 0 : index
      %get3A_3423 = tpu.vector_load %arg8[%get3A_3421, %get3A_3422] {strides = array<i32>} : memref<104x32xf32, #tpu.memory_space<vmem>>, vector<1x16xf32>,
      %get3A_3424 = vector.shape_cast %get3A_3423 : vector<1x16xf32> to vector<16xf32>
      %add3A_3425 = arith.addf %add3A_3401, %get3A_3424 : vector<16xf32>
      %get3A_3426 = arith.constant 72 : i32
      %get3A_3427 = arith.index_cast %get3A_3426 : i32 to index
      %get3A_3428 = arith.constant 16 : index
      %get3A_3429 = tpu.vector_load %arg8[%get3A_3427, %get3A_3428] {strides = array<i32>} : memref<104x32xf32, #tpu.memory_space<vmem>>, vector<1x16xf32>,
      %get3A_3430 = vector.shape_cast %get3A_3429 : vector<1x16xf32> to vector<16xf32>
      %add3A_3431 = arith.addf %add3A_3407, %get3A_3430 : vector<16xf32>
      %get3A_3432 = arith.constant 73 : i32
      %get3A_3433 = arith.index_cast %get3A_3432 : i32 to index
      %get3A_3434 = arith.constant 0 : index
      %get3A_3435 = tpu.vector_load %arg8[%get3A_3433, %get3A_3434] {strides = array<i32>} : memref<104x32xf32, #tpu.memory_space<vmem>>, vector<1x16xf32>,
      %get3A_3436 = vector.shape_cast %get3A_3435 : vector<1x16xf32> to vector<16xf32>
      %add3A_3437 = arith.addf %add3A_3413, %get3A_3436 : vector<16xf32>
      %get3A_3438 = arith.constant 73 : i32
      %get3A_3439 = arith.index_cast %get3A_3438 : i32 to index
      %get3A_3440 = arith.constant 16 : index
      %get3A_3441 = tpu.vector_load %arg8[%get3A_3439, %get3A_3440] {strides = array<i32>} : memref<104x32xf32, #tpu.memory_space<vmem>>, vector<1x16xf32>,
      %get3A_3442 = vector.shape_cast %get3A_3441 : vector<1x16xf32> to vector<16xf32>
      %add3A_3443 = arith.addf %add3A_3419, %get3A_3442 : vector<16xf32>
      %get3A_3444 = arith.constant 74 : i32
      %get3A_3445 = arith.index_cast %get3A_3444 : i32 to index
      %get3A_3446 = arith.constant 0 : index
      %get3A_3447 = tpu.vector_load %arg8[%get3A_3445, %get3A_3446] {strides = array<i32>} : memref<104x32xf32, #tpu.memory_space<vmem>>, vector<1x16xf32>,
      %get3A_3448 = vector.shape_cast %get3A_3447 : vector<1x16xf32> to vector<16xf32>
      %add3A_3449 = arith.addf %add3A_3425, %get3A_3448 : vector<16xf32>
      %get3A_3450 = arith.constant 74 : i32
      %get3A_3451 = arith.index_cast %get3A_3450 : i32 to index
      %get3A_3452 = arith.constant 16 : index
      %get3A_3453 = tpu.vector_load %arg8[%get3A_3451, %get3A_3452] {strides = array<i32>} : memref<104x32xf32, #tpu.memory_space<vmem>>, vector<1x16xf32>,
      %get3A_3454 = vector.shape_cast %get3A_3453 : vector<1x16xf32> to vector<16xf32>
      %add3A_3455 = arith.addf %add3A_3431, %get3A_3454 : vector<16xf32>
      %get3A_3456 = arith.constant 75 : i32
      %get3A_3457 = arith.index_cast %get3A_3456 : i32 to index
      %get3A_3458 = arith.constant 0 : index
      %get3A_3459 = tpu.vector_load %arg8[%get3A_3457, %get3A_3458] {strides = array<i32>} : memref<104x32xf32, #tpu.memory_space<vmem>>, vector<1x16xf32>,
      %get3A_3460 = vector.shape_cast %get3A_3459 : vector<1x16xf32> to vector<16xf32>
      %add3A_3461 = arith.addf %add3A_3437, %get3A_3460 : vector<16xf32>
      %get3A_3462 = arith.constant 75 : i32
      %get3A_3463 = arith.index_cast %get3A_3462 : i32 to index
      %get3A_3464 = arith.constant 16 : index
      %get3A_3465 = tpu.vector_load %arg8[%get3A_3463, %get3A_3464] {strides = array<i32>} : memref<104x32xf32, #tpu.memory_space<vmem>>, vector<1x16xf32>,
      %get3A_3466 = vector.shape_cast %get3A_3465 : vector<1x16xf32> to vector<16xf32>
      %add3A_3467 = arith.addf %add3A_3443, %get3A_3466 : vector<16xf32>
      %get3A_3468 = arith.constant 76 : i32
      %get3A_3469 = arith.index_cast %get3A_3468 : i32 to index
      %get3A_3470 = arith.constant 0 : index
      %get3A_3471 = tpu.vector_load %arg8[%get3A_3469, %get3A_3470] {strides = array<i32>} : memref<104x32xf32, #tpu.memory_space<vmem>>, vector<1x16xf32>,
      %get3A_3472 = vector.shape_cast %get3A_3471 : vector<1x16xf32> to vector<16xf32>
      %add3A_3473 = arith.addf %add3A_3449, %get3A_3472 : vector<16xf32>
      %get3A_3474 = arith.constant 76 : i32
      %get3A_3475 = arith.index_cast %get3A_3474 : i32 to index
      %get3A_3476 = arith.constant 16 : index
      %get3A_3477 = tpu.vector_load %arg8[%get3A_3475, %get3A_3476] {strides = array<i32>} : memref<104x32xf32, #tpu.memory_space<vmem>>, vector<1x16xf32>,
      %get3A_3478 = vector.shape_cast %get3A_3477 : vector<1x16xf32> to vector<16xf32>
      %add3A_3479 = arith.addf %add3A_3455, %get3A_3478 : vector<16xf32>
      %get3A_3480 = arith.constant 77 : i32
      %get3A_3481 = arith.index_cast %get3A_3480 : i32 to index
      %get3A_3482 = arith.constant 0 : index
      %get3A_3483 = tpu.vector_load %arg8[%get3A_3481, %get3A_3482] {strides = array<i32>} : memref<104x32xf32, #tpu.memory_space<vmem>>, vector<1x16xf32>,
      %get3A_3484 = vector.shape_cast %get3A_3483 : vector<1x16xf32> to vector<16xf32>
      %add3A_3485 = arith.addf %add3A_3461, %get3A_3484 : vector<16xf32>
      %get3A_3486 = arith.constant 77 : i32
      %get3A_3487 = arith.index_cast %get3A_3486 : i32 to index
      %get3A_3488 = arith.constant 16 : index
      %get3A_3489 = tpu.vector_load %arg8[%get3A_3487, %get3A_3488] {strides = array<i32>} : memref<104x32xf32, #tpu.memory_space<vmem>>, vector<1x16xf32>,
      %get3A_3490 = vector.shape_cast %get3A_3489 : vector<1x16xf32> to vector<16xf32>
      %add3A_3491 = arith.addf %add3A_3467, %get3A_3490 : vector<16xf32>
      %get3A_3492 = arith.constant 78 : i32
      %get3A_3493 = arith.index_cast %get3A_3492 : i32 to index
      %get3A_3494 = arith.constant 0 : index
      %get3A_3495 = tpu.vector_load %arg8[%get3A_3493, %get3A_3494] {strides = array<i32>} : memref<104x32xf32, #tpu.memory_space<vmem>>, vector<1x16xf32>,
      %get3A_3496 = vector.shape_cast %get3A_3495 : vector<1x16xf32> to vector<16xf32>
      %add3A_3497 = arith.addf %add3A_3473, %get3A_3496 : vector<16xf32>
      %get3A_3498 = arith.constant 78 : i32
      %get3A_3499 = arith.index_cast %get3A_3498 : i32 to index
      %get3A_3500 = arith.constant 16 : index
      %get3A_3501 = tpu.vector_load %arg8[%get3A_3499, %get3A_3500] {strides = array<i32>} : memref<104x32xf32, #tpu.memory_space<vmem>>, vector<1x16xf32>,
      %get3A_3502 = vector.shape_cast %get3A_3501 : vector<1x16xf32> to vector<16xf32>
      %add3A_3503 = arith.addf %add3A_3479, %get3A_3502 : vector<16xf32>
      %get3A_3504 = arith.constant 79 : i32
      %get3A_3505 = arith.index_cast %get3A_3504 : i32 to index
      %get3A_3506 = arith.constant 0 : index
      %get3A_3507 = tpu.vector_load %arg8[%get3A_3505, %get3A_3506] {strides = array<i32>} : memref<104x32xf32, #tpu.memory_space<vmem>>, vector<1x16xf32>,
      %get3A_3508 = vector.shape_cast %get3A_3507 : vector<1x16xf32> to vector<16xf32>
      %add3A_3509 = arith.addf %add3A_3485, %get3A_3508 : vector<16xf32>
      %get3A_3510 = arith.constant 79 : i32
      %get3A_3511 = arith.index_cast %get3A_3510 : i32 to index
      %get3A_3512 = arith.constant 16 : index
      %get3A_3513 = tpu.vector_load %arg8[%get3A_3511, %get3A_3512] {strides = array<i32>} : memref<104x32xf32, #tpu.memory_space<vmem>>, vector<1x16xf32>,
      %get3A_3514 = vector.shape_cast %get3A_3513 : vector<1x16xf32> to vector<16xf32>
      %add3A_3515 = arith.addf %add3A_3491, %get3A_3514 : vector<16xf32>
      %get3A_3516 = arith.constant 80 : i32
      %get3A_3517 = arith.index_cast %get3A_3516 : i32 to index
      %get3A_3518 = arith.constant 0 : index
      %get3A_3519 = tpu.vector_load %arg8[%get3A_3517, %get3A_3518] {strides = array<i32>} : memref<104x32xf32, #tpu.memory_space<vmem>>, vector<1x16xf32>,
      %get3A_3520 = vector.shape_cast %get3A_3519 : vector<1x16xf32> to vector<16xf32>
      %add3A_3521 = arith.addf %add3A_3497, %get3A_3520 : vector<16xf32>
      %get3A_3522 = arith.constant 80 : i32
      %get3A_3523 = arith.index_cast %get3A_3522 : i32 to index
      %get3A_3524 = arith.constant 16 : index
      %get3A_3525 = tpu.vector_load %arg8[%get3A_3523, %get3A_3524] {strides = array<i32>} : memref<104x32xf32, #tpu.memory_space<vmem>>, vector<1x16xf32>,
      %get3A_3526 = vector.shape_cast %get3A_3525 : vector<1x16xf32> to vector<16xf32>
      %add3A_3527 = arith.addf %add3A_3503, %get3A_3526 : vector<16xf32>
      %get3A_3528 = arith.constant 81 : i32
      %get3A_3529 = arith.index_cast %get3A_3528 : i32 to index
      %get3A_3530 = arith.constant 0 : index
      %get3A_3531 = tpu.vector_load %arg8[%get3A_3529, %get3A_3530] {strides = array<i32>} : memref<104x32xf32, #tpu.memory_space<vmem>>, vector<1x16xf32>,
      %get3A_3532 = vector.shape_cast %get3A_3531 : vector<1x16xf32> to vector<16xf32>
      %add3A_3533 = arith.addf %add3A_3509, %get3A_3532 : vector<16xf32>
      %get3A_3534 = arith.constant 81 : i32
      %get3A_3535 = arith.index_cast %get3A_3534 : i32 to index
      %get3A_3536 = arith.constant 16 : index
      %get3A_3537 = tpu.vector_load %arg8[%get3A_3535, %get3A_3536] {strides = array<i32>} : memref<104x32xf32, #tpu.memory_space<vmem>>, vector<1x16xf32>,
      %get3A_3538 = vector.shape_cast %get3A_3537 : vector<1x16xf32> to vector<16xf32>
      %add3A_3539 = arith.addf %add3A_3515, %get3A_3538 : vector<16xf32>
      %get3A_3540 = arith.constant 82 : i32
      %get3A_3541 = arith.index_cast %get3A_3540 : i32 to index
      %get3A_3542 = arith.constant 0 : index
      %get3A_3543 = tpu.vector_load %arg8[%get3A_3541, %get3A_3542] {strides = array<i32>} : memref<104x32xf32, #tpu.memory_space<vmem>>, vector<1x16xf32>,
      %get3A_3544 = vector.shape_cast %get3A_3543 : vector<1x16xf32> to vector<16xf32>
      %add3A_3545 = arith.addf %add3A_3521, %get3A_3544 : vector<16xf32>
      %get3A_3546 = arith.constant 82 : i32
      %get3A_3547 = arith.index_cast %get3A_3546 : i32 to index
      %get3A_3548 = arith.constant 16 : index
      %get3A_3549 = tpu.vector_load %arg8[%get3A_3547, %get3A_3548] {strides = array<i32>} : memref<104x32xf32, #tpu.memory_space<vmem>>, vector<1x16xf32>,
      %get3A_3550 = vector.shape_cast %get3A_3549 : vector<1x16xf32> to vector<16xf32>
      %add3A_3551 = arith.addf %add3A_3527, %get3A_3550 : vector<16xf32>
      %get3A_3552 = arith.constant 83 : i32
      %get3A_3553 = arith.index_cast %get3A_3552 : i32 to index
      %get3A_3554 = arith.constant 0 : index
      %get3A_3555 = tpu.vector_load %arg8[%get3A_3553, %get3A_3554] {strides = array<i32>} : memref<104x32xf32, #tpu.memory_space<vmem>>, vector<1x16xf32>,
      %get3A_3556 = vector.shape_cast %get3A_3555 : vector<1x16xf32> to vector<16xf32>
      %add3A_3557 = arith.addf %add3A_3533, %get3A_3556 : vector<16xf32>
      %get3A_3558 = arith.constant 83 : i32
      %get3A_3559 = arith.index_cast %get3A_3558 : i32 to index
      %get3A_3560 = arith.constant 16 : index
      %get3A_3561 = tpu.vector_load %arg8[%get3A_3559, %get3A_3560] {strides = array<i32>} : memref<104x32xf32, #tpu.memory_space<vmem>>, vector<1x16xf32>,
      %get3A_3562 = vector.shape_cast %get3A_3561 : vector<1x16xf32> to vector<16xf32>
      %add3A_3563 = arith.addf %add3A_3539, %get3A_3562 : vector<16xf32>
      %get3A_3564 = arith.constant 84 : i32
      %get3A_3565 = arith.index_cast %get3A_3564 : i32 to index
      %get3A_3566 = arith.constant 0 : index
      %get3A_3567 = tpu.vector_load %arg8[%get3A_3565, %get3A_3566] {strides = array<i32>} : memref<104x32xf32, #tpu.memory_space<vmem>>, vector<1x16xf32>,
      %get3A_3568 = vector.shape_cast %get3A_3567 : vector<1x16xf32> to vector<16xf32>
      %add3A_3569 = arith.addf %add3A_3545, %get3A_3568 : vector<16xf32>
      %get3A_3570 = arith.constant 84 : i32
      %get3A_3571 = arith.index_cast %get3A_3570 : i32 to index
      %get3A_3572 = arith.constant 16 : index
      %get3A_3573 = tpu.vector_load %arg8[%get3A_3571, %get3A_3572] {strides = array<i32>} : memref<104x32xf32, #tpu.memory_space<vmem>>, vector<1x16xf32>,
      %get3A_3574 = vector.shape_cast %get3A_3573 : vector<1x16xf32> to vector<16xf32>
      %add3A_3575 = arith.addf %add3A_3551, %get3A_3574 : vector<16xf32>
      %get3A_3576 = arith.constant 85 : i32
      %get3A_3577 = arith.index_cast %get3A_3576 : i32 to index
      %get3A_3578 = arith.constant 0 : index
      %get3A_3579 = tpu.vector_load %arg8[%get3A_3577, %get3A_3578] {strides = array<i32>} : memref<104x32xf32, #tpu.memory_space<vmem>>, vector<1x16xf32>,
      %get3A_3580 = vector.shape_cast %get3A_3579 : vector<1x16xf32> to vector<16xf32>
      %add3A_3581 = arith.addf %add3A_3557, %get3A_3580 : vector<16xf32>
      %get3A_3582 = arith.constant 85 : i32
      %get3A_3583 = arith.index_cast %get3A_3582 : i32 to index
      %get3A_3584 = arith.constant 16 : index
      %get3A_3585 = tpu.vector_load %arg8[%get3A_3583, %get3A_3584] {strides = array<i32>} : memref<104x32xf32, #tpu.memory_space<vmem>>, vector<1x16xf32>,
      %get3A_3586 = vector.shape_cast %get3A_3585 : vector<1x16xf32> to vector<16xf32>
      %add3A_3587 = arith.addf %add3A_3563, %get3A_3586 : vector<16xf32>
      %get3A_3588 = arith.constant 86 : i32
      %get3A_3589 = arith.index_cast %get3A_3588 : i32 to index
      %get3A_3590 = arith.constant 0 : index
      %get3A_3591 = tpu.vector_load %arg8[%get3A_3589, %get3A_3590] {strides = array<i32>} : memref<104x32xf32, #tpu.memory_space<vmem>>, vector<1x16xf32>,
      %get3A_3592 = vector.shape_cast %get3A_3591 : vector<1x16xf32> to vector<16xf32>
      %add3A_3593 = arith.addf %add3A_3569, %get3A_3592 : vector<16xf32>
      %get3A_3594 = arith.constant 86 : i32
      %get3A_3595 = arith.index_cast %get3A_3594 : i32 to index
      %get3A_3596 = arith.constant 16 : index
      %get3A_3597 = tpu.vector_load %arg8[%get3A_3595, %get3A_3596] {strides = array<i32>} : memref<104x32xf32, #tpu.memory_space<vmem>>, vector<1x16xf32>,
      %get3A_3598 = vector.shape_cast %get3A_3597 : vector<1x16xf32> to vector<16xf32>
      %add3A_3599 = arith.addf %add3A_3575, %get3A_3598 : vector<16xf32>
      %get3A_3600 = arith.constant 87 : i32
      %get3A_3601 = arith.index_cast %get3A_3600 : i32 to index
      %get3A_3602 = arith.constant 0 : index
      %get3A_3603 = tpu.vector_load %arg8[%get3A_3601, %get3A_3602] {strides = array<i32>} : memref<104x32xf32, #tpu.memory_space<vmem>>, vector<1x16xf32>,
      %get3A_3604 = vector.shape_cast %get3A_3603 : vector<1x16xf32> to vector<16xf32>
      %add3A_3605 = arith.addf %add3A_3581, %get3A_3604 : vector<16xf32>
      %get3A_3606 = arith.constant 87 : i32
      %get3A_3607 = arith.index_cast %get3A_3606 : i32 to index
      %get3A_3608 = arith.constant 16 : index
      %get3A_3609 = tpu.vector_load %arg8[%get3A_3607, %get3A_3608] {strides = array<i32>} : memref<104x32xf32, #tpu.memory_space<vmem>>, vector<1x16xf32>,
      %get3A_3610 = vector.shape_cast %get3A_3609 : vector<1x16xf32> to vector<16xf32>
      %add3A_3611 = arith.addf %add3A_3587, %get3A_3610 : vector<16xf32>
      %get3A_3612 = arith.constant 88 : i32
      %get3A_3613 = arith.index_cast %get3A_3612 : i32 to index
      %get3A_3614 = arith.constant 0 : index
      %get3A_3615 = tpu.vector_load %arg8[%get3A_3613, %get3A_3614] {strides = array<i32>} : memref<104x32xf32, #tpu.memory_space<vmem>>, vector<1x16xf32>,
      %get3A_3616 = vector.shape_cast %get3A_3615 : vector<1x16xf32> to vector<16xf32>
      %add3A_3617 = arith.addf %add3A_3593, %get3A_3616 : vector<16xf32>
      %get3A_3618 = arith.constant 88 : i32
      %get3A_3619 = arith.index_cast %get3A_3618 : i32 to index
      %get3A_3620 = arith.constant 16 : index
      %get3A_3621 = tpu.vector_load %arg8[%get3A_3619, %get3A_3620] {strides = array<i32>} : memref<104x32xf32, #tpu.memory_space<vmem>>, vector<1x16xf32>,
      %get3A_3622 = vector.shape_cast %get3A_3621 : vector<1x16xf32> to vector<16xf32>
      %add3A_3623 = arith.addf %add3A_3599, %get3A_3622 : vector<16xf32>
      %get3A_3624 = arith.constant 89 : i32
      %get3A_3625 = arith.index_cast %get3A_3624 : i32 to index
      %get3A_3626 = arith.constant 0 : index
      %get3A_3627 = tpu.vector_load %arg8[%get3A_3625, %get3A_3626] {strides = array<i32>} : memref<104x32xf32, #tpu.memory_space<vmem>>, vector<1x16xf32>,
      %get3A_3628 = vector.shape_cast %get3A_3627 : vector<1x16xf32> to vector<16xf32>
      %add3A_3629 = arith.addf %add3A_3605, %get3A_3628 : vector<16xf32>
      %get3A_3630 = arith.constant 89 : i32
      %get3A_3631 = arith.index_cast %get3A_3630 : i32 to index
      %get3A_3632 = arith.constant 16 : index
      %get3A_3633 = tpu.vector_load %arg8[%get3A_3631, %get3A_3632] {strides = array<i32>} : memref<104x32xf32, #tpu.memory_space<vmem>>, vector<1x16xf32>,
      %get3A_3634 = vector.shape_cast %get3A_3633 : vector<1x16xf32> to vector<16xf32>
      %add3A_3635 = arith.addf %add3A_3611, %get3A_3634 : vector<16xf32>
      %get3A_3636 = arith.constant 90 : i32
      %get3A_3637 = arith.index_cast %get3A_3636 : i32 to index
      %get3A_3638 = arith.constant 0 : index
      %get3A_3639 = tpu.vector_load %arg8[%get3A_3637, %get3A_3638] {strides = array<i32>} : memref<104x32xf32, #tpu.memory_space<vmem>>, vector<1x16xf32>,
      %get3A_3640 = vector.shape_cast %get3A_3639 : vector<1x16xf32> to vector<16xf32>
      %add3A_3641 = arith.addf %add3A_3617, %get3A_3640 : vector<16xf32>
      %get3A_3642 = arith.constant 90 : i32
      %get3A_3643 = arith.index_cast %get3A_3642 : i32 to index
      %get3A_3644 = arith.constant 16 : index
      %get3A_3645 = tpu.vector_load %arg8[%get3A_3643, %get3A_3644] {strides = array<i32>} : memref<104x32xf32, #tpu.memory_space<vmem>>, vector<1x16xf32>,
      %get3A_3646 = vector.shape_cast %get3A_3645 : vector<1x16xf32> to vector<16xf32>
      %add3A_3647 = arith.addf %add3A_3623, %get3A_3646 : vector<16xf32>
      %get3A_3648 = arith.constant 91 : i32
      %get3A_3649 = arith.index_cast %get3A_3648 : i32 to index
      %get3A_3650 = arith.constant 0 : index
      %get3A_3651 = tpu.vector_load %arg8[%get3A_3649, %get3A_3650] {strides = array<i32>} : memref<104x32xf32, #tpu.memory_space<vmem>>, vector<1x16xf32>,
      %get3A_3652 = vector.shape_cast %get3A_3651 : vector<1x16xf32> to vector<16xf32>
      %add3A_3653 = arith.addf %add3A_3629, %get3A_3652 : vector<16xf32>
      %get3A_3654 = arith.constant 91 : i32
      %get3A_3655 = arith.index_cast %get3A_3654 : i32 to index
      %get3A_3656 = arith.constant 16 : index
      %get3A_3657 = tpu.vector_load %arg8[%get3A_3655, %get3A_3656] {strides = array<i32>} : memref<104x32xf32, #tpu.memory_space<vmem>>, vector<1x16xf32>,
      %get3A_3658 = vector.shape_cast %get3A_3657 : vector<1x16xf32> to vector<16xf32>
      %add3A_3659 = arith.addf %add3A_3635, %get3A_3658 : vector<16xf32>
      %get3A_3660 = arith.constant 92 : i32
      %get3A_3661 = arith.index_cast %get3A_3660 : i32 to index
      %get3A_3662 = arith.constant 0 : index
      %get3A_3663 = tpu.vector_load %arg8[%get3A_3661, %get3A_3662] {strides = array<i32>} : memref<104x32xf32, #tpu.memory_space<vmem>>, vector<1x16xf32>,
      %get3A_3664 = vector.shape_cast %get3A_3663 : vector<1x16xf32> to vector<16xf32>
      %add3A_3665 = arith.addf %add3A_3641, %get3A_3664 : vector<16xf32>
      %get3A_3666 = arith.constant 92 : i32
      %get3A_3667 = arith.index_cast %get3A_3666 : i32 to index
      %get3A_3668 = arith.constant 16 : index
      %get3A_3669 = tpu.vector_load %arg8[%get3A_3667, %get3A_3668] {strides = array<i32>} : memref<104x32xf32, #tpu.memory_space<vmem>>, vector<1x16xf32>,
      %get3A_3670 = vector.shape_cast %get3A_3669 : vector<1x16xf32> to vector<16xf32>
      %add3A_3671 = arith.addf %add3A_3647, %get3A_3670 : vector<16xf32>
      %get3A_3672 = arith.constant 93 : i32
      %get3A_3673 = arith.index_cast %get3A_3672 : i32 to index
      %get3A_3674 = arith.constant 0 : index
      %get3A_3675 = tpu.vector_load %arg8[%get3A_3673, %get3A_3674] {strides = array<i32>} : memref<104x32xf32, #tpu.memory_space<vmem>>, vector<1x16xf32>,
      %get3A_3676 = vector.shape_cast %get3A_3675 : vector<1x16xf32> to vector<16xf32>
      %add3A_3677 = arith.addf %add3A_3653, %get3A_3676 : vector<16xf32>
      %get3A_3678 = arith.constant 93 : i32
      %get3A_3679 = arith.index_cast %get3A_3678 : i32 to index
      %get3A_3680 = arith.constant 16 : index
      %get3A_3681 = tpu.vector_load %arg8[%get3A_3679, %get3A_3680] {strides = array<i32>} : memref<104x32xf32, #tpu.memory_space<vmem>>, vector<1x16xf32>,
      %get3A_3682 = vector.shape_cast %get3A_3681 : vector<1x16xf32> to vector<16xf32>
      %add3A_3683 = arith.addf %add3A_3659, %get3A_3682 : vector<16xf32>
      %get3A_3684 = arith.constant 94 : i32
      %get3A_3685 = arith.index_cast %get3A_3684 : i32 to index
      %get3A_3686 = arith.constant 0 : index
      %get3A_3687 = tpu.vector_load %arg8[%get3A_3685, %get3A_3686] {strides = array<i32>} : memref<104x32xf32, #tpu.memory_space<vmem>>, vector<1x16xf32>,
      %get3A_3688 = vector.shape_cast %get3A_3687 : vector<1x16xf32> to vector<16xf32>
      %add3A_3689 = arith.addf %add3A_3665, %get3A_3688 : vector<16xf32>
      %get3A_3690 = arith.constant 94 : i32
      %get3A_3691 = arith.index_cast %get3A_3690 : i32 to index
      %get3A_3692 = arith.constant 16 : index
      %get3A_3693 = tpu.vector_load %arg8[%get3A_3691, %get3A_3692] {strides = array<i32>} : memref<104x32xf32, #tpu.memory_space<vmem>>, vector<1x16xf32>,
      %get3A_3694 = vector.shape_cast %get3A_3693 : vector<1x16xf32> to vector<16xf32>
      %add3A_3695 = arith.addf %add3A_3671, %get3A_3694 : vector<16xf32>
      %get3A_3696 = arith.constant 95 : i32
      %get3A_3697 = arith.index_cast %get3A_3696 : i32 to index
      %get3A_3698 = arith.constant 0 : index
      %get3A_3699 = tpu.vector_load %arg8[%get3A_3697, %get3A_3698] {strides = array<i32>} : memref<104x32xf32, #tpu.memory_space<vmem>>, vector<1x16xf32>,
      %get3A_3700 = vector.shape_cast %get3A_3699 : vector<1x16xf32> to vector<16xf32>
      %add3A_3701 = arith.addf %add3A_3677, %get3A_3700 : vector<16xf32>
      %get3A_3702 = arith.constant 95 : i32
      %get3A_3703 = arith.index_cast %get3A_3702 : i32 to index
      %get3A_3704 = arith.constant 16 : index
      %get3A_3705 = tpu.vector_load %arg8[%get3A_3703, %get3A_3704] {strides = array<i32>} : memref<104x32xf32, #tpu.memory_space<vmem>>, vector<1x16xf32>,
      %get3A_3706 = vector.shape_cast %get3A_3705 : vector<1x16xf32> to vector<16xf32>
      %add3A_3707 = arith.addf %add3A_3683, %get3A_3706 : vector<16xf32>
      %get3A_3708 = arith.constant 96 : i32
      %get3A_3709 = arith.index_cast %get3A_3708 : i32 to index
      %get3A_3710 = arith.constant 0 : index
      %get3A_3711 = tpu.vector_load %arg8[%get3A_3709, %get3A_3710] {strides = array<i32>} : memref<104x32xf32, #tpu.memory_space<vmem>>, vector<1x16xf32>,
      %get3A_3712 = vector.shape_cast %get3A_3711 : vector<1x16xf32> to vector<16xf32>
      %add3A_3713 = arith.addf %add3A_3689, %get3A_3712 : vector<16xf32>
      %get3A_3714 = arith.constant 96 : i32
      %get3A_3715 = arith.index_cast %get3A_3714 : i32 to index
      %get3A_3716 = arith.constant 16 : index
      %get3A_3717 = tpu.vector_load %arg8[%get3A_3715, %get3A_3716] {strides = array<i32>} : memref<104x32xf32, #tpu.memory_space<vmem>>, vector<1x16xf32>,
      %get3A_3718 = vector.shape_cast %get3A_3717 : vector<1x16xf32> to vector<16xf32>
      %add3A_3719 = arith.addf %add3A_3695, %get3A_3718 : vector<16xf32>
      %get3A_3720 = arith.constant 97 : i32
      %get3A_3721 = arith.index_cast %get3A_3720 : i32 to index
      %get3A_3722 = arith.constant 0 : index
      %get3A_3723 = tpu.vector_load %arg8[%get3A_3721, %get3A_3722] {strides = array<i32>} : memref<104x32xf32, #tpu.memory_space<vmem>>, vector<1x16xf32>,
      %get3A_3724 = vector.shape_cast %get3A_3723 : vector<1x16xf32> to vector<16xf32>
      %add3A_3725 = arith.addf %add3A_3701, %get3A_3724 : vector<16xf32>
      %get3A_3726 = arith.constant 97 : i32
      %get3A_3727 = arith.index_cast %get3A_3726 : i32 to index
      %get3A_3728 = arith.constant 16 : index
      %get3A_3729 = tpu.vector_load %arg8[%get3A_3727, %get3A_3728] {strides = array<i32>} : memref<104x32xf32, #tpu.memory_space<vmem>>, vector<1x16xf32>,
      %get3A_3730 = vector.shape_cast %get3A_3729 : vector<1x16xf32> to vector<16xf32>
      %add3A_3731 = arith.addf %add3A_3707, %get3A_3730 : vector<16xf32>
      %get3A_3732 = arith.constant 98 : i32
      %get3A_3733 = arith.index_cast %get3A_3732 : i32 to index
      %get3A_3734 = arith.constant 0 : index
      %get3A_3735 = tpu.vector_load %arg8[%get3A_3733, %get3A_3734] {strides = array<i32>} : memref<104x32xf32, #tpu.memory_space<vmem>>, vector<1x16xf32>,
      %get3A_3736 = vector.shape_cast %get3A_3735 : vector<1x16xf32> to vector<16xf32>
      %add3A_3737 = arith.addf %add3A_3713, %get3A_3736 : vector<16xf32>
      %get3A_3738 = arith.constant 98 : i32
      %get3A_3739 = arith.index_cast %get3A_3738 : i32 to index
      %get3A_3740 = arith.constant 16 : index
      %get3A_3741 = tpu.vector_load %arg8[%get3A_3739, %get3A_3740] {strides = array<i32>} : memref<104x32xf32, #tpu.memory_space<vmem>>, vector<1x16xf32>,
      %get3A_3742 = vector.shape_cast %get3A_3741 : vector<1x16xf32> to vector<16xf32>
      %add3A_3743 = arith.addf %add3A_3719, %get3A_3742 : vector<16xf32>
      %get3A_3744 = arith.constant 99 : i32
      %get3A_3745 = arith.index_cast %get3A_3744 : i32 to index
      %get3A_3746 = arith.constant 0 : index
      %get3A_3747 = tpu.vector_load %arg8[%get3A_3745, %get3A_3746] {strides = array<i32>} : memref<104x32xf32, #tpu.memory_space<vmem>>, vector<1x16xf32>,
      %get3A_3748 = vector.shape_cast %get3A_3747 : vector<1x16xf32> to vector<16xf32>
      %add3A_3749 = arith.addf %add3A_3725, %get3A_3748 : vector<16xf32>
      %get3A_3750 = arith.constant 99 : i32
      %get3A_3751 = arith.index_cast %get3A_3750 : i32 to index
      %get3A_3752 = arith.constant 16 : index
      %get3A_3753 = tpu.vector_load %arg8[%get3A_3751, %get3A_3752] {strides = array<i32>} : memref<104x32xf32, #tpu.memory_space<vmem>>, vector<1x16xf32>,
      %get3A_3754 = vector.shape_cast %get3A_3753 : vector<1x16xf32> to vector<16xf32>
      %add3A_3755 = arith.addf %add3A_3731, %get3A_3754 : vector<16xf32>
      %get3A_3756 = arith.constant 100 : i32
      %get3A_3757 = arith.index_cast %get3A_3756 : i32 to index
      %get3A_3758 = arith.constant 0 : index
      %get3A_3759 = tpu.vector_load %arg8[%get3A_3757, %get3A_3758] {strides = array<i32>} : memref<104x32xf32, #tpu.memory_space<vmem>>, vector<1x16xf32>,
      %get3A_3760 = vector.shape_cast %get3A_3759 : vector<1x16xf32> to vector<16xf32>
      %add3A_3761 = arith.addf %add3A_3737, %get3A_3760 : vector<16xf32>
      %get3A_3762 = arith.constant 100 : i32
      %get3A_3763 = arith.index_cast %get3A_3762 : i32 to index
      %get3A_3764 = arith.constant 16 : index
      %get3A_3765 = tpu.vector_load %arg8[%get3A_3763, %get3A_3764] {strides = array<i32>} : memref<104x32xf32, #tpu.memory_space<vmem>>, vector<1x16xf32>,
      %get3A_3766 = vector.shape_cast %get3A_3765 : vector<1x16xf32> to vector<16xf32>
      %add3A_3767 = arith.addf %add3A_3743, %get3A_3766 : vector<16xf32>
      %get3A_3768 = arith.constant 101 : i32
      %get3A_3769 = arith.index_cast %get3A_3768 : i32 to index
      %get3A_3770 = arith.constant 0 : index
      %get3A_3771 = tpu.vector_load %arg8[%get3A_3769, %get3A_3770] {strides = array<i32>} : memref<104x32xf32, #tpu.memory_space<vmem>>, vector<1x16xf32>,
      %get3A_3772 = vector.shape_cast %get3A_3771 : vector<1x16xf32> to vector<16xf32>
      %add3A_3773 = arith.addf %add3A_3749, %get3A_3772 : vector<16xf32>
      %get3A_3774 = arith.constant 101 : i32
      %get3A_3775 = arith.index_cast %get3A_3774 : i32 to index
      %get3A_3776 = arith.constant 16 : index
      %get3A_3777 = tpu.vector_load %arg8[%get3A_3775, %get3A_3776] {strides = array<i32>} : memref<104x32xf32, #tpu.memory_space<vmem>>, vector<1x16xf32>,
      %get3A_3778 = vector.shape_cast %get3A_3777 : vector<1x16xf32> to vector<16xf32>
      %add3A_3779 = arith.addf %add3A_3755, %get3A_3778 : vector<16xf32>
      %add3A_3780 = arith.addf %add3A_3761, %add3A_3773 : vector<16xf32>
      %mul3A_3781 = arith.constant 2.44140625E-4 : f32
      %mul3A_3782 = vector.broadcast %mul3A_3781 : f32 to vector<16xf32>
      %mul3A_3783 = arith.mulf %add3A_3780, %mul3A_3782 : vector<16xf32>
      %mul3A_3784 = arith.constant 2 : i32
      %mul3A_3785 = arith.muli %mul3A_3784, %add3A_2555 : i32
      %add3A_3786 = arith.constant 1 : i32
      %add3A_3787 = arith.addi %mul3A_3785, %add3A_3786 : i32
      %swap3A_3788 = arith.index_cast %add3A_3787 : i32 to index
      %swap3A_3789 = arith.constant 0 : index
      %swap3A_3790 = tpu.vector_load %arg10[%swap3A_3788, %swap3A_3789] {strides = array<i32>} : memref<128x32xf32, #tpu.memory_space<vmem>>, vector<1x16xf32>,
      %swap3A_3791 = vector.shape_cast %swap3A_3790 : vector<1x16xf32> to vector<16xf32>
      %swap3A_3792 = vector.shape_cast %mul3A_3783 : vector<16xf32> to vector<1x16xf32>
      tpu.vector_store %arg10[%swap3A_3788, %swap3A_3789], %swap3A_3792 {strides = array<i32>} : memref<128x32xf32, #tpu.memory_space<vmem>>, vector<1x16xf32>,
      %add3A_3793 = arith.addf %add3A_3767, %add3A_3779 : vector<16xf32>
      %mul3A_3794 = arith.constant 2.44140625E-4 : f32
      %mul3A_3795 = vector.broadcast %mul3A_3794 : f32 to vector<16xf32>
      %mul3A_3796 = arith.mulf %add3A_3793, %mul3A_3795 : vector<16xf32>
      %mul3A_3797 = arith.constant 2 : i32
      %mul3A_3798 = arith.muli %mul3A_3797, %add3A_2555 : i32
      %add3A_3799 = arith.constant 1 : i32
      %add3A_3800 = arith.addi %mul3A_3798, %add3A_3799 : i32
      %swap3A_3801 = arith.index_cast %add3A_3800 : i32 to index
      %swap3A_3802 = arith.constant 16 : index
      %swap3A_3803 = tpu.vector_load %arg10[%swap3A_3801, %swap3A_3802] {strides = array<i32>} : memref<128x32xf32, #tpu.memory_space<vmem>>, vector<1x16xf32>,
      %swap3A_3804 = vector.shape_cast %swap3A_3803 : vector<1x16xf32> to vector<16xf32>
      %swap3A_3805 = vector.shape_cast %mul3A_3796 : vector<16xf32> to vector<1x16xf32>
      tpu.vector_store %arg10[%swap3A_3801, %swap3A_3802], %swap3A_3805 {strides = array<i32>} : memref<128x32xf32, #tpu.memory_space<vmem>>, vector<1x16xf32>,
      %add3A_3806 = arith.constant 4 : i32
      %add3A_3807 = arith.addi %add3A_2555, %add3A_3806 : i32
      %lt3A_3808 = arith.constant 64 : i32
      %lt3A_3809 = arith.cmpi slt, %add3A_3807, %lt3A_3808 : i32
      %convert_element_type3A_3810 = arith.extui %lt3A_3809 : i1 to i32
      %cond3A_3811 = arith.constant 0 : i32
      %cond3A_3812 = arith.cmpi ne, %convert_element_type3A_3810, %cond3A_3811 : i32
      scf.if %cond3A_3812 {
        %dma_start3A_5073 = arith.constant 0 : i32
        %dma_start3A_5074 = tpu.memref_slice %arg5[%add3A_3807, %dma_start3A_5073] : memref<64x104xi32, #tpu.memory_space<vmem>> -> memref<1x104xi32, #tpu.memory_space<vmem>>
        %dma_start3A_5075 = tpu.memref_squeeze %dma_start3A_5074 : memref<1x104xi32, #tpu.memory_space<vmem>> -> memref<104xi32, #tpu.memory_space<vmem>>
        %dma_start3A_5076 = arith.constant 0 : i32
        %dma_start3A_5077 = arith.constant 0 : i32
        %dma_start3A_5078 = tpu.memref_slice %arg3[%dma_start3A_5076, %dma_start3A_5077] : memref<1000000x32xf32, #tpu.memory_space<hbm>> -> memref<1000000x32xf32, #tpu.memory_space<hbm>>
        tpu.enqueue_indirect_dma source(%dma_start3A_5078 : memref<1000000x32xf32, #tpu.memory_space<hbm>>) target(%arg8 : memref<104x32xf32, #tpu.memory_space<vmem>>) offsets(%dma_start3A_5075 : memref<104xi32, #tpu.memory_space<vmem>>) semaphore(%arg13 : memref<!tpu.dma_semaphore, #tpu.memory_space<semaphore_mem>>)
      } else {
      }
      %add3A_3813 = arith.constant 3 : i32
      %add3A_3814 = arith.addi %mul3A_41, %add3A_3813 : i32
      %dma_wait3A_3815 = arith.constant 0 : i32
      %dma_wait3A_3816 = tpu.memref_slice %arg5[%add3A_3814, %dma_wait3A_3815] : memref<64x104xi32, #tpu.memory_space<vmem>> -> memref<1x104xi32, #tpu.memory_space<vmem>>
      %dma_wait3A_3817 = tpu.memref_squeeze %dma_wait3A_3816 : memref<1x104xi32, #tpu.memory_space<vmem>> -> memref<104xi32, #tpu.memory_space<vmem>>
      %dma_wait3A_3818 = arith.constant 0 : i32
      %dma_wait3A_3819 = arith.constant 0 : i32
      %dma_wait3A_3820 = tpu.memref_slice %arg3[%dma_wait3A_3818, %dma_wait3A_3819] : memref<1000000x32xf32, #tpu.memory_space<hbm>> -> memref<1000000x32xf32, #tpu.memory_space<hbm>>
      tpu.wait_indirect_dma semaphore(%arg14 : memref<!tpu.dma_semaphore, #tpu.memory_space<semaphore_mem>>) src(%dma_wait3A_3820 : memref<1000000x32xf32, #tpu.memory_space<hbm>>) dst(%arg9 : memref<104x32xf32, #tpu.memory_space<vmem>>)
      %get3A_3821 = arith.constant 0 : i32
      %get3A_3822 = arith.index_cast %get3A_3821 : i32 to index
      %get3A_3823 = arith.constant 0 : index
      %get3A_3824 = tpu.vector_load %arg9[%get3A_3822, %get3A_3823] {strides = array<i32>} : memref<104x32xf32, #tpu.memory_space<vmem>>, vector<1x16xf32>,
      %get3A_3825 = vector.shape_cast %get3A_3824 : vector<1x16xf32> to vector<16xf32>
      %get3A_3826 = arith.constant 0 : i32
      %get3A_3827 = arith.index_cast %get3A_3826 : i32 to index
      %get3A_3828 = arith.constant 16 : index
      %get3A_3829 = tpu.vector_load %arg9[%get3A_3827, %get3A_3828] {strides = array<i32>} : memref<104x32xf32, #tpu.memory_space<vmem>>, vector<1x16xf32>,
      %get3A_3830 = vector.shape_cast %get3A_3829 : vector<1x16xf32> to vector<16xf32>
      %get3A_3831 = arith.constant 1 : i32
      %get3A_3832 = arith.index_cast %get3A_3831 : i32 to index
      %get3A_3833 = arith.constant 0 : index
      %get3A_3834 = tpu.vector_load %arg9[%get3A_3832, %get3A_3833] {strides = array<i32>} : memref<104x32xf32, #tpu.memory_space<vmem>>, vector<1x16xf32>,
      %get3A_3835 = vector.shape_cast %get3A_3834 : vector<1x16xf32> to vector<16xf32>
      %get3A_3836 = arith.constant 1 : i32
      %get3A_3837 = arith.index_cast %get3A_3836 : i32 to index
      %get3A_3838 = arith.constant 16 : index
      %get3A_3839 = tpu.vector_load %arg9[%get3A_3837, %get3A_3838] {strides = array<i32>} : memref<104x32xf32, #tpu.memory_space<vmem>>, vector<1x16xf32>,
      %get3A_3840 = vector.shape_cast %get3A_3839 : vector<1x16xf32> to vector<16xf32>
      %get3A_3841 = arith.constant 2 : i32
      %get3A_3842 = arith.index_cast %get3A_3841 : i32 to index
      %get3A_3843 = arith.constant 0 : index
      %get3A_3844 = tpu.vector_load %arg9[%get3A_3842, %get3A_3843] {strides = array<i32>} : memref<104x32xf32, #tpu.memory_space<vmem>>, vector<1x16xf32>,
      %get3A_3845 = vector.shape_cast %get3A_3844 : vector<1x16xf32> to vector<16xf32>
      %add3A_3846 = arith.addf %get3A_3825, %get3A_3845 : vector<16xf32>
      %get3A_3847 = arith.constant 2 : i32
      %get3A_3848 = arith.index_cast %get3A_3847 : i32 to index
      %get3A_3849 = arith.constant 16 : index
      %get3A_3850 = tpu.vector_load %arg9[%get3A_3848, %get3A_3849] {strides = array<i32>} : memref<104x32xf32, #tpu.memory_space<vmem>>, vector<1x16xf32>,
      %get3A_3851 = vector.shape_cast %get3A_3850 : vector<1x16xf32> to vector<16xf32>
      %add3A_3852 = arith.addf %get3A_3830, %get3A_3851 : vector<16xf32>
      %get3A_3853 = arith.constant 3 : i32
      %get3A_3854 = arith.index_cast %get3A_3853 : i32 to index
      %get3A_3855 = arith.constant 0 : index
      %get3A_3856 = tpu.vector_load %arg9[%get3A_3854, %get3A_3855] {strides = array<i32>} : memref<104x32xf32, #tpu.memory_space<vmem>>, vector<1x16xf32>,
      %get3A_3857 = vector.shape_cast %get3A_3856 : vector<1x16xf32> to vector<16xf32>
      %add3A_3858 = arith.addf %get3A_3835, %get3A_3857 : vector<16xf32>
      %get3A_3859 = arith.constant 3 : i32
      %get3A_3860 = arith.index_cast %get3A_3859 : i32 to index
      %get3A_3861 = arith.constant 16 : index
      %get3A_3862 = tpu.vector_load %arg9[%get3A_3860, %get3A_3861] {strides = array<i32>} : memref<104x32xf32, #tpu.memory_space<vmem>>, vector<1x16xf32>,
      %get3A_3863 = vector.shape_cast %get3A_3862 : vector<1x16xf32> to vector<16xf32>
      %add3A_3864 = arith.addf %get3A_3840, %get3A_3863 : vector<16xf32>
      %get3A_3865 = arith.constant 4 : i32
      %get3A_3866 = arith.index_cast %get3A_3865 : i32 to index
      %get3A_3867 = arith.constant 0 : index
      %get3A_3868 = tpu.vector_load %arg9[%get3A_3866, %get3A_3867] {strides = array<i32>} : memref<104x32xf32, #tpu.memory_space<vmem>>, vector<1x16xf32>,
      %get3A_3869 = vector.shape_cast %get3A_3868 : vector<1x16xf32> to vector<16xf32>
      %add3A_3870 = arith.addf %add3A_3846, %get3A_3869 : vector<16xf32>
      %get3A_3871 = arith.constant 4 : i32
      %get3A_3872 = arith.index_cast %get3A_3871 : i32 to index
      %get3A_3873 = arith.constant 16 : index
      %get3A_3874 = tpu.vector_load %arg9[%get3A_3872, %get3A_3873] {strides = array<i32>} : memref<104x32xf32, #tpu.memory_space<vmem>>, vector<1x16xf32>,
      %get3A_3875 = vector.shape_cast %get3A_3874 : vector<1x16xf32> to vector<16xf32>
      %add3A_3876 = arith.addf %add3A_3852, %get3A_3875 : vector<16xf32>
      %get3A_3877 = arith.constant 5 : i32
      %get3A_3878 = arith.index_cast %get3A_3877 : i32 to index
      %get3A_3879 = arith.constant 0 : index
      %get3A_3880 = tpu.vector_load %arg9[%get3A_3878, %get3A_3879] {strides = array<i32>} : memref<104x32xf32, #tpu.memory_space<vmem>>, vector<1x16xf32>,
      %get3A_3881 = vector.shape_cast %get3A_3880 : vector<1x16xf32> to vector<16xf32>
      %add3A_3882 = arith.addf %add3A_3858, %get3A_3881 : vector<16xf32>
      %get3A_3883 = arith.constant 5 : i32
      %get3A_3884 = arith.index_cast %get3A_3883 : i32 to index
      %get3A_3885 = arith.constant 16 : index
      %get3A_3886 = tpu.vector_load %arg9[%get3A_3884, %get3A_3885] {strides = array<i32>} : memref<104x32xf32, #tpu.memory_space<vmem>>, vector<1x16xf32>,
      %get3A_3887 = vector.shape_cast %get3A_3886 : vector<1x16xf32> to vector<16xf32>
      %add3A_3888 = arith.addf %add3A_3864, %get3A_3887 : vector<16xf32>
      %get3A_3889 = arith.constant 6 : i32
      %get3A_3890 = arith.index_cast %get3A_3889 : i32 to index
      %get3A_3891 = arith.constant 0 : index
      %get3A_3892 = tpu.vector_load %arg9[%get3A_3890, %get3A_3891] {strides = array<i32>} : memref<104x32xf32, #tpu.memory_space<vmem>>, vector<1x16xf32>,
      %get3A_3893 = vector.shape_cast %get3A_3892 : vector<1x16xf32> to vector<16xf32>
      %add3A_3894 = arith.addf %add3A_3870, %get3A_3893 : vector<16xf32>
      %get3A_3895 = arith.constant 6 : i32
      %get3A_3896 = arith.index_cast %get3A_3895 : i32 to index
      %get3A_3897 = arith.constant 16 : index
      %get3A_3898 = tpu.vector_load %arg9[%get3A_3896, %get3A_3897] {strides = array<i32>} : memref<104x32xf32, #tpu.memory_space<vmem>>, vector<1x16xf32>,
      %get3A_3899 = vector.shape_cast %get3A_3898 : vector<1x16xf32> to vector<16xf32>
      %add3A_3900 = arith.addf %add3A_3876, %get3A_3899 : vector<16xf32>
      %get3A_3901 = arith.constant 7 : i32
      %get3A_3902 = arith.index_cast %get3A_3901 : i32 to index
      %get3A_3903 = arith.constant 0 : index
      %get3A_3904 = tpu.vector_load %arg9[%get3A_3902, %get3A_3903] {strides = array<i32>} : memref<104x32xf32, #tpu.memory_space<vmem>>, vector<1x16xf32>,
      %get3A_3905 = vector.shape_cast %get3A_3904 : vector<1x16xf32> to vector<16xf32>
      %add3A_3906 = arith.addf %add3A_3882, %get3A_3905 : vector<16xf32>
      %get3A_3907 = arith.constant 7 : i32
      %get3A_3908 = arith.index_cast %get3A_3907 : i32 to index
      %get3A_3909 = arith.constant 16 : index
      %get3A_3910 = tpu.vector_load %arg9[%get3A_3908, %get3A_3909] {strides = array<i32>} : memref<104x32xf32, #tpu.memory_space<vmem>>, vector<1x16xf32>,
      %get3A_3911 = vector.shape_cast %get3A_3910 : vector<1x16xf32> to vector<16xf32>
      %add3A_3912 = arith.addf %add3A_3888, %get3A_3911 : vector<16xf32>
      %get3A_3913 = arith.constant 8 : i32
      %get3A_3914 = arith.index_cast %get3A_3913 : i32 to index
      %get3A_3915 = arith.constant 0 : index
      %get3A_3916 = tpu.vector_load %arg9[%get3A_3914, %get3A_3915] {strides = array<i32>} : memref<104x32xf32, #tpu.memory_space<vmem>>, vector<1x16xf32>,
      %get3A_3917 = vector.shape_cast %get3A_3916 : vector<1x16xf32> to vector<16xf32>
      %add3A_3918 = arith.addf %add3A_3894, %get3A_3917 : vector<16xf32>
      %get3A_3919 = arith.constant 8 : i32
      %get3A_3920 = arith.index_cast %get3A_3919 : i32 to index
      %get3A_3921 = arith.constant 16 : index
      %get3A_3922 = tpu.vector_load %arg9[%get3A_3920, %get3A_3921] {strides = array<i32>} : memref<104x32xf32, #tpu.memory_space<vmem>>, vector<1x16xf32>,
      %get3A_3923 = vector.shape_cast %get3A_3922 : vector<1x16xf32> to vector<16xf32>
      %add3A_3924 = arith.addf %add3A_3900, %get3A_3923 : vector<16xf32>
      %get3A_3925 = arith.constant 9 : i32
      %get3A_3926 = arith.index_cast %get3A_3925 : i32 to index
      %get3A_3927 = arith.constant 0 : index
      %get3A_3928 = tpu.vector_load %arg9[%get3A_3926, %get3A_3927] {strides = array<i32>} : memref<104x32xf32, #tpu.memory_space<vmem>>, vector<1x16xf32>,
      %get3A_3929 = vector.shape_cast %get3A_3928 : vector<1x16xf32> to vector<16xf32>
      %add3A_3930 = arith.addf %add3A_3906, %get3A_3929 : vector<16xf32>
      %get3A_3931 = arith.constant 9 : i32
      %get3A_3932 = arith.index_cast %get3A_3931 : i32 to index
      %get3A_3933 = arith.constant 16 : index
      %get3A_3934 = tpu.vector_load %arg9[%get3A_3932, %get3A_3933] {strides = array<i32>} : memref<104x32xf32, #tpu.memory_space<vmem>>, vector<1x16xf32>,
      %get3A_3935 = vector.shape_cast %get3A_3934 : vector<1x16xf32> to vector<16xf32>
      %add3A_3936 = arith.addf %add3A_3912, %get3A_3935 : vector<16xf32>
      %get3A_3937 = arith.constant 10 : i32
      %get3A_3938 = arith.index_cast %get3A_3937 : i32 to index
      %get3A_3939 = arith.constant 0 : index
      %get3A_3940 = tpu.vector_load %arg9[%get3A_3938, %get3A_3939] {strides = array<i32>} : memref<104x32xf32, #tpu.memory_space<vmem>>, vector<1x16xf32>,
      %get3A_3941 = vector.shape_cast %get3A_3940 : vector<1x16xf32> to vector<16xf32>
      %add3A_3942 = arith.addf %add3A_3918, %get3A_3941 : vector<16xf32>
      %get3A_3943 = arith.constant 10 : i32
      %get3A_3944 = arith.index_cast %get3A_3943 : i32 to index
      %get3A_3945 = arith.constant 16 : index
      %get3A_3946 = tpu.vector_load %arg9[%get3A_3944, %get3A_3945] {strides = array<i32>} : memref<104x32xf32, #tpu.memory_space<vmem>>, vector<1x16xf32>,
      %get3A_3947 = vector.shape_cast %get3A_3946 : vector<1x16xf32> to vector<16xf32>
      %add3A_3948 = arith.addf %add3A_3924, %get3A_3947 : vector<16xf32>
      %get3A_3949 = arith.constant 11 : i32
      %get3A_3950 = arith.index_cast %get3A_3949 : i32 to index
      %get3A_3951 = arith.constant 0 : index
      %get3A_3952 = tpu.vector_load %arg9[%get3A_3950, %get3A_3951] {strides = array<i32>} : memref<104x32xf32, #tpu.memory_space<vmem>>, vector<1x16xf32>,
      %get3A_3953 = vector.shape_cast %get3A_3952 : vector<1x16xf32> to vector<16xf32>
      %add3A_3954 = arith.addf %add3A_3930, %get3A_3953 : vector<16xf32>
      %get3A_3955 = arith.constant 11 : i32
      %get3A_3956 = arith.index_cast %get3A_3955 : i32 to index
      %get3A_3957 = arith.constant 16 : index
      %get3A_3958 = tpu.vector_load %arg9[%get3A_3956, %get3A_3957] {strides = array<i32>} : memref<104x32xf32, #tpu.memory_space<vmem>>, vector<1x16xf32>,
      %get3A_3959 = vector.shape_cast %get3A_3958 : vector<1x16xf32> to vector<16xf32>
      %add3A_3960 = arith.addf %add3A_3936, %get3A_3959 : vector<16xf32>
      %get3A_3961 = arith.constant 12 : i32
      %get3A_3962 = arith.index_cast %get3A_3961 : i32 to index
      %get3A_3963 = arith.constant 0 : index
      %get3A_3964 = tpu.vector_load %arg9[%get3A_3962, %get3A_3963] {strides = array<i32>} : memref<104x32xf32, #tpu.memory_space<vmem>>, vector<1x16xf32>,
      %get3A_3965 = vector.shape_cast %get3A_3964 : vector<1x16xf32> to vector<16xf32>
      %add3A_3966 = arith.addf %add3A_3942, %get3A_3965 : vector<16xf32>
      %get3A_3967 = arith.constant 12 : i32
      %get3A_3968 = arith.index_cast %get3A_3967 : i32 to index
      %get3A_3969 = arith.constant 16 : index
      %get3A_3970 = tpu.vector_load %arg9[%get3A_3968, %get3A_3969] {strides = array<i32>} : memref<104x32xf32, #tpu.memory_space<vmem>>, vector<1x16xf32>,
      %get3A_3971 = vector.shape_cast %get3A_3970 : vector<1x16xf32> to vector<16xf32>
      %add3A_3972 = arith.addf %add3A_3948, %get3A_3971 : vector<16xf32>
      %get3A_3973 = arith.constant 13 : i32
      %get3A_3974 = arith.index_cast %get3A_3973 : i32 to index
      %get3A_3975 = arith.constant 0 : index
      %get3A_3976 = tpu.vector_load %arg9[%get3A_3974, %get3A_3975] {strides = array<i32>} : memref<104x32xf32, #tpu.memory_space<vmem>>, vector<1x16xf32>,
      %get3A_3977 = vector.shape_cast %get3A_3976 : vector<1x16xf32> to vector<16xf32>
      %add3A_3978 = arith.addf %add3A_3954, %get3A_3977 : vector<16xf32>
      %get3A_3979 = arith.constant 13 : i32
      %get3A_3980 = arith.index_cast %get3A_3979 : i32 to index
      %get3A_3981 = arith.constant 16 : index
      %get3A_3982 = tpu.vector_load %arg9[%get3A_3980, %get3A_3981] {strides = array<i32>} : memref<104x32xf32, #tpu.memory_space<vmem>>, vector<1x16xf32>,
      %get3A_3983 = vector.shape_cast %get3A_3982 : vector<1x16xf32> to vector<16xf32>
      %add3A_3984 = arith.addf %add3A_3960, %get3A_3983 : vector<16xf32>
      %get3A_3985 = arith.constant 14 : i32
      %get3A_3986 = arith.index_cast %get3A_3985 : i32 to index
      %get3A_3987 = arith.constant 0 : index
      %get3A_3988 = tpu.vector_load %arg9[%get3A_3986, %get3A_3987] {strides = array<i32>} : memref<104x32xf32, #tpu.memory_space<vmem>>, vector<1x16xf32>,
      %get3A_3989 = vector.shape_cast %get3A_3988 : vector<1x16xf32> to vector<16xf32>
      %add3A_3990 = arith.addf %add3A_3966, %get3A_3989 : vector<16xf32>
      %get3A_3991 = arith.constant 14 : i32
      %get3A_3992 = arith.index_cast %get3A_3991 : i32 to index
      %get3A_3993 = arith.constant 16 : index
      %get3A_3994 = tpu.vector_load %arg9[%get3A_3992, %get3A_3993] {strides = array<i32>} : memref<104x32xf32, #tpu.memory_space<vmem>>, vector<1x16xf32>,
      %get3A_3995 = vector.shape_cast %get3A_3994 : vector<1x16xf32> to vector<16xf32>
      %add3A_3996 = arith.addf %add3A_3972, %get3A_3995 : vector<16xf32>
      %get3A_3997 = arith.constant 15 : i32
      %get3A_3998 = arith.index_cast %get3A_3997 : i32 to index
      %get3A_3999 = arith.constant 0 : index
      %get3A_4000 = tpu.vector_load %arg9[%get3A_3998, %get3A_3999] {strides = array<i32>} : memref<104x32xf32, #tpu.memory_space<vmem>>, vector<1x16xf32>,
      %get3A_4001 = vector.shape_cast %get3A_4000 : vector<1x16xf32> to vector<16xf32>
      %add3A_4002 = arith.addf %add3A_3978, %get3A_4001 : vector<16xf32>
      %get3A_4003 = arith.constant 15 : i32
      %get3A_4004 = arith.index_cast %get3A_4003 : i32 to index
      %get3A_4005 = arith.constant 16 : index
      %get3A_4006 = tpu.vector_load %arg9[%get3A_4004, %get3A_4005] {strides = array<i32>} : memref<104x32xf32, #tpu.memory_space<vmem>>, vector<1x16xf32>,
      %get3A_4007 = vector.shape_cast %get3A_4006 : vector<1x16xf32> to vector<16xf32>
      %add3A_4008 = arith.addf %add3A_3984, %get3A_4007 : vector<16xf32>
      %get3A_4009 = arith.constant 16 : i32
      %get3A_4010 = arith.index_cast %get3A_4009 : i32 to index
      %get3A_4011 = arith.constant 0 : index
      %get3A_4012 = tpu.vector_load %arg9[%get3A_4010, %get3A_4011] {strides = array<i32>} : memref<104x32xf32, #tpu.memory_space<vmem>>, vector<1x16xf32>,
      %get3A_4013 = vector.shape_cast %get3A_4012 : vector<1x16xf32> to vector<16xf32>
      %add3A_4014 = arith.addf %add3A_3990, %get3A_4013 : vector<16xf32>
      %get3A_4015 = arith.constant 16 : i32
      %get3A_4016 = arith.index_cast %get3A_4015 : i32 to index
      %get3A_4017 = arith.constant 16 : index
      %get3A_4018 = tpu.vector_load %arg9[%get3A_4016, %get3A_4017] {strides = array<i32>} : memref<104x32xf32, #tpu.memory_space<vmem>>, vector<1x16xf32>,
      %get3A_4019 = vector.shape_cast %get3A_4018 : vector<1x16xf32> to vector<16xf32>
      %add3A_4020 = arith.addf %add3A_3996, %get3A_4019 : vector<16xf32>
      %get3A_4021 = arith.constant 17 : i32
      %get3A_4022 = arith.index_cast %get3A_4021 : i32 to index
      %get3A_4023 = arith.constant 0 : index
      %get3A_4024 = tpu.vector_load %arg9[%get3A_4022, %get3A_4023] {strides = array<i32>} : memref<104x32xf32, #tpu.memory_space<vmem>>, vector<1x16xf32>,
      %get3A_4025 = vector.shape_cast %get3A_4024 : vector<1x16xf32> to vector<16xf32>
      %add3A_4026 = arith.addf %add3A_4002, %get3A_4025 : vector<16xf32>
      %get3A_4027 = arith.constant 17 : i32
      %get3A_4028 = arith.index_cast %get3A_4027 : i32 to index
      %get3A_4029 = arith.constant 16 : index
      %get3A_4030 = tpu.vector_load %arg9[%get3A_4028, %get3A_4029] {strides = array<i32>} : memref<104x32xf32, #tpu.memory_space<vmem>>, vector<1x16xf32>,
      %get3A_4031 = vector.shape_cast %get3A_4030 : vector<1x16xf32> to vector<16xf32>
      %add3A_4032 = arith.addf %add3A_4008, %get3A_4031 : vector<16xf32>
      %get3A_4033 = arith.constant 18 : i32
      %get3A_4034 = arith.index_cast %get3A_4033 : i32 to index
      %get3A_4035 = arith.constant 0 : index
      %get3A_4036 = tpu.vector_load %arg9[%get3A_4034, %get3A_4035] {strides = array<i32>} : memref<104x32xf32, #tpu.memory_space<vmem>>, vector<1x16xf32>,
      %get3A_4037 = vector.shape_cast %get3A_4036 : vector<1x16xf32> to vector<16xf32>
      %add3A_4038 = arith.addf %add3A_4014, %get3A_4037 : vector<16xf32>
      %get3A_4039 = arith.constant 18 : i32
      %get3A_4040 = arith.index_cast %get3A_4039 : i32 to index
      %get3A_4041 = arith.constant 16 : index
      %get3A_4042 = tpu.vector_load %arg9[%get3A_4040, %get3A_4041] {strides = array<i32>} : memref<104x32xf32, #tpu.memory_space<vmem>>, vector<1x16xf32>,
      %get3A_4043 = vector.shape_cast %get3A_4042 : vector<1x16xf32> to vector<16xf32>
      %add3A_4044 = arith.addf %add3A_4020, %get3A_4043 : vector<16xf32>
      %get3A_4045 = arith.constant 19 : i32
      %get3A_4046 = arith.index_cast %get3A_4045 : i32 to index
      %get3A_4047 = arith.constant 0 : index
      %get3A_4048 = tpu.vector_load %arg9[%get3A_4046, %get3A_4047] {strides = array<i32>} : memref<104x32xf32, #tpu.memory_space<vmem>>, vector<1x16xf32>,
      %get3A_4049 = vector.shape_cast %get3A_4048 : vector<1x16xf32> to vector<16xf32>
      %add3A_4050 = arith.addf %add3A_4026, %get3A_4049 : vector<16xf32>
      %get3A_4051 = arith.constant 19 : i32
      %get3A_4052 = arith.index_cast %get3A_4051 : i32 to index
      %get3A_4053 = arith.constant 16 : index
      %get3A_4054 = tpu.vector_load %arg9[%get3A_4052, %get3A_4053] {strides = array<i32>} : memref<104x32xf32, #tpu.memory_space<vmem>>, vector<1x16xf32>,
      %get3A_4055 = vector.shape_cast %get3A_4054 : vector<1x16xf32> to vector<16xf32>
      %add3A_4056 = arith.addf %add3A_4032, %get3A_4055 : vector<16xf32>
      %get3A_4057 = arith.constant 20 : i32
      %get3A_4058 = arith.index_cast %get3A_4057 : i32 to index
      %get3A_4059 = arith.constant 0 : index
      %get3A_4060 = tpu.vector_load %arg9[%get3A_4058, %get3A_4059] {strides = array<i32>} : memref<104x32xf32, #tpu.memory_space<vmem>>, vector<1x16xf32>,
      %get3A_4061 = vector.shape_cast %get3A_4060 : vector<1x16xf32> to vector<16xf32>
      %add3A_4062 = arith.addf %add3A_4038, %get3A_4061 : vector<16xf32>
      %get3A_4063 = arith.constant 20 : i32
      %get3A_4064 = arith.index_cast %get3A_4063 : i32 to index
      %get3A_4065 = arith.constant 16 : index
      %get3A_4066 = tpu.vector_load %arg9[%get3A_4064, %get3A_4065] {strides = array<i32>} : memref<104x32xf32, #tpu.memory_space<vmem>>, vector<1x16xf32>,
      %get3A_4067 = vector.shape_cast %get3A_4066 : vector<1x16xf32> to vector<16xf32>
      %add3A_4068 = arith.addf %add3A_4044, %get3A_4067 : vector<16xf32>
      %get3A_4069 = arith.constant 21 : i32
      %get3A_4070 = arith.index_cast %get3A_4069 : i32 to index
      %get3A_4071 = arith.constant 0 : index
      %get3A_4072 = tpu.vector_load %arg9[%get3A_4070, %get3A_4071] {strides = array<i32>} : memref<104x32xf32, #tpu.memory_space<vmem>>, vector<1x16xf32>,
      %get3A_4073 = vector.shape_cast %get3A_4072 : vector<1x16xf32> to vector<16xf32>
      %add3A_4074 = arith.addf %add3A_4050, %get3A_4073 : vector<16xf32>
      %get3A_4075 = arith.constant 21 : i32
      %get3A_4076 = arith.index_cast %get3A_4075 : i32 to index
      %get3A_4077 = arith.constant 16 : index
      %get3A_4078 = tpu.vector_load %arg9[%get3A_4076, %get3A_4077] {strides = array<i32>} : memref<104x32xf32, #tpu.memory_space<vmem>>, vector<1x16xf32>,
      %get3A_4079 = vector.shape_cast %get3A_4078 : vector<1x16xf32> to vector<16xf32>
      %add3A_4080 = arith.addf %add3A_4056, %get3A_4079 : vector<16xf32>
      %get3A_4081 = arith.constant 22 : i32
      %get3A_4082 = arith.index_cast %get3A_4081 : i32 to index
      %get3A_4083 = arith.constant 0 : index
      %get3A_4084 = tpu.vector_load %arg9[%get3A_4082, %get3A_4083] {strides = array<i32>} : memref<104x32xf32, #tpu.memory_space<vmem>>, vector<1x16xf32>,
      %get3A_4085 = vector.shape_cast %get3A_4084 : vector<1x16xf32> to vector<16xf32>
      %add3A_4086 = arith.addf %add3A_4062, %get3A_4085 : vector<16xf32>
      %get3A_4087 = arith.constant 22 : i32
      %get3A_4088 = arith.index_cast %get3A_4087 : i32 to index
      %get3A_4089 = arith.constant 16 : index
      %get3A_4090 = tpu.vector_load %arg9[%get3A_4088, %get3A_4089] {strides = array<i32>} : memref<104x32xf32, #tpu.memory_space<vmem>>, vector<1x16xf32>,
      %get3A_4091 = vector.shape_cast %get3A_4090 : vector<1x16xf32> to vector<16xf32>
      %add3A_4092 = arith.addf %add3A_4068, %get3A_4091 : vector<16xf32>
      %get3A_4093 = arith.constant 23 : i32
      %get3A_4094 = arith.index_cast %get3A_4093 : i32 to index
      %get3A_4095 = arith.constant 0 : index
      %get3A_4096 = tpu.vector_load %arg9[%get3A_4094, %get3A_4095] {strides = array<i32>} : memref<104x32xf32, #tpu.memory_space<vmem>>, vector<1x16xf32>,
      %get3A_4097 = vector.shape_cast %get3A_4096 : vector<1x16xf32> to vector<16xf32>
      %add3A_4098 = arith.addf %add3A_4074, %get3A_4097 : vector<16xf32>
      %get3A_4099 = arith.constant 23 : i32
      %get3A_4100 = arith.index_cast %get3A_4099 : i32 to index
      %get3A_4101 = arith.constant 16 : index
      %get3A_4102 = tpu.vector_load %arg9[%get3A_4100, %get3A_4101] {strides = array<i32>} : memref<104x32xf32, #tpu.memory_space<vmem>>, vector<1x16xf32>,
      %get3A_4103 = vector.shape_cast %get3A_4102 : vector<1x16xf32> to vector<16xf32>
      %add3A_4104 = arith.addf %add3A_4080, %get3A_4103 : vector<16xf32>
      %get3A_4105 = arith.constant 24 : i32
      %get3A_4106 = arith.index_cast %get3A_4105 : i32 to index
      %get3A_4107 = arith.constant 0 : index
      %get3A_4108 = tpu.vector_load %arg9[%get3A_4106, %get3A_4107] {strides = array<i32>} : memref<104x32xf32, #tpu.memory_space<vmem>>, vector<1x16xf32>,
      %get3A_4109 = vector.shape_cast %get3A_4108 : vector<1x16xf32> to vector<16xf32>
      %add3A_4110 = arith.addf %add3A_4086, %get3A_4109 : vector<16xf32>
      %get3A_4111 = arith.constant 24 : i32
      %get3A_4112 = arith.index_cast %get3A_4111 : i32 to index
      %get3A_4113 = arith.constant 16 : index
      %get3A_4114 = tpu.vector_load %arg9[%get3A_4112, %get3A_4113] {strides = array<i32>} : memref<104x32xf32, #tpu.memory_space<vmem>>, vector<1x16xf32>,
      %get3A_4115 = vector.shape_cast %get3A_4114 : vector<1x16xf32> to vector<16xf32>
      %add3A_4116 = arith.addf %add3A_4092, %get3A_4115 : vector<16xf32>
      %get3A_4117 = arith.constant 25 : i32
      %get3A_4118 = arith.index_cast %get3A_4117 : i32 to index
      %get3A_4119 = arith.constant 0 : index
      %get3A_4120 = tpu.vector_load %arg9[%get3A_4118, %get3A_4119] {strides = array<i32>} : memref<104x32xf32, #tpu.memory_space<vmem>>, vector<1x16xf32>,
      %get3A_4121 = vector.shape_cast %get3A_4120 : vector<1x16xf32> to vector<16xf32>
      %add3A_4122 = arith.addf %add3A_4098, %get3A_4121 : vector<16xf32>
      %get3A_4123 = arith.constant 25 : i32
      %get3A_4124 = arith.index_cast %get3A_4123 : i32 to index
      %get3A_4125 = arith.constant 16 : index
      %get3A_4126 = tpu.vector_load %arg9[%get3A_4124, %get3A_4125] {strides = array<i32>} : memref<104x32xf32, #tpu.memory_space<vmem>>, vector<1x16xf32>,
      %get3A_4127 = vector.shape_cast %get3A_4126 : vector<1x16xf32> to vector<16xf32>
      %add3A_4128 = arith.addf %add3A_4104, %get3A_4127 : vector<16xf32>
      %get3A_4129 = arith.constant 26 : i32
      %get3A_4130 = arith.index_cast %get3A_4129 : i32 to index
      %get3A_4131 = arith.constant 0 : index
      %get3A_4132 = tpu.vector_load %arg9[%get3A_4130, %get3A_4131] {strides = array<i32>} : memref<104x32xf32, #tpu.memory_space<vmem>>, vector<1x16xf32>,
      %get3A_4133 = vector.shape_cast %get3A_4132 : vector<1x16xf32> to vector<16xf32>
      %add3A_4134 = arith.addf %add3A_4110, %get3A_4133 : vector<16xf32>
      %get3A_4135 = arith.constant 26 : i32
      %get3A_4136 = arith.index_cast %get3A_4135 : i32 to index
      %get3A_4137 = arith.constant 16 : index
      %get3A_4138 = tpu.vector_load %arg9[%get3A_4136, %get3A_4137] {strides = array<i32>} : memref<104x32xf32, #tpu.memory_space<vmem>>, vector<1x16xf32>,
      %get3A_4139 = vector.shape_cast %get3A_4138 : vector<1x16xf32> to vector<16xf32>
      %add3A_4140 = arith.addf %add3A_4116, %get3A_4139 : vector<16xf32>
      %get3A_4141 = arith.constant 27 : i32
      %get3A_4142 = arith.index_cast %get3A_4141 : i32 to index
      %get3A_4143 = arith.constant 0 : index
      %get3A_4144 = tpu.vector_load %arg9[%get3A_4142, %get3A_4143] {strides = array<i32>} : memref<104x32xf32, #tpu.memory_space<vmem>>, vector<1x16xf32>,
      %get3A_4145 = vector.shape_cast %get3A_4144 : vector<1x16xf32> to vector<16xf32>
      %add3A_4146 = arith.addf %add3A_4122, %get3A_4145 : vector<16xf32>
      %get3A_4147 = arith.constant 27 : i32
      %get3A_4148 = arith.index_cast %get3A_4147 : i32 to index
      %get3A_4149 = arith.constant 16 : index
      %get3A_4150 = tpu.vector_load %arg9[%get3A_4148, %get3A_4149] {strides = array<i32>} : memref<104x32xf32, #tpu.memory_space<vmem>>, vector<1x16xf32>,
      %get3A_4151 = vector.shape_cast %get3A_4150 : vector<1x16xf32> to vector<16xf32>
      %add3A_4152 = arith.addf %add3A_4128, %get3A_4151 : vector<16xf32>
      %get3A_4153 = arith.constant 28 : i32
      %get3A_4154 = arith.index_cast %get3A_4153 : i32 to index
      %get3A_4155 = arith.constant 0 : index
      %get3A_4156 = tpu.vector_load %arg9[%get3A_4154, %get3A_4155] {strides = array<i32>} : memref<104x32xf32, #tpu.memory_space<vmem>>, vector<1x16xf32>,
      %get3A_4157 = vector.shape_cast %get3A_4156 : vector<1x16xf32> to vector<16xf32>
      %add3A_4158 = arith.addf %add3A_4134, %get3A_4157 : vector<16xf32>
      %get3A_4159 = arith.constant 28 : i32
      %get3A_4160 = arith.index_cast %get3A_4159 : i32 to index
      %get3A_4161 = arith.constant 16 : index
      %get3A_4162 = tpu.vector_load %arg9[%get3A_4160, %get3A_4161] {strides = array<i32>} : memref<104x32xf32, #tpu.memory_space<vmem>>, vector<1x16xf32>,
      %get3A_4163 = vector.shape_cast %get3A_4162 : vector<1x16xf32> to vector<16xf32>
      %add3A_4164 = arith.addf %add3A_4140, %get3A_4163 : vector<16xf32>
      %get3A_4165 = arith.constant 29 : i32
      %get3A_4166 = arith.index_cast %get3A_4165 : i32 to index
      %get3A_4167 = arith.constant 0 : index
      %get3A_4168 = tpu.vector_load %arg9[%get3A_4166, %get3A_4167] {strides = array<i32>} : memref<104x32xf32, #tpu.memory_space<vmem>>, vector<1x16xf32>,
      %get3A_4169 = vector.shape_cast %get3A_4168 : vector<1x16xf32> to vector<16xf32>
      %add3A_4170 = arith.addf %add3A_4146, %get3A_4169 : vector<16xf32>
      %get3A_4171 = arith.constant 29 : i32
      %get3A_4172 = arith.index_cast %get3A_4171 : i32 to index
      %get3A_4173 = arith.constant 16 : index
      %get3A_4174 = tpu.vector_load %arg9[%get3A_4172, %get3A_4173] {strides = array<i32>} : memref<104x32xf32, #tpu.memory_space<vmem>>, vector<1x16xf32>,
      %get3A_4175 = vector.shape_cast %get3A_4174 : vector<1x16xf32> to vector<16xf32>
      %add3A_4176 = arith.addf %add3A_4152, %get3A_4175 : vector<16xf32>
      %get3A_4177 = arith.constant 30 : i32
      %get3A_4178 = arith.index_cast %get3A_4177 : i32 to index
      %get3A_4179 = arith.constant 0 : index
      %get3A_4180 = tpu.vector_load %arg9[%get3A_4178, %get3A_4179] {strides = array<i32>} : memref<104x32xf32, #tpu.memory_space<vmem>>, vector<1x16xf32>,
      %get3A_4181 = vector.shape_cast %get3A_4180 : vector<1x16xf32> to vector<16xf32>
      %add3A_4182 = arith.addf %add3A_4158, %get3A_4181 : vector<16xf32>
      %get3A_4183 = arith.constant 30 : i32
      %get3A_4184 = arith.index_cast %get3A_4183 : i32 to index
      %get3A_4185 = arith.constant 16 : index
      %get3A_4186 = tpu.vector_load %arg9[%get3A_4184, %get3A_4185] {strides = array<i32>} : memref<104x32xf32, #tpu.memory_space<vmem>>, vector<1x16xf32>,
      %get3A_4187 = vector.shape_cast %get3A_4186 : vector<1x16xf32> to vector<16xf32>
      %add3A_4188 = arith.addf %add3A_4164, %get3A_4187 : vector<16xf32>
      %get3A_4189 = arith.constant 31 : i32
      %get3A_4190 = arith.index_cast %get3A_4189 : i32 to index
      %get3A_4191 = arith.constant 0 : index
      %get3A_4192 = tpu.vector_load %arg9[%get3A_4190, %get3A_4191] {strides = array<i32>} : memref<104x32xf32, #tpu.memory_space<vmem>>, vector<1x16xf32>,
      %get3A_4193 = vector.shape_cast %get3A_4192 : vector<1x16xf32> to vector<16xf32>
      %add3A_4194 = arith.addf %add3A_4170, %get3A_4193 : vector<16xf32>
      %get3A_4195 = arith.constant 31 : i32
      %get3A_4196 = arith.index_cast %get3A_4195 : i32 to index
      %get3A_4197 = arith.constant 16 : index
      %get3A_4198 = tpu.vector_load %arg9[%get3A_4196, %get3A_4197] {strides = array<i32>} : memref<104x32xf32, #tpu.memory_space<vmem>>, vector<1x16xf32>,
      %get3A_4199 = vector.shape_cast %get3A_4198 : vector<1x16xf32> to vector<16xf32>
      %add3A_4200 = arith.addf %add3A_4176, %get3A_4199 : vector<16xf32>
      %get3A_4201 = arith.constant 32 : i32
      %get3A_4202 = arith.index_cast %get3A_4201 : i32 to index
      %get3A_4203 = arith.constant 0 : index
      %get3A_4204 = tpu.vector_load %arg9[%get3A_4202, %get3A_4203] {strides = array<i32>} : memref<104x32xf32, #tpu.memory_space<vmem>>, vector<1x16xf32>,
      %get3A_4205 = vector.shape_cast %get3A_4204 : vector<1x16xf32> to vector<16xf32>
      %add3A_4206 = arith.addf %add3A_4182, %get3A_4205 : vector<16xf32>
      %get3A_4207 = arith.constant 32 : i32
      %get3A_4208 = arith.index_cast %get3A_4207 : i32 to index
      %get3A_4209 = arith.constant 16 : index
      %get3A_4210 = tpu.vector_load %arg9[%get3A_4208, %get3A_4209] {strides = array<i32>} : memref<104x32xf32, #tpu.memory_space<vmem>>, vector<1x16xf32>,
      %get3A_4211 = vector.shape_cast %get3A_4210 : vector<1x16xf32> to vector<16xf32>
      %add3A_4212 = arith.addf %add3A_4188, %get3A_4211 : vector<16xf32>
      %get3A_4213 = arith.constant 33 : i32
      %get3A_4214 = arith.index_cast %get3A_4213 : i32 to index
      %get3A_4215 = arith.constant 0 : index
      %get3A_4216 = tpu.vector_load %arg9[%get3A_4214, %get3A_4215] {strides = array<i32>} : memref<104x32xf32, #tpu.memory_space<vmem>>, vector<1x16xf32>,
      %get3A_4217 = vector.shape_cast %get3A_4216 : vector<1x16xf32> to vector<16xf32>
      %add3A_4218 = arith.addf %add3A_4194, %get3A_4217 : vector<16xf32>
      %get3A_4219 = arith.constant 33 : i32
      %get3A_4220 = arith.index_cast %get3A_4219 : i32 to index
      %get3A_4221 = arith.constant 16 : index
      %get3A_4222 = tpu.vector_load %arg9[%get3A_4220, %get3A_4221] {strides = array<i32>} : memref<104x32xf32, #tpu.memory_space<vmem>>, vector<1x16xf32>,
      %get3A_4223 = vector.shape_cast %get3A_4222 : vector<1x16xf32> to vector<16xf32>
      %add3A_4224 = arith.addf %add3A_4200, %get3A_4223 : vector<16xf32>
      %get3A_4225 = arith.constant 34 : i32
      %get3A_4226 = arith.index_cast %get3A_4225 : i32 to index
      %get3A_4227 = arith.constant 0 : index
      %get3A_4228 = tpu.vector_load %arg9[%get3A_4226, %get3A_4227] {strides = array<i32>} : memref<104x32xf32, #tpu.memory_space<vmem>>, vector<1x16xf32>,
      %get3A_4229 = vector.shape_cast %get3A_4228 : vector<1x16xf32> to vector<16xf32>
      %add3A_4230 = arith.addf %add3A_4206, %get3A_4229 : vector<16xf32>
      %get3A_4231 = arith.constant 34 : i32
      %get3A_4232 = arith.index_cast %get3A_4231 : i32 to index
      %get3A_4233 = arith.constant 16 : index
      %get3A_4234 = tpu.vector_load %arg9[%get3A_4232, %get3A_4233] {strides = array<i32>} : memref<104x32xf32, #tpu.memory_space<vmem>>, vector<1x16xf32>,
      %get3A_4235 = vector.shape_cast %get3A_4234 : vector<1x16xf32> to vector<16xf32>
      %add3A_4236 = arith.addf %add3A_4212, %get3A_4235 : vector<16xf32>
      %get3A_4237 = arith.constant 35 : i32
      %get3A_4238 = arith.index_cast %get3A_4237 : i32 to index
      %get3A_4239 = arith.constant 0 : index
      %get3A_4240 = tpu.vector_load %arg9[%get3A_4238, %get3A_4239] {strides = array<i32>} : memref<104x32xf32, #tpu.memory_space<vmem>>, vector<1x16xf32>,
      %get3A_4241 = vector.shape_cast %get3A_4240 : vector<1x16xf32> to vector<16xf32>
      %add3A_4242 = arith.addf %add3A_4218, %get3A_4241 : vector<16xf32>
      %get3A_4243 = arith.constant 35 : i32
      %get3A_4244 = arith.index_cast %get3A_4243 : i32 to index
      %get3A_4245 = arith.constant 16 : index
      %get3A_4246 = tpu.vector_load %arg9[%get3A_4244, %get3A_4245] {strides = array<i32>} : memref<104x32xf32, #tpu.memory_space<vmem>>, vector<1x16xf32>,
      %get3A_4247 = vector.shape_cast %get3A_4246 : vector<1x16xf32> to vector<16xf32>
      %add3A_4248 = arith.addf %add3A_4224, %get3A_4247 : vector<16xf32>
      %get3A_4249 = arith.constant 36 : i32
      %get3A_4250 = arith.index_cast %get3A_4249 : i32 to index
      %get3A_4251 = arith.constant 0 : index
      %get3A_4252 = tpu.vector_load %arg9[%get3A_4250, %get3A_4251] {strides = array<i32>} : memref<104x32xf32, #tpu.memory_space<vmem>>, vector<1x16xf32>,
      %get3A_4253 = vector.shape_cast %get3A_4252 : vector<1x16xf32> to vector<16xf32>
      %add3A_4254 = arith.addf %add3A_4230, %get3A_4253 : vector<16xf32>
      %get3A_4255 = arith.constant 36 : i32
      %get3A_4256 = arith.index_cast %get3A_4255 : i32 to index
      %get3A_4257 = arith.constant 16 : index
      %get3A_4258 = tpu.vector_load %arg9[%get3A_4256, %get3A_4257] {strides = array<i32>} : memref<104x32xf32, #tpu.memory_space<vmem>>, vector<1x16xf32>,
      %get3A_4259 = vector.shape_cast %get3A_4258 : vector<1x16xf32> to vector<16xf32>
      %add3A_4260 = arith.addf %add3A_4236, %get3A_4259 : vector<16xf32>
      %get3A_4261 = arith.constant 37 : i32
      %get3A_4262 = arith.index_cast %get3A_4261 : i32 to index
      %get3A_4263 = arith.constant 0 : index
      %get3A_4264 = tpu.vector_load %arg9[%get3A_4262, %get3A_4263] {strides = array<i32>} : memref<104x32xf32, #tpu.memory_space<vmem>>, vector<1x16xf32>,
      %get3A_4265 = vector.shape_cast %get3A_4264 : vector<1x16xf32> to vector<16xf32>
      %add3A_4266 = arith.addf %add3A_4242, %get3A_4265 : vector<16xf32>
      %get3A_4267 = arith.constant 37 : i32
      %get3A_4268 = arith.index_cast %get3A_4267 : i32 to index
      %get3A_4269 = arith.constant 16 : index
      %get3A_4270 = tpu.vector_load %arg9[%get3A_4268, %get3A_4269] {strides = array<i32>} : memref<104x32xf32, #tpu.memory_space<vmem>>, vector<1x16xf32>,
      %get3A_4271 = vector.shape_cast %get3A_4270 : vector<1x16xf32> to vector<16xf32>
      %add3A_4272 = arith.addf %add3A_4248, %get3A_4271 : vector<16xf32>
      %get3A_4273 = arith.constant 38 : i32
      %get3A_4274 = arith.index_cast %get3A_4273 : i32 to index
      %get3A_4275 = arith.constant 0 : index
      %get3A_4276 = tpu.vector_load %arg9[%get3A_4274, %get3A_4275] {strides = array<i32>} : memref<104x32xf32, #tpu.memory_space<vmem>>, vector<1x16xf32>,
      %get3A_4277 = vector.shape_cast %get3A_4276 : vector<1x16xf32> to vector<16xf32>
      %add3A_4278 = arith.addf %add3A_4254, %get3A_4277 : vector<16xf32>
      %get3A_4279 = arith.constant 38 : i32
      %get3A_4280 = arith.index_cast %get3A_4279 : i32 to index
      %get3A_4281 = arith.constant 16 : index
      %get3A_4282 = tpu.vector_load %arg9[%get3A_4280, %get3A_4281] {strides = array<i32>} : memref<104x32xf32, #tpu.memory_space<vmem>>, vector<1x16xf32>,
      %get3A_4283 = vector.shape_cast %get3A_4282 : vector<1x16xf32> to vector<16xf32>
      %add3A_4284 = arith.addf %add3A_4260, %get3A_4283 : vector<16xf32>
      %get3A_4285 = arith.constant 39 : i32
      %get3A_4286 = arith.index_cast %get3A_4285 : i32 to index
      %get3A_4287 = arith.constant 0 : index
      %get3A_4288 = tpu.vector_load %arg9[%get3A_4286, %get3A_4287] {strides = array<i32>} : memref<104x32xf32, #tpu.memory_space<vmem>>, vector<1x16xf32>,
      %get3A_4289 = vector.shape_cast %get3A_4288 : vector<1x16xf32> to vector<16xf32>
      %add3A_4290 = arith.addf %add3A_4266, %get3A_4289 : vector<16xf32>
      %get3A_4291 = arith.constant 39 : i32
      %get3A_4292 = arith.index_cast %get3A_4291 : i32 to index
      %get3A_4293 = arith.constant 16 : index
      %get3A_4294 = tpu.vector_load %arg9[%get3A_4292, %get3A_4293] {strides = array<i32>} : memref<104x32xf32, #tpu.memory_space<vmem>>, vector<1x16xf32>,
      %get3A_4295 = vector.shape_cast %get3A_4294 : vector<1x16xf32> to vector<16xf32>
      %add3A_4296 = arith.addf %add3A_4272, %get3A_4295 : vector<16xf32>
      %get3A_4297 = arith.constant 40 : i32
      %get3A_4298 = arith.index_cast %get3A_4297 : i32 to index
      %get3A_4299 = arith.constant 0 : index
      %get3A_4300 = tpu.vector_load %arg9[%get3A_4298, %get3A_4299] {strides = array<i32>} : memref<104x32xf32, #tpu.memory_space<vmem>>, vector<1x16xf32>,
      %get3A_4301 = vector.shape_cast %get3A_4300 : vector<1x16xf32> to vector<16xf32>
      %add3A_4302 = arith.addf %add3A_4278, %get3A_4301 : vector<16xf32>
      %get3A_4303 = arith.constant 40 : i32
      %get3A_4304 = arith.index_cast %get3A_4303 : i32 to index
      %get3A_4305 = arith.constant 16 : index
      %get3A_4306 = tpu.vector_load %arg9[%get3A_4304, %get3A_4305] {strides = array<i32>} : memref<104x32xf32, #tpu.memory_space<vmem>>, vector<1x16xf32>,
      %get3A_4307 = vector.shape_cast %get3A_4306 : vector<1x16xf32> to vector<16xf32>
      %add3A_4308 = arith.addf %add3A_4284, %get3A_4307 : vector<16xf32>
      %get3A_4309 = arith.constant 41 : i32
      %get3A_4310 = arith.index_cast %get3A_4309 : i32 to index
      %get3A_4311 = arith.constant 0 : index
      %get3A_4312 = tpu.vector_load %arg9[%get3A_4310, %get3A_4311] {strides = array<i32>} : memref<104x32xf32, #tpu.memory_space<vmem>>, vector<1x16xf32>,
      %get3A_4313 = vector.shape_cast %get3A_4312 : vector<1x16xf32> to vector<16xf32>
      %add3A_4314 = arith.addf %add3A_4290, %get3A_4313 : vector<16xf32>
      %get3A_4315 = arith.constant 41 : i32
      %get3A_4316 = arith.index_cast %get3A_4315 : i32 to index
      %get3A_4317 = arith.constant 16 : index
      %get3A_4318 = tpu.vector_load %arg9[%get3A_4316, %get3A_4317] {strides = array<i32>} : memref<104x32xf32, #tpu.memory_space<vmem>>, vector<1x16xf32>,
      %get3A_4319 = vector.shape_cast %get3A_4318 : vector<1x16xf32> to vector<16xf32>
      %add3A_4320 = arith.addf %add3A_4296, %get3A_4319 : vector<16xf32>
      %get3A_4321 = arith.constant 42 : i32
      %get3A_4322 = arith.index_cast %get3A_4321 : i32 to index
      %get3A_4323 = arith.constant 0 : index
      %get3A_4324 = tpu.vector_load %arg9[%get3A_4322, %get3A_4323] {strides = array<i32>} : memref<104x32xf32, #tpu.memory_space<vmem>>, vector<1x16xf32>,
      %get3A_4325 = vector.shape_cast %get3A_4324 : vector<1x16xf32> to vector<16xf32>
      %add3A_4326 = arith.addf %add3A_4302, %get3A_4325 : vector<16xf32>
      %get3A_4327 = arith.constant 42 : i32
      %get3A_4328 = arith.index_cast %get3A_4327 : i32 to index
      %get3A_4329 = arith.constant 16 : index
      %get3A_4330 = tpu.vector_load %arg9[%get3A_4328, %get3A_4329] {strides = array<i32>} : memref<104x32xf32, #tpu.memory_space<vmem>>, vector<1x16xf32>,
      %get3A_4331 = vector.shape_cast %get3A_4330 : vector<1x16xf32> to vector<16xf32>
      %add3A_4332 = arith.addf %add3A_4308, %get3A_4331 : vector<16xf32>
      %get3A_4333 = arith.constant 43 : i32
      %get3A_4334 = arith.index_cast %get3A_4333 : i32 to index
      %get3A_4335 = arith.constant 0 : index
      %get3A_4336 = tpu.vector_load %arg9[%get3A_4334, %get3A_4335] {strides = array<i32>} : memref<104x32xf32, #tpu.memory_space<vmem>>, vector<1x16xf32>,
      %get3A_4337 = vector.shape_cast %get3A_4336 : vector<1x16xf32> to vector<16xf32>
      %add3A_4338 = arith.addf %add3A_4314, %get3A_4337 : vector<16xf32>
      %get3A_4339 = arith.constant 43 : i32
      %get3A_4340 = arith.index_cast %get3A_4339 : i32 to index
      %get3A_4341 = arith.constant 16 : index
      %get3A_4342 = tpu.vector_load %arg9[%get3A_4340, %get3A_4341] {strides = array<i32>} : memref<104x32xf32, #tpu.memory_space<vmem>>, vector<1x16xf32>,
      %get3A_4343 = vector.shape_cast %get3A_4342 : vector<1x16xf32> to vector<16xf32>
      %add3A_4344 = arith.addf %add3A_4320, %get3A_4343 : vector<16xf32>
      %get3A_4345 = arith.constant 44 : i32
      %get3A_4346 = arith.index_cast %get3A_4345 : i32 to index
      %get3A_4347 = arith.constant 0 : index
      %get3A_4348 = tpu.vector_load %arg9[%get3A_4346, %get3A_4347] {strides = array<i32>} : memref<104x32xf32, #tpu.memory_space<vmem>>, vector<1x16xf32>,
      %get3A_4349 = vector.shape_cast %get3A_4348 : vector<1x16xf32> to vector<16xf32>
      %add3A_4350 = arith.addf %add3A_4326, %get3A_4349 : vector<16xf32>
      %get3A_4351 = arith.constant 44 : i32
      %get3A_4352 = arith.index_cast %get3A_4351 : i32 to index
      %get3A_4353 = arith.constant 16 : index
      %get3A_4354 = tpu.vector_load %arg9[%get3A_4352, %get3A_4353] {strides = array<i32>} : memref<104x32xf32, #tpu.memory_space<vmem>>, vector<1x16xf32>,
      %get3A_4355 = vector.shape_cast %get3A_4354 : vector<1x16xf32> to vector<16xf32>
      %add3A_4356 = arith.addf %add3A_4332, %get3A_4355 : vector<16xf32>
      %get3A_4357 = arith.constant 45 : i32
      %get3A_4358 = arith.index_cast %get3A_4357 : i32 to index
      %get3A_4359 = arith.constant 0 : index
      %get3A_4360 = tpu.vector_load %arg9[%get3A_4358, %get3A_4359] {strides = array<i32>} : memref<104x32xf32, #tpu.memory_space<vmem>>, vector<1x16xf32>,
      %get3A_4361 = vector.shape_cast %get3A_4360 : vector<1x16xf32> to vector<16xf32>
      %add3A_4362 = arith.addf %add3A_4338, %get3A_4361 : vector<16xf32>
      %get3A_4363 = arith.constant 45 : i32
      %get3A_4364 = arith.index_cast %get3A_4363 : i32 to index
      %get3A_4365 = arith.constant 16 : index
      %get3A_4366 = tpu.vector_load %arg9[%get3A_4364, %get3A_4365] {strides = array<i32>} : memref<104x32xf32, #tpu.memory_space<vmem>>, vector<1x16xf32>,
      %get3A_4367 = vector.shape_cast %get3A_4366 : vector<1x16xf32> to vector<16xf32>
      %add3A_4368 = arith.addf %add3A_4344, %get3A_4367 : vector<16xf32>
      %get3A_4369 = arith.constant 46 : i32
      %get3A_4370 = arith.index_cast %get3A_4369 : i32 to index
      %get3A_4371 = arith.constant 0 : index
      %get3A_4372 = tpu.vector_load %arg9[%get3A_4370, %get3A_4371] {strides = array<i32>} : memref<104x32xf32, #tpu.memory_space<vmem>>, vector<1x16xf32>,
      %get3A_4373 = vector.shape_cast %get3A_4372 : vector<1x16xf32> to vector<16xf32>
      %add3A_4374 = arith.addf %add3A_4350, %get3A_4373 : vector<16xf32>
      %get3A_4375 = arith.constant 46 : i32
      %get3A_4376 = arith.index_cast %get3A_4375 : i32 to index
      %get3A_4377 = arith.constant 16 : index
      %get3A_4378 = tpu.vector_load %arg9[%get3A_4376, %get3A_4377] {strides = array<i32>} : memref<104x32xf32, #tpu.memory_space<vmem>>, vector<1x16xf32>,
      %get3A_4379 = vector.shape_cast %get3A_4378 : vector<1x16xf32> to vector<16xf32>
      %add3A_4380 = arith.addf %add3A_4356, %get3A_4379 : vector<16xf32>
      %get3A_4381 = arith.constant 47 : i32
      %get3A_4382 = arith.index_cast %get3A_4381 : i32 to index
      %get3A_4383 = arith.constant 0 : index
      %get3A_4384 = tpu.vector_load %arg9[%get3A_4382, %get3A_4383] {strides = array<i32>} : memref<104x32xf32, #tpu.memory_space<vmem>>, vector<1x16xf32>,
      %get3A_4385 = vector.shape_cast %get3A_4384 : vector<1x16xf32> to vector<16xf32>
      %add3A_4386 = arith.addf %add3A_4362, %get3A_4385 : vector<16xf32>
      %get3A_4387 = arith.constant 47 : i32
      %get3A_4388 = arith.index_cast %get3A_4387 : i32 to index
      %get3A_4389 = arith.constant 16 : index
      %get3A_4390 = tpu.vector_load %arg9[%get3A_4388, %get3A_4389] {strides = array<i32>} : memref<104x32xf32, #tpu.memory_space<vmem>>, vector<1x16xf32>,
      %get3A_4391 = vector.shape_cast %get3A_4390 : vector<1x16xf32> to vector<16xf32>
      %add3A_4392 = arith.addf %add3A_4368, %get3A_4391 : vector<16xf32>
      %get3A_4393 = arith.constant 48 : i32
      %get3A_4394 = arith.index_cast %get3A_4393 : i32 to index
      %get3A_4395 = arith.constant 0 : index
      %get3A_4396 = tpu.vector_load %arg9[%get3A_4394, %get3A_4395] {strides = array<i32>} : memref<104x32xf32, #tpu.memory_space<vmem>>, vector<1x16xf32>,
      %get3A_4397 = vector.shape_cast %get3A_4396 : vector<1x16xf32> to vector<16xf32>
      %add3A_4398 = arith.addf %add3A_4374, %get3A_4397 : vector<16xf32>
      %get3A_4399 = arith.constant 48 : i32
      %get3A_4400 = arith.index_cast %get3A_4399 : i32 to index
      %get3A_4401 = arith.constant 16 : index
      %get3A_4402 = tpu.vector_load %arg9[%get3A_4400, %get3A_4401] {strides = array<i32>} : memref<104x32xf32, #tpu.memory_space<vmem>>, vector<1x16xf32>,
      %get3A_4403 = vector.shape_cast %get3A_4402 : vector<1x16xf32> to vector<16xf32>
      %add3A_4404 = arith.addf %add3A_4380, %get3A_4403 : vector<16xf32>
      %get3A_4405 = arith.constant 49 : i32
      %get3A_4406 = arith.index_cast %get3A_4405 : i32 to index
      %get3A_4407 = arith.constant 0 : index
      %get3A_4408 = tpu.vector_load %arg9[%get3A_4406, %get3A_4407] {strides = array<i32>} : memref<104x32xf32, #tpu.memory_space<vmem>>, vector<1x16xf32>,
      %get3A_4409 = vector.shape_cast %get3A_4408 : vector<1x16xf32> to vector<16xf32>
      %add3A_4410 = arith.addf %add3A_4386, %get3A_4409 : vector<16xf32>
      %get3A_4411 = arith.constant 49 : i32
      %get3A_4412 = arith.index_cast %get3A_4411 : i32 to index
      %get3A_4413 = arith.constant 16 : index
      %get3A_4414 = tpu.vector_load %arg9[%get3A_4412, %get3A_4413] {strides = array<i32>} : memref<104x32xf32, #tpu.memory_space<vmem>>, vector<1x16xf32>,
      %get3A_4415 = vector.shape_cast %get3A_4414 : vector<1x16xf32> to vector<16xf32>
      %add3A_4416 = arith.addf %add3A_4392, %get3A_4415 : vector<16xf32>
      %add3A_4417 = arith.addf %add3A_4398, %add3A_4410 : vector<16xf32>
      %mul3A_4418 = arith.constant 2.44140625E-4 : f32
      %mul3A_4419 = vector.broadcast %mul3A_4418 : f32 to vector<16xf32>
      %mul3A_4420 = arith.mulf %add3A_4417, %mul3A_4419 : vector<16xf32>
      %mul3A_4421 = arith.constant 2 : i32
      %mul3A_4422 = arith.muli %mul3A_4421, %add3A_3814 : i32
      %add3A_4423 = arith.constant 0 : i32
      %add3A_4424 = arith.addi %mul3A_4422, %add3A_4423 : i32
      %swap3A_4425 = arith.index_cast %add3A_4424 : i32 to index
      %swap3A_4426 = arith.constant 0 : index
      %swap3A_4427 = tpu.vector_load %arg10[%swap3A_4425, %swap3A_4426] {strides = array<i32>} : memref<128x32xf32, #tpu.memory_space<vmem>>, vector<1x16xf32>,
      %swap3A_4428 = vector.shape_cast %swap3A_4427 : vector<1x16xf32> to vector<16xf32>
      %swap3A_4429 = vector.shape_cast %mul3A_4420 : vector<16xf32> to vector<1x16xf32>
      tpu.vector_store %arg10[%swap3A_4425, %swap3A_4426], %swap3A_4429 {strides = array<i32>} : memref<128x32xf32, #tpu.memory_space<vmem>>, vector<1x16xf32>,
      %add3A_4430 = arith.addf %add3A_4404, %add3A_4416 : vector<16xf32>
      %mul3A_4431 = arith.constant 2.44140625E-4 : f32
      %mul3A_4432 = vector.broadcast %mul3A_4431 : f32 to vector<16xf32>
      %mul3A_4433 = arith.mulf %add3A_4430, %mul3A_4432 : vector<16xf32>
      %mul3A_4434 = arith.constant 2 : i32
      %mul3A_4435 = arith.muli %mul3A_4434, %add3A_3814 : i32
      %add3A_4436 = arith.constant 0 : i32
      %add3A_4437 = arith.addi %mul3A_4435, %add3A_4436 : i32
      %swap3A_4438 = arith.index_cast %add3A_4437 : i32 to index
      %swap3A_4439 = arith.constant 16 : index
      %swap3A_4440 = tpu.vector_load %arg10[%swap3A_4438, %swap3A_4439] {strides = array<i32>} : memref<128x32xf32, #tpu.memory_space<vmem>>, vector<1x16xf32>,
      %swap3A_4441 = vector.shape_cast %swap3A_4440 : vector<1x16xf32> to vector<16xf32>
      %swap3A_4442 = vector.shape_cast %mul3A_4433 : vector<16xf32> to vector<1x16xf32>
      tpu.vector_store %arg10[%swap3A_4438, %swap3A_4439], %swap3A_4442 {strides = array<i32>} : memref<128x32xf32, #tpu.memory_space<vmem>>, vector<1x16xf32>,
      %get3A_4443 = arith.constant 52 : i32
      %get3A_4444 = arith.index_cast %get3A_4443 : i32 to index
      %get3A_4445 = arith.constant 0 : index
      %get3A_4446 = tpu.vector_load %arg9[%get3A_4444, %get3A_4445] {strides = array<i32>} : memref<104x32xf32, #tpu.memory_space<vmem>>, vector<1x16xf32>,
      %get3A_4447 = vector.shape_cast %get3A_4446 : vector<1x16xf32> to vector<16xf32>
      %get3A_4448 = arith.constant 52 : i32
      %get3A_4449 = arith.index_cast %get3A_4448 : i32 to index
      %get3A_4450 = arith.constant 16 : index
      %get3A_4451 = tpu.vector_load %arg9[%get3A_4449, %get3A_4450] {strides = array<i32>} : memref<104x32xf32, #tpu.memory_space<vmem>>, vector<1x16xf32>,
      %get3A_4452 = vector.shape_cast %get3A_4451 : vector<1x16xf32> to vector<16xf32>
      %get3A_4453 = arith.constant 53 : i32
      %get3A_4454 = arith.index_cast %get3A_4453 : i32 to index
      %get3A_4455 = arith.constant 0 : index
      %get3A_4456 = tpu.vector_load %arg9[%get3A_4454, %get3A_4455] {strides = array<i32>} : memref<104x32xf32, #tpu.memory_space<vmem>>, vector<1x16xf32>,
      %get3A_4457 = vector.shape_cast %get3A_4456 : vector<1x16xf32> to vector<16xf32>
      %get3A_4458 = arith.constant 53 : i32
      %get3A_4459 = arith.index_cast %get3A_4458 : i32 to index
      %get3A_4460 = arith.constant 16 : index
      %get3A_4461 = tpu.vector_load %arg9[%get3A_4459, %get3A_4460] {strides = array<i32>} : memref<104x32xf32, #tpu.memory_space<vmem>>, vector<1x16xf32>,
      %get3A_4462 = vector.shape_cast %get3A_4461 : vector<1x16xf32> to vector<16xf32>
      %get3A_4463 = arith.constant 54 : i32
      %get3A_4464 = arith.index_cast %get3A_4463 : i32 to index
      %get3A_4465 = arith.constant 0 : index
      %get3A_4466 = tpu.vector_load %arg9[%get3A_4464, %get3A_4465] {strides = array<i32>} : memref<104x32xf32, #tpu.memory_space<vmem>>, vector<1x16xf32>,
      %get3A_4467 = vector.shape_cast %get3A_4466 : vector<1x16xf32> to vector<16xf32>
      %add3A_4468 = arith.addf %get3A_4447, %get3A_4467 : vector<16xf32>
      %get3A_4469 = arith.constant 54 : i32
      %get3A_4470 = arith.index_cast %get3A_4469 : i32 to index
      %get3A_4471 = arith.constant 16 : index
      %get3A_4472 = tpu.vector_load %arg9[%get3A_4470, %get3A_4471] {strides = array<i32>} : memref<104x32xf32, #tpu.memory_space<vmem>>, vector<1x16xf32>,
      %get3A_4473 = vector.shape_cast %get3A_4472 : vector<1x16xf32> to vector<16xf32>
      %add3A_4474 = arith.addf %get3A_4452, %get3A_4473 : vector<16xf32>
      %get3A_4475 = arith.constant 55 : i32
      %get3A_4476 = arith.index_cast %get3A_4475 : i32 to index
      %get3A_4477 = arith.constant 0 : index
      %get3A_4478 = tpu.vector_load %arg9[%get3A_4476, %get3A_4477] {strides = array<i32>} : memref<104x32xf32, #tpu.memory_space<vmem>>, vector<1x16xf32>,
      %get3A_4479 = vector.shape_cast %get3A_4478 : vector<1x16xf32> to vector<16xf32>
      %add3A_4480 = arith.addf %get3A_4457, %get3A_4479 : vector<16xf32>
      %get3A_4481 = arith.constant 55 : i32
      %get3A_4482 = arith.index_cast %get3A_4481 : i32 to index
      %get3A_4483 = arith.constant 16 : index
      %get3A_4484 = tpu.vector_load %arg9[%get3A_4482, %get3A_4483] {strides = array<i32>} : memref<104x32xf32, #tpu.memory_space<vmem>>, vector<1x16xf32>,
      %get3A_4485 = vector.shape_cast %get3A_4484 : vector<1x16xf32> to vector<16xf32>
      %add3A_4486 = arith.addf %get3A_4462, %get3A_4485 : vector<16xf32>
      %get3A_4487 = arith.constant 56 : i32
      %get3A_4488 = arith.index_cast %get3A_4487 : i32 to index
      %get3A_4489 = arith.constant 0 : index
      %get3A_4490 = tpu.vector_load %arg9[%get3A_4488, %get3A_4489] {strides = array<i32>} : memref<104x32xf32, #tpu.memory_space<vmem>>, vector<1x16xf32>,
      %get3A_4491 = vector.shape_cast %get3A_4490 : vector<1x16xf32> to vector<16xf32>
      %add3A_4492 = arith.addf %add3A_4468, %get3A_4491 : vector<16xf32>
      %get3A_4493 = arith.constant 56 : i32
      %get3A_4494 = arith.index_cast %get3A_4493 : i32 to index
      %get3A_4495 = arith.constant 16 : index
      %get3A_4496 = tpu.vector_load %arg9[%get3A_4494, %get3A_4495] {strides = array<i32>} : memref<104x32xf32, #tpu.memory_space<vmem>>, vector<1x16xf32>,
      %get3A_4497 = vector.shape_cast %get3A_4496 : vector<1x16xf32> to vector<16xf32>
      %add3A_4498 = arith.addf %add3A_4474, %get3A_4497 : vector<16xf32>
      %get3A_4499 = arith.constant 57 : i32
      %get3A_4500 = arith.index_cast %get3A_4499 : i32 to index
      %get3A_4501 = arith.constant 0 : index
      %get3A_4502 = tpu.vector_load %arg9[%get3A_4500, %get3A_4501] {strides = array<i32>} : memref<104x32xf32, #tpu.memory_space<vmem>>, vector<1x16xf32>,
      %get3A_4503 = vector.shape_cast %get3A_4502 : vector<1x16xf32> to vector<16xf32>
      %add3A_4504 = arith.addf %add3A_4480, %get3A_4503 : vector<16xf32>
      %get3A_4505 = arith.constant 57 : i32
      %get3A_4506 = arith.index_cast %get3A_4505 : i32 to index
      %get3A_4507 = arith.constant 16 : index
      %get3A_4508 = tpu.vector_load %arg9[%get3A_4506, %get3A_4507] {strides = array<i32>} : memref<104x32xf32, #tpu.memory_space<vmem>>, vector<1x16xf32>,
      %get3A_4509 = vector.shape_cast %get3A_4508 : vector<1x16xf32> to vector<16xf32>
      %add3A_4510 = arith.addf %add3A_4486, %get3A_4509 : vector<16xf32>
      %get3A_4511 = arith.constant 58 : i32
      %get3A_4512 = arith.index_cast %get3A_4511 : i32 to index
      %get3A_4513 = arith.constant 0 : index
      %get3A_4514 = tpu.vector_load %arg9[%get3A_4512, %get3A_4513] {strides = array<i32>} : memref<104x32xf32, #tpu.memory_space<vmem>>, vector<1x16xf32>,
      %get3A_4515 = vector.shape_cast %get3A_4514 : vector<1x16xf32> to vector<16xf32>
      %add3A_4516 = arith.addf %add3A_4492, %get3A_4515 : vector<16xf32>
      %get3A_4517 = arith.constant 58 : i32
      %get3A_4518 = arith.index_cast %get3A_4517 : i32 to index
      %get3A_4519 = arith.constant 16 : index
      %get3A_4520 = tpu.vector_load %arg9[%get3A_4518, %get3A_4519] {strides = array<i32>} : memref<104x32xf32, #tpu.memory_space<vmem>>, vector<1x16xf32>,
      %get3A_4521 = vector.shape_cast %get3A_4520 : vector<1x16xf32> to vector<16xf32>
      %add3A_4522 = arith.addf %add3A_4498, %get3A_4521 : vector<16xf32>
      %get3A_4523 = arith.constant 59 : i32
      %get3A_4524 = arith.index_cast %get3A_4523 : i32 to index
      %get3A_4525 = arith.constant 0 : index
      %get3A_4526 = tpu.vector_load %arg9[%get3A_4524, %get3A_4525] {strides = array<i32>} : memref<104x32xf32, #tpu.memory_space<vmem>>, vector<1x16xf32>,
      %get3A_4527 = vector.shape_cast %get3A_4526 : vector<1x16xf32> to vector<16xf32>
      %add3A_4528 = arith.addf %add3A_4504, %get3A_4527 : vector<16xf32>
      %get3A_4529 = arith.constant 59 : i32
      %get3A_4530 = arith.index_cast %get3A_4529 : i32 to index
      %get3A_4531 = arith.constant 16 : index
      %get3A_4532 = tpu.vector_load %arg9[%get3A_4530, %get3A_4531] {strides = array<i32>} : memref<104x32xf32, #tpu.memory_space<vmem>>, vector<1x16xf32>,
      %get3A_4533 = vector.shape_cast %get3A_4532 : vector<1x16xf32> to vector<16xf32>
      %add3A_4534 = arith.addf %add3A_4510, %get3A_4533 : vector<16xf32>
      %get3A_4535 = arith.constant 60 : i32
      %get3A_4536 = arith.index_cast %get3A_4535 : i32 to index
      %get3A_4537 = arith.constant 0 : index
      %get3A_4538 = tpu.vector_load %arg9[%get3A_4536, %get3A_4537] {strides = array<i32>} : memref<104x32xf32, #tpu.memory_space<vmem>>, vector<1x16xf32>,
      %get3A_4539 = vector.shape_cast %get3A_4538 : vector<1x16xf32> to vector<16xf32>
      %add3A_4540 = arith.addf %add3A_4516, %get3A_4539 : vector<16xf32>
      %get3A_4541 = arith.constant 60 : i32
      %get3A_4542 = arith.index_cast %get3A_4541 : i32 to index
      %get3A_4543 = arith.constant 16 : index
      %get3A_4544 = tpu.vector_load %arg9[%get3A_4542, %get3A_4543] {strides = array<i32>} : memref<104x32xf32, #tpu.memory_space<vmem>>, vector<1x16xf32>,
      %get3A_4545 = vector.shape_cast %get3A_4544 : vector<1x16xf32> to vector<16xf32>
      %add3A_4546 = arith.addf %add3A_4522, %get3A_4545 : vector<16xf32>
      %get3A_4547 = arith.constant 61 : i32
      %get3A_4548 = arith.index_cast %get3A_4547 : i32 to index
      %get3A_4549 = arith.constant 0 : index
      %get3A_4550 = tpu.vector_load %arg9[%get3A_4548, %get3A_4549] {strides = array<i32>} : memref<104x32xf32, #tpu.memory_space<vmem>>, vector<1x16xf32>,
      %get3A_4551 = vector.shape_cast %get3A_4550 : vector<1x16xf32> to vector<16xf32>
      %add3A_4552 = arith.addf %add3A_4528, %get3A_4551 : vector<16xf32>
      %get3A_4553 = arith.constant 61 : i32
      %get3A_4554 = arith.index_cast %get3A_4553 : i32 to index
      %get3A_4555 = arith.constant 16 : index
      %get3A_4556 = tpu.vector_load %arg9[%get3A_4554, %get3A_4555] {strides = array<i32>} : memref<104x32xf32, #tpu.memory_space<vmem>>, vector<1x16xf32>,
      %get3A_4557 = vector.shape_cast %get3A_4556 : vector<1x16xf32> to vector<16xf32>
      %add3A_4558 = arith.addf %add3A_4534, %get3A_4557 : vector<16xf32>
      %get3A_4559 = arith.constant 62 : i32
      %get3A_4560 = arith.index_cast %get3A_4559 : i32 to index
      %get3A_4561 = arith.constant 0 : index
      %get3A_4562 = tpu.vector_load %arg9[%get3A_4560, %get3A_4561] {strides = array<i32>} : memref<104x32xf32, #tpu.memory_space<vmem>>, vector<1x16xf32>,
      %get3A_4563 = vector.shape_cast %get3A_4562 : vector<1x16xf32> to vector<16xf32>
      %add3A_4564 = arith.addf %add3A_4540, %get3A_4563 : vector<16xf32>
      %get3A_4565 = arith.constant 62 : i32
      %get3A_4566 = arith.index_cast %get3A_4565 : i32 to index
      %get3A_4567 = arith.constant 16 : index
      %get3A_4568 = tpu.vector_load %arg9[%get3A_4566, %get3A_4567] {strides = array<i32>} : memref<104x32xf32, #tpu.memory_space<vmem>>, vector<1x16xf32>,
      %get3A_4569 = vector.shape_cast %get3A_4568 : vector<1x16xf32> to vector<16xf32>
      %add3A_4570 = arith.addf %add3A_4546, %get3A_4569 : vector<16xf32>
      %get3A_4571 = arith.constant 63 : i32
      %get3A_4572 = arith.index_cast %get3A_4571 : i32 to index
      %get3A_4573 = arith.constant 0 : index
      %get3A_4574 = tpu.vector_load %arg9[%get3A_4572, %get3A_4573] {strides = array<i32>} : memref<104x32xf32, #tpu.memory_space<vmem>>, vector<1x16xf32>,
      %get3A_4575 = vector.shape_cast %get3A_4574 : vector<1x16xf32> to vector<16xf32>
      %add3A_4576 = arith.addf %add3A_4552, %get3A_4575 : vector<16xf32>
      %get3A_4577 = arith.constant 63 : i32
      %get3A_4578 = arith.index_cast %get3A_4577 : i32 to index
      %get3A_4579 = arith.constant 16 : index
      %get3A_4580 = tpu.vector_load %arg9[%get3A_4578, %get3A_4579] {strides = array<i32>} : memref<104x32xf32, #tpu.memory_space<vmem>>, vector<1x16xf32>,
      %get3A_4581 = vector.shape_cast %get3A_4580 : vector<1x16xf32> to vector<16xf32>
      %add3A_4582 = arith.addf %add3A_4558, %get3A_4581 : vector<16xf32>
      %get3A_4583 = arith.constant 64 : i32
      %get3A_4584 = arith.index_cast %get3A_4583 : i32 to index
      %get3A_4585 = arith.constant 0 : index
      %get3A_4586 = tpu.vector_load %arg9[%get3A_4584, %get3A_4585] {strides = array<i32>} : memref<104x32xf32, #tpu.memory_space<vmem>>, vector<1x16xf32>,
      %get3A_4587 = vector.shape_cast %get3A_4586 : vector<1x16xf32> to vector<16xf32>
      %add3A_4588 = arith.addf %add3A_4564, %get3A_4587 : vector<16xf32>
      %get3A_4589 = arith.constant 64 : i32
      %get3A_4590 = arith.index_cast %get3A_4589 : i32 to index
      %get3A_4591 = arith.constant 16 : index
      %get3A_4592 = tpu.vector_load %arg9[%get3A_4590, %get3A_4591] {strides = array<i32>} : memref<104x32xf32, #tpu.memory_space<vmem>>, vector<1x16xf32>,
      %get3A_4593 = vector.shape_cast %get3A_4592 : vector<1x16xf32> to vector<16xf32>
      %add3A_4594 = arith.addf %add3A_4570, %get3A_4593 : vector<16xf32>
      %get3A_4595 = arith.constant 65 : i32
      %get3A_4596 = arith.index_cast %get3A_4595 : i32 to index
      %get3A_4597 = arith.constant 0 : index
      %get3A_4598 = tpu.vector_load %arg9[%get3A_4596, %get3A_4597] {strides = array<i32>} : memref<104x32xf32, #tpu.memory_space<vmem>>, vector<1x16xf32>,
      %get3A_4599 = vector.shape_cast %get3A_4598 : vector<1x16xf32> to vector<16xf32>
      %add3A_4600 = arith.addf %add3A_4576, %get3A_4599 : vector<16xf32>
      %get3A_4601 = arith.constant 65 : i32
      %get3A_4602 = arith.index_cast %get3A_4601 : i32 to index
      %get3A_4603 = arith.constant 16 : index
      %get3A_4604 = tpu.vector_load %arg9[%get3A_4602, %get3A_4603] {strides = array<i32>} : memref<104x32xf32, #tpu.memory_space<vmem>>, vector<1x16xf32>,
      %get3A_4605 = vector.shape_cast %get3A_4604 : vector<1x16xf32> to vector<16xf32>
      %add3A_4606 = arith.addf %add3A_4582, %get3A_4605 : vector<16xf32>
      %get3A_4607 = arith.constant 66 : i32
      %get3A_4608 = arith.index_cast %get3A_4607 : i32 to index
      %get3A_4609 = arith.constant 0 : index
      %get3A_4610 = tpu.vector_load %arg9[%get3A_4608, %get3A_4609] {strides = array<i32>} : memref<104x32xf32, #tpu.memory_space<vmem>>, vector<1x16xf32>,
      %get3A_4611 = vector.shape_cast %get3A_4610 : vector<1x16xf32> to vector<16xf32>
      %add3A_4612 = arith.addf %add3A_4588, %get3A_4611 : vector<16xf32>
      %get3A_4613 = arith.constant 66 : i32
      %get3A_4614 = arith.index_cast %get3A_4613 : i32 to index
      %get3A_4615 = arith.constant 16 : index
      %get3A_4616 = tpu.vector_load %arg9[%get3A_4614, %get3A_4615] {strides = array<i32>} : memref<104x32xf32, #tpu.memory_space<vmem>>, vector<1x16xf32>,
      %get3A_4617 = vector.shape_cast %get3A_4616 : vector<1x16xf32> to vector<16xf32>
      %add3A_4618 = arith.addf %add3A_4594, %get3A_4617 : vector<16xf32>
      %get3A_4619 = arith.constant 67 : i32
      %get3A_4620 = arith.index_cast %get3A_4619 : i32 to index
      %get3A_4621 = arith.constant 0 : index
      %get3A_4622 = tpu.vector_load %arg9[%get3A_4620, %get3A_4621] {strides = array<i32>} : memref<104x32xf32, #tpu.memory_space<vmem>>, vector<1x16xf32>,
      %get3A_4623 = vector.shape_cast %get3A_4622 : vector<1x16xf32> to vector<16xf32>
      %add3A_4624 = arith.addf %add3A_4600, %get3A_4623 : vector<16xf32>
      %get3A_4625 = arith.constant 67 : i32
      %get3A_4626 = arith.index_cast %get3A_4625 : i32 to index
      %get3A_4627 = arith.constant 16 : index
      %get3A_4628 = tpu.vector_load %arg9[%get3A_4626, %get3A_4627] {strides = array<i32>} : memref<104x32xf32, #tpu.memory_space<vmem>>, vector<1x16xf32>,
      %get3A_4629 = vector.shape_cast %get3A_4628 : vector<1x16xf32> to vector<16xf32>
      %add3A_4630 = arith.addf %add3A_4606, %get3A_4629 : vector<16xf32>
      %get3A_4631 = arith.constant 68 : i32
      %get3A_4632 = arith.index_cast %get3A_4631 : i32 to index
      %get3A_4633 = arith.constant 0 : index
      %get3A_4634 = tpu.vector_load %arg9[%get3A_4632, %get3A_4633] {strides = array<i32>} : memref<104x32xf32, #tpu.memory_space<vmem>>, vector<1x16xf32>,
      %get3A_4635 = vector.shape_cast %get3A_4634 : vector<1x16xf32> to vector<16xf32>
      %add3A_4636 = arith.addf %add3A_4612, %get3A_4635 : vector<16xf32>
      %get3A_4637 = arith.constant 68 : i32
      %get3A_4638 = arith.index_cast %get3A_4637 : i32 to index
      %get3A_4639 = arith.constant 16 : index
      %get3A_4640 = tpu.vector_load %arg9[%get3A_4638, %get3A_4639] {strides = array<i32>} : memref<104x32xf32, #tpu.memory_space<vmem>>, vector<1x16xf32>,
      %get3A_4641 = vector.shape_cast %get3A_4640 : vector<1x16xf32> to vector<16xf32>
      %add3A_4642 = arith.addf %add3A_4618, %get3A_4641 : vector<16xf32>
      %get3A_4643 = arith.constant 69 : i32
      %get3A_4644 = arith.index_cast %get3A_4643 : i32 to index
      %get3A_4645 = arith.constant 0 : index
      %get3A_4646 = tpu.vector_load %arg9[%get3A_4644, %get3A_4645] {strides = array<i32>} : memref<104x32xf32, #tpu.memory_space<vmem>>, vector<1x16xf32>,
      %get3A_4647 = vector.shape_cast %get3A_4646 : vector<1x16xf32> to vector<16xf32>
      %add3A_4648 = arith.addf %add3A_4624, %get3A_4647 : vector<16xf32>
      %get3A_4649 = arith.constant 69 : i32
      %get3A_4650 = arith.index_cast %get3A_4649 : i32 to index
      %get3A_4651 = arith.constant 16 : index
      %get3A_4652 = tpu.vector_load %arg9[%get3A_4650, %get3A_4651] {strides = array<i32>} : memref<104x32xf32, #tpu.memory_space<vmem>>, vector<1x16xf32>,
      %get3A_4653 = vector.shape_cast %get3A_4652 : vector<1x16xf32> to vector<16xf32>
      %add3A_4654 = arith.addf %add3A_4630, %get3A_4653 : vector<16xf32>
      %get3A_4655 = arith.constant 70 : i32
      %get3A_4656 = arith.index_cast %get3A_4655 : i32 to index
      %get3A_4657 = arith.constant 0 : index
      %get3A_4658 = tpu.vector_load %arg9[%get3A_4656, %get3A_4657] {strides = array<i32>} : memref<104x32xf32, #tpu.memory_space<vmem>>, vector<1x16xf32>,
      %get3A_4659 = vector.shape_cast %get3A_4658 : vector<1x16xf32> to vector<16xf32>
      %add3A_4660 = arith.addf %add3A_4636, %get3A_4659 : vector<16xf32>
      %get3A_4661 = arith.constant 70 : i32
      %get3A_4662 = arith.index_cast %get3A_4661 : i32 to index
      %get3A_4663 = arith.constant 16 : index
      %get3A_4664 = tpu.vector_load %arg9[%get3A_4662, %get3A_4663] {strides = array<i32>} : memref<104x32xf32, #tpu.memory_space<vmem>>, vector<1x16xf32>,
      %get3A_4665 = vector.shape_cast %get3A_4664 : vector<1x16xf32> to vector<16xf32>
      %add3A_4666 = arith.addf %add3A_4642, %get3A_4665 : vector<16xf32>
      %get3A_4667 = arith.constant 71 : i32
      %get3A_4668 = arith.index_cast %get3A_4667 : i32 to index
      %get3A_4669 = arith.constant 0 : index
      %get3A_4670 = tpu.vector_load %arg9[%get3A_4668, %get3A_4669] {strides = array<i32>} : memref<104x32xf32, #tpu.memory_space<vmem>>, vector<1x16xf32>,
      %get3A_4671 = vector.shape_cast %get3A_4670 : vector<1x16xf32> to vector<16xf32>
      %add3A_4672 = arith.addf %add3A_4648, %get3A_4671 : vector<16xf32>
      %get3A_4673 = arith.constant 71 : i32
      %get3A_4674 = arith.index_cast %get3A_4673 : i32 to index
      %get3A_4675 = arith.constant 16 : index
      %get3A_4676 = tpu.vector_load %arg9[%get3A_4674, %get3A_4675] {strides = array<i32>} : memref<104x32xf32, #tpu.memory_space<vmem>>, vector<1x16xf32>,
      %get3A_4677 = vector.shape_cast %get3A_4676 : vector<1x16xf32> to vector<16xf32>
      %add3A_4678 = arith.addf %add3A_4654, %get3A_4677 : vector<16xf32>
      %get3A_4679 = arith.constant 72 : i32
      %get3A_4680 = arith.index_cast %get3A_4679 : i32 to index
      %get3A_4681 = arith.constant 0 : index
      %get3A_4682 = tpu.vector_load %arg9[%get3A_4680, %get3A_4681] {strides = array<i32>} : memref<104x32xf32, #tpu.memory_space<vmem>>, vector<1x16xf32>,
      %get3A_4683 = vector.shape_cast %get3A_4682 : vector<1x16xf32> to vector<16xf32>
      %add3A_4684 = arith.addf %add3A_4660, %get3A_4683 : vector<16xf32>
      %get3A_4685 = arith.constant 72 : i32
      %get3A_4686 = arith.index_cast %get3A_4685 : i32 to index
      %get3A_4687 = arith.constant 16 : index
      %get3A_4688 = tpu.vector_load %arg9[%get3A_4686, %get3A_4687] {strides = array<i32>} : memref<104x32xf32, #tpu.memory_space<vmem>>, vector<1x16xf32>,
      %get3A_4689 = vector.shape_cast %get3A_4688 : vector<1x16xf32> to vector<16xf32>
      %add3A_4690 = arith.addf %add3A_4666, %get3A_4689 : vector<16xf32>
      %get3A_4691 = arith.constant 73 : i32
      %get3A_4692 = arith.index_cast %get3A_4691 : i32 to index
      %get3A_4693 = arith.constant 0 : index
      %get3A_4694 = tpu.vector_load %arg9[%get3A_4692, %get3A_4693] {strides = array<i32>} : memref<104x32xf32, #tpu.memory_space<vmem>>, vector<1x16xf32>,
      %get3A_4695 = vector.shape_cast %get3A_4694 : vector<1x16xf32> to vector<16xf32>
      %add3A_4696 = arith.addf %add3A_4672, %get3A_4695 : vector<16xf32>
      %get3A_4697 = arith.constant 73 : i32
      %get3A_4698 = arith.index_cast %get3A_4697 : i32 to index
      %get3A_4699 = arith.constant 16 : index
      %get3A_4700 = tpu.vector_load %arg9[%get3A_4698, %get3A_4699] {strides = array<i32>} : memref<104x32xf32, #tpu.memory_space<vmem>>, vector<1x16xf32>,
      %get3A_4701 = vector.shape_cast %get3A_4700 : vector<1x16xf32> to vector<16xf32>
      %add3A_4702 = arith.addf %add3A_4678, %get3A_4701 : vector<16xf32>
      %get3A_4703 = arith.constant 74 : i32
      %get3A_4704 = arith.index_cast %get3A_4703 : i32 to index
      %get3A_4705 = arith.constant 0 : index
      %get3A_4706 = tpu.vector_load %arg9[%get3A_4704, %get3A_4705] {strides = array<i32>} : memref<104x32xf32, #tpu.memory_space<vmem>>, vector<1x16xf32>,
      %get3A_4707 = vector.shape_cast %get3A_4706 : vector<1x16xf32> to vector<16xf32>
      %add3A_4708 = arith.addf %add3A_4684, %get3A_4707 : vector<16xf32>
      %get3A_4709 = arith.constant 74 : i32
      %get3A_4710 = arith.index_cast %get3A_4709 : i32 to index
      %get3A_4711 = arith.constant 16 : index
      %get3A_4712 = tpu.vector_load %arg9[%get3A_4710, %get3A_4711] {strides = array<i32>} : memref<104x32xf32, #tpu.memory_space<vmem>>, vector<1x16xf32>,
      %get3A_4713 = vector.shape_cast %get3A_4712 : vector<1x16xf32> to vector<16xf32>
      %add3A_4714 = arith.addf %add3A_4690, %get3A_4713 : vector<16xf32>
      %get3A_4715 = arith.constant 75 : i32
      %get3A_4716 = arith.index_cast %get3A_4715 : i32 to index
      %get3A_4717 = arith.constant 0 : index
      %get3A_4718 = tpu.vector_load %arg9[%get3A_4716, %get3A_4717] {strides = array<i32>} : memref<104x32xf32, #tpu.memory_space<vmem>>, vector<1x16xf32>,
      %get3A_4719 = vector.shape_cast %get3A_4718 : vector<1x16xf32> to vector<16xf32>
      %add3A_4720 = arith.addf %add3A_4696, %get3A_4719 : vector<16xf32>
      %get3A_4721 = arith.constant 75 : i32
      %get3A_4722 = arith.index_cast %get3A_4721 : i32 to index
      %get3A_4723 = arith.constant 16 : index
      %get3A_4724 = tpu.vector_load %arg9[%get3A_4722, %get3A_4723] {strides = array<i32>} : memref<104x32xf32, #tpu.memory_space<vmem>>, vector<1x16xf32>,
      %get3A_4725 = vector.shape_cast %get3A_4724 : vector<1x16xf32> to vector<16xf32>
      %add3A_4726 = arith.addf %add3A_4702, %get3A_4725 : vector<16xf32>
      %get3A_4727 = arith.constant 76 : i32
      %get3A_4728 = arith.index_cast %get3A_4727 : i32 to index
      %get3A_4729 = arith.constant 0 : index
      %get3A_4730 = tpu.vector_load %arg9[%get3A_4728, %get3A_4729] {strides = array<i32>} : memref<104x32xf32, #tpu.memory_space<vmem>>, vector<1x16xf32>,
      %get3A_4731 = vector.shape_cast %get3A_4730 : vector<1x16xf32> to vector<16xf32>
      %add3A_4732 = arith.addf %add3A_4708, %get3A_4731 : vector<16xf32>
      %get3A_4733 = arith.constant 76 : i32
      %get3A_4734 = arith.index_cast %get3A_4733 : i32 to index
      %get3A_4735 = arith.constant 16 : index
      %get3A_4736 = tpu.vector_load %arg9[%get3A_4734, %get3A_4735] {strides = array<i32>} : memref<104x32xf32, #tpu.memory_space<vmem>>, vector<1x16xf32>,
      %get3A_4737 = vector.shape_cast %get3A_4736 : vector<1x16xf32> to vector<16xf32>
      %add3A_4738 = arith.addf %add3A_4714, %get3A_4737 : vector<16xf32>
      %get3A_4739 = arith.constant 77 : i32
      %get3A_4740 = arith.index_cast %get3A_4739 : i32 to index
      %get3A_4741 = arith.constant 0 : index
      %get3A_4742 = tpu.vector_load %arg9[%get3A_4740, %get3A_4741] {strides = array<i32>} : memref<104x32xf32, #tpu.memory_space<vmem>>, vector<1x16xf32>,
      %get3A_4743 = vector.shape_cast %get3A_4742 : vector<1x16xf32> to vector<16xf32>
      %add3A_4744 = arith.addf %add3A_4720, %get3A_4743 : vector<16xf32>
      %get3A_4745 = arith.constant 77 : i32
      %get3A_4746 = arith.index_cast %get3A_4745 : i32 to index
      %get3A_4747 = arith.constant 16 : index
      %get3A_4748 = tpu.vector_load %arg9[%get3A_4746, %get3A_4747] {strides = array<i32>} : memref<104x32xf32, #tpu.memory_space<vmem>>, vector<1x16xf32>,
      %get3A_4749 = vector.shape_cast %get3A_4748 : vector<1x16xf32> to vector<16xf32>
      %add3A_4750 = arith.addf %add3A_4726, %get3A_4749 : vector<16xf32>
      %get3A_4751 = arith.constant 78 : i32
      %get3A_4752 = arith.index_cast %get3A_4751 : i32 to index
      %get3A_4753 = arith.constant 0 : index
      %get3A_4754 = tpu.vector_load %arg9[%get3A_4752, %get3A_4753] {strides = array<i32>} : memref<104x32xf32, #tpu.memory_space<vmem>>, vector<1x16xf32>,
      %get3A_4755 = vector.shape_cast %get3A_4754 : vector<1x16xf32> to vector<16xf32>
      %add3A_4756 = arith.addf %add3A_4732, %get3A_4755 : vector<16xf32>
      %get3A_4757 = arith.constant 78 : i32
      %get3A_4758 = arith.index_cast %get3A_4757 : i32 to index
      %get3A_4759 = arith.constant 16 : index
      %get3A_4760 = tpu.vector_load %arg9[%get3A_4758, %get3A_4759] {strides = array<i32>} : memref<104x32xf32, #tpu.memory_space<vmem>>, vector<1x16xf32>,
      %get3A_4761 = vector.shape_cast %get3A_4760 : vector<1x16xf32> to vector<16xf32>
      %add3A_4762 = arith.addf %add3A_4738, %get3A_4761 : vector<16xf32>
      %get3A_4763 = arith.constant 79 : i32
      %get3A_4764 = arith.index_cast %get3A_4763 : i32 to index
      %get3A_4765 = arith.constant 0 : index
      %get3A_4766 = tpu.vector_load %arg9[%get3A_4764, %get3A_4765] {strides = array<i32>} : memref<104x32xf32, #tpu.memory_space<vmem>>, vector<1x16xf32>,
      %get3A_4767 = vector.shape_cast %get3A_4766 : vector<1x16xf32> to vector<16xf32>
      %add3A_4768 = arith.addf %add3A_4744, %get3A_4767 : vector<16xf32>
      %get3A_4769 = arith.constant 79 : i32
      %get3A_4770 = arith.index_cast %get3A_4769 : i32 to index
      %get3A_4771 = arith.constant 16 : index
      %get3A_4772 = tpu.vector_load %arg9[%get3A_4770, %get3A_4771] {strides = array<i32>} : memref<104x32xf32, #tpu.memory_space<vmem>>, vector<1x16xf32>,
      %get3A_4773 = vector.shape_cast %get3A_4772 : vector<1x16xf32> to vector<16xf32>
      %add3A_4774 = arith.addf %add3A_4750, %get3A_4773 : vector<16xf32>
      %get3A_4775 = arith.constant 80 : i32
      %get3A_4776 = arith.index_cast %get3A_4775 : i32 to index
      %get3A_4777 = arith.constant 0 : index
      %get3A_4778 = tpu.vector_load %arg9[%get3A_4776, %get3A_4777] {strides = array<i32>} : memref<104x32xf32, #tpu.memory_space<vmem>>, vector<1x16xf32>,
      %get3A_4779 = vector.shape_cast %get3A_4778 : vector<1x16xf32> to vector<16xf32>
      %add3A_4780 = arith.addf %add3A_4756, %get3A_4779 : vector<16xf32>
      %get3A_4781 = arith.constant 80 : i32
      %get3A_4782 = arith.index_cast %get3A_4781 : i32 to index
      %get3A_4783 = arith.constant 16 : index
      %get3A_4784 = tpu.vector_load %arg9[%get3A_4782, %get3A_4783] {strides = array<i32>} : memref<104x32xf32, #tpu.memory_space<vmem>>, vector<1x16xf32>,
      %get3A_4785 = vector.shape_cast %get3A_4784 : vector<1x16xf32> to vector<16xf32>
      %add3A_4786 = arith.addf %add3A_4762, %get3A_4785 : vector<16xf32>
      %get3A_4787 = arith.constant 81 : i32
      %get3A_4788 = arith.index_cast %get3A_4787 : i32 to index
      %get3A_4789 = arith.constant 0 : index
      %get3A_4790 = tpu.vector_load %arg9[%get3A_4788, %get3A_4789] {strides = array<i32>} : memref<104x32xf32, #tpu.memory_space<vmem>>, vector<1x16xf32>,
      %get3A_4791 = vector.shape_cast %get3A_4790 : vector<1x16xf32> to vector<16xf32>
      %add3A_4792 = arith.addf %add3A_4768, %get3A_4791 : vector<16xf32>
      %get3A_4793 = arith.constant 81 : i32
      %get3A_4794 = arith.index_cast %get3A_4793 : i32 to index
      %get3A_4795 = arith.constant 16 : index
      %get3A_4796 = tpu.vector_load %arg9[%get3A_4794, %get3A_4795] {strides = array<i32>} : memref<104x32xf32, #tpu.memory_space<vmem>>, vector<1x16xf32>,
      %get3A_4797 = vector.shape_cast %get3A_4796 : vector<1x16xf32> to vector<16xf32>
      %add3A_4798 = arith.addf %add3A_4774, %get3A_4797 : vector<16xf32>
      %get3A_4799 = arith.constant 82 : i32
      %get3A_4800 = arith.index_cast %get3A_4799 : i32 to index
      %get3A_4801 = arith.constant 0 : index
      %get3A_4802 = tpu.vector_load %arg9[%get3A_4800, %get3A_4801] {strides = array<i32>} : memref<104x32xf32, #tpu.memory_space<vmem>>, vector<1x16xf32>,
      %get3A_4803 = vector.shape_cast %get3A_4802 : vector<1x16xf32> to vector<16xf32>
      %add3A_4804 = arith.addf %add3A_4780, %get3A_4803 : vector<16xf32>
      %get3A_4805 = arith.constant 82 : i32
      %get3A_4806 = arith.index_cast %get3A_4805 : i32 to index
      %get3A_4807 = arith.constant 16 : index
      %get3A_4808 = tpu.vector_load %arg9[%get3A_4806, %get3A_4807] {strides = array<i32>} : memref<104x32xf32, #tpu.memory_space<vmem>>, vector<1x16xf32>,
      %get3A_4809 = vector.shape_cast %get3A_4808 : vector<1x16xf32> to vector<16xf32>
      %add3A_4810 = arith.addf %add3A_4786, %get3A_4809 : vector<16xf32>
      %get3A_4811 = arith.constant 83 : i32
      %get3A_4812 = arith.index_cast %get3A_4811 : i32 to index
      %get3A_4813 = arith.constant 0 : index
      %get3A_4814 = tpu.vector_load %arg9[%get3A_4812, %get3A_4813] {strides = array<i32>} : memref<104x32xf32, #tpu.memory_space<vmem>>, vector<1x16xf32>,
      %get3A_4815 = vector.shape_cast %get3A_4814 : vector<1x16xf32> to vector<16xf32>
      %add3A_4816 = arith.addf %add3A_4792, %get3A_4815 : vector<16xf32>
      %get3A_4817 = arith.constant 83 : i32
      %get3A_4818 = arith.index_cast %get3A_4817 : i32 to index
      %get3A_4819 = arith.constant 16 : index
      %get3A_4820 = tpu.vector_load %arg9[%get3A_4818, %get3A_4819] {strides = array<i32>} : memref<104x32xf32, #tpu.memory_space<vmem>>, vector<1x16xf32>,
      %get3A_4821 = vector.shape_cast %get3A_4820 : vector<1x16xf32> to vector<16xf32>
      %add3A_4822 = arith.addf %add3A_4798, %get3A_4821 : vector<16xf32>
      %get3A_4823 = arith.constant 84 : i32
      %get3A_4824 = arith.index_cast %get3A_4823 : i32 to index
      %get3A_4825 = arith.constant 0 : index
      %get3A_4826 = tpu.vector_load %arg9[%get3A_4824, %get3A_4825] {strides = array<i32>} : memref<104x32xf32, #tpu.memory_space<vmem>>, vector<1x16xf32>,
      %get3A_4827 = vector.shape_cast %get3A_4826 : vector<1x16xf32> to vector<16xf32>
      %add3A_4828 = arith.addf %add3A_4804, %get3A_4827 : vector<16xf32>
      %get3A_4829 = arith.constant 84 : i32
      %get3A_4830 = arith.index_cast %get3A_4829 : i32 to index
      %get3A_4831 = arith.constant 16 : index
      %get3A_4832 = tpu.vector_load %arg9[%get3A_4830, %get3A_4831] {strides = array<i32>} : memref<104x32xf32, #tpu.memory_space<vmem>>, vector<1x16xf32>,
      %get3A_4833 = vector.shape_cast %get3A_4832 : vector<1x16xf32> to vector<16xf32>
      %add3A_4834 = arith.addf %add3A_4810, %get3A_4833 : vector<16xf32>
      %get3A_4835 = arith.constant 85 : i32
      %get3A_4836 = arith.index_cast %get3A_4835 : i32 to index
      %get3A_4837 = arith.constant 0 : index
      %get3A_4838 = tpu.vector_load %arg9[%get3A_4836, %get3A_4837] {strides = array<i32>} : memref<104x32xf32, #tpu.memory_space<vmem>>, vector<1x16xf32>,
      %get3A_4839 = vector.shape_cast %get3A_4838 : vector<1x16xf32> to vector<16xf32>
      %add3A_4840 = arith.addf %add3A_4816, %get3A_4839 : vector<16xf32>
      %get3A_4841 = arith.constant 85 : i32
      %get3A_4842 = arith.index_cast %get3A_4841 : i32 to index
      %get3A_4843 = arith.constant 16 : index
      %get3A_4844 = tpu.vector_load %arg9[%get3A_4842, %get3A_4843] {strides = array<i32>} : memref<104x32xf32, #tpu.memory_space<vmem>>, vector<1x16xf32>,
      %get3A_4845 = vector.shape_cast %get3A_4844 : vector<1x16xf32> to vector<16xf32>
      %add3A_4846 = arith.addf %add3A_4822, %get3A_4845 : vector<16xf32>
      %get3A_4847 = arith.constant 86 : i32
      %get3A_4848 = arith.index_cast %get3A_4847 : i32 to index
      %get3A_4849 = arith.constant 0 : index
      %get3A_4850 = tpu.vector_load %arg9[%get3A_4848, %get3A_4849] {strides = array<i32>} : memref<104x32xf32, #tpu.memory_space<vmem>>, vector<1x16xf32>,
      %get3A_4851 = vector.shape_cast %get3A_4850 : vector<1x16xf32> to vector<16xf32>
      %add3A_4852 = arith.addf %add3A_4828, %get3A_4851 : vector<16xf32>
      %get3A_4853 = arith.constant 86 : i32
      %get3A_4854 = arith.index_cast %get3A_4853 : i32 to index
      %get3A_4855 = arith.constant 16 : index
      %get3A_4856 = tpu.vector_load %arg9[%get3A_4854, %get3A_4855] {strides = array<i32>} : memref<104x32xf32, #tpu.memory_space<vmem>>, vector<1x16xf32>,
      %get3A_4857 = vector.shape_cast %get3A_4856 : vector<1x16xf32> to vector<16xf32>
      %add3A_4858 = arith.addf %add3A_4834, %get3A_4857 : vector<16xf32>
      %get3A_4859 = arith.constant 87 : i32
      %get3A_4860 = arith.index_cast %get3A_4859 : i32 to index
      %get3A_4861 = arith.constant 0 : index
      %get3A_4862 = tpu.vector_load %arg9[%get3A_4860, %get3A_4861] {strides = array<i32>} : memref<104x32xf32, #tpu.memory_space<vmem>>, vector<1x16xf32>,
      %get3A_4863 = vector.shape_cast %get3A_4862 : vector<1x16xf32> to vector<16xf32>
      %add3A_4864 = arith.addf %add3A_4840, %get3A_4863 : vector<16xf32>
      %get3A_4865 = arith.constant 87 : i32
      %get3A_4866 = arith.index_cast %get3A_4865 : i32 to index
      %get3A_4867 = arith.constant 16 : index
      %get3A_4868 = tpu.vector_load %arg9[%get3A_4866, %get3A_4867] {strides = array<i32>} : memref<104x32xf32, #tpu.memory_space<vmem>>, vector<1x16xf32>,
      %get3A_4869 = vector.shape_cast %get3A_4868 : vector<1x16xf32> to vector<16xf32>
      %add3A_4870 = arith.addf %add3A_4846, %get3A_4869 : vector<16xf32>
      %get3A_4871 = arith.constant 88 : i32
      %get3A_4872 = arith.index_cast %get3A_4871 : i32 to index
      %get3A_4873 = arith.constant 0 : index
      %get3A_4874 = tpu.vector_load %arg9[%get3A_4872, %get3A_4873] {strides = array<i32>} : memref<104x32xf32, #tpu.memory_space<vmem>>, vector<1x16xf32>,
      %get3A_4875 = vector.shape_cast %get3A_4874 : vector<1x16xf32> to vector<16xf32>
      %add3A_4876 = arith.addf %add3A_4852, %get3A_4875 : vector<16xf32>
      %get3A_4877 = arith.constant 88 : i32
      %get3A_4878 = arith.index_cast %get3A_4877 : i32 to index
      %get3A_4879 = arith.constant 16 : index
      %get3A_4880 = tpu.vector_load %arg9[%get3A_4878, %get3A_4879] {strides = array<i32>} : memref<104x32xf32, #tpu.memory_space<vmem>>, vector<1x16xf32>,
      %get3A_4881 = vector.shape_cast %get3A_4880 : vector<1x16xf32> to vector<16xf32>
      %add3A_4882 = arith.addf %add3A_4858, %get3A_4881 : vector<16xf32>
      %get3A_4883 = arith.constant 89 : i32
      %get3A_4884 = arith.index_cast %get3A_4883 : i32 to index
      %get3A_4885 = arith.constant 0 : index
      %get3A_4886 = tpu.vector_load %arg9[%get3A_4884, %get3A_4885] {strides = array<i32>} : memref<104x32xf32, #tpu.memory_space<vmem>>, vector<1x16xf32>,
      %get3A_4887 = vector.shape_cast %get3A_4886 : vector<1x16xf32> to vector<16xf32>
      %add3A_4888 = arith.addf %add3A_4864, %get3A_4887 : vector<16xf32>
      %get3A_4889 = arith.constant 89 : i32
      %get3A_4890 = arith.index_cast %get3A_4889 : i32 to index
      %get3A_4891 = arith.constant 16 : index
      %get3A_4892 = tpu.vector_load %arg9[%get3A_4890, %get3A_4891] {strides = array<i32>} : memref<104x32xf32, #tpu.memory_space<vmem>>, vector<1x16xf32>,
      %get3A_4893 = vector.shape_cast %get3A_4892 : vector<1x16xf32> to vector<16xf32>
      %add3A_4894 = arith.addf %add3A_4870, %get3A_4893 : vector<16xf32>
      %get3A_4895 = arith.constant 90 : i32
      %get3A_4896 = arith.index_cast %get3A_4895 : i32 to index
      %get3A_4897 = arith.constant 0 : index
      %get3A_4898 = tpu.vector_load %arg9[%get3A_4896, %get3A_4897] {strides = array<i32>} : memref<104x32xf32, #tpu.memory_space<vmem>>, vector<1x16xf32>,
      %get3A_4899 = vector.shape_cast %get3A_4898 : vector<1x16xf32> to vector<16xf32>
      %add3A_4900 = arith.addf %add3A_4876, %get3A_4899 : vector<16xf32>
      %get3A_4901 = arith.constant 90 : i32
      %get3A_4902 = arith.index_cast %get3A_4901 : i32 to index
      %get3A_4903 = arith.constant 16 : index
      %get3A_4904 = tpu.vector_load %arg9[%get3A_4902, %get3A_4903] {strides = array<i32>} : memref<104x32xf32, #tpu.memory_space<vmem>>, vector<1x16xf32>,
      %get3A_4905 = vector.shape_cast %get3A_4904 : vector<1x16xf32> to vector<16xf32>
      %add3A_4906 = arith.addf %add3A_4882, %get3A_4905 : vector<16xf32>
      %get3A_4907 = arith.constant 91 : i32
      %get3A_4908 = arith.index_cast %get3A_4907 : i32 to index
      %get3A_4909 = arith.constant 0 : index
      %get3A_4910 = tpu.vector_load %arg9[%get3A_4908, %get3A_4909] {strides = array<i32>} : memref<104x32xf32, #tpu.memory_space<vmem>>, vector<1x16xf32>,
      %get3A_4911 = vector.shape_cast %get3A_4910 : vector<1x16xf32> to vector<16xf32>
      %add3A_4912 = arith.addf %add3A_4888, %get3A_4911 : vector<16xf32>
      %get3A_4913 = arith.constant 91 : i32
      %get3A_4914 = arith.index_cast %get3A_4913 : i32 to index
      %get3A_4915 = arith.constant 16 : index
      %get3A_4916 = tpu.vector_load %arg9[%get3A_4914, %get3A_4915] {strides = array<i32>} : memref<104x32xf32, #tpu.memory_space<vmem>>, vector<1x16xf32>,
      %get3A_4917 = vector.shape_cast %get3A_4916 : vector<1x16xf32> to vector<16xf32>
      %add3A_4918 = arith.addf %add3A_4894, %get3A_4917 : vector<16xf32>
      %get3A_4919 = arith.constant 92 : i32
      %get3A_4920 = arith.index_cast %get3A_4919 : i32 to index
      %get3A_4921 = arith.constant 0 : index
      %get3A_4922 = tpu.vector_load %arg9[%get3A_4920, %get3A_4921] {strides = array<i32>} : memref<104x32xf32, #tpu.memory_space<vmem>>, vector<1x16xf32>,
      %get3A_4923 = vector.shape_cast %get3A_4922 : vector<1x16xf32> to vector<16xf32>
      %add3A_4924 = arith.addf %add3A_4900, %get3A_4923 : vector<16xf32>
      %get3A_4925 = arith.constant 92 : i32
      %get3A_4926 = arith.index_cast %get3A_4925 : i32 to index
      %get3A_4927 = arith.constant 16 : index
      %get3A_4928 = tpu.vector_load %arg9[%get3A_4926, %get3A_4927] {strides = array<i32>} : memref<104x32xf32, #tpu.memory_space<vmem>>, vector<1x16xf32>,
      %get3A_4929 = vector.shape_cast %get3A_4928 : vector<1x16xf32> to vector<16xf32>
      %add3A_4930 = arith.addf %add3A_4906, %get3A_4929 : vector<16xf32>
      %get3A_4931 = arith.constant 93 : i32
      %get3A_4932 = arith.index_cast %get3A_4931 : i32 to index
      %get3A_4933 = arith.constant 0 : index
      %get3A_4934 = tpu.vector_load %arg9[%get3A_4932, %get3A_4933] {strides = array<i32>} : memref<104x32xf32, #tpu.memory_space<vmem>>, vector<1x16xf32>,
      %get3A_4935 = vector.shape_cast %get3A_4934 : vector<1x16xf32> to vector<16xf32>
      %add3A_4936 = arith.addf %add3A_4912, %get3A_4935 : vector<16xf32>
      %get3A_4937 = arith.constant 93 : i32
      %get3A_4938 = arith.index_cast %get3A_4937 : i32 to index
      %get3A_4939 = arith.constant 16 : index
      %get3A_4940 = tpu.vector_load %arg9[%get3A_4938, %get3A_4939] {strides = array<i32>} : memref<104x32xf32, #tpu.memory_space<vmem>>, vector<1x16xf32>,
      %get3A_4941 = vector.shape_cast %get3A_4940 : vector<1x16xf32> to vector<16xf32>
      %add3A_4942 = arith.addf %add3A_4918, %get3A_4941 : vector<16xf32>
      %get3A_4943 = arith.constant 94 : i32
      %get3A_4944 = arith.index_cast %get3A_4943 : i32 to index
      %get3A_4945 = arith.constant 0 : index
      %get3A_4946 = tpu.vector_load %arg9[%get3A_4944, %get3A_4945] {strides = array<i32>} : memref<104x32xf32, #tpu.memory_space<vmem>>, vector<1x16xf32>,
      %get3A_4947 = vector.shape_cast %get3A_4946 : vector<1x16xf32> to vector<16xf32>
      %add3A_4948 = arith.addf %add3A_4924, %get3A_4947 : vector<16xf32>
      %get3A_4949 = arith.constant 94 : i32
      %get3A_4950 = arith.index_cast %get3A_4949 : i32 to index
      %get3A_4951 = arith.constant 16 : index
      %get3A_4952 = tpu.vector_load %arg9[%get3A_4950, %get3A_4951] {strides = array<i32>} : memref<104x32xf32, #tpu.memory_space<vmem>>, vector<1x16xf32>,
      %get3A_4953 = vector.shape_cast %get3A_4952 : vector<1x16xf32> to vector<16xf32>
      %add3A_4954 = arith.addf %add3A_4930, %get3A_4953 : vector<16xf32>
      %get3A_4955 = arith.constant 95 : i32
      %get3A_4956 = arith.index_cast %get3A_4955 : i32 to index
      %get3A_4957 = arith.constant 0 : index
      %get3A_4958 = tpu.vector_load %arg9[%get3A_4956, %get3A_4957] {strides = array<i32>} : memref<104x32xf32, #tpu.memory_space<vmem>>, vector<1x16xf32>,
      %get3A_4959 = vector.shape_cast %get3A_4958 : vector<1x16xf32> to vector<16xf32>
      %add3A_4960 = arith.addf %add3A_4936, %get3A_4959 : vector<16xf32>
      %get3A_4961 = arith.constant 95 : i32
      %get3A_4962 = arith.index_cast %get3A_4961 : i32 to index
      %get3A_4963 = arith.constant 16 : index
      %get3A_4964 = tpu.vector_load %arg9[%get3A_4962, %get3A_4963] {strides = array<i32>} : memref<104x32xf32, #tpu.memory_space<vmem>>, vector<1x16xf32>,
      %get3A_4965 = vector.shape_cast %get3A_4964 : vector<1x16xf32> to vector<16xf32>
      %add3A_4966 = arith.addf %add3A_4942, %get3A_4965 : vector<16xf32>
      %get3A_4967 = arith.constant 96 : i32
      %get3A_4968 = arith.index_cast %get3A_4967 : i32 to index
      %get3A_4969 = arith.constant 0 : index
      %get3A_4970 = tpu.vector_load %arg9[%get3A_4968, %get3A_4969] {strides = array<i32>} : memref<104x32xf32, #tpu.memory_space<vmem>>, vector<1x16xf32>,
      %get3A_4971 = vector.shape_cast %get3A_4970 : vector<1x16xf32> to vector<16xf32>
      %add3A_4972 = arith.addf %add3A_4948, %get3A_4971 : vector<16xf32>
      %get3A_4973 = arith.constant 96 : i32
      %get3A_4974 = arith.index_cast %get3A_4973 : i32 to index
      %get3A_4975 = arith.constant 16 : index
      %get3A_4976 = tpu.vector_load %arg9[%get3A_4974, %get3A_4975] {strides = array<i32>} : memref<104x32xf32, #tpu.memory_space<vmem>>, vector<1x16xf32>,
      %get3A_4977 = vector.shape_cast %get3A_4976 : vector<1x16xf32> to vector<16xf32>
      %add3A_4978 = arith.addf %add3A_4954, %get3A_4977 : vector<16xf32>
      %get3A_4979 = arith.constant 97 : i32
      %get3A_4980 = arith.index_cast %get3A_4979 : i32 to index
      %get3A_4981 = arith.constant 0 : index
      %get3A_4982 = tpu.vector_load %arg9[%get3A_4980, %get3A_4981] {strides = array<i32>} : memref<104x32xf32, #tpu.memory_space<vmem>>, vector<1x16xf32>,
      %get3A_4983 = vector.shape_cast %get3A_4982 : vector<1x16xf32> to vector<16xf32>
      %add3A_4984 = arith.addf %add3A_4960, %get3A_4983 : vector<16xf32>
      %get3A_4985 = arith.constant 97 : i32
      %get3A_4986 = arith.index_cast %get3A_4985 : i32 to index
      %get3A_4987 = arith.constant 16 : index
      %get3A_4988 = tpu.vector_load %arg9[%get3A_4986, %get3A_4987] {strides = array<i32>} : memref<104x32xf32, #tpu.memory_space<vmem>>, vector<1x16xf32>,
      %get3A_4989 = vector.shape_cast %get3A_4988 : vector<1x16xf32> to vector<16xf32>
      %add3A_4990 = arith.addf %add3A_4966, %get3A_4989 : vector<16xf32>
      %get3A_4991 = arith.constant 98 : i32
      %get3A_4992 = arith.index_cast %get3A_4991 : i32 to index
      %get3A_4993 = arith.constant 0 : index
      %get3A_4994 = tpu.vector_load %arg9[%get3A_4992, %get3A_4993] {strides = array<i32>} : memref<104x32xf32, #tpu.memory_space<vmem>>, vector<1x16xf32>,
      %get3A_4995 = vector.shape_cast %get3A_4994 : vector<1x16xf32> to vector<16xf32>
      %add3A_4996 = arith.addf %add3A_4972, %get3A_4995 : vector<16xf32>
      %get3A_4997 = arith.constant 98 : i32
      %get3A_4998 = arith.index_cast %get3A_4997 : i32 to index
      %get3A_4999 = arith.constant 16 : index
      %get3A_5000 = tpu.vector_load %arg9[%get3A_4998, %get3A_4999] {strides = array<i32>} : memref<104x32xf32, #tpu.memory_space<vmem>>, vector<1x16xf32>,
      %get3A_5001 = vector.shape_cast %get3A_5000 : vector<1x16xf32> to vector<16xf32>
      %add3A_5002 = arith.addf %add3A_4978, %get3A_5001 : vector<16xf32>
      %get3A_5003 = arith.constant 99 : i32
      %get3A_5004 = arith.index_cast %get3A_5003 : i32 to index
      %get3A_5005 = arith.constant 0 : index
      %get3A_5006 = tpu.vector_load %arg9[%get3A_5004, %get3A_5005] {strides = array<i32>} : memref<104x32xf32, #tpu.memory_space<vmem>>, vector<1x16xf32>,
      %get3A_5007 = vector.shape_cast %get3A_5006 : vector<1x16xf32> to vector<16xf32>
      %add3A_5008 = arith.addf %add3A_4984, %get3A_5007 : vector<16xf32>
      %get3A_5009 = arith.constant 99 : i32
      %get3A_5010 = arith.index_cast %get3A_5009 : i32 to index
      %get3A_5011 = arith.constant 16 : index
      %get3A_5012 = tpu.vector_load %arg9[%get3A_5010, %get3A_5011] {strides = array<i32>} : memref<104x32xf32, #tpu.memory_space<vmem>>, vector<1x16xf32>,
      %get3A_5013 = vector.shape_cast %get3A_5012 : vector<1x16xf32> to vector<16xf32>
      %add3A_5014 = arith.addf %add3A_4990, %get3A_5013 : vector<16xf32>
      %get3A_5015 = arith.constant 100 : i32
      %get3A_5016 = arith.index_cast %get3A_5015 : i32 to index
      %get3A_5017 = arith.constant 0 : index
      %get3A_5018 = tpu.vector_load %arg9[%get3A_5016, %get3A_5017] {strides = array<i32>} : memref<104x32xf32, #tpu.memory_space<vmem>>, vector<1x16xf32>,
      %get3A_5019 = vector.shape_cast %get3A_5018 : vector<1x16xf32> to vector<16xf32>
      %add3A_5020 = arith.addf %add3A_4996, %get3A_5019 : vector<16xf32>
      %get3A_5021 = arith.constant 100 : i32
      %get3A_5022 = arith.index_cast %get3A_5021 : i32 to index
      %get3A_5023 = arith.constant 16 : index
      %get3A_5024 = tpu.vector_load %arg9[%get3A_5022, %get3A_5023] {strides = array<i32>} : memref<104x32xf32, #tpu.memory_space<vmem>>, vector<1x16xf32>,
      %get3A_5025 = vector.shape_cast %get3A_5024 : vector<1x16xf32> to vector<16xf32>
      %add3A_5026 = arith.addf %add3A_5002, %get3A_5025 : vector<16xf32>
      %get3A_5027 = arith.constant 101 : i32
      %get3A_5028 = arith.index_cast %get3A_5027 : i32 to index
      %get3A_5029 = arith.constant 0 : index
      %get3A_5030 = tpu.vector_load %arg9[%get3A_5028, %get3A_5029] {strides = array<i32>} : memref<104x32xf32, #tpu.memory_space<vmem>>, vector<1x16xf32>,
      %get3A_5031 = vector.shape_cast %get3A_5030 : vector<1x16xf32> to vector<16xf32>
      %add3A_5032 = arith.addf %add3A_5008, %get3A_5031 : vector<16xf32>
      %get3A_5033 = arith.constant 101 : i32
      %get3A_5034 = arith.index_cast %get3A_5033 : i32 to index
      %get3A_5035 = arith.constant 16 : index
      %get3A_5036 = tpu.vector_load %arg9[%get3A_5034, %get3A_5035] {strides = array<i32>} : memref<104x32xf32, #tpu.memory_space<vmem>>, vector<1x16xf32>,
      %get3A_5037 = vector.shape_cast %get3A_5036 : vector<1x16xf32> to vector<16xf32>
      %add3A_5038 = arith.addf %add3A_5014, %get3A_5037 : vector<16xf32>
      %add3A_5039 = arith.addf %add3A_5020, %add3A_5032 : vector<16xf32>
      %mul3A_5040 = arith.constant 2.44140625E-4 : f32
      %mul3A_5041 = vector.broadcast %mul3A_5040 : f32 to vector<16xf32>
      %mul3A_5042 = arith.mulf %add3A_5039, %mul3A_5041 : vector<16xf32>
      %mul3A_5043 = arith.constant 2 : i32
      %mul3A_5044 = arith.muli %mul3A_5043, %add3A_3814 : i32
      %add3A_5045 = arith.constant 1 : i32
      %add3A_5046 = arith.addi %mul3A_5044, %add3A_5045 : i32
      %swap3A_5047 = arith.index_cast %add3A_5046 : i32 to index
      %swap3A_5048 = arith.constant 0 : index
      %swap3A_5049 = tpu.vector_load %arg10[%swap3A_5047, %swap3A_5048] {strides = array<i32>} : memref<128x32xf32, #tpu.memory_space<vmem>>, vector<1x16xf32>,
      %swap3A_5050 = vector.shape_cast %swap3A_5049 : vector<1x16xf32> to vector<16xf32>
      %swap3A_5051 = vector.shape_cast %mul3A_5042 : vector<16xf32> to vector<1x16xf32>
      tpu.vector_store %arg10[%swap3A_5047, %swap3A_5048], %swap3A_5051 {strides = array<i32>} : memref<128x32xf32, #tpu.memory_space<vmem>>, vector<1x16xf32>,
      %add3A_5052 = arith.addf %add3A_5026, %add3A_5038 : vector<16xf32>
      %mul3A_5053 = arith.constant 2.44140625E-4 : f32
      %mul3A_5054 = vector.broadcast %mul3A_5053 : f32 to vector<16xf32>
      %mul3A_5055 = arith.mulf %add3A_5052, %mul3A_5054 : vector<16xf32>
      %mul3A_5056 = arith.constant 2 : i32
      %mul3A_5057 = arith.muli %mul3A_5056, %add3A_3814 : i32
      %add3A_5058 = arith.constant 1 : i32
      %add3A_5059 = arith.addi %mul3A_5057, %add3A_5058 : i32
      %swap3A_5060 = arith.index_cast %add3A_5059 : i32 to index
      %swap3A_5061 = arith.constant 16 : index
      %swap3A_5062 = tpu.vector_load %arg10[%swap3A_5060, %swap3A_5061] {strides = array<i32>} : memref<128x32xf32, #tpu.memory_space<vmem>>, vector<1x16xf32>,
      %swap3A_5063 = vector.shape_cast %swap3A_5062 : vector<1x16xf32> to vector<16xf32>
      %swap3A_5064 = vector.shape_cast %mul3A_5055 : vector<16xf32> to vector<1x16xf32>
      tpu.vector_store %arg10[%swap3A_5060, %swap3A_5061], %swap3A_5064 {strides = array<i32>} : memref<128x32xf32, #tpu.memory_space<vmem>>, vector<1x16xf32>,
      %add3A_5065 = arith.constant 4 : i32
      %add3A_5066 = arith.addi %add3A_3814, %add3A_5065 : i32
      %lt3A_5067 = arith.constant 64 : i32
      %lt3A_5068 = arith.cmpi slt, %add3A_5066, %lt3A_5067 : i32
      %convert_element_type3A_5069 = arith.extui %lt3A_5068 : i1 to i32
      %cond3A_5070 = arith.constant 0 : i32
      %cond3A_5071 = arith.cmpi ne, %convert_element_type3A_5069, %cond3A_5070 : i32
      scf.if %cond3A_5071 {
        %dma_start3A_5073 = arith.constant 0 : i32
        %dma_start3A_5074 = tpu.memref_slice %arg5[%add3A_5066, %dma_start3A_5073] : memref<64x104xi32, #tpu.memory_space<vmem>> -> memref<1x104xi32, #tpu.memory_space<vmem>>
        %dma_start3A_5075 = tpu.memref_squeeze %dma_start3A_5074 : memref<1x104xi32, #tpu.memory_space<vmem>> -> memref<104xi32, #tpu.memory_space<vmem>>
        %dma_start3A_5076 = arith.constant 0 : i32
        %dma_start3A_5077 = arith.constant 0 : i32
        %dma_start3A_5078 = tpu.memref_slice %arg3[%dma_start3A_5076, %dma_start3A_5077] : memref<1000000x32xf32, #tpu.memory_space<hbm>> -> memref<1000000x32xf32, #tpu.memory_space<hbm>>
        tpu.enqueue_indirect_dma source(%dma_start3A_5078 : memref<1000000x32xf32, #tpu.memory_space<hbm>>) target(%arg9 : memref<104x32xf32, #tpu.memory_space<vmem>>) offsets(%dma_start3A_5075 : memref<104xi32, #tpu.memory_space<vmem>>) semaphore(%arg14 : memref<!tpu.dma_semaphore, #tpu.memory_space<semaphore_mem>>)
      } else {
      }
      %scan3A_5072 = arith.constant 0 : i32
      scf.yield %scan3A_5072 : i32
    }
    %scan3A_35 = arith.constant 16 : i32
    %mul3A_36 = arith.constant 128 : i32
    %mul3A_37 = arith.muli %add3A, %mul3A_36 : i32
    "tpu.region"() ({
      %run_scoped3A = tpu.sem_alloc : memref<!tpu.dma_semaphore, #tpu.memory_space<semaphore_mem>>
      %dma_start3A_38 = arith.constant 0 : i32
      %dma_start3A_39 = tpu.memref_slice %arg4[%mul3A_37, %dma_start3A_38] : memref<4096x32xf32, #tpu.memory_space<hbm>> -> memref<128x32xf32, #tpu.memory_space<hbm>>
      %dma_start3A_40 = arith.constant 0 : i32
      %dma_start3A_41 = tpu.memref_slice %arg4[%mul3A_37, %dma_start3A_40] : memref<4096x32xf32, #tpu.memory_space<hbm>> -> memref<128x32xf32, #tpu.memory_space<hbm>>
      tpu.enqueue_dma source(%arg10 : memref<128x32xf32, #tpu.memory_space<vmem>>) target(%dma_start3A_41 : memref<128x32xf32, #tpu.memory_space<hbm>>) target_semaphore(%run_scoped3A : memref<!tpu.dma_semaphore, #tpu.memory_space<semaphore_mem>>)
      %dma_wait3A = arith.constant 0 : i32
      %dma_wait3A_42 = tpu.memref_slice %arg4[%mul3A_37, %dma_wait3A] : memref<4096x32xf32, #tpu.memory_space<hbm>> -> memref<128x32xf32, #tpu.memory_space<hbm>>
      %dma_wait3A_43 = arith.constant 0 : i32
      %dma_wait3A_44 = tpu.memref_slice %arg4[%mul3A_37, %dma_wait3A_43] : memref<4096x32xf32, #tpu.memory_space<hbm>> -> memref<128x32xf32, #tpu.memory_space<hbm>>
      tpu.wait_dma2 semaphore(%run_scoped3A : memref<!tpu.dma_semaphore, #tpu.memory_space<semaphore_mem>>) src(%arg10 : memref<128x32xf32, #tpu.memory_space<vmem>>) dst(%dma_wait3A_44 : memref<128x32xf32, #tpu.memory_space<hbm>>)
      tpu.yield
    }) : () -> ()
    return
  }
}

</mosaic_0001>

<sc_bundles>
// kernel: kernel.3.cloned.1.call-start
scs
__scs_entry_jumppad:
0x0: {  	(pc) =	sbr.rel $0x88, $3  }
0x1: {  	(tag) =	ssettag $0x0;
	lr =	simm.s32 $0x1  }
0x2: {  	[smem:$0x3F9F] =	sst lr;
	_ =	strace $0xD0000000  }
0x3: {  	_ = 	snop  }
0x4: {  	_ = 	snop  }
0x5: {  	_ = 	snop  }
0x6: {  	_ = 	snop  }
0x7: {  	_ = 	snop  }
__scs_overlays_trampoline_lowered:
0x8: {  	[smem:$0x3FAE] =	sst s0  }
0x9: {  	[smem:$0x3FAF] =	sst s1  }
0xa: {  	[smem:$0x3FB0] =	sst s2  }
0xb: {  	[smem:$0x3FB1] =	sst s3  }
0xc: {  	[smem:$0x3FB2] =	sst s4  }
0xd: {  	[smem:$0x3FB3] =	sst s5  }
0xe: {  	[smem:$0x3FB4] =	sst s6  }
0xf: {  	[smem:$0x3FB5] =	sst s7  }
0x10: {  	[smem:$0x3FB6] =	sst s8  }
0x11: {  	[smem:$0x3FB7] =	sst s9;
	s0 =	simm.s32 @!p0 $0x0  }
0x12: {  	s1 =	sld [smem:$0x3F9D];
	s0 =	simm.s32 @p0 $0x1  }
0x13: {  	[smem:$0x3FB8] =	sst s0;
	s0 =	simm.s32 @!p1 $0x0  }
0x14: {  	s2 =	sld [smem:$0x3F9C];
	s0 =	simm.s32 @p1 $0x1  }
0x15: {  	[smem:$0x3FB9] =	sst s0;
	s0 =	simm.s32 @!p2 $0x0  }
0x16: {  	s3 =	sld [smem:$0x3FDB];
	s0 =	simm.s32 @p2 $0x1  }
0x17: {  	s4 =	simm.s32 $0x1BF5;
	[smem:$0x3FBB] =	sst s0  }
0x18: {  	s0 =	sld [smem:$0x3F9E];
	_ =	swait.ge [sflag:s4], $0x0  }
0x19: {  	s7 =	sld [smem:$0x3F9F]  }
0x1a: {  	s8 =	sadd.s32 $0xFFFFE003, lr  }
0x1b: {  	s9 =	sadd.s32 $0xFFFFFEF7, lr;
	s5 =	simm.s32 $0xFFFFFFFF;
	p2 =	slt.u32 s8, $0xFFFFF086  }
0x1c: {  	p1 =	slt.u32 s9, $0xF7A;
	s5 =	simm.s32 @!p2 $0x0  }
0x1d: {  	s5 =	simm.s32 @p1 $0x1;
	p0 =	seq.s32 s7, s2  }
0x1e: {  	s7 =	smul.u32 @!p0 $0xF7A, s2;
	p2 =	seq.s32 @!p0 s5, $0x0  }
0x1f: {  	s9 =	smul.u32 $0xF7A, s1;
	s8 =	simm.s32 @!p0 $0x1BF5;
	p2 =	por !p2, p0  }
0x20: {  	[sflag:s8] =	ssyncset.s32 @!p0 $0xFFFFF086;
	s6 =	sadd.s32 @!p0 s3, s7;
	s7 =	simm.s32 @!p0 $0x108  }
0x21: {  	s3 =	sadd.s32 s3, s9;
	s6 =	sadd.s32 @!p0 $0x88, s6;
	s7 =	simm.s32 @p2 $0x1082  }
0x22: {  	[simem:s7], [sflag:s8] =	dma.local @!p0 [hbm:s6], $0xF7A  }
0x23: {  	s9 =	sor.u32 $0xD0000000, s2;
	s6 =	simm.s32 $0x108;
	_ =	swait.ge @!p0 [sflag:s8], $0x0  }
0x24: {  	s3 =	sadd.s32 $0x88, s3;
	s6 =	simm.s32 @!p1 $0x1082;
	[sflag:s4] =	ssyncset.s32 $0xFFFFF086  }
0x25: {  	[simem:s6], [sflag:s4] =	dma.local [hbm:s3], $0xF7A  }
0x26: {  	[smem:$0x3F9F] =	sst s1;
	(tag) =	ssettag s2;
	_ =	strace s9  }
0x27: {  	s1 =	sld [smem:$0x3FAF]  }
0x28: {  	s2 =	sld [smem:$0x3FB0]  }
0x29: {  	s4 =	sld [smem:$0x3FB2]  }
0x2a: {  	p0 =	seq.s32 s5, $0x0;
	s5 =	sld [smem:$0x3FB3]  }
0x2b: {  	s6 =	sld [smem:$0x3FB4]  }
0x2c: {  	s7 =	sld [smem:$0x3FB5]  }
0x2d: {  	s3 =	simm.s32 $0x108;
	s8 =	sld [smem:$0x3FB6]  }
0x2e: {  	s3 =	simm.s32 @!p0 $0x1082;
	s9 =	sld [smem:$0x3FB7]  }
0x2f: {  	lr =	sadd.s32 s0, s3;
	s0 =	sld [smem:$0x3FAE]  }
0x30: {  	s3 =	sld [smem:$0x3FB1]  }
0x31: {  	[smem:$0x3FBA] =	sst s10  }
0x32: {  	s10 =	sld [smem:$0x3FB8];
	_ =	sdelay $0x3  }
0x33: {  	p0 =	seq.s32 s10, $0x1;
	s10 =	sld [smem:$0x3FBA];
	_ =	sdelay $0x3  }
0x34: {  	[smem:$0x3FBA] =	sst s10  }
0x35: {  	s10 =	sld [smem:$0x3FB9];
	_ =	sdelay $0x3  }
0x36: {  	p1 =	seq.s32 s10, $0x1;
	s10 =	sld [smem:$0x3FBA];
	_ =	sdelay $0x3  }
0x37: {  	[smem:$0x3FBA] =	sst s10  }
0x38: {  	s10 =	sld [smem:$0x3FBB]  }
0x39: {  	_ = 	snop;
	(pc) =	sbr.ind lr, $3  }
0x3a: {  	_ = 	snop  }
0x3b: {  	_ = 	snop  }
0x3c: {  	p2 =	seq.s32 s10, $0x1;
	s10 =	sld [smem:$0x3FBA]  }
0x3d: {  	_ =	shalt  }
0x3e: {  	_ =	shalt  }
0x3f: {  	_ =	shalt  }
0x40: {  	_ =	shalt  }
0x41: {  	_ =	shalt  }
0x42: {  	_ =	shalt  }
0x43: {  	_ =	shalt  }
0x44: {  	_ =	shalt  }
0x45: {  	_ =	shalt  }
0x46: {  	_ =	shalt  }
0x47: {  	_ =	shalt  }
0x48: {  	_ =	shalt  }
0x49: {  	_ =	shalt  }
0x4a: {  	_ =	shalt  }
0x4b: {  	_ =	shalt  }
0x4c: {  	_ =	shalt  }
0x4d: {  	_ =	shalt  }
0x4e: {  	_ =	shalt  }
0x4f: {  	_ =	shalt  }
0x50: {  	_ =	shalt  }
0x51: {  	_ =	shalt  }
0x52: {  	_ =	shalt  }
0x53: {  	_ =	shalt  }
0x54: {  	_ =	shalt  }
0x55: {  	_ =	shalt  }
0x56: {  	_ =	shalt  }
0x57: {  	_ =	shalt  }
0x58: {  	_ =	shalt  }
0x59: {  	_ =	shalt  }
0x5a: {  	_ =	shalt  }
0x5b: {  	_ =	shalt  }
0x5c: {  	_ =	shalt  }
0x5d: {  	_ =	shalt  }
0x5e: {  	_ =	shalt  }
0x5f: {  	_ =	shalt  }
0x60: {  	_ =	shalt  }
0x61: {  	_ =	shalt  }
0x62: {  	_ =	shalt  }
0x63: {  	_ =	shalt  }
0x64: {  	_ =	shalt  }
0x65: {  	_ =	shalt  }
0x66: {  	_ =	shalt  }
0x67: {  	_ =	shalt  }
0x68: {  	_ =	shalt  }
0x69: {  	_ =	shalt  }
0x6a: {  	_ =	shalt  }
0x6b: {  	_ =	shalt  }
0x6c: {  	_ =	shalt  }
0x6d: {  	_ =	shalt  }
0x6e: {  	_ =	shalt  }
0x6f: {  	_ =	shalt  }
0x70: {  	_ =	shalt  }
0x71: {  	_ =	shalt  }
0x72: {  	_ =	shalt  }
0x73: {  	_ =	shalt  }
0x74: {  	_ =	shalt  }
0x75: {  	_ =	shalt  }
0x76: {  	_ =	shalt  }
0x77: {  	_ =	shalt  }
0x78: {  	_ =	shalt  }
0x79: {  	_ =	shalt  }
0x7a: {  	_ =	shalt  }
0x7b: {  	_ =	shalt  }
0x7c: {  	_ =	shalt  }
0x7d: {  	_ =	shalt  }
0x7e: {  	_ =	shalt  }
0x7f: {  	_ =	shalt  }
0x80: {  	_ =	shalt  }
0x81: {  	_ =	shalt  }
0x82: {  	_ =	shalt  }
0x83: {  	_ =	shalt  }
0x84: {  	_ =	shalt  }
0x85: {  	_ =	shalt  }
0x86: {  	_ =	shalt  }
0x87: {  	_ =	shalt  }
.Lfunc_end0:
.L_simem_size_0:
called_computation_lowered:
.L_overlay_start_0:
0x88: {  	s2 =	sld [smem:$0x3FD9]  }
0x89: {  	s3 =	sld [smem:$0x3FFE];
	_ =	sdelay $0x1  }
0x8a: {  	s1 =	srdreg.scid  }
0x8b: {  	s0 =	sand.u32 $0x1, s1  }
0x8c: {  	s17 =	sshll.u32 s0, $0xA;
	s2 =	sadd.s32 s3, s2  }
0x8d: {  	s2 =	sadd.s32 s2, s17  }
0x8e: {  	[smem:$0x3FC6] =	sst s2  }
0x8f: {  	_ = 	snop  }
0x90: {  	s2 =	sld [smem:$0x3FD0];
	(tm) =	ssettm $0x1  }
0x91: {  	s18 =	sld [smem:$0x3FFB];
	_ =	sdelay $0x3  }
0x92: {  	_ =	strace s18  }
0x93: {  	s3 =	sld [smem:$0x3FFC];
	_ =	sdelay $0x3  }
0x94: {  	_ =	strace s3  }
0x95: {  	s3 =	sld [smem:$0x3FFD];
	_ =	sdelay $0x3  }
0x96: {  	_ =	strace s3  }
0x97: {  	_ =	strace $0x8FFFFFFF  }
0x98: {  	s19 =	sld [smem:$0x3FDB];
	_ =	sdelay $0x1  }
0x99: {  	s4 =	simm.s32 $_scs_section_size  }
0x9a: {  	s5 =	simm.s32 $_size__tile_overlayer_lowered;
	s6 =	simm.s32 $_tile_overlayer_lowered  }
0x9b: {  	s22 =	simm.s32 $0x1BFF;
	s21 =	sshll.u32 s6, $0x1;
	s3 =	sadd.s32 s4, s19  }
0x9c: {  	s7 =	simm.s32 $0x0;
	s20 =	sshll.u32 s5, $0x1;
	s5 =	sadd.s32 s21, s3  }
0x9d: {  	[timem:s7], [sflag:s22] =	dma.local [hbm:s5], s20  }
0x9e: {  	_ =	swait.ge [sflag:s22], s20  }
0x9f: {  	s4 =	ssub.s32 $0x0, s20;
	[sflag:s22] =	ssyncset.done $0x0  }
0xa0: {  	[sflag:s22] =	ssyncadd.s32 s4;
	_ =	sdelay $0x1  }
0xa1: {  	s23 =	simm.s32 $0x1B8B  }
0xa2: {  	_ =	swait.ge [sflag:s23], $0x1  }
0xa3: {  	[sflag:s23] =	ssyncset.done $0x0  }
0xa4: {  	s25 =	simm.s32 $0x1B8E;
	s24 =	sld [smem:$0x3FFE];
	[sflag:s23] =	ssyncadd.s32 $0xFFFFFFFF  }
0xa5: {  	s26 =	simm.s32 $execute0_lowered;
	[smem:$0x3FD2] =	sst s25  }
0xa6: {  	s5 =	sshll.u32 s26, $0x1;
	_ =	strace $0x80000046;
	[dreg:$0x1] =	wrdreg $0xFFFFFFFF  }
0xa7: {  	s28 =	simm.s32 $_size_execute0_lowered;
	s3 =	sadd.s32 s3, s5;
	[dreg:$0x0] =	wrdreg $0x0  }
0xa8: {  	s5 =	sshll.u32 s28, $0x1;
	[dreg:$0x2] =	wrdreg s3  }
0xa9: {  	[dreg:$0x3] =	wrdreg s5  }
0xaa: {  	[dreg:$0x4] =	wrdreg $0xC0  }
0xab: {  	_ =	task [dreg:s7], $0x5FFFF  }
0xac: {  	[dreg:$0x1] =	wrdreg $0xFFFFFFFF  }
0xad: {  	[dreg:$0x0] =	wrdreg $0x60  }
0xae: {  	[dreg:$0x2] =	wrdreg s24  }
0xaf: {  	[dreg:$0x3] =	wrdreg s2  }
0xb0: {  	[dreg:$0x4] =	wrdreg $0x9  }
0xb1: {  	_ =	task.clear_ibuf [dreg:s7], $0x5FFFF;
	_ =	strace $0x90000046  }
0xb2: {  	s29 =	simm.s32 $0x9;
	_ =	strace $0x80000048  }
0xb3: {  	_ =	swait.ge [sflag:s29], $0x1  }
0xb4: {  	[sflag:s29] =	ssyncadd.s32 $0xFFFFFFFF  }
0xb5: {  	_ =	strace $0x90000048  }
0xb6: {  	_ =	sfence  }
0xb7: {  	s30 =	sld [smem:$0x0];
	_ =	sdelay $0x2  }
0xb8: {  	s31 =	sshll.u32 s1, $0xD;
	s1 =	sshrl.u32 s1, $0x2  }
0xb9: {  	s3 =	sand.u32 $0x4000, s31;
	s1 =	sadd.s32 s1, s30  }
0xba: {  	s0 =	sor.u32 s3, s0;
	s1 =	sshll.u32 s1, $0x11  }
0xbb: {  	s0 =	sor.u32 s1, s0  }
0xbc: {  	s0 =	sadd.s32 $0x8F2B, s0  }
0xbd: {  	[sflag:s0] =	ssyncadd.remote.s32 $0x1  }
0xbe: {  	_ =	sfence.sel $0xFFFF  }
0xbf: {  	[dreg:$0x0] =	wrdreg $0xFFFFFFFF;
	(pc) =	sbr.abs _section_cstart, $3  }
0xc0: {  	[dreg:$0x1] =	wrdreg $0xFFFFFFFF  }
0xc1: {  	_ =	task.clear_ibuf [dreg:s7], $0x2FFFF;
	_ =	strace $0x9FFFFFFF  }
0xc2: {  	(tm) =	ssettm $0x7FFFFFFF  }
0xc3: {  	_ =	shalt  }
tec
execute0_lowered:
.L_overlay_start_1:
0x0: {  	(tag) =	ssettag $0x1  }
0x1: {  	s1 =	srdreg.scid  }
0x2: {  	s0 =	stileid.u32;
	s3 =	rddreg [dreg:$0x0]  }
0x3: {  	s5 =	rddreg [dreg:$0x1];
	s2 =	simm.s32 $0x0;
	s9 =	simm.s32 $0x1A00  }
0x4: {  	s10 =	simm.s32 $0x2700;
	s11 =	simm.s32 $0xD0;
	s12 =	simm.s32 $0x3400  }
0x5: {  	s13 =	simm.s32 $0x138;
	s14 =	simm.s32 $0x4100;
	s15 =	simm.s32 $0x1  }
0x6: {  	s16 =	simm.s32 $0x2;
	s17 =	simm.s32 $0x3;
	s18 =	simm.s32 $0x4  }
0x7: {  	s19 =	simm.s32 $0x4E00;
	s4 =	sand.u32 $0x1, s1;
	s1 =	rddreg [dreg:$0x2]  }
0x8: {  	s20 =	simm.s32 $0x0;
	s31 =	sshll.u32 s0, $0x1;
	[smem:$0x7FF] =	sst s2  }
.Ltmp0:
0x9: {  	s6 =	sor.u32 s4, s31;
	s4 =	ssub.s32 $0x2, s4;
	(pc) =	sbr.rel .LBB2_1-.Ltmp0, $4  }
0xa: {  	s7 =	smul.u32 $0x340, s6;
	s8 =	sshrl.u32 s4, $0x1;
	s6 =	sshll.u32 s6, $0x9  }
0xb: {  	_ =	strace $0x80000047;
	s8 =	ssub.s32 s4, s8;
	s5 =	sadd.s32 s5, s6  }
0xc: {  	s7 =	sadd.s32 s7, s3;
	s3 =	sadd.s32 $0xF42A00, s3;
	s6 =	smax.u32 s8, $0x1  }
0xd: {  	s8 =	simm.s32 $0x68;
	s4 =	sadd.s32 $0x600, s7;
	s7 =	simm.s32 $0x5  }
.LBB2_4:
0xe: {  	s20 =	sadd.s32 $0x1, s20  }
0xf: {  	p0 =	sne.s32 s20, s6  }
.Ltmp1:
0x10: {  	_ = 	snop;
	(pc) =	sbr.rel @!p0 .LBB2_5-.Ltmp1, $4  }
0x11: {  	[hbm4b:s5+s2] =	stream.linear.scatter [tilespmem:s19], [sflag:$0x5], $0x1000, $0x38;
	[tilespmem:$0x5E00] =	vst v63  }
0x12: {  	_ =	swait.ge [sflag:s7], $0x1000  }
0x13: {  	[sflag:s7] =	ssyncset.done $0x0  }
0x14: {  	[sflag:s7] =	ssyncadd.s32 $0xFFFFF000  }
.LBB2_1:
0x15: {  	[tilespmem:s2], [sflag:$0x5] =	stream.linear.gather [hbm4b:s4+s2], $0x1A00, $0x38;
	[tilespmem:$0x5E00] =	vst v63  }
0x16: {  	_ =	swait.ge [sflag:s7], $0x1A00  }
0x17: {  	[sflag:s7] =	ssyncset.done $0x0  }
0x18: {  	[sflag:s7] =	ssyncadd.s32 $0xFFFFE600  }
0x19: {  	[tilespmem:s9], [sflag:$0x1] =	stream.indirect.gather [hbm4b:s3+s8], $0x20, s2, s8, $0xb8;
	[tilespmem:$0x5E00] =	vst v63  }
0x1a: {  	_ = 	snop  }
0x1b: {  	[tilespmem:s10], [sflag:$0x2] =	stream.indirect.gather [hbm4b:s3+s8], $0x20, s8, s8, $0xb8;
	[tilespmem:$0x5E00] =	vst v63  }
0x1c: {  	_ = 	snop  }
0x1d: {  	[tilespmem:s12], [sflag:$0x3] =	stream.indirect.gather [hbm4b:s3+s8], $0x20, s11, s8, $0xb8;
	[tilespmem:$0x5E00] =	vst v63  }
0x1e: {  	s21 =	simm.s32 $0xFFFF9E80;
	s22 =	simm.s32 $0x4E80  }
0x1f: {  	[tilespmem:s14], [sflag:$0x4] =	stream.indirect.gather [hbm4b:s3+s8], $0x20, s13, s8, $0xb8;
	[tilespmem:$0x5E00] =	vst v63  }
.LBB2_2:
0x20: {  	_ =	swait.ge [sflag:s15], $0xD00  }
0x21: {  	[sflag:s15] =	ssyncset.done $0x0  }
0x22: {  	[sflag:s15] =	ssyncadd.s32 $0xFFFFF300  }
0x23: {  	v0 =	vld [tilespmem:$0x1A00]  }
0x24: {  	v1 =	vld [tilespmem:$0x1A10]  }
0x25: {  	v2 =	vld [tilespmem:$0x1A20]  }
0x26: {  	v3 =	vld [tilespmem:$0x1A30]  }
0x27: {  	v4 =	vld [tilespmem:$0x1A40]  }
0x28: {  	v5 =	vld [tilespmem:$0x1A50]  }
0x29: {  	v6 =	vld [tilespmem:$0x1A60]  }
0x2a: {  	v7 =	vld [tilespmem:$0x1A70]  }
0x2b: {  	v8 =	vld [tilespmem:$0x1A80]  }
0x2c: {  	v9 =	vld [tilespmem:$0x1A90]  }
0x2d: {  	v10 =	vld [tilespmem:$0x1AA0]  }
0x2e: {  	v11 =	vld [tilespmem:$0x1AB0]  }
0x2f: {  	v12 =	vld [tilespmem:$0x1AC0]  }
0x30: {  	v13 =	vld [tilespmem:$0x1AD0]  }
0x31: {  	v14 =	vld [tilespmem:$0x1AE0]  }
0x32: {  	v15 =	vld [tilespmem:$0x1AF0]  }
0x33: {  	v16 =	vld [tilespmem:$0x1B00]  }
0x34: {  	v17 =	vld [tilespmem:$0x1B10]  }
0x35: {  	v18 =	vld [tilespmem:$0x1B20]  }
0x36: {  	v19 =	vld [tilespmem:$0x1B30]  }
0x37: {  	v20 =	vld [tilespmem:$0x1B40]  }
0x38: {  	v21 =	vld [tilespmem:$0x1B50]  }
0x39: {  	v22 =	vld [tilespmem:$0x1B60]  }
0x3a: {  	v23 =	vld [tilespmem:$0x1B70]  }
0x3b: {  	v24 =	vld [tilespmem:$0x1B80]  }
0x3c: {  	v25 =	vld [tilespmem:$0x1B90]  }
0x3d: {  	v26 =	vld [tilespmem:$0x1BA0]  }
0x3e: {  	v27 =	vld [tilespmem:$0x1BB0]  }
0x3f: {  	v28 =	vld [tilespmem:$0x1BC0]  }
0x40: {  	v29 =	vld [tilespmem:$0x1BD0]  }
0x41: {  	v30 =	vld [tilespmem:$0x1BE0]  }
0x42: {  	v31 =	vld [tilespmem:$0x1BF0]  }
0x43: {  	v32 =	vld [tilespmem:$0x1C00]  }
0x44: {  	v33 =	vld [tilespmem:$0x1C10]  }
0x45: {  	v34 =	vld [tilespmem:$0x1C20]  }
0x46: {  	v35 =	vld [tilespmem:$0x1C30]  }
0x47: {  	v36 =	vld [tilespmem:$0x1C40]  }
0x48: {  	v37 =	vld [tilespmem:$0x1C50]  }
0x49: {  	v38 =	vld [tilespmem:$0x1C60]  }
0x4a: {  	v39 =	vld [tilespmem:$0x1C70]  }
0x4b: {  	v40 =	vld [tilespmem:$0x1C80]  }
0x4c: {  	v41 =	vld [tilespmem:$0x1C90]  }
0x4d: {  	v42 =	vld [tilespmem:$0x1CA0]  }
0x4e: {  	v43 =	vld [tilespmem:$0x1CB0]  }
0x4f: {  	v44 =	vld [tilespmem:$0x1CC0]  }
0x50: {  	v45 =	vld [tilespmem:$0x1CD0]  }
0x51: {  	v46 =	vld [tilespmem:$0x1CE0]  }
0x52: {  	v47 =	vld [tilespmem:$0x1CF0]  }
0x53: {  	v48 =	vld [tilespmem:$0x1D00]  }
0x54: {  	v49 =	vld [tilespmem:$0x1D10]  }
0x55: {  	v50 =	vld [tilespmem:$0x1D20]  }
0x56: {  	v51 =	vld [tilespmem:$0x1D30]  }
0x57: {  	v52 =	vld [tilespmem:$0x1D40]  }
0x58: {  	v53 =	vld [tilespmem:$0x1D50]  }
0x59: {  	v54 =	vld [tilespmem:$0x1D60]  }
0x5a: {  	v55 =	vld [tilespmem:$0x1D70]  }
0x5b: {  	v56 =	vld [tilespmem:$0x1D80]  }
0x5c: {  	v57 =	vld [tilespmem:$0x1E10];
	v0 =	vadd.f32 v4, v0;
	v2 =	vadd.f32 v6, v2  }
0x5d: {  	v58 =	vld [tilespmem:$0x1E20];
	v1 =	vadd.f32 v5, v1;
	v3 =	vadd.f32 v7, v3  }
0x5e: {  	v59 =	vld [tilespmem:$0x1E30];
	v0 =	vadd.f32 v8, v0;
	v2 =	vadd.f32 v10, v2  }
0x5f: {  	v60 =	vld [tilespmem:$0x1E40];
	v1 =	vadd.f32 v9, v1;
	v3 =	vadd.f32 v11, v3  }
0x60: {  	v61 =	vld [tilespmem:$0x1E50];
	v0 =	vadd.f32 v12, v0;
	v2 =	vadd.f32 v14, v2  }
0x61: {  	v62 =	vld [tilespmem:$0x1E60];
	v1 =	vadd.f32 v13, v1;
	v3 =	vadd.f32 v15, v3  }
0x62: {  	v63 =	vld [tilespmem:$0x1E70];
	v0 =	vadd.f32 v16, v0;
	v2 =	vadd.f32 v18, v2  }
0x63: {  	v4 =	vld [tilespmem:$0x1D90];
	v1 =	vadd.f32 v17, v1;
	v3 =	vadd.f32 v19, v3  }
0x64: {  	v5 =	vld [tilespmem:$0x1DA0];
	v0 =	vadd.f32 v20, v0;
	v2 =	vadd.f32 v22, v2  }
0x65: {  	v6 =	vld [tilespmem:$0x1DB0];
	v1 =	vadd.f32 v21, v1;
	v3 =	vadd.f32 v23, v3  }
0x66: {  	v7 =	vld [tilespmem:$0x1DC0];
	v0 =	vadd.f32 v24, v0;
	v2 =	vadd.f32 v26, v2  }
0x67: {  	v8 =	vld [tilespmem:$0x1DD0];
	v1 =	vadd.f32 v25, v1;
	v3 =	vadd.f32 v27, v3  }
0x68: {  	v9 =	vld [tilespmem:$0x1DE0];
	v0 =	vadd.f32 v28, v0;
	v2 =	vadd.f32 v30, v2  }
0x69: {  	v10 =	vld [tilespmem:$0x1DF0];
	v1 =	vadd.f32 v29, v1;
	v3 =	vadd.f32 v31, v3  }
0x6a: {  	v11 =	vld [tilespmem:$0x1E00];
	v0 =	vadd.f32 v32, v0;
	v2 =	vadd.f32 v34, v2  }
0x6b: {  	v1 =	vadd.f32 v33, v1;
	v3 =	vadd.f32 v35, v3;
	v32 =	vld [tilespmem:$0x1E80]  }
0x6c: {  	v33 =	vld [tilespmem:$0x1E90];
	v0 =	vadd.f32 v36, v0;
	v2 =	vadd.f32 v38, v2  }
0x6d: {  	v34 =	vld [tilespmem:$0x1EA0];
	v1 =	vadd.f32 v37, v1;
	v3 =	vadd.f32 v39, v3  }
0x6e: {  	v35 =	vld [tilespmem:$0x1EB0];
	v0 =	vadd.f32 v40, v0;
	v2 =	vadd.f32 v42, v2  }
0x6f: {  	v36 =	vld [tilespmem:$0x1EC0];
	v1 =	vadd.f32 v41, v1;
	v3 =	vadd.f32 v43, v3  }
0x70: {  	v37 =	vld [tilespmem:$0x1ED0];
	v0 =	vadd.f32 v44, v0;
	v2 =	vadd.f32 v46, v2  }
0x71: {  	v38 =	vld [tilespmem:$0x1EE0];
	v1 =	vadd.f32 v45, v1;
	v3 =	vadd.f32 v47, v3  }
0x72: {  	v39 =	vld [tilespmem:$0x1EF0];
	v0 =	vadd.f32 v48, v0;
	v2 =	vadd.f32 v50, v2  }
0x73: {  	v40 =	vld [tilespmem:$0x1F00];
	v1 =	vadd.f32 v49, v1;
	v3 =	vadd.f32 v51, v3  }
0x74: {  	v41 =	vld [tilespmem:$0x1F10];
	v0 =	vadd.f32 v52, v0;
	v2 =	vadd.f32 v54, v2  }
0x75: {  	v42 =	vld [tilespmem:$0x1F20];
	v1 =	vadd.f32 v53, v1;
	v3 =	vadd.f32 v55, v3  }
0x76: {  	v43 =	vld [tilespmem:$0x1F30];
	v0 =	vadd.f32 v56, v0;
	v2 =	vadd.f32 v5, v2  }
0x77: {  	v44 =	vld [tilespmem:$0x1F40];
	v1 =	vadd.f32 v4, v1;
	v3 =	vadd.f32 v6, v3  }
0x78: {  	v45 =	vld [tilespmem:$0x1F50];
	v0 =	vadd.f32 v7, v0;
	v2 =	vadd.f32 v9, v2  }
0x79: {  	v46 =	vld [tilespmem:$0x1F60];
	v1 =	vadd.f32 v8, v1;
	v3 =	vadd.f32 v10, v3  }
0x7a: {  	v47 =	vld [tilespmem:$0x1F70];
	v0 =	vadd.f32 v11, v0;
	v2 =	vadd.f32 v58, v2  }
0x7b: {  	v48 =	vld [tilespmem:$0x1F80];
	v1 =	vadd.f32 v57, v1;
	v3 =	vadd.f32 v59, v3  }
0x7c: {  	v49 =	vld [tilespmem:$0x1F90];
	v0 =	vadd.f32 v60, v0;
	v2 =	vadd.f32 v62, v2  }
0x7d: {  	v50 =	vld [tilespmem:$0x1FA0];
	v1 =	vadd.f32 v61, v1;
	v3 =	vadd.f32 v63, v3  }
0x7e: {  	v51 =	vld [tilespmem:$0x1FB0];
	v0 =	vadd.f32 v32, v0;
	v2 =	vadd.f32 v34, v2  }
0x7f: {  	v52 =	vld [tilespmem:$0x1FC0];
	v1 =	vadd.f32 v33, v1;
	v3 =	vadd.f32 v35, v3  }
0x80: {  	v53 =	vld [tilespmem:$0x1FD0];
	v0 =	vadd.f32 v36, v0;
	v2 =	vadd.f32 v38, v2  }
0x81: {  	v54 =	vld [tilespmem:$0x1FE0];
	v1 =	vadd.f32 v37, v1;
	v3 =	vadd.f32 v39, v3  }
0x82: {  	v55 =	vld [tilespmem:$0x1FF0];
	v0 =	vadd.f32 v40, v0;
	v2 =	vadd.f32 v42, v2  }
0x83: {  	v56 =	vld [tilespmem:$0x2000];
	v1 =	vadd.f32 v41, v1;
	v3 =	vadd.f32 v43, v3  }
0x84: {  	v57 =	vld [tilespmem:$0x2010];
	v0 =	vadd.f32 v44, v0;
	v2 =	vadd.f32 v46, v2  }
0x85: {  	v58 =	vld [tilespmem:$0x2020];
	v1 =	vadd.f32 v45, v1;
	v3 =	vadd.f32 v47, v3  }
0x86: {  	v59 =	vld [tilespmem:$0x2030];
	v0 =	vadd.f32 v48, v0;
	v2 =	vadd.f32 v50, v2  }
0x87: {  	v1 =	vadd.f32 v49, v1;
	v3 =	vadd.f32 v51, v3  }
0x88: {  	v0 =	vadd.f32 v52, v0;
	v2 =	vadd.f32 v54, v2  }
0x89: {  	v1 =	vadd.f32 v53, v1;
	v3 =	vadd.f32 v55, v3  }
0x8a: {  	v0 =	vadd.f32 v56, v0;
	v2 =	vadd.f32 v58, v2  }
0x8b: {  	v1 =	vadd.f32 v57, v1;
	v3 =	vadd.f32 v59, v3  }
0x8c: {  	v0 =	vadd.f32 v2, v0  }
0x8d: {  	v1 =	vadd.f32 v3, v1  }
0x8e: {  	v0 =	vmul.f32 $2.441406250e-04, v0  }
0x8f: {  	v1 =	vmul.f32 $2.441406250e-04, v1  }
0x90: {  	[tilespmem:s22+$0xFFFFFF80] =	vst v0  }
0x91: {  	[tilespmem:s22+$0xFFFFFF90] =	vst v1  }
0x92: {  	v0 =	vld [tilespmem:$0x2080]  }
0x93: {  	v1 =	vld [tilespmem:$0x2090]  }
0x94: {  	v2 =	vld [tilespmem:$0x20A0]  }
0x95: {  	v3 =	vld [tilespmem:$0x20B0]  }
0x96: {  	v4 =	vld [tilespmem:$0x20C0]  }
0x97: {  	v5 =	vld [tilespmem:$0x20D0]  }
0x98: {  	v6 =	vld [tilespmem:$0x20E0]  }
0x99: {  	v7 =	vld [tilespmem:$0x20F0]  }
0x9a: {  	v8 =	vld [tilespmem:$0x2100]  }
0x9b: {  	v9 =	vld [tilespmem:$0x2110]  }
0x9c: {  	v10 =	vld [tilespmem:$0x2120]  }
0x9d: {  	v11 =	vld [tilespmem:$0x2130]  }
0x9e: {  	v12 =	vld [tilespmem:$0x2140]  }
0x9f: {  	v13 =	vld [tilespmem:$0x2150]  }
0xa0: {  	v14 =	vld [tilespmem:$0x2160]  }
0xa1: {  	v15 =	vld [tilespmem:$0x2170]  }
0xa2: {  	v16 =	vld [tilespmem:$0x2180]  }
0xa3: {  	v17 =	vld [tilespmem:$0x2190]  }
0xa4: {  	v18 =	vld [tilespmem:$0x21A0]  }
0xa5: {  	v19 =	vld [tilespmem:$0x21B0]  }
0xa6: {  	v20 =	vld [tilespmem:$0x21C0]  }
0xa7: {  	v21 =	vld [tilespmem:$0x21D0]  }
0xa8: {  	v22 =	vld [tilespmem:$0x21E0]  }
0xa9: {  	v23 =	vld [tilespmem:$0x21F0]  }
0xaa: {  	v24 =	vld [tilespmem:$0x2200]  }
0xab: {  	v25 =	vld [tilespmem:$0x2210]  }
0xac: {  	v26 =	vld [tilespmem:$0x2220]  }
0xad: {  	v60 =	vld [tilespmem:$0x2230]  }
0xae: {  	v28 =	vld [tilespmem:$0x2240]  }
0xaf: {  	v29 =	vld [tilespmem:$0x2250]  }
0xb0: {  	v61 =	vld [tilespmem:$0x2260]  }
0xb1: {  	v62 =	vld [tilespmem:$0x2270]  }
0xb2: {  	v32 =	vld [tilespmem:$0x2280]  }
0xb3: {  	v33 =	vld [tilespmem:$0x2290]  }
0xb4: {  	v63 =	vld [tilespmem:$0x22A0]  }
0xb5: {  	v35 =	vld [tilespmem:$0x22B0]  }
0xb6: {  	v36 =	vld [tilespmem:$0x22C0]  }
0xb7: {  	v37 =	vld [tilespmem:$0x22D0]  }
0xb8: {  	v38 =	vld [tilespmem:$0x22E0]  }
0xb9: {  	v39 =	vld [tilespmem:$0x22F0]  }
0xba: {  	v40 =	vld [tilespmem:$0x2300]  }
0xbb: {  	v41 =	vld [tilespmem:$0x2310]  }
0xbc: {  	v42 =	vld [tilespmem:$0x2320]  }
0xbd: {  	v43 =	vld [tilespmem:$0x2330]  }
0xbe: {  	v44 =	vld [tilespmem:$0x2340]  }
0xbf: {  	v45 =	vld [tilespmem:$0x2350]  }
0xc0: {  	v46 =	vld [tilespmem:$0x2360]  }
0xc1: {  	v47 =	vld [tilespmem:$0x2370]  }
0xc2: {  	v48 =	vld [tilespmem:$0x2380]  }
0xc3: {  	v49 =	vld [tilespmem:$0x2390]  }
0xc4: {  	v50 =	vld [tilespmem:$0x23A0]  }
0xc5: {  	v51 =	vld [tilespmem:$0x23B0]  }
0xc6: {  	v52 =	vld [tilespmem:$0x23C0]  }
0xc7: {  	v53 =	vld [tilespmem:$0x23D0]  }
0xc8: {  	v54 =	vld [tilespmem:$0x23E0]  }
0xc9: {  	v55 =	vld [tilespmem:$0x23F0]  }
0xca: {  	v56 =	vld [tilespmem:$0x2400]  }
0xcb: {  	v57 =	vld [tilespmem:$0x2490];
	v0 =	vadd.f32 v4, v0;
	v2 =	vadd.f32 v6, v2  }
0xcc: {  	v58 =	vld [tilespmem:$0x24A0];
	v1 =	vadd.f32 v5, v1;
	v3 =	vadd.f32 v7, v3  }
0xcd: {  	v59 =	vld [tilespmem:$0x24B0];
	v0 =	vadd.f32 v8, v0;
	v2 =	vadd.f32 v10, v2  }
0xce: {  	v34 =	vld [tilespmem:$0x2520];
	v1 =	vadd.f32 v9, v1;
	v3 =	vadd.f32 v11, v3  }
0xcf: {  	v4 =	vld [tilespmem:$0x2410];
	v0 =	vadd.f32 v12, v0;
	v2 =	vadd.f32 v14, v2  }
0xd0: {  	v5 =	vld [tilespmem:$0x2420];
	v1 =	vadd.f32 v13, v1;
	v3 =	vadd.f32 v15, v3  }
0xd1: {  	v6 =	vld [tilespmem:$0x2430];
	v0 =	vadd.f32 v16, v0;
	v2 =	vadd.f32 v18, v2  }
0xd2: {  	v7 =	vld [tilespmem:$0x2440];
	v1 =	vadd.f32 v17, v1;
	v3 =	vadd.f32 v19, v3  }
0xd3: {  	v8 =	vld [tilespmem:$0x2450];
	v0 =	vadd.f32 v20, v0;
	v2 =	vadd.f32 v22, v2  }
0xd4: {  	v9 =	vld [tilespmem:$0x2460];
	v1 =	vadd.f32 v21, v1;
	v3 =	vadd.f32 v23, v3  }
0xd5: {  	v10 =	vld [tilespmem:$0x2470];
	v0 =	vadd.f32 v24, v0;
	v2 =	vadd.f32 v26, v2  }
0xd6: {  	v11 =	vld [tilespmem:$0x2480];
	v1 =	vadd.f32 v25, v1;
	v3 =	vadd.f32 v60, v3  }
0xd7: {  	v60 =	vld [tilespmem:$0x24C0];
	v0 =	vadd.f32 v28, v0;
	v2 =	vadd.f32 v61, v2  }
0xd8: {  	v61 =	vld [tilespmem:$0x24D0];
	v1 =	vadd.f32 v29, v1;
	v3 =	vadd.f32 v62, v3  }
0xd9: {  	v62 =	vld [tilespmem:$0x24E0];
	v0 =	vadd.f32 v32, v0;
	v2 =	vadd.f32 v63, v2  }
0xda: {  	v63 =	vld [tilespmem:$0x24F0];
	v1 =	vadd.f32 v33, v1;
	v3 =	vadd.f32 v35, v3  }
0xdb: {  	v32 =	vld [tilespmem:$0x2500];
	v0 =	vadd.f32 v36, v0;
	v2 =	vadd.f32 v38, v2  }
0xdc: {  	v33 =	vld [tilespmem:$0x2510];
	v1 =	vadd.f32 v37, v1;
	v3 =	vadd.f32 v39, v3  }
0xdd: {  	v35 =	vld [tilespmem:$0x2530];
	v0 =	vadd.f32 v40, v0;
	v2 =	vadd.f32 v42, v2  }
0xde: {  	v36 =	vld [tilespmem:$0x2540];
	v1 =	vadd.f32 v41, v1;
	v3 =	vadd.f32 v43, v3  }
0xdf: {  	v37 =	vld [tilespmem:$0x2550];
	v0 =	vadd.f32 v44, v0;
	v2 =	vadd.f32 v46, v2  }
0xe0: {  	v38 =	vld [tilespmem:$0x2560];
	v1 =	vadd.f32 v45, v1;
	v3 =	vadd.f32 v47, v3  }
0xe1: {  	v39 =	vld [tilespmem:$0x2570];
	v0 =	vadd.f32 v48, v0;
	v2 =	vadd.f32 v50, v2  }
0xe2: {  	v40 =	vld [tilespmem:$0x2580];
	v1 =	vadd.f32 v49, v1;
	v3 =	vadd.f32 v51, v3  }
0xe3: {  	v41 =	vld [tilespmem:$0x2590];
	v0 =	vadd.f32 v52, v0;
	v2 =	vadd.f32 v54, v2  }
0xe4: {  	v42 =	vld [tilespmem:$0x25A0];
	v1 =	vadd.f32 v53, v1;
	v3 =	vadd.f32 v55, v3  }
0xe5: {  	v43 =	vld [tilespmem:$0x25B0];
	v0 =	vadd.f32 v56, v0;
	v2 =	vadd.f32 v5, v2  }
0xe6: {  	v44 =	vld [tilespmem:$0x25C0];
	v1 =	vadd.f32 v4, v1;
	v3 =	vadd.f32 v6, v3  }
0xe7: {  	v45 =	vld [tilespmem:$0x25D0];
	v0 =	vadd.f32 v7, v0;
	v2 =	vadd.f32 v9, v2  }
0xe8: {  	v46 =	vld [tilespmem:$0x25E0];
	v1 =	vadd.f32 v8, v1;
	v3 =	vadd.f32 v10, v3  }
0xe9: {  	v47 =	vld [tilespmem:$0x25F0];
	v0 =	vadd.f32 v11, v0;
	v2 =	vadd.f32 v58, v2  }
0xea: {  	v48 =	vld [tilespmem:$0x2600];
	v1 =	vadd.f32 v57, v1;
	v3 =	vadd.f32 v59, v3  }
0xeb: {  	v49 =	vld [tilespmem:$0x2610];
	v0 =	vadd.f32 v60, v0;
	v2 =	vadd.f32 v62, v2  }
0xec: {  	v50 =	vld [tilespmem:$0x2620];
	v1 =	vadd.f32 v61, v1;
	v3 =	vadd.f32 v63, v3  }
0xed: {  	v51 =	vld [tilespmem:$0x2630];
	v0 =	vadd.f32 v32, v0;
	v2 =	vadd.f32 v34, v2  }
0xee: {  	v52 =	vld [tilespmem:$0x2640];
	v1 =	vadd.f32 v33, v1;
	v3 =	vadd.f32 v35, v3  }
0xef: {  	v53 =	vld [tilespmem:$0x2650];
	v0 =	vadd.f32 v36, v0;
	v2 =	vadd.f32 v38, v2  }
0xf0: {  	v54 =	vld [tilespmem:$0x2660];
	v1 =	vadd.f32 v37, v1;
	v3 =	vadd.f32 v39, v3  }
0xf1: {  	v55 =	vld [tilespmem:$0x2670];
	v0 =	vadd.f32 v40, v0;
	v2 =	vadd.f32 v42, v2  }
0xf2: {  	v56 =	vld [tilespmem:$0x2680];
	v1 =	vadd.f32 v41, v1;
	v3 =	vadd.f32 v43, v3  }
0xf3: {  	v57 =	vld [tilespmem:$0x2690];
	v0 =	vadd.f32 v44, v0;
	v2 =	vadd.f32 v46, v2  }
0xf4: {  	v58 =	vld [tilespmem:$0x26A0];
	v1 =	vadd.f32 v45, v1;
	v3 =	vadd.f32 v47, v3  }
0xf5: {  	v59 =	vld [tilespmem:$0x26B0];
	v0 =	vadd.f32 v48, v0;
	v2 =	vadd.f32 v50, v2  }
0xf6: {  	v1 =	vadd.f32 v49, v1;
	v3 =	vadd.f32 v51, v3  }
0xf7: {  	v0 =	vadd.f32 v52, v0;
	v2 =	vadd.f32 v54, v2  }
0xf8: {  	v1 =	vadd.f32 v53, v1;
	v3 =	vadd.f32 v55, v3  }
0xf9: {  	v0 =	vadd.f32 v56, v0;
	v2 =	vadd.f32 v58, v2  }
0xfa: {  	v1 =	vadd.f32 v57, v1;
	v3 =	vadd.f32 v59, v3  }
0xfb: {  	v0 =	vadd.f32 v2, v0  }
0xfc: {  	v1 =	vadd.f32 v3, v1  }
0xfd: {  	v0 =	vmul.f32 $2.441406250e-04, v0  }
0xfe: {  	p0 =	seq.s32 s21, $0x0;
	v1 =	vmul.f32 $2.441406250e-04, v1  }
0xff: {  	s23 =	sshra.s32 @!p0 s21, $0x2;
	[tilespmem:s22+$0xFFFFFFA0] =	vst v0  }
0x100: {  	s24 =	simm.s32 @!p0 $0x68;
	s26 =	simm.s32 @!p0 $0x1A00;
	s25 =	sadd.s32 @!p0 $0x1A00, s23;
	[tilespmem:s22+$0xFFFFFFB0] =	vst v1  }
0x101: {  	[tilespmem:s26], [sflag:$0x1] =	stream.indirect.gather @!p0 [hbm4b:s3+s24], $0x20, s25, s24, $0xb8;
	[tilespmem:$0x5E00] =	vst v63  }
0x102: {  	_ =	swait.ge [sflag:s16], $0xD00  }
0x103: {  	[sflag:s16] =	ssyncset.done $0x0  }
0x104: {  	[sflag:s16] =	ssyncadd.s32 $0xFFFFF300  }
0x105: {  	v0 =	vld [tilespmem:$0x2700]  }
0x106: {  	v1 =	vld [tilespmem:$0x2710]  }
0x107: {  	v2 =	vld [tilespmem:$0x2720]  }
0x108: {  	v3 =	vld [tilespmem:$0x2730]  }
0x109: {  	v4 =	vld [tilespmem:$0x2740]  }
0x10a: {  	v5 =	vld [tilespmem:$0x2750]  }
0x10b: {  	v6 =	vld [tilespmem:$0x2760]  }
0x10c: {  	v7 =	vld [tilespmem:$0x2770]  }
0x10d: {  	v8 =	vld [tilespmem:$0x2780]  }
0x10e: {  	v9 =	vld [tilespmem:$0x2790]  }
0x10f: {  	v10 =	vld [tilespmem:$0x27A0]  }
0x110: {  	v11 =	vld [tilespmem:$0x27B0]  }
0x111: {  	v12 =	vld [tilespmem:$0x27C0]  }
0x112: {  	v13 =	vld [tilespmem:$0x27D0]  }
0x113: {  	v14 =	vld [tilespmem:$0x27E0]  }
0x114: {  	v15 =	vld [tilespmem:$0x27F0]  }
0x115: {  	v16 =	vld [tilespmem:$0x2800]  }
0x116: {  	v17 =	vld [tilespmem:$0x2810]  }
0x117: {  	v18 =	vld [tilespmem:$0x2820]  }
0x118: {  	v19 =	vld [tilespmem:$0x2830]  }
0x119: {  	v20 =	vld [tilespmem:$0x2840]  }
0x11a: {  	v21 =	vld [tilespmem:$0x2850]  }
0x11b: {  	v22 =	vld [tilespmem:$0x2860]  }
0x11c: {  	v23 =	vld [tilespmem:$0x2870]  }
0x11d: {  	v24 =	vld [tilespmem:$0x2880]  }
0x11e: {  	v25 =	vld [tilespmem:$0x2890]  }
0x11f: {  	v26 =	vld [tilespmem:$0x28A0]  }
0x120: {  	v60 =	vld [tilespmem:$0x28B0]  }
0x121: {  	v28 =	vld [tilespmem:$0x28C0]  }
0x122: {  	v29 =	vld [tilespmem:$0x28D0]  }
0x123: {  	v61 =	vld [tilespmem:$0x28E0]  }
0x124: {  	v62 =	vld [tilespmem:$0x28F0]  }
0x125: {  	v32 =	vld [tilespmem:$0x2900]  }
0x126: {  	v33 =	vld [tilespmem:$0x2910]  }
0x127: {  	v63 =	vld [tilespmem:$0x2920]  }
0x128: {  	v35 =	vld [tilespmem:$0x2930]  }
0x129: {  	v36 =	vld [tilespmem:$0x2940]  }
0x12a: {  	v37 =	vld [tilespmem:$0x2950]  }
0x12b: {  	v38 =	vld [tilespmem:$0x2960]  }
0x12c: {  	v39 =	vld [tilespmem:$0x2970]  }
0x12d: {  	v40 =	vld [tilespmem:$0x2980]  }
0x12e: {  	v41 =	vld [tilespmem:$0x2990]  }
0x12f: {  	v42 =	vld [tilespmem:$0x29A0]  }
0x130: {  	v43 =	vld [tilespmem:$0x29B0]  }
0x131: {  	v44 =	vld [tilespmem:$0x29C0]  }
0x132: {  	v45 =	vld [tilespmem:$0x29D0]  }
0x133: {  	v46 =	vld [tilespmem:$0x29E0]  }
0x134: {  	v47 =	vld [tilespmem:$0x29F0]  }
0x135: {  	v48 =	vld [tilespmem:$0x2A00]  }
0x136: {  	v49 =	vld [tilespmem:$0x2A10]  }
0x137: {  	v50 =	vld [tilespmem:$0x2A20]  }
0x138: {  	v51 =	vld [tilespmem:$0x2A30]  }
0x139: {  	v52 =	vld [tilespmem:$0x2A40]  }
0x13a: {  	v53 =	vld [tilespmem:$0x2A50]  }
0x13b: {  	v54 =	vld [tilespmem:$0x2A60]  }
0x13c: {  	v55 =	vld [tilespmem:$0x2A70]  }
0x13d: {  	v56 =	vld [tilespmem:$0x2A80]  }
0x13e: {  	v57 =	vld [tilespmem:$0x2B10];
	v0 =	vadd.f32 v4, v0;
	v2 =	vadd.f32 v6, v2  }
0x13f: {  	v58 =	vld [tilespmem:$0x2B20];
	v1 =	vadd.f32 v5, v1;
	v3 =	vadd.f32 v7, v3  }
0x140: {  	v59 =	vld [tilespmem:$0x2B30];
	v0 =	vadd.f32 v8, v0;
	v2 =	vadd.f32 v10, v2  }
0x141: {  	v34 =	vld [tilespmem:$0x2BA0];
	v1 =	vadd.f32 v9, v1;
	v3 =	vadd.f32 v11, v3  }
0x142: {  	v4 =	vld [tilespmem:$0x2A90];
	v0 =	vadd.f32 v12, v0;
	v2 =	vadd.f32 v14, v2  }
0x143: {  	v5 =	vld [tilespmem:$0x2AA0];
	v1 =	vadd.f32 v13, v1;
	v3 =	vadd.f32 v15, v3  }
0x144: {  	v6 =	vld [tilespmem:$0x2AB0];
	v0 =	vadd.f32 v16, v0;
	v2 =	vadd.f32 v18, v2  }
0x145: {  	v7 =	vld [tilespmem:$0x2AC0];
	v1 =	vadd.f32 v17, v1;
	v3 =	vadd.f32 v19, v3  }
0x146: {  	v8 =	vld [tilespmem:$0x2AD0];
	v0 =	vadd.f32 v20, v0;
	v2 =	vadd.f32 v22, v2  }
0x147: {  	v9 =	vld [tilespmem:$0x2AE0];
	v1 =	vadd.f32 v21, v1;
	v3 =	vadd.f32 v23, v3  }
0x148: {  	v10 =	vld [tilespmem:$0x2AF0];
	v0 =	vadd.f32 v24, v0;
	v2 =	vadd.f32 v26, v2  }
0x149: {  	v11 =	vld [tilespmem:$0x2B00];
	v1 =	vadd.f32 v25, v1;
	v3 =	vadd.f32 v60, v3  }
0x14a: {  	v60 =	vld [tilespmem:$0x2B40];
	v0 =	vadd.f32 v28, v0;
	v2 =	vadd.f32 v61, v2  }
0x14b: {  	v61 =	vld [tilespmem:$0x2B50];
	v1 =	vadd.f32 v29, v1;
	v3 =	vadd.f32 v62, v3  }
0x14c: {  	v62 =	vld [tilespmem:$0x2B60];
	v0 =	vadd.f32 v32, v0;
	v2 =	vadd.f32 v63, v2  }
0x14d: {  	v63 =	vld [tilespmem:$0x2B70];
	v1 =	vadd.f32 v33, v1;
	v3 =	vadd.f32 v35, v3  }
0x14e: {  	v32 =	vld [tilespmem:$0x2B80];
	v0 =	vadd.f32 v36, v0;
	v2 =	vadd.f32 v38, v2  }
0x14f: {  	v33 =	vld [tilespmem:$0x2B90];
	v1 =	vadd.f32 v37, v1;
	v3 =	vadd.f32 v39, v3  }
0x150: {  	v35 =	vld [tilespmem:$0x2BB0];
	v0 =	vadd.f32 v40, v0;
	v2 =	vadd.f32 v42, v2  }
0x151: {  	v36 =	vld [tilespmem:$0x2BC0];
	v1 =	vadd.f32 v41, v1;
	v3 =	vadd.f32 v43, v3  }
0x152: {  	v37 =	vld [tilespmem:$0x2BD0];
	v0 =	vadd.f32 v44, v0;
	v2 =	vadd.f32 v46, v2  }
0x153: {  	v38 =	vld [tilespmem:$0x2BE0];
	v1 =	vadd.f32 v45, v1;
	v3 =	vadd.f32 v47, v3  }
0x154: {  	v39 =	vld [tilespmem:$0x2BF0];
	v0 =	vadd.f32 v48, v0;
	v2 =	vadd.f32 v50, v2  }
0x155: {  	v40 =	vld [tilespmem:$0x2C00];
	v1 =	vadd.f32 v49, v1;
	v3 =	vadd.f32 v51, v3  }
0x156: {  	v41 =	vld [tilespmem:$0x2C10];
	v0 =	vadd.f32 v52, v0;
	v2 =	vadd.f32 v54, v2  }
0x157: {  	v42 =	vld [tilespmem:$0x2C20];
	v1 =	vadd.f32 v53, v1;
	v3 =	vadd.f32 v55, v3  }
0x158: {  	v43 =	vld [tilespmem:$0x2C30];
	v0 =	vadd.f32 v56, v0;
	v2 =	vadd.f32 v5, v2  }
0x159: {  	v44 =	vld [tilespmem:$0x2C40];
	v1 =	vadd.f32 v4, v1;
	v3 =	vadd.f32 v6, v3  }
0x15a: {  	v45 =	vld [tilespmem:$0x2C50];
	v0 =	vadd.f32 v7, v0;
	v2 =	vadd.f32 v9, v2  }
0x15b: {  	v46 =	vld [tilespmem:$0x2C60];
	v1 =	vadd.f32 v8, v1;
	v3 =	vadd.f32 v10, v3  }
0x15c: {  	v47 =	vld [tilespmem:$0x2C70];
	v0 =	vadd.f32 v11, v0;
	v2 =	vadd.f32 v58, v2  }
0x15d: {  	v48 =	vld [tilespmem:$0x2C80];
	v1 =	vadd.f32 v57, v1;
	v3 =	vadd.f32 v59, v3  }
0x15e: {  	v49 =	vld [tilespmem:$0x2C90];
	v0 =	vadd.f32 v60, v0;
	v2 =	vadd.f32 v62, v2  }
0x15f: {  	v50 =	vld [tilespmem:$0x2CA0];
	v1 =	vadd.f32 v61, v1;
	v3 =	vadd.f32 v63, v3  }
0x160: {  	v51 =	vld [tilespmem:$0x2CB0];
	v0 =	vadd.f32 v32, v0;
	v2 =	vadd.f32 v34, v2  }
0x161: {  	v52 =	vld [tilespmem:$0x2CC0];
	v1 =	vadd.f32 v33, v1;
	v3 =	vadd.f32 v35, v3  }
0x162: {  	v53 =	vld [tilespmem:$0x2CD0];
	v0 =	vadd.f32 v36, v0;
	v2 =	vadd.f32 v38, v2  }
0x163: {  	v54 =	vld [tilespmem:$0x2CE0];
	v1 =	vadd.f32 v37, v1;
	v3 =	vadd.f32 v39, v3  }
0x164: {  	v55 =	vld [tilespmem:$0x2CF0];
	v0 =	vadd.f32 v40, v0;
	v2 =	vadd.f32 v42, v2  }
0x165: {  	v56 =	vld [tilespmem:$0x2D00];
	v1 =	vadd.f32 v41, v1;
	v3 =	vadd.f32 v43, v3  }
0x166: {  	v57 =	vld [tilespmem:$0x2D10];
	v0 =	vadd.f32 v44, v0;
	v2 =	vadd.f32 v46, v2  }
0x167: {  	v58 =	vld [tilespmem:$0x2D20];
	v1 =	vadd.f32 v45, v1;
	v3 =	vadd.f32 v47, v3  }
0x168: {  	v59 =	vld [tilespmem:$0x2D30];
	v0 =	vadd.f32 v48, v0;
	v2 =	vadd.f32 v50, v2  }
0x169: {  	v1 =	vadd.f32 v49, v1;
	v3 =	vadd.f32 v51, v3  }
0x16a: {  	v0 =	vadd.f32 v52, v0;
	v2 =	vadd.f32 v54, v2  }
0x16b: {  	v1 =	vadd.f32 v53, v1;
	v3 =	vadd.f32 v55, v3  }
0x16c: {  	v0 =	vadd.f32 v56, v0;
	v2 =	vadd.f32 v58, v2  }
0x16d: {  	v1 =	vadd.f32 v57, v1;
	v3 =	vadd.f32 v59, v3  }
0x16e: {  	v0 =	vadd.f32 v2, v0  }
0x16f: {  	v1 =	vadd.f32 v3, v1  }
0x170: {  	v0 =	vmul.f32 $2.441406250e-04, v0  }
0x171: {  	v1 =	vmul.f32 $2.441406250e-04, v1  }
0x172: {  	[tilespmem:s22+$0xFFFFFFC0] =	vst v0  }
0x173: {  	[tilespmem:s22+$0xFFFFFFD0] =	vst v1  }
0x174: {  	v0 =	vld [tilespmem:$0x2D80]  }
0x175: {  	v1 =	vld [tilespmem:$0x2D90]  }
0x176: {  	v2 =	vld [tilespmem:$0x2DA0]  }
0x177: {  	v3 =	vld [tilespmem:$0x2DB0]  }
0x178: {  	v4 =	vld [tilespmem:$0x2DC0]  }
0x179: {  	v5 =	vld [tilespmem:$0x2DD0]  }
0x17a: {  	v6 =	vld [tilespmem:$0x2DE0]  }
0x17b: {  	v7 =	vld [tilespmem:$0x2DF0]  }
0x17c: {  	v8 =	vld [tilespmem:$0x2E00]  }
0x17d: {  	v9 =	vld [tilespmem:$0x2E10]  }
0x17e: {  	v10 =	vld [tilespmem:$0x2E20]  }
0x17f: {  	v11 =	vld [tilespmem:$0x2E30]  }
0x180: {  	v12 =	vld [tilespmem:$0x2E40]  }
0x181: {  	v13 =	vld [tilespmem:$0x2E50]  }
0x182: {  	v14 =	vld [tilespmem:$0x2E60]  }
0x183: {  	v15 =	vld [tilespmem:$0x2E70]  }
0x184: {  	v16 =	vld [tilespmem:$0x2E80]  }
0x185: {  	v17 =	vld [tilespmem:$0x2E90]  }
0x186: {  	v18 =	vld [tilespmem:$0x2EA0]  }
0x187: {  	v19 =	vld [tilespmem:$0x2EB0]  }
0x188: {  	v20 =	vld [tilespmem:$0x2EC0]  }
0x189: {  	v21 =	vld [tilespmem:$0x2ED0]  }
0x18a: {  	v22 =	vld [tilespmem:$0x2EE0]  }
0x18b: {  	v23 =	vld [tilespmem:$0x2EF0]  }
0x18c: {  	v24 =	vld [tilespmem:$0x2F00]  }
0x18d: {  	v25 =	vld [tilespmem:$0x2F10]  }
0x18e: {  	v26 =	vld [tilespmem:$0x2F20]  }
0x18f: {  	v60 =	vld [tilespmem:$0x2F30]  }
0x190: {  	v28 =	vld [tilespmem:$0x2F40]  }
0x191: {  	v29 =	vld [tilespmem:$0x2F50]  }
0x192: {  	v61 =	vld [tilespmem:$0x2F60]  }
0x193: {  	v62 =	vld [tilespmem:$0x2F70]  }
0x194: {  	v32 =	vld [tilespmem:$0x2F80]  }
0x195: {  	v33 =	vld [tilespmem:$0x2F90]  }
0x196: {  	v63 =	vld [tilespmem:$0x2FA0]  }
0x197: {  	v35 =	vld [tilespmem:$0x2FB0]  }
0x198: {  	v36 =	vld [tilespmem:$0x2FC0]  }
0x199: {  	v37 =	vld [tilespmem:$0x2FD0]  }
0x19a: {  	v38 =	vld [tilespmem:$0x2FE0]  }
0x19b: {  	v39 =	vld [tilespmem:$0x2FF0]  }
0x19c: {  	v40 =	vld [tilespmem:$0x3000]  }
0x19d: {  	v41 =	vld [tilespmem:$0x3010]  }
0x19e: {  	v42 =	vld [tilespmem:$0x3020]  }
0x19f: {  	v43 =	vld [tilespmem:$0x3030]  }
0x1a0: {  	v44 =	vld [tilespmem:$0x3040]  }
0x1a1: {  	v45 =	vld [tilespmem:$0x3050]  }
0x1a2: {  	v46 =	vld [tilespmem:$0x3060]  }
0x1a3: {  	v47 =	vld [tilespmem:$0x3070]  }
0x1a4: {  	v48 =	vld [tilespmem:$0x3080]  }
0x1a5: {  	v49 =	vld [tilespmem:$0x3090]  }
0x1a6: {  	v50 =	vld [tilespmem:$0x30A0]  }
0x1a7: {  	v51 =	vld [tilespmem:$0x30B0]  }
0x1a8: {  	v52 =	vld [tilespmem:$0x30C0]  }
0x1a9: {  	v53 =	vld [tilespmem:$0x30D0]  }
0x1aa: {  	v54 =	vld [tilespmem:$0x30E0]  }
0x1ab: {  	v55 =	vld [tilespmem:$0x30F0]  }
0x1ac: {  	v56 =	vld [tilespmem:$0x3100]  }
0x1ad: {  	v57 =	vld [tilespmem:$0x3190];
	v0 =	vadd.f32 v4, v0;
	v2 =	vadd.f32 v6, v2  }
0x1ae: {  	v58 =	vld [tilespmem:$0x31A0];
	v1 =	vadd.f32 v5, v1;
	v3 =	vadd.f32 v7, v3  }
0x1af: {  	v59 =	vld [tilespmem:$0x31B0];
	v0 =	vadd.f32 v8, v0;
	v2 =	vadd.f32 v10, v2  }
0x1b0: {  	v34 =	vld [tilespmem:$0x3220];
	v1 =	vadd.f32 v9, v1;
	v3 =	vadd.f32 v11, v3  }
0x1b1: {  	v4 =	vld [tilespmem:$0x3110];
	v0 =	vadd.f32 v12, v0;
	v2 =	vadd.f32 v14, v2  }
0x1b2: {  	v5 =	vld [tilespmem:$0x3120];
	v1 =	vadd.f32 v13, v1;
	v3 =	vadd.f32 v15, v3  }
0x1b3: {  	v6 =	vld [tilespmem:$0x3130];
	v0 =	vadd.f32 v16, v0;
	v2 =	vadd.f32 v18, v2  }
0x1b4: {  	v7 =	vld [tilespmem:$0x3140];
	v1 =	vadd.f32 v17, v1;
	v3 =	vadd.f32 v19, v3  }
0x1b5: {  	v8 =	vld [tilespmem:$0x3150];
	v0 =	vadd.f32 v20, v0;
	v2 =	vadd.f32 v22, v2  }
0x1b6: {  	v9 =	vld [tilespmem:$0x3160];
	v1 =	vadd.f32 v21, v1;
	v3 =	vadd.f32 v23, v3  }
0x1b7: {  	v10 =	vld [tilespmem:$0x3170];
	v0 =	vadd.f32 v24, v0;
	v2 =	vadd.f32 v26, v2  }
0x1b8: {  	v11 =	vld [tilespmem:$0x3180];
	v1 =	vadd.f32 v25, v1;
	v3 =	vadd.f32 v60, v3  }
0x1b9: {  	v60 =	vld [tilespmem:$0x31C0];
	v0 =	vadd.f32 v28, v0;
	v2 =	vadd.f32 v61, v2  }
0x1ba: {  	v61 =	vld [tilespmem:$0x31D0];
	v1 =	vadd.f32 v29, v1;
	v3 =	vadd.f32 v62, v3  }
0x1bb: {  	v62 =	vld [tilespmem:$0x31E0];
	v0 =	vadd.f32 v32, v0;
	v2 =	vadd.f32 v63, v2  }
0x1bc: {  	v63 =	vld [tilespmem:$0x31F0];
	v1 =	vadd.f32 v33, v1;
	v3 =	vadd.f32 v35, v3  }
0x1bd: {  	v32 =	vld [tilespmem:$0x3200];
	v0 =	vadd.f32 v36, v0;
	v2 =	vadd.f32 v38, v2  }
0x1be: {  	v33 =	vld [tilespmem:$0x3210];
	v1 =	vadd.f32 v37, v1;
	v3 =	vadd.f32 v39, v3  }
0x1bf: {  	v35 =	vld [tilespmem:$0x3230];
	v0 =	vadd.f32 v40, v0;
	v2 =	vadd.f32 v42, v2  }
0x1c0: {  	v36 =	vld [tilespmem:$0x3240];
	v1 =	vadd.f32 v41, v1;
	v3 =	vadd.f32 v43, v3  }
0x1c1: {  	v37 =	vld [tilespmem:$0x3250];
	v0 =	vadd.f32 v44, v0;
	v2 =	vadd.f32 v46, v2  }
0x1c2: {  	v38 =	vld [tilespmem:$0x3260];
	v1 =	vadd.f32 v45, v1;
	v3 =	vadd.f32 v47, v3  }
0x1c3: {  	v39 =	vld [tilespmem:$0x3270];
	v0 =	vadd.f32 v48, v0;
	v2 =	vadd.f32 v50, v2  }
0x1c4: {  	v40 =	vld [tilespmem:$0x3280];
	v1 =	vadd.f32 v49, v1;
	v3 =	vadd.f32 v51, v3  }
0x1c5: {  	v41 =	vld [tilespmem:$0x3290];
	v0 =	vadd.f32 v52, v0;
	v2 =	vadd.f32 v54, v2  }
0x1c6: {  	v42 =	vld [tilespmem:$0x32A0];
	v1 =	vadd.f32 v53, v1;
	v3 =	vadd.f32 v55, v3  }
0x1c7: {  	v43 =	vld [tilespmem:$0x32B0];
	v0 =	vadd.f32 v56, v0;
	v2 =	vadd.f32 v5, v2  }
0x1c8: {  	v44 =	vld [tilespmem:$0x32C0];
	v1 =	vadd.f32 v4, v1;
	v3 =	vadd.f32 v6, v3  }
0x1c9: {  	v45 =	vld [tilespmem:$0x32D0];
	v0 =	vadd.f32 v7, v0;
	v2 =	vadd.f32 v9, v2  }
0x1ca: {  	v46 =	vld [tilespmem:$0x32E0];
	v1 =	vadd.f32 v8, v1;
	v3 =	vadd.f32 v10, v3  }
0x1cb: {  	v47 =	vld [tilespmem:$0x32F0];
	v0 =	vadd.f32 v11, v0;
	v2 =	vadd.f32 v58, v2  }
0x1cc: {  	v48 =	vld [tilespmem:$0x3300];
	v1 =	vadd.f32 v57, v1;
	v3 =	vadd.f32 v59, v3  }
0x1cd: {  	v49 =	vld [tilespmem:$0x3310];
	v0 =	vadd.f32 v60, v0;
	v2 =	vadd.f32 v62, v2  }
0x1ce: {  	v50 =	vld [tilespmem:$0x3320];
	v1 =	vadd.f32 v61, v1;
	v3 =	vadd.f32 v63, v3  }
0x1cf: {  	v51 =	vld [tilespmem:$0x3330];
	v0 =	vadd.f32 v32, v0;
	v2 =	vadd.f32 v34, v2  }
0x1d0: {  	v52 =	vld [tilespmem:$0x3340];
	v1 =	vadd.f32 v33, v1;
	v3 =	vadd.f32 v35, v3  }
0x1d1: {  	v53 =	vld [tilespmem:$0x3350];
	v0 =	vadd.f32 v36, v0;
	v2 =	vadd.f32 v38, v2  }
0x1d2: {  	v54 =	vld [tilespmem:$0x3360];
	v1 =	vadd.f32 v37, v1;
	v3 =	vadd.f32 v39, v3  }
0x1d3: {  	v55 =	vld [tilespmem:$0x3370];
	v0 =	vadd.f32 v40, v0;
	v2 =	vadd.f32 v42, v2  }
0x1d4: {  	v56 =	vld [tilespmem:$0x3380];
	v1 =	vadd.f32 v41, v1;
	v3 =	vadd.f32 v43, v3  }
0x1d5: {  	v57 =	vld [tilespmem:$0x3390];
	v0 =	vadd.f32 v44, v0;
	v2 =	vadd.f32 v46, v2  }
0x1d6: {  	v58 =	vld [tilespmem:$0x33A0];
	v1 =	vadd.f32 v45, v1;
	v3 =	vadd.f32 v47, v3  }
0x1d7: {  	v59 =	vld [tilespmem:$0x33B0];
	v0 =	vadd.f32 v48, v0;
	v2 =	vadd.f32 v50, v2  }
0x1d8: {  	v1 =	vadd.f32 v49, v1;
	v3 =	vadd.f32 v51, v3  }
0x1d9: {  	v0 =	vadd.f32 v52, v0;
	v2 =	vadd.f32 v54, v2  }
0x1da: {  	v1 =	vadd.f32 v53, v1;
	v3 =	vadd.f32 v55, v3  }
0x1db: {  	v0 =	vadd.f32 v56, v0;
	v2 =	vadd.f32 v58, v2  }
0x1dc: {  	v1 =	vadd.f32 v57, v1;
	v3 =	vadd.f32 v59, v3  }
0x1dd: {  	v0 =	vadd.f32 v2, v0  }
0x1de: {  	v1 =	vadd.f32 v3, v1  }
0x1df: {  	v0 =	vmul.f32 $2.441406250e-04, v0  }
0x1e0: {  	v1 =	vmul.f32 $2.441406250e-04, v1  }
0x1e1: {  	[tilespmem:s22+$0xFFFFFFE0] =	vst v0  }
0x1e2: {  	s25 =	sadd.s32 @!p0 $0x1A68, s23;
	s26 =	simm.s32 @!p0 $0x2700;
	[tilespmem:s22+$0xFFFFFFF0] =	vst v1  }
0x1e3: {  	[tilespmem:s26], [sflag:$0x2] =	stream.indirect.gather @!p0 [hbm4b:s3+s24], $0x20, s25, s24, $0xb8;
	[tilespmem:$0x5E00] =	vst v63  }
0x1e4: {  	_ =	swait.ge [sflag:s17], $0xD00  }
0x1e5: {  	[sflag:s17] =	ssyncset.done $0x0  }
0x1e6: {  	[sflag:s17] =	ssyncadd.s32 $0xFFFFF300  }
0x1e7: {  	v0 =	vld [tilespmem:$0x3400]  }
0x1e8: {  	v1 =	vld [tilespmem:$0x3410]  }
0x1e9: {  	v2 =	vld [tilespmem:$0x3420]  }
0x1ea: {  	v3 =	vld [tilespmem:$0x3430]  }
0x1eb: {  	v4 =	vld [tilespmem:$0x3440]  }
0x1ec: {  	v5 =	vld [tilespmem:$0x3450]  }
0x1ed: {  	v6 =	vld [tilespmem:$0x3460]  }
0x1ee: {  	v7 =	vld [tilespmem:$0x3470]  }
0x1ef: {  	v8 =	vld [tilespmem:$0x3480]  }
0x1f0: {  	v9 =	vld [tilespmem:$0x3490]  }
0x1f1: {  	v10 =	vld [tilespmem:$0x34A0]  }
0x1f2: {  	v11 =	vld [tilespmem:$0x34B0]  }
0x1f3: {  	v12 =	vld [tilespmem:$0x34C0]  }
0x1f4: {  	v13 =	vld [tilespmem:$0x34D0]  }
0x1f5: {  	v14 =	vld [tilespmem:$0x34E0]  }
0x1f6: {  	v15 =	vld [tilespmem:$0x34F0]  }
0x1f7: {  	v16 =	vld [tilespmem:$0x3500]  }
0x1f8: {  	v17 =	vld [tilespmem:$0x3510]  }
0x1f9: {  	v18 =	vld [tilespmem:$0x3520]  }
0x1fa: {  	v19 =	vld [tilespmem:$0x3530]  }
0x1fb: {  	v20 =	vld [tilespmem:$0x3540]  }
0x1fc: {  	v21 =	vld [tilespmem:$0x3550]  }
0x1fd: {  	v22 =	vld [tilespmem:$0x3560]  }
0x1fe: {  	v23 =	vld [tilespmem:$0x3570]  }
0x1ff: {  	v24 =	vld [tilespmem:$0x3580]  }
0x200: {  	v25 =	vld [tilespmem:$0x3590]  }
0x201: {  	v26 =	vld [tilespmem:$0x35A0]  }
0x202: {  	v60 =	vld [tilespmem:$0x35B0]  }
0x203: {  	v28 =	vld [tilespmem:$0x35C0]  }
0x204: {  	v29 =	vld [tilespmem:$0x35D0]  }
0x205: {  	v61 =	vld [tilespmem:$0x35E0]  }
0x206: {  	v62 =	vld [tilespmem:$0x35F0]  }
0x207: {  	v32 =	vld [tilespmem:$0x3600]  }
0x208: {  	v33 =	vld [tilespmem:$0x3610]  }
0x209: {  	v63 =	vld [tilespmem:$0x3620]  }
0x20a: {  	v35 =	vld [tilespmem:$0x3630]  }
0x20b: {  	v36 =	vld [tilespmem:$0x3640]  }
0x20c: {  	v37 =	vld [tilespmem:$0x3650]  }
0x20d: {  	v38 =	vld [tilespmem:$0x3660]  }
0x20e: {  	v39 =	vld [tilespmem:$0x3670]  }
0x20f: {  	v40 =	vld [tilespmem:$0x3680]  }
0x210: {  	v41 =	vld [tilespmem:$0x3690]  }
0x211: {  	v42 =	vld [tilespmem:$0x36A0]  }
0x212: {  	v43 =	vld [tilespmem:$0x36B0]  }
0x213: {  	v44 =	vld [tilespmem:$0x36C0]  }
0x214: {  	v45 =	vld [tilespmem:$0x36D0]  }
0x215: {  	v46 =	vld [tilespmem:$0x36E0]  }
0x216: {  	v47 =	vld [tilespmem:$0x36F0]  }
0x217: {  	v48 =	vld [tilespmem:$0x3700]  }
0x218: {  	v49 =	vld [tilespmem:$0x3710]  }
0x219: {  	v50 =	vld [tilespmem:$0x3720]  }
0x21a: {  	v51 =	vld [tilespmem:$0x3730]  }
0x21b: {  	v52 =	vld [tilespmem:$0x3740]  }
0x21c: {  	v53 =	vld [tilespmem:$0x3750]  }
0x21d: {  	v54 =	vld [tilespmem:$0x3760]  }
0x21e: {  	v55 =	vld [tilespmem:$0x3770]  }
0x21f: {  	v56 =	vld [tilespmem:$0x3780]  }
0x220: {  	v57 =	vld [tilespmem:$0x3810];
	v0 =	vadd.f32 v4, v0;
	v2 =	vadd.f32 v6, v2  }
0x221: {  	v58 =	vld [tilespmem:$0x3820];
	v1 =	vadd.f32 v5, v1;
	v3 =	vadd.f32 v7, v3  }
0x222: {  	v59 =	vld [tilespmem:$0x3830];
	v0 =	vadd.f32 v8, v0;
	v2 =	vadd.f32 v10, v2  }
0x223: {  	v34 =	vld [tilespmem:$0x38A0];
	v1 =	vadd.f32 v9, v1;
	v3 =	vadd.f32 v11, v3  }
0x224: {  	v4 =	vld [tilespmem:$0x3790];
	v0 =	vadd.f32 v12, v0;
	v2 =	vadd.f32 v14, v2  }
0x225: {  	v5 =	vld [tilespmem:$0x37A0];
	v1 =	vadd.f32 v13, v1;
	v3 =	vadd.f32 v15, v3  }
0x226: {  	v6 =	vld [tilespmem:$0x37B0];
	v0 =	vadd.f32 v16, v0;
	v2 =	vadd.f32 v18, v2  }
0x227: {  	v7 =	vld [tilespmem:$0x37C0];
	v1 =	vadd.f32 v17, v1;
	v3 =	vadd.f32 v19, v3  }
0x228: {  	v8 =	vld [tilespmem:$0x37D0];
	v0 =	vadd.f32 v20, v0;
	v2 =	vadd.f32 v22, v2  }
0x229: {  	v9 =	vld [tilespmem:$0x37E0];
	v1 =	vadd.f32 v21, v1;
	v3 =	vadd.f32 v23, v3  }
0x22a: {  	v10 =	vld [tilespmem:$0x37F0];
	v0 =	vadd.f32 v24, v0;
	v2 =	vadd.f32 v26, v2  }
0x22b: {  	v11 =	vld [tilespmem:$0x3800];
	v1 =	vadd.f32 v25, v1;
	v3 =	vadd.f32 v60, v3  }
0x22c: {  	v60 =	vld [tilespmem:$0x3840];
	v0 =	vadd.f32 v28, v0;
	v2 =	vadd.f32 v61, v2  }
0x22d: {  	v61 =	vld [tilespmem:$0x3850];
	v1 =	vadd.f32 v29, v1;
	v3 =	vadd.f32 v62, v3  }
0x22e: {  	v62 =	vld [tilespmem:$0x3860];
	v0 =	vadd.f32 v32, v0;
	v2 =	vadd.f32 v63, v2  }
0x22f: {  	v63 =	vld [tilespmem:$0x3870];
	v1 =	vadd.f32 v33, v1;
	v3 =	vadd.f32 v35, v3  }
0x230: {  	v32 =	vld [tilespmem:$0x3880];
	v0 =	vadd.f32 v36, v0;
	v2 =	vadd.f32 v38, v2  }
0x231: {  	v33 =	vld [tilespmem:$0x3890];
	v1 =	vadd.f32 v37, v1;
	v3 =	vadd.f32 v39, v3  }
0x232: {  	v35 =	vld [tilespmem:$0x38B0];
	v0 =	vadd.f32 v40, v0;
	v2 =	vadd.f32 v42, v2  }
0x233: {  	v36 =	vld [tilespmem:$0x38C0];
	v1 =	vadd.f32 v41, v1;
	v3 =	vadd.f32 v43, v3  }
0x234: {  	v37 =	vld [tilespmem:$0x38D0];
	v0 =	vadd.f32 v44, v0;
	v2 =	vadd.f32 v46, v2  }
0x235: {  	v38 =	vld [tilespmem:$0x38E0];
	v1 =	vadd.f32 v45, v1;
	v3 =	vadd.f32 v47, v3  }
0x236: {  	v39 =	vld [tilespmem:$0x38F0];
	v0 =	vadd.f32 v48, v0;
	v2 =	vadd.f32 v50, v2  }
0x237: {  	v40 =	vld [tilespmem:$0x3900];
	v1 =	vadd.f32 v49, v1;
	v3 =	vadd.f32 v51, v3  }
0x238: {  	v41 =	vld [tilespmem:$0x3910];
	v0 =	vadd.f32 v52, v0;
	v2 =	vadd.f32 v54, v2  }
0x239: {  	v42 =	vld [tilespmem:$0x3920];
	v1 =	vadd.f32 v53, v1;
	v3 =	vadd.f32 v55, v3  }
0x23a: {  	v43 =	vld [tilespmem:$0x3930];
	v0 =	vadd.f32 v56, v0;
	v2 =	vadd.f32 v5, v2  }
0x23b: {  	v44 =	vld [tilespmem:$0x3940];
	v1 =	vadd.f32 v4, v1;
	v3 =	vadd.f32 v6, v3  }
0x23c: {  	v45 =	vld [tilespmem:$0x3950];
	v0 =	vadd.f32 v7, v0;
	v2 =	vadd.f32 v9, v2  }
0x23d: {  	v46 =	vld [tilespmem:$0x3960];
	v1 =	vadd.f32 v8, v1;
	v3 =	vadd.f32 v10, v3  }
0x23e: {  	v47 =	vld [tilespmem:$0x3970];
	v0 =	vadd.f32 v11, v0;
	v2 =	vadd.f32 v58, v2  }
0x23f: {  	v48 =	vld [tilespmem:$0x3980];
	v1 =	vadd.f32 v57, v1;
	v3 =	vadd.f32 v59, v3  }
0x240: {  	v49 =	vld [tilespmem:$0x3990];
	v0 =	vadd.f32 v60, v0;
	v2 =	vadd.f32 v62, v2  }
0x241: {  	v50 =	vld [tilespmem:$0x39A0];
	v1 =	vadd.f32 v61, v1;
	v3 =	vadd.f32 v63, v3  }
0x242: {  	v51 =	vld [tilespmem:$0x39B0];
	v0 =	vadd.f32 v32, v0;
	v2 =	vadd.f32 v34, v2  }
0x243: {  	v52 =	vld [tilespmem:$0x39C0];
	v1 =	vadd.f32 v33, v1;
	v3 =	vadd.f32 v35, v3  }
0x244: {  	v53 =	vld [tilespmem:$0x39D0];
	v0 =	vadd.f32 v36, v0;
	v2 =	vadd.f32 v38, v2  }
0x245: {  	v54 =	vld [tilespmem:$0x39E0];
	v1 =	vadd.f32 v37, v1;
	v3 =	vadd.f32 v39, v3  }
0x246: {  	v55 =	vld [tilespmem:$0x39F0];
	v0 =	vadd.f32 v40, v0;
	v2 =	vadd.f32 v42, v2  }
0x247: {  	v56 =	vld [tilespmem:$0x3A00];
	v1 =	vadd.f32 v41, v1;
	v3 =	vadd.f32 v43, v3  }
0x248: {  	v57 =	vld [tilespmem:$0x3A10];
	v0 =	vadd.f32 v44, v0;
	v2 =	vadd.f32 v46, v2  }
0x249: {  	v58 =	vld [tilespmem:$0x3A20];
	v1 =	vadd.f32 v45, v1;
	v3 =	vadd.f32 v47, v3  }
0x24a: {  	v59 =	vld [tilespmem:$0x3A30];
	v0 =	vadd.f32 v48, v0;
	v2 =	vadd.f32 v50, v2  }
0x24b: {  	v1 =	vadd.f32 v49, v1;
	v3 =	vadd.f32 v51, v3  }
0x24c: {  	v0 =	vadd.f32 v52, v0;
	v2 =	vadd.f32 v54, v2  }
0x24d: {  	v1 =	vadd.f32 v53, v1;
	v3 =	vadd.f32 v55, v3  }
0x24e: {  	v0 =	vadd.f32 v56, v0;
	v2 =	vadd.f32 v58, v2  }
0x24f: {  	v1 =	vadd.f32 v57, v1;
	v3 =	vadd.f32 v59, v3  }
0x250: {  	v0 =	vadd.f32 v2, v0  }
0x251: {  	v1 =	vadd.f32 v3, v1  }
0x252: {  	v0 =	vmul.f32 $2.441406250e-04, v0  }
0x253: {  	v1 =	vmul.f32 $2.441406250e-04, v1  }
0x254: {  	[tilespmem:s22+$0x0] =	vst v0  }
0x255: {  	[tilespmem:s22+$0x10] =	vst v1  }
0x256: {  	v0 =	vld [tilespmem:$0x3A80]  }
0x257: {  	v1 =	vld [tilespmem:$0x3A90]  }
0x258: {  	v2 =	vld [tilespmem:$0x3AA0]  }
0x259: {  	v3 =	vld [tilespmem:$0x3AB0]  }
0x25a: {  	v4 =	vld [tilespmem:$0x3AC0]  }
0x25b: {  	v5 =	vld [tilespmem:$0x3AD0]  }
0x25c: {  	v6 =	vld [tilespmem:$0x3AE0]  }
0x25d: {  	v7 =	vld [tilespmem:$0x3AF0]  }
0x25e: {  	v8 =	vld [tilespmem:$0x3B00]  }
0x25f: {  	v9 =	vld [tilespmem:$0x3B10]  }
0x260: {  	v10 =	vld [tilespmem:$0x3B20]  }
0x261: {  	v11 =	vld [tilespmem:$0x3B30]  }
0x262: {  	v12 =	vld [tilespmem:$0x3B40]  }
0x263: {  	v13 =	vld [tilespmem:$0x3B50]  }
0x264: {  	v14 =	vld [tilespmem:$0x3B60]  }
0x265: {  	v15 =	vld [tilespmem:$0x3B70]  }
0x266: {  	v16 =	vld [tilespmem:$0x3B80]  }
0x267: {  	v17 =	vld [tilespmem:$0x3B90]  }
0x268: {  	v18 =	vld [tilespmem:$0x3BA0]  }
0x269: {  	v19 =	vld [tilespmem:$0x3BB0]  }
0x26a: {  	v20 =	vld [tilespmem:$0x3BC0]  }
0x26b: {  	v21 =	vld [tilespmem:$0x3BD0]  }
0x26c: {  	v22 =	vld [tilespmem:$0x3BE0]  }
0x26d: {  	v23 =	vld [tilespmem:$0x3BF0]  }
0x26e: {  	v24 =	vld [tilespmem:$0x3C00]  }
0x26f: {  	v25 =	vld [tilespmem:$0x3C10]  }
0x270: {  	v26 =	vld [tilespmem:$0x3C20]  }
0x271: {  	v60 =	vld [tilespmem:$0x3C30]  }
0x272: {  	v28 =	vld [tilespmem:$0x3C40]  }
0x273: {  	v29 =	vld [tilespmem:$0x3C50]  }
0x274: {  	v61 =	vld [tilespmem:$0x3C60]  }
0x275: {  	v62 =	vld [tilespmem:$0x3C70]  }
0x276: {  	v32 =	vld [tilespmem:$0x3C80]  }
0x277: {  	v33 =	vld [tilespmem:$0x3C90]  }
0x278: {  	v63 =	vld [tilespmem:$0x3CA0]  }
0x279: {  	v35 =	vld [tilespmem:$0x3CB0]  }
0x27a: {  	v36 =	vld [tilespmem:$0x3CC0]  }
0x27b: {  	v37 =	vld [tilespmem:$0x3CD0]  }
0x27c: {  	v38 =	vld [tilespmem:$0x3CE0]  }
0x27d: {  	v39 =	vld [tilespmem:$0x3CF0]  }
0x27e: {  	v40 =	vld [tilespmem:$0x3D00]  }
0x27f: {  	v41 =	vld [tilespmem:$0x3D10]  }
0x280: {  	v42 =	vld [tilespmem:$0x3D20]  }
0x281: {  	v43 =	vld [tilespmem:$0x3D30]  }
0x282: {  	v44 =	vld [tilespmem:$0x3D40]  }
0x283: {  	v45 =	vld [tilespmem:$0x3D50]  }
0x284: {  	v46 =	vld [tilespmem:$0x3D60]  }
0x285: {  	v47 =	vld [tilespmem:$0x3D70]  }
0x286: {  	v48 =	vld [tilespmem:$0x3D80]  }
0x287: {  	v49 =	vld [tilespmem:$0x3D90]  }
0x288: {  	v50 =	vld [tilespmem:$0x3DA0]  }
0x289: {  	v51 =	vld [tilespmem:$0x3DB0]  }
0x28a: {  	v52 =	vld [tilespmem:$0x3DC0]  }
0x28b: {  	v53 =	vld [tilespmem:$0x3DD0]  }
0x28c: {  	v54 =	vld [tilespmem:$0x3DE0]  }
0x28d: {  	v55 =	vld [tilespmem:$0x3DF0]  }
0x28e: {  	v56 =	vld [tilespmem:$0x3E00]  }
0x28f: {  	v57 =	vld [tilespmem:$0x3E90];
	v0 =	vadd.f32 v4, v0;
	v2 =	vadd.f32 v6, v2  }
0x290: {  	v58 =	vld [tilespmem:$0x3EA0];
	v1 =	vadd.f32 v5, v1;
	v3 =	vadd.f32 v7, v3  }
0x291: {  	v59 =	vld [tilespmem:$0x3EB0];
	v0 =	vadd.f32 v8, v0;
	v2 =	vadd.f32 v10, v2  }
0x292: {  	v34 =	vld [tilespmem:$0x3F20];
	v1 =	vadd.f32 v9, v1;
	v3 =	vadd.f32 v11, v3  }
0x293: {  	v4 =	vld [tilespmem:$0x3E10];
	v0 =	vadd.f32 v12, v0;
	v2 =	vadd.f32 v14, v2  }
0x294: {  	v5 =	vld [tilespmem:$0x3E20];
	v1 =	vadd.f32 v13, v1;
	v3 =	vadd.f32 v15, v3  }
0x295: {  	v6 =	vld [tilespmem:$0x3E30];
	v0 =	vadd.f32 v16, v0;
	v2 =	vadd.f32 v18, v2  }
0x296: {  	v7 =	vld [tilespmem:$0x3E40];
	v1 =	vadd.f32 v17, v1;
	v3 =	vadd.f32 v19, v3  }
0x297: {  	v8 =	vld [tilespmem:$0x3E50];
	v0 =	vadd.f32 v20, v0;
	v2 =	vadd.f32 v22, v2  }
0x298: {  	v9 =	vld [tilespmem:$0x3E60];
	v1 =	vadd.f32 v21, v1;
	v3 =	vadd.f32 v23, v3  }
0x299: {  	v10 =	vld [tilespmem:$0x3E70];
	v0 =	vadd.f32 v24, v0;
	v2 =	vadd.f32 v26, v2  }
0x29a: {  	v11 =	vld [tilespmem:$0x3E80];
	v1 =	vadd.f32 v25, v1;
	v3 =	vadd.f32 v60, v3  }
0x29b: {  	v60 =	vld [tilespmem:$0x3EC0];
	v0 =	vadd.f32 v28, v0;
	v2 =	vadd.f32 v61, v2  }
0x29c: {  	v61 =	vld [tilespmem:$0x3ED0];
	v1 =	vadd.f32 v29, v1;
	v3 =	vadd.f32 v62, v3  }
0x29d: {  	v62 =	vld [tilespmem:$0x3EE0];
	v0 =	vadd.f32 v32, v0;
	v2 =	vadd.f32 v63, v2  }
0x29e: {  	v63 =	vld [tilespmem:$0x3EF0];
	v1 =	vadd.f32 v33, v1;
	v3 =	vadd.f32 v35, v3  }
0x29f: {  	v32 =	vld [tilespmem:$0x3F00];
	v0 =	vadd.f32 v36, v0;
	v2 =	vadd.f32 v38, v2  }
0x2a0: {  	v33 =	vld [tilespmem:$0x3F10];
	v1 =	vadd.f32 v37, v1;
	v3 =	vadd.f32 v39, v3  }
0x2a1: {  	v35 =	vld [tilespmem:$0x3F30];
	v0 =	vadd.f32 v40, v0;
	v2 =	vadd.f32 v42, v2  }
0x2a2: {  	v36 =	vld [tilespmem:$0x3F40];
	v1 =	vadd.f32 v41, v1;
	v3 =	vadd.f32 v43, v3  }
0x2a3: {  	v37 =	vld [tilespmem:$0x3F50];
	v0 =	vadd.f32 v44, v0;
	v2 =	vadd.f32 v46, v2  }
0x2a4: {  	v38 =	vld [tilespmem:$0x3F60];
	v1 =	vadd.f32 v45, v1;
	v3 =	vadd.f32 v47, v3  }
0x2a5: {  	v39 =	vld [tilespmem:$0x3F70];
	v0 =	vadd.f32 v48, v0;
	v2 =	vadd.f32 v50, v2  }
0x2a6: {  	v40 =	vld [tilespmem:$0x3F80];
	v1 =	vadd.f32 v49, v1;
	v3 =	vadd.f32 v51, v3  }
0x2a7: {  	v41 =	vld [tilespmem:$0x3F90];
	v0 =	vadd.f32 v52, v0;
	v2 =	vadd.f32 v54, v2  }
0x2a8: {  	v42 =	vld [tilespmem:$0x3FA0];
	v1 =	vadd.f32 v53, v1;
	v3 =	vadd.f32 v55, v3  }
0x2a9: {  	v43 =	vld [tilespmem:$0x3FB0];
	v0 =	vadd.f32 v56, v0;
	v2 =	vadd.f32 v5, v2  }
0x2aa: {  	v44 =	vld [tilespmem:$0x3FC0];
	v1 =	vadd.f32 v4, v1;
	v3 =	vadd.f32 v6, v3  }
0x2ab: {  	v45 =	vld [tilespmem:$0x3FD0];
	v0 =	vadd.f32 v7, v0;
	v2 =	vadd.f32 v9, v2  }
0x2ac: {  	v46 =	vld [tilespmem:$0x3FE0];
	v1 =	vadd.f32 v8, v1;
	v3 =	vadd.f32 v10, v3  }
0x2ad: {  	v47 =	vld [tilespmem:$0x3FF0];
	v0 =	vadd.f32 v11, v0;
	v2 =	vadd.f32 v58, v2  }
0x2ae: {  	v48 =	vld [tilespmem:$0x4000];
	v1 =	vadd.f32 v57, v1;
	v3 =	vadd.f32 v59, v3  }
0x2af: {  	v49 =	vld [tilespmem:$0x4010];
	v0 =	vadd.f32 v60, v0;
	v2 =	vadd.f32 v62, v2  }
0x2b0: {  	v50 =	vld [tilespmem:$0x4020];
	v1 =	vadd.f32 v61, v1;
	v3 =	vadd.f32 v63, v3  }
0x2b1: {  	v51 =	vld [tilespmem:$0x4030];
	v0 =	vadd.f32 v32, v0;
	v2 =	vadd.f32 v34, v2  }
0x2b2: {  	v52 =	vld [tilespmem:$0x4040];
	v1 =	vadd.f32 v33, v1;
	v3 =	vadd.f32 v35, v3  }
0x2b3: {  	v53 =	vld [tilespmem:$0x4050];
	v0 =	vadd.f32 v36, v0;
	v2 =	vadd.f32 v38, v2  }
0x2b4: {  	v54 =	vld [tilespmem:$0x4060];
	v1 =	vadd.f32 v37, v1;
	v3 =	vadd.f32 v39, v3  }
0x2b5: {  	v55 =	vld [tilespmem:$0x4070];
	v0 =	vadd.f32 v40, v0;
	v2 =	vadd.f32 v42, v2  }
0x2b6: {  	v56 =	vld [tilespmem:$0x4080];
	v1 =	vadd.f32 v41, v1;
	v3 =	vadd.f32 v43, v3  }
0x2b7: {  	v57 =	vld [tilespmem:$0x4090];
	v0 =	vadd.f32 v44, v0;
	v2 =	vadd.f32 v46, v2  }
0x2b8: {  	v58 =	vld [tilespmem:$0x40A0];
	v1 =	vadd.f32 v45, v1;
	v3 =	vadd.f32 v47, v3  }
0x2b9: {  	v59 =	vld [tilespmem:$0x40B0];
	v0 =	vadd.f32 v48, v0;
	v2 =	vadd.f32 v50, v2  }
0x2ba: {  	v1 =	vadd.f32 v49, v1;
	v3 =	vadd.f32 v51, v3  }
0x2bb: {  	v0 =	vadd.f32 v52, v0;
	v2 =	vadd.f32 v54, v2  }
0x2bc: {  	v1 =	vadd.f32 v53, v1;
	v3 =	vadd.f32 v55, v3  }
0x2bd: {  	v0 =	vadd.f32 v56, v0;
	v2 =	vadd.f32 v58, v2  }
0x2be: {  	v1 =	vadd.f32 v57, v1;
	v3 =	vadd.f32 v59, v3  }
0x2bf: {  	v0 =	vadd.f32 v2, v0  }
0x2c0: {  	v1 =	vadd.f32 v3, v1  }
0x2c1: {  	v0 =	vmul.f32 $2.441406250e-04, v0  }
0x2c2: {  	v1 =	vmul.f32 $2.441406250e-04, v1  }
0x2c3: {  	[tilespmem:s22+$0x20] =	vst v0  }
0x2c4: {  	s23 =	sadd.s32 @!p0 $0x1AD0, s23;
	s25 =	simm.s32 @!p0 $0x3400;
	[tilespmem:s22+$0x30] =	vst v1  }
0x2c5: {  	[tilespmem:s25], [sflag:$0x3] =	stream.indirect.gather @!p0 [hbm4b:s3+s24], $0x20, s23, s24, $0xb8;
	[tilespmem:$0x5E00] =	vst v63  }
0x2c6: {  	_ =	swait.ge [sflag:s18], $0xD00  }
0x2c7: {  	[sflag:s18] =	ssyncset.done $0x0  }
0x2c8: {  	[sflag:s18] =	ssyncadd.s32 $0xFFFFF300  }
0x2c9: {  	v0 =	vld [tilespmem:$0x4100]  }
0x2ca: {  	v1 =	vld [tilespmem:$0x4110]  }
0x2cb: {  	v2 =	vld [tilespmem:$0x4120]  }
0x2cc: {  	v3 =	vld [tilespmem:$0x4130]  }
0x2cd: {  	v4 =	vld [tilespmem:$0x4140]  }
0x2ce: {  	v5 =	vld [tilespmem:$0x4150]  }
0x2cf: {  	v6 =	vld [tilespmem:$0x4160]  }
0x2d0: {  	v7 =	vld [tilespmem:$0x4170]  }
0x2d1: {  	v8 =	vld [tilespmem:$0x4180]  }
0x2d2: {  	v9 =	vld [tilespmem:$0x4190]  }
0x2d3: {  	v10 =	vld [tilespmem:$0x41A0]  }
0x2d4: {  	v11 =	vld [tilespmem:$0x41B0]  }
0x2d5: {  	v12 =	vld [tilespmem:$0x41C0]  }
0x2d6: {  	v13 =	vld [tilespmem:$0x41D0]  }
0x2d7: {  	v14 =	vld [tilespmem:$0x41E0]  }
0x2d8: {  	v15 =	vld [tilespmem:$0x41F0]  }
0x2d9: {  	v16 =	vld [tilespmem:$0x4200]  }
0x2da: {  	v17 =	vld [tilespmem:$0x4210]  }
0x2db: {  	v18 =	vld [tilespmem:$0x4220]  }
0x2dc: {  	v19 =	vld [tilespmem:$0x4230]  }
0x2dd: {  	v20 =	vld [tilespmem:$0x4240]  }
0x2de: {  	v21 =	vld [tilespmem:$0x4250]  }
0x2df: {  	v22 =	vld [tilespmem:$0x4260]  }
0x2e0: {  	v23 =	vld [tilespmem:$0x4270]  }
0x2e1: {  	v24 =	vld [tilespmem:$0x4280]  }
0x2e2: {  	v25 =	vld [tilespmem:$0x4290]  }
0x2e3: {  	v26 =	vld [tilespmem:$0x42A0]  }
0x2e4: {  	v60 =	vld [tilespmem:$0x42B0]  }
0x2e5: {  	v28 =	vld [tilespmem:$0x42C0]  }
0x2e6: {  	v29 =	vld [tilespmem:$0x42D0]  }
0x2e7: {  	v61 =	vld [tilespmem:$0x42E0]  }
0x2e8: {  	v62 =	vld [tilespmem:$0x42F0]  }
0x2e9: {  	v32 =	vld [tilespmem:$0x4300]  }
0x2ea: {  	v33 =	vld [tilespmem:$0x4310]  }
0x2eb: {  	v63 =	vld [tilespmem:$0x4320]  }
0x2ec: {  	v35 =	vld [tilespmem:$0x4330]  }
0x2ed: {  	v36 =	vld [tilespmem:$0x4340]  }
0x2ee: {  	v37 =	vld [tilespmem:$0x4350]  }
0x2ef: {  	v38 =	vld [tilespmem:$0x4360]  }
0x2f0: {  	v39 =	vld [tilespmem:$0x4370]  }
0x2f1: {  	v40 =	vld [tilespmem:$0x4380]  }
0x2f2: {  	v41 =	vld [tilespmem:$0x4390]  }
0x2f3: {  	v42 =	vld [tilespmem:$0x43A0]  }
0x2f4: {  	v43 =	vld [tilespmem:$0x43B0]  }
0x2f5: {  	v44 =	vld [tilespmem:$0x43C0]  }
0x2f6: {  	v45 =	vld [tilespmem:$0x43D0]  }
0x2f7: {  	v46 =	vld [tilespmem:$0x43E0]  }
0x2f8: {  	v47 =	vld [tilespmem:$0x43F0]  }
0x2f9: {  	v48 =	vld [tilespmem:$0x4400]  }
0x2fa: {  	v49 =	vld [tilespmem:$0x4410]  }
0x2fb: {  	v50 =	vld [tilespmem:$0x4420]  }
0x2fc: {  	v51 =	vld [tilespmem:$0x4430]  }
0x2fd: {  	v52 =	vld [tilespmem:$0x4440]  }
0x2fe: {  	v53 =	vld [tilespmem:$0x4450]  }
0x2ff: {  	v54 =	vld [tilespmem:$0x4460]  }
0x300: {  	v55 =	vld [tilespmem:$0x4470]  }
0x301: {  	v56 =	vld [tilespmem:$0x4480]  }
0x302: {  	v57 =	vld [tilespmem:$0x4510];
	v0 =	vadd.f32 v4, v0;
	v2 =	vadd.f32 v6, v2  }
0x303: {  	v58 =	vld [tilespmem:$0x4520];
	v1 =	vadd.f32 v5, v1;
	v3 =	vadd.f32 v7, v3  }
0x304: {  	v59 =	vld [tilespmem:$0x4530];
	v0 =	vadd.f32 v8, v0;
	v2 =	vadd.f32 v10, v2  }
0x305: {  	v34 =	vld [tilespmem:$0x45A0];
	v1 =	vadd.f32 v9, v1;
	v3 =	vadd.f32 v11, v3  }
0x306: {  	v4 =	vld [tilespmem:$0x4490];
	v0 =	vadd.f32 v12, v0;
	v2 =	vadd.f32 v14, v2  }
0x307: {  	v5 =	vld [tilespmem:$0x44A0];
	v1 =	vadd.f32 v13, v1;
	v3 =	vadd.f32 v15, v3  }
0x308: {  	v6 =	vld [tilespmem:$0x44B0];
	v0 =	vadd.f32 v16, v0;
	v2 =	vadd.f32 v18, v2  }
0x309: {  	v7 =	vld [tilespmem:$0x44C0];
	v1 =	vadd.f32 v17, v1;
	v3 =	vadd.f32 v19, v3  }
0x30a: {  	v8 =	vld [tilespmem:$0x44D0];
	v0 =	vadd.f32 v20, v0;
	v2 =	vadd.f32 v22, v2  }
0x30b: {  	v9 =	vld [tilespmem:$0x44E0];
	v1 =	vadd.f32 v21, v1;
	v3 =	vadd.f32 v23, v3  }
0x30c: {  	v10 =	vld [tilespmem:$0x44F0];
	v0 =	vadd.f32 v24, v0;
	v2 =	vadd.f32 v26, v2  }
0x30d: {  	v11 =	vld [tilespmem:$0x4500];
	v1 =	vadd.f32 v25, v1;
	v3 =	vadd.f32 v60, v3  }
0x30e: {  	v60 =	vld [tilespmem:$0x4540];
	v0 =	vadd.f32 v28, v0;
	v2 =	vadd.f32 v61, v2  }
0x30f: {  	v61 =	vld [tilespmem:$0x4550];
	v1 =	vadd.f32 v29, v1;
	v3 =	vadd.f32 v62, v3  }
0x310: {  	v62 =	vld [tilespmem:$0x4560];
	v0 =	vadd.f32 v32, v0;
	v2 =	vadd.f32 v63, v2  }
0x311: {  	v63 =	vld [tilespmem:$0x4570];
	v1 =	vadd.f32 v33, v1;
	v3 =	vadd.f32 v35, v3  }
0x312: {  	v32 =	vld [tilespmem:$0x4580];
	v0 =	vadd.f32 v36, v0;
	v2 =	vadd.f32 v38, v2  }
0x313: {  	v33 =	vld [tilespmem:$0x4590];
	v1 =	vadd.f32 v37, v1;
	v3 =	vadd.f32 v39, v3  }
0x314: {  	v35 =	vld [tilespmem:$0x45B0];
	v0 =	vadd.f32 v40, v0;
	v2 =	vadd.f32 v42, v2  }
0x315: {  	v36 =	vld [tilespmem:$0x45C0];
	v1 =	vadd.f32 v41, v1;
	v3 =	vadd.f32 v43, v3  }
0x316: {  	v37 =	vld [tilespmem:$0x45D0];
	v0 =	vadd.f32 v44, v0;
	v2 =	vadd.f32 v46, v2  }
0x317: {  	v38 =	vld [tilespmem:$0x45E0];
	v1 =	vadd.f32 v45, v1;
	v3 =	vadd.f32 v47, v3  }
0x318: {  	v39 =	vld [tilespmem:$0x45F0];
	v0 =	vadd.f32 v48, v0;
	v2 =	vadd.f32 v50, v2  }
0x319: {  	v40 =	vld [tilespmem:$0x4600];
	v1 =	vadd.f32 v49, v1;
	v3 =	vadd.f32 v51, v3  }
0x31a: {  	v41 =	vld [tilespmem:$0x4610];
	v0 =	vadd.f32 v52, v0;
	v2 =	vadd.f32 v54, v2  }
0x31b: {  	v42 =	vld [tilespmem:$0x4620];
	v1 =	vadd.f32 v53, v1;
	v3 =	vadd.f32 v55, v3  }
0x31c: {  	v43 =	vld [tilespmem:$0x4630];
	v0 =	vadd.f32 v56, v0;
	v2 =	vadd.f32 v5, v2  }
0x31d: {  	v44 =	vld [tilespmem:$0x4640];
	v1 =	vadd.f32 v4, v1;
	v3 =	vadd.f32 v6, v3  }
0x31e: {  	v45 =	vld [tilespmem:$0x4650];
	v0 =	vadd.f32 v7, v0;
	v2 =	vadd.f32 v9, v2  }
0x31f: {  	v46 =	vld [tilespmem:$0x4660];
	v1 =	vadd.f32 v8, v1;
	v3 =	vadd.f32 v10, v3  }
0x320: {  	v47 =	vld [tilespmem:$0x4670];
	v0 =	vadd.f32 v11, v0;
	v2 =	vadd.f32 v58, v2  }
0x321: {  	v48 =	vld [tilespmem:$0x4680];
	v1 =	vadd.f32 v57, v1;
	v3 =	vadd.f32 v59, v3  }
0x322: {  	v49 =	vld [tilespmem:$0x4690];
	v0 =	vadd.f32 v60, v0;
	v2 =	vadd.f32 v62, v2  }
0x323: {  	v50 =	vld [tilespmem:$0x46A0];
	v1 =	vadd.f32 v61, v1;
	v3 =	vadd.f32 v63, v3  }
0x324: {  	v51 =	vld [tilespmem:$0x46B0];
	v0 =	vadd.f32 v32, v0;
	v2 =	vadd.f32 v34, v2  }
0x325: {  	v52 =	vld [tilespmem:$0x46C0];
	v1 =	vadd.f32 v33, v1;
	v3 =	vadd.f32 v35, v3  }
0x326: {  	v53 =	vld [tilespmem:$0x46D0];
	v0 =	vadd.f32 v36, v0;
	v2 =	vadd.f32 v38, v2  }
0x327: {  	v54 =	vld [tilespmem:$0x46E0];
	v1 =	vadd.f32 v37, v1;
	v3 =	vadd.f32 v39, v3  }
0x328: {  	v55 =	vld [tilespmem:$0x46F0];
	v0 =	vadd.f32 v40, v0;
	v2 =	vadd.f32 v42, v2  }
0x329: {  	v56 =	vld [tilespmem:$0x4700];
	v1 =	vadd.f32 v41, v1;
	v3 =	vadd.f32 v43, v3  }
0x32a: {  	v57 =	vld [tilespmem:$0x4710];
	v0 =	vadd.f32 v44, v0;
	v2 =	vadd.f32 v46, v2  }
0x32b: {  	v58 =	vld [tilespmem:$0x4720];
	v1 =	vadd.f32 v45, v1;
	v3 =	vadd.f32 v47, v3  }
0x32c: {  	v59 =	vld [tilespmem:$0x4730];
	v0 =	vadd.f32 v48, v0;
	v2 =	vadd.f32 v50, v2  }
0x32d: {  	v1 =	vadd.f32 v49, v1;
	v3 =	vadd.f32 v51, v3  }
0x32e: {  	v0 =	vadd.f32 v52, v0;
	v2 =	vadd.f32 v54, v2  }
0x32f: {  	v1 =	vadd.f32 v53, v1;
	v3 =	vadd.f32 v55, v3  }
0x330: {  	v0 =	vadd.f32 v56, v0;
	v2 =	vadd.f32 v58, v2  }
0x331: {  	v1 =	vadd.f32 v57, v1;
	v3 =	vadd.f32 v59, v3  }
0x332: {  	v0 =	vadd.f32 v2, v0  }
0x333: {  	v1 =	vadd.f32 v3, v1  }
0x334: {  	v0 =	vmul.f32 $2.441406250e-04, v0  }
0x335: {  	v1 =	vmul.f32 $2.441406250e-04, v1  }
0x336: {  	[tilespmem:s22+$0x40] =	vst v0  }
0x337: {  	[tilespmem:s22+$0x50] =	vst v1  }
0x338: {  	v0 =	vld [tilespmem:$0x4780]  }
0x339: {  	v1 =	vld [tilespmem:$0x4790]  }
0x33a: {  	v2 =	vld [tilespmem:$0x47A0]  }
0x33b: {  	v3 =	vld [tilespmem:$0x47B0]  }
0x33c: {  	v4 =	vld [tilespmem:$0x47C0]  }
0x33d: {  	v5 =	vld [tilespmem:$0x47D0]  }
0x33e: {  	v6 =	vld [tilespmem:$0x47E0]  }
0x33f: {  	v7 =	vld [tilespmem:$0x47F0]  }
0x340: {  	v8 =	vld [tilespmem:$0x4800]  }
0x341: {  	v9 =	vld [tilespmem:$0x4810]  }
0x342: {  	v10 =	vld [tilespmem:$0x4820]  }
0x343: {  	v11 =	vld [tilespmem:$0x4830]  }
0x344: {  	v12 =	vld [tilespmem:$0x4840]  }
0x345: {  	v13 =	vld [tilespmem:$0x4850]  }
0x346: {  	v14 =	vld [tilespmem:$0x4860]  }
0x347: {  	v15 =	vld [tilespmem:$0x4870]  }
0x348: {  	v16 =	vld [tilespmem:$0x4880]  }
0x349: {  	v17 =	vld [tilespmem:$0x4890]  }
0x34a: {  	v18 =	vld [tilespmem:$0x48A0]  }
0x34b: {  	v19 =	vld [tilespmem:$0x48B0]  }
0x34c: {  	v20 =	vld [tilespmem:$0x48C0]  }
0x34d: {  	v21 =	vld [tilespmem:$0x48D0]  }
0x34e: {  	v22 =	vld [tilespmem:$0x48E0]  }
0x34f: {  	v23 =	vld [tilespmem:$0x48F0]  }
0x350: {  	v24 =	vld [tilespmem:$0x4900]  }
0x351: {  	v25 =	vld [tilespmem:$0x4910]  }
0x352: {  	v60 =	vld [tilespmem:$0x4920]  }
0x353: {  	v61 =	vld [tilespmem:$0x4930]  }
0x354: {  	v28 =	vld [tilespmem:$0x4940]  }
0x355: {  	v29 =	vld [tilespmem:$0x4950]  }
0x356: {  	v62 =	vld [tilespmem:$0x4960]  }
0x357: {  	v63 =	vld [tilespmem:$0x4970]  }
0x358: {  	v32 =	vld [tilespmem:$0x4980]  }
0x359: {  	v33 =	vld [tilespmem:$0x4990]  }
0x35a: {  	v34 =	vld [tilespmem:$0x49A0]  }
0x35b: {  	v35 =	vld [tilespmem:$0x49B0]  }
0x35c: {  	v36 =	vld [tilespmem:$0x49C0]  }
0x35d: {  	v37 =	vld [tilespmem:$0x49D0]  }
0x35e: {  	v38 =	vld [tilespmem:$0x49E0]  }
0x35f: {  	v39 =	vld [tilespmem:$0x49F0]  }
0x360: {  	v40 =	vld [tilespmem:$0x4A00]  }
0x361: {  	v41 =	vld [tilespmem:$0x4A10]  }
0x362: {  	v42 =	vld [tilespmem:$0x4A20]  }
0x363: {  	v43 =	vld [tilespmem:$0x4A30]  }
0x364: {  	v44 =	vld [tilespmem:$0x4A40]  }
0x365: {  	v45 =	vld [tilespmem:$0x4A50]  }
0x366: {  	v46 =	vld [tilespmem:$0x4A60]  }
0x367: {  	v47 =	vld [tilespmem:$0x4A70]  }
0x368: {  	v48 =	vld [tilespmem:$0x4A80]  }
0x369: {  	v49 =	vld [tilespmem:$0x4A90]  }
0x36a: {  	v50 =	vld [tilespmem:$0x4AA0]  }
0x36b: {  	v51 =	vld [tilespmem:$0x4AB0]  }
0x36c: {  	v52 =	vld [tilespmem:$0x4AC0]  }
0x36d: {  	v53 =	vld [tilespmem:$0x4AD0]  }
0x36e: {  	v54 =	vld [tilespmem:$0x4AE0]  }
0x36f: {  	v55 =	vld [tilespmem:$0x4AF0]  }
0x370: {  	v56 =	vld [tilespmem:$0x4B00]  }
0x371: {  	v57 =	vld [tilespmem:$0x4B80];
	v0 =	vadd.f32 v4, v0;
	v2 =	vadd.f32 v6, v2  }
0x372: {  	v58 =	vld [tilespmem:$0x4B90];
	v1 =	vadd.f32 v5, v1;
	v3 =	vadd.f32 v7, v3  }
0x373: {  	v59 =	vld [tilespmem:$0x4BA0];
	v0 =	vadd.f32 v8, v0;
	v2 =	vadd.f32 v10, v2  }
0x374: {  	v4 =	vld [tilespmem:$0x4B10];
	v1 =	vadd.f32 v9, v1;
	v3 =	vadd.f32 v11, v3  }
0x375: {  	v5 =	vld [tilespmem:$0x4B20];
	v0 =	vadd.f32 v12, v0;
	v2 =	vadd.f32 v14, v2  }
0x376: {  	v6 =	vld [tilespmem:$0x4B30];
	v1 =	vadd.f32 v13, v1;
	v3 =	vadd.f32 v15, v3  }
0x377: {  	v7 =	vld [tilespmem:$0x4B40];
	v0 =	vadd.f32 v16, v0;
	v2 =	vadd.f32 v18, v2  }
0x378: {  	v8 =	vld [tilespmem:$0x4B50];
	v1 =	vadd.f32 v17, v1;
	v3 =	vadd.f32 v19, v3  }
0x379: {  	v9 =	vld [tilespmem:$0x4B60];
	v0 =	vadd.f32 v20, v0;
	v2 =	vadd.f32 v22, v2  }
0x37a: {  	v10 =	vld [tilespmem:$0x4B70];
	v1 =	vadd.f32 v21, v1;
	v3 =	vadd.f32 v23, v3  }
0x37b: {  	v0 =	vadd.f32 v24, v0;
	v2 =	vadd.f32 v60, v2;
	v60 =	vld [tilespmem:$0x4BB0]  }
0x37c: {  	v1 =	vadd.f32 v25, v1;
	v3 =	vadd.f32 v61, v3;
	v61 =	vld [tilespmem:$0x4BC0]  }
0x37d: {  	v0 =	vadd.f32 v28, v0;
	v2 =	vadd.f32 v62, v2;
	v62 =	vld [tilespmem:$0x4BD0]  }
0x37e: {  	v1 =	vadd.f32 v29, v1;
	v3 =	vadd.f32 v63, v3;
	v63 =	vld [tilespmem:$0x4BE0]  }
0x37f: {  	v0 =	vadd.f32 v32, v0;
	v2 =	vadd.f32 v34, v2;
	v34 =	vld [tilespmem:$0x4BF0]  }
0x380: {  	v1 =	vadd.f32 v33, v1;
	v3 =	vadd.f32 v35, v3;
	v35 =	vld [tilespmem:$0x4C00]  }
0x381: {  	v0 =	vadd.f32 v36, v0;
	v2 =	vadd.f32 v38, v2;
	v36 =	vld [tilespmem:$0x4C10]  }
0x382: {  	v1 =	vadd.f32 v37, v1;
	v3 =	vadd.f32 v39, v3;
	v38 =	vld [tilespmem:$0x4C20]  }
0x383: {  	v39 =	vld [tilespmem:$0x4C30];
	v0 =	vadd.f32 v40, v0;
	v2 =	vadd.f32 v42, v2  }
0x384: {  	v1 =	vadd.f32 v41, v1;
	v3 =	vadd.f32 v43, v3;
	v40 =	vld [tilespmem:$0x4C40]  }
0x385: {  	v41 =	vld [tilespmem:$0x4C50];
	v0 =	vadd.f32 v44, v0;
	v2 =	vadd.f32 v46, v2  }
0x386: {  	v42 =	vld [tilespmem:$0x4C60];
	v1 =	vadd.f32 v45, v1;
	v3 =	vadd.f32 v47, v3  }
0x387: {  	v43 =	vld [tilespmem:$0x4C70];
	v0 =	vadd.f32 v48, v0;
	v2 =	vadd.f32 v50, v2  }
0x388: {  	v44 =	vld [tilespmem:$0x4C80];
	v1 =	vadd.f32 v49, v1;
	v3 =	vadd.f32 v51, v3  }
0x389: {  	v45 =	vld [tilespmem:$0x4C90];
	v0 =	vadd.f32 v52, v0;
	v2 =	vadd.f32 v54, v2  }
0x38a: {  	v46 =	vld [tilespmem:$0x4CA0];
	v1 =	vadd.f32 v53, v1;
	v3 =	vadd.f32 v55, v3  }
0x38b: {  	v47 =	vld [tilespmem:$0x4CB0];
	v0 =	vadd.f32 v56, v0;
	v2 =	vadd.f32 v5, v2  }
0x38c: {  	v48 =	vld [tilespmem:$0x4CC0];
	v1 =	vadd.f32 v4, v1;
	v3 =	vadd.f32 v6, v3  }
0x38d: {  	v49 =	vld [tilespmem:$0x4CD0];
	v0 =	vadd.f32 v7, v0;
	v2 =	vadd.f32 v9, v2  }
0x38e: {  	v50 =	vld [tilespmem:$0x4CE0];
	v1 =	vadd.f32 v8, v1;
	v3 =	vadd.f32 v10, v3  }
0x38f: {  	v51 =	vld [tilespmem:$0x4CF0];
	v0 =	vadd.f32 v57, v0;
	v2 =	vadd.f32 v59, v2  }
0x390: {  	v52 =	vld [tilespmem:$0x4D00];
	v1 =	vadd.f32 v58, v1;
	v3 =	vadd.f32 v60, v3  }
0x391: {  	v53 =	vld [tilespmem:$0x4D10];
	v0 =	vadd.f32 v61, v0;
	v2 =	vadd.f32 v63, v2  }
0x392: {  	v54 =	vld [tilespmem:$0x4D20];
	v1 =	vadd.f32 v62, v1;
	v3 =	vadd.f32 v34, v3  }
0x393: {  	v55 =	vld [tilespmem:$0x4D30];
	v0 =	vadd.f32 v35, v0;
	v2 =	vadd.f32 v38, v2  }
0x394: {  	v56 =	vld [tilespmem:$0x4D40];
	v1 =	vadd.f32 v36, v1;
	v3 =	vadd.f32 v39, v3  }
0x395: {  	v57 =	vld [tilespmem:$0x4D50];
	v0 =	vadd.f32 v40, v0;
	v2 =	vadd.f32 v42, v2  }
0x396: {  	v58 =	vld [tilespmem:$0x4D60];
	v1 =	vadd.f32 v41, v1;
	v3 =	vadd.f32 v43, v3  }
0x397: {  	v59 =	vld [tilespmem:$0x4D70];
	v0 =	vadd.f32 v44, v0;
	v2 =	vadd.f32 v46, v2  }
0x398: {  	v60 =	vld [tilespmem:$0x4D80];
	v1 =	vadd.f32 v45, v1;
	v3 =	vadd.f32 v47, v3  }
0x399: {  	v61 =	vld [tilespmem:$0x4D90];
	v0 =	vadd.f32 v48, v0;
	v2 =	vadd.f32 v50, v2  }
0x39a: {  	v62 =	vld [tilespmem:$0x4DA0];
	v1 =	vadd.f32 v49, v1;
	v3 =	vadd.f32 v51, v3  }
0x39b: {  	v63 =	vld [tilespmem:$0x4DB0];
	v0 =	vadd.f32 v52, v0;
	v2 =	vadd.f32 v54, v2  }
0x39c: {  	v1 =	vadd.f32 v53, v1;
	v3 =	vadd.f32 v55, v3  }
0x39d: {  	v0 =	vadd.f32 v56, v0;
	v2 =	vadd.f32 v58, v2  }
0x39e: {  	v1 =	vadd.f32 v57, v1;
	v3 =	vadd.f32 v59, v3  }
0x39f: {  	v0 =	vadd.f32 v60, v0;
	v2 =	vadd.f32 v62, v2  }
0x3a0: {  	v1 =	vadd.f32 v61, v1;
	v3 =	vadd.f32 v63, v3  }
0x3a1: {  	v0 =	vadd.f32 v2, v0  }
.Ltmp2:
0x3a2: {  	v1 =	vadd.f32 v3, v1;
	(pc) =	sbr.rel @p0 .LBB2_4-.Ltmp2, $4  }
0x3a3: {  	v0 =	vmul.f32 $2.441406250e-04, v0  }
0x3a4: {  	v1 =	vmul.f32 $2.441406250e-04, v1  }
0x3a5: {  	[tilespmem:s22+$0x60] =	vst v0  }
0x3a6: {  	[tilespmem:s22+$0x70] =	vst v1  }
.Ltmp3:
0x3a7: {  	(pc) =	sbr.rel .LBB2_2-.Ltmp3, $4  }
0x3a8: {  	_ = 	snop  }
0x3a9: {  	s23 =	sshra.s32 s21, $0x2  }
0x3aa: {  	s21 =	sadd.s32 $0x680, s21;
	s22 =	sadd.s32 $0x100, s22;
	s23 =	sadd.s32 $0x1B38, s23  }
0x3ab: {  	[tilespmem:s14], [sflag:$0x4] =	stream.indirect.gather [hbm4b:s3+s8], $0x20, s23, s8, $0xb8;
	[tilespmem:$0x5E00] =	vst v63  }
.LBB2_5:
0x3ac: {  	_ =	sfence.sel $0x180000  }
0x3ad: {  	[bflag:$0x0] =	sbarrier.arrive $0xFFFF  }
0x3ae: {  	p0 =	sne.s32 s0, $0x0;
	_ =	strace $0x90000047  }
0x3af: {  	s0 =	sadd.s32 @!p0 $0x100000, s1;
	[bflag:$0x2] =	sbarrier.arrive $0xFFFF  }
0x3b0: {  	[sflag:s0] =	ssyncadd.tile.s32 @!p0 $0x1;
	_ =	shalt  }
.Lfunc_end2:
_tile_overlayer_lowered:
.L_overlay_start_2:
0x3b1: {  	(tag) =	ssettag $0x2  }
0x3b2: {  	s0 =	rddreg [dreg:$0x0];
	s2 =	stileid.u32  }
0x3b3: {  	s1 =	rddreg [dreg:$0x1];
	p0 =	sne.s32 s2, $0x0  }
0x3b4: {  	s3 =	rddreg [dreg:$0x2];
	[bflag:$0x3] =	sbarrier.arrive $0xFFFF;
	s2 =	simm.s32 @!p0 $0x1C05  }
0x3b5: {  	[timem:s3], [sflag:s2] =	dma.local @!p0 [hbm:s0], s1  }
0x3b6: {  	s0 =	simm.s32 @!p0 $0x5  }
0x3b7: {  	_ =	swait.ge @!p0 [sflag:s0], s1  }
0x3b8: {  	s1 =	ssub.s32 @!p0 $0x0, s1;
	[sflag:s0] =	ssyncset.done @!p0 $0x0  }
0x3b9: {  	[sflag:s0] =	ssyncadd.s32 @!p0 s1  }
0x3ba: {  	[bflag:$0x3] =	sbarrier.arrive $0xFFFF  }
0x3bb: {  	_ =	shalt  }

</sc_bundles>
